<compile_context>
chip_gen: v7x
topology: tpu7x:2x2x1
jax: 0.10.2.dev20260603
libtpu: 0.0.44.dev20260713+nightly
codegen_flags: <defaults>
</compile_context>

<pallas_src>
import functools

import jax
import jax.numpy as jnp
from jax import lax
from jax.experimental import pallas as pl
from jax.experimental.pallas import tpu as pltpu
from jax.experimental.pallas import tpu_sc as plsc

N = 10000
E = 320000
N_PAD = 10240
NC, NS = 2, 16
CHUNK = 128
NBUF = 4
SPLIT_EVEN = (80, 80)
NCH_ALL = 160
NCH_MAX = NCH_ALL
TOT_CHUNKS = NS * 160
E_ALLOC = (TOT_CHUNKS + NCH_MAX) * CHUNK
RPS = N_PAD // NS


def _mesh():
    return plsc.VectorSubcoreMesh(core_axis_name="c", subcore_axis_name="s",
                                  num_cores=NC, num_subcores=NS)



def _chunk_range(c, s, split):
    nch0, nch1 = split
    base = jnp.where(c == 0, s * nch0, NS * nch0 + s * nch1)
    ng = jnp.where(c == 0, nch0 // NBUF, nch1 // NBUF)
    return pl.multiple_of(base, 8), ng


def _make_deg_kernel():
    F = 16

    @functools.partial(
        pl.kernel,
        mesh=_mesh(),
        out_type=jax.ShapeDtypeStruct((NC, N_PAD, F), jnp.float32),
        scratch_types=[
            pltpu.VMEM((NCH_MAX, CHUNK), jnp.int32),
            pltpu.VMEM((CHUNK, F), jnp.float32),
            pltpu.VMEM_SHARED((N_PAD, F), jnp.float32),
            pltpu.SemaphoreType.DMA,
        ],
        compiler_params=pltpu.CompilerParams(use_tc_tiling_on_sc=False),
    )
    def deg_kernel(dst_hbm, zeros_hbm, ones_hbm, out_hbm, dst_v, ones_v,
                   acc_sh, sem):
        c = lax.axis_index("c")
        s = lax.axis_index("s")
        base, ng = _chunk_range(c, s, SPLIT_EVEN)
        off = pl.multiple_of(s * RPS, 8)
        pltpu.sync_copy(zeros_hbm, acc_sh.at[pl.ds(off, RPS)])
        pltpu.sync_copy(ones_hbm, ones_v)
        pltpu.sync_copy(dst_hbm.at[pl.ds(base, NCH_MAX)], dst_v)
        plsc.subcore_barrier()

        def fire(g, _):
            for b in range(NBUF):
                j = g * NBUF + b
                pltpu.async_copy(ones_v, acc_sh.at[dst_v.at[j]], sem,
                                 add=True)
            return ()

        lax.fori_loop(0, ng, fire, (), unroll=False)

        def drain(g, _):
            for b in range(NBUF):
                j = g * NBUF + b
                pltpu.make_async_copy(ones_v, acc_sh.at[dst_v.at[j]],
                                      sem).wait()
            return ()

        lax.fori_loop(0, ng, drain, (), unroll=False)
        plsc.subcore_barrier()
        pltpu.sync_copy(acc_sh.at[pl.ds(off, RPS)], out_hbm.at[c, pl.ds(off, RPS)])

    return deg_kernel


def _make_agg_kernel(F):
    stage = True
    """acc[c, dst, :] += g[src, :] over this worker's edges (F columns).

    4-buffer ring: chunk j uses buffer j%4; at slot j we finish gather j,
    start scatter j, wait scatter j-2 (frees buffer (j+2)%4) and start
    gather j+2.
    """

    @functools.partial(
        pl.kernel,
        mesh=_mesh(),
        out_type=jax.ShapeDtypeStruct((NC, N_PAD, F), jnp.float32),
        scratch_types=[
            pltpu.VMEM((NCH_MAX, CHUNK), jnp.int32),
            pltpu.VMEM((NCH_MAX, CHUNK), jnp.int32),
            pltpu.VMEM((NBUF, CHUNK, F), jnp.float32),
            pltpu.VMEM_SHARED((N_PAD, F), jnp.float32),
            pltpu.VMEM_SHARED((N_PAD if stage else NBUF, F), jnp.float32),
            [pltpu.SemaphoreType.DMA] * NBUF,
            [pltpu.SemaphoreType.DMA] * NBUF,
        ],
        compiler_params=pltpu.CompilerParams(use_tc_tiling_on_sc=False),
    )
    def agg_kernel(g_hbm, src_hbm, dst_hbm, zeros_hbm, out_hbm, src_v, dst_v,
                   rows_v, acc_sh, g_sh, gsems, ssems):
        c = lax.axis_index("c")
        s = lax.axis_index("s")
        base, ng = _chunk_range(c, s, SPLIT_EVEN)
        off = pl.multiple_of(s * RPS, 8)
        pltpu.sync_copy(zeros_hbm, acc_sh.at[pl.ds(off, RPS)])
        if stage:
            pltpu.sync_copy(g_hbm.at[pl.ds(off, RPS)],
                            g_sh.at[pl.ds(off, RPS)])
        pltpu.sync_copy(src_hbm.at[pl.ds(base, NCH_MAX)], src_v)
        pltpu.sync_copy(dst_hbm.at[pl.ds(base, NCH_MAX)], dst_v)
        plsc.subcore_barrier()
        _edge_pipeline(g_sh, acc_sh, src_v, dst_v, rows_v, gsems, ssems, ng)
        plsc.subcore_barrier()
        pltpu.sync_copy(acc_sh.at[pl.ds(off, RPS)], out_hbm.at[c, pl.ds(off, RPS)])

    return agg_kernel


def _edge_pipeline(g_tab, acc_sh, src_v, dst_v, rows_v, gsems, ssems, ng):

    def gather(j, b):
        pltpu.async_copy(g_tab.at[src_v.at[j]], rows_v.at[b], gsems[b])

    def gather_wait(j, b):
        pltpu.make_async_copy(g_tab.at[src_v.at[j]], rows_v.at[b],
                              gsems[b]).wait()

    def scat(j, b):
        pltpu.async_copy(rows_v.at[b], acc_sh.at[dst_v.at[j]], ssems[b],
                         add=True)

    def scat_wait(j, b):
        pltpu.make_async_copy(rows_v.at[b], acc_sh.at[dst_v.at[j]],
                              ssems[b]).wait()

    def slot(j, b, do_sw, do_g):
        gather_wait(j, b)
        scat(j, b)
        bn = (b + 2) % NBUF
        if do_sw:
            scat_wait(j - 2, bn)
        if do_g:
            gather(j + 2, bn)

    gather(0, 0)
    gather(1, 1)
    slot(0, 0, False, True)
    slot(1, 1, False, True)
    slot(2, 2, True, True)
    slot(3, 3, True, True)

    def body(g, _):
        for b in range(NBUF):
            slot(g * NBUF + b, b, True, True)
        return ()

    lax.fori_loop(1, ng - 1, body, (), unroll=False)
    j0 = (ng - 1) * NBUF
    slot(j0 + 0, 0, True, True)
    slot(j0 + 1, 1, True, True)
    slot(j0 + 2, 2, False, False)
    slot(j0 + 3, 3, False, False)
    for b in range(NBUF):
        scat_wait(j0 + b, b)


def _make_dual_agg_kernel(F):

    @functools.partial(
        pl.kernel,
        mesh=_mesh(),
        out_type=[
            jax.ShapeDtypeStruct((N_PAD, F), jnp.float32),
            jax.ShapeDtypeStruct((N_PAD, F), jnp.float32),
        ],
        scratch_types=[
            pltpu.VMEM((NCH_ALL, CHUNK), jnp.int32),
            pltpu.VMEM((NCH_ALL, CHUNK), jnp.int32),
            pltpu.VMEM((NBUF, CHUNK, F), jnp.float32),
            pltpu.VMEM_SHARED((N_PAD, F), jnp.float32),
            pltpu.VMEM_SHARED((N_PAD, F), jnp.float32),
            [pltpu.SemaphoreType.DMA] * NBUF,
            [pltpu.SemaphoreType.DMA] * NBUF,
        ],
        compiler_params=pltpu.CompilerParams(use_tc_tiling_on_sc=False),
    )
    def dual_kernel(ga_hbm, gb_hbm, src_hbm, dst_hbm, zeros_hbm, outa_hbm,
                    outb_hbm, src_v, dst_v, rows_v, acc_sh, g_sh, gsems,
                    ssems):
        c = lax.axis_index("c")
        s = lax.axis_index("s")
        base = pl.multiple_of(s * NCH_ALL, 8)
        ng = NCH_ALL // NBUF
        off = pl.multiple_of(s * RPS, 8)
        pltpu.sync_copy(zeros_hbm, acc_sh.at[pl.ds(off, RPS)])

        @pl.when(c == 0)
        def _():
            pltpu.sync_copy(ga_hbm.at[pl.ds(off, RPS)],
                            g_sh.at[pl.ds(off, RPS)])

        @pl.when(c == 1)
        def _():
            pltpu.sync_copy(gb_hbm.at[pl.ds(off, RPS)],
                            g_sh.at[pl.ds(off, RPS)])

        pltpu.sync_copy(src_hbm.at[pl.ds(base, NCH_ALL)], src_v)
        pltpu.sync_copy(dst_hbm.at[pl.ds(base, NCH_ALL)], dst_v)
        plsc.subcore_barrier()
        _edge_pipeline(g_sh, acc_sh, src_v, dst_v, rows_v, gsems, ssems, ng)
        plsc.subcore_barrier()

        @pl.when(c == 0)
        def _():
            pltpu.sync_copy(acc_sh.at[pl.ds(off, RPS)],
                            outa_hbm.at[pl.ds(off, RPS)])

        @pl.when(c == 1)
        def _():
            pltpu.sync_copy(acc_sh.at[pl.ds(off, RPS)],
                            outb_hbm.at[pl.ds(off, RPS)])

    return dual_kernel


@functools.cache
def _sc_kernels():
    return (_make_deg_kernel(), _make_agg_kernel(32), _make_agg_kernel(48),
            _make_dual_agg_kernel(32))



_BR = 1024
_TC_GRID = N_PAD // _BR
_BRF = 2000
_TC_GRID_F = N // _BRF


def _dinv_of(degp_ref):
    deg = degp_ref[0, :, 0:1] + degp_ref[1, :, 0:1] + 1.0
    return lax.rsqrt(deg)


def _tc1_body(x_ref, w_ref, degp_ref, h_ref, ga_ref, gb_ref):
    h = jnp.dot(x_ref[...], w_ref[...], preferred_element_type=jnp.float32)
    dinv = _dinv_of(degp_ref)
    g = h * dinv
    h_ref[...] = h
    ga_ref[...] = g[:, :32]
    gb_ref[...] = g[:, 32:]


def _tc_mid2_body(h_ref, degp_ref, acca_ref, accb_ref, b_ref, w_ref, hn_ref,
                  gn_ref):
    dinv = _dinv_of(degp_ref)
    acc = jnp.concatenate([acca_ref[...], accb_ref[...]], axis=1)
    z = jnp.maximum(acc * dinv + h_ref[...] * (dinv * dinv) + b_ref[...], 0.0)
    hn = jnp.dot(z, w_ref[...], preferred_element_type=jnp.float32)
    hn_ref[...] = hn
    gn_ref[...] = hn * dinv


def _tc_mid_body(h_ref, degp_ref, accp_ref, b_ref, w_ref, hn_ref, gn_ref):
    dinv = _dinv_of(degp_ref)
    acc = accp_ref[0] + accp_ref[1]
    z = jnp.maximum(acc * dinv + h_ref[...] * (dinv * dinv) + b_ref[...], 0.0)
    hn = jnp.dot(z, w_ref[...], preferred_element_type=jnp.float32)
    hn_ref[...] = hn
    gn_ref[...] = hn * dinv


def _tc_fin_body(h_ref, degp_ref, accp_ref, b_ref, out_ref):
    dinv = _dinv_of(degp_ref)
    acc = accp_ref[0] + accp_ref[1]
    z = acc * dinv + h_ref[...] * (dinv * dinv) + b_ref[...]
    z = z[:, :40]
    m = jnp.max(z, axis=1, keepdims=True)
    e = jnp.exp(z - m)
    out_ref[...] = e / jnp.sum(e, axis=1, keepdims=True)


def _row_spec(r, f):
    return pl.BlockSpec((r, f), lambda i: (i, 0))


def _degp_spec(r):
    return pl.BlockSpec((NC, r, 16), lambda i: (0, i, 0))


def _accp_spec(r, f):
    return pl.BlockSpec((NC, r, f), lambda i: (0, i, 0))


def _full_spec(a, b):
    return pl.BlockSpec((a, b), lambda i: (0, 0))


def _tc1(x, w1, degp):
    return pl.pallas_call(
        _tc1_body,
        grid=(_TC_GRID,),
        in_specs=[_row_spec(_BR, 128), _full_spec(128, 64), _degp_spec(_BR)],
        out_specs=[_row_spec(_BR, 64), _row_spec(_BR, 32),
                   _row_spec(_BR, 32)],
        out_shape=[
            jax.ShapeDtypeStruct((N_PAD, 64), jnp.float32),
            jax.ShapeDtypeStruct((N_PAD, 32), jnp.float32),
            jax.ShapeDtypeStruct((N_PAD, 32), jnp.float32),
        ],
    )(x, w1, degp)


def _tc_mid2(h, degp, acca, accb, b, w):
    return pl.pallas_call(
        _tc_mid2_body,
        grid=(_TC_GRID,),
        in_specs=[_row_spec(_BR, 64), _degp_spec(_BR), _row_spec(_BR, 32),
                  _row_spec(_BR, 32), _full_spec(1, 64), _full_spec(64, 32)],
        out_specs=[_row_spec(_BR, 32), _row_spec(_BR, 32)],
        out_shape=[
            jax.ShapeDtypeStruct((N_PAD, 32), jnp.float32),
            jax.ShapeDtypeStruct((N_PAD, 32), jnp.float32),
        ],
    )(h, degp, acca, accb, b, w)


def _tc_mid(h, degp, accp, b, w, fin, fout):
    return pl.pallas_call(
        _tc_mid_body,
        grid=(_TC_GRID,),
        in_specs=[_row_spec(_BR, fin), _degp_spec(_BR), _accp_spec(_BR, fin),
                  _full_spec(1, fin), _full_spec(fin, fout)],
        out_specs=[_row_spec(_BR, fout), _row_spec(_BR, fout)],
        out_shape=[
            jax.ShapeDtypeStruct((N_PAD, fout), jnp.float32),
            jax.ShapeDtypeStruct((N_PAD, fout), jnp.float32),
        ],
    )(h, degp, accp, b, w)


def _tc_fin(h, degp, accp, b):
    return pl.pallas_call(
        _tc_fin_body,
        grid=(_TC_GRID_F,),
        in_specs=[_row_spec(_BRF, 48), _degp_spec(_BRF),
                  _accp_spec(_BRF, 48), _full_spec(1, 48)],
        out_specs=_row_spec(_BRF, 40),
        out_shape=jax.ShapeDtypeStruct((N, 40), jnp.float32),
    )(h, degp, accp, b)



def kernel(x, edge_index, W1, b1, W2, b2, W3, b3):
    pad_idx = jnp.full((E_ALLOC - E,), N, jnp.int32)
    src = jnp.concatenate([edge_index[0].astype(jnp.int32), pad_idx])
    dst = jnp.concatenate([edge_index[1].astype(jnp.int32), pad_idx])
    src = src.reshape(TOT_CHUNKS + NCH_MAX, CHUNK)
    dst = dst.reshape(TOT_CHUNKS + NCH_MAX, CHUNK)
    xp = jnp.pad(x, ((0, N_PAD - N), (0, 0)))

    z16 = jnp.zeros((RPS, 16), jnp.float32)
    z32 = jnp.zeros((RPS, 32), jnp.float32)
    z48 = jnp.zeros((RPS, 48), jnp.float32)
    ones = jnp.ones((CHUNK, 16), jnp.float32)

    W3p = jnp.pad(W3, ((0, 0), (0, 8)))
    b3p = jnp.pad(b3, (0, 8))

    deg_k, agg32, agg48, dual32 = _sc_kernels()
    degp = deg_k(dst, z16, ones)

    h1, g1a, g1b = _tc1(xp, W1, degp)
    acc1a, acc1b = dual32(g1a, g1b, src, dst, z32)
    h2, g2 = _tc_mid2(h1, degp, acc1a, acc1b, b1.reshape(1, 64), W2)
    acc2 = agg32(g2, src, dst, z32)
    h3, g3 = _tc_mid(h2, degp, acc2, b2.reshape(1, 32), W3p, 32, 48)
    acc3 = agg48(g3, src, dst, z48)
    return _tc_fin(h3, degp, acc3, b3p.reshape(1, 48))

# --- scband reference (transcript-rebuilt; emitter-appended) ---
"""Pipeline reference for scband-gcnnet-56049323213279 (READ-ONLY COPY).

The authoritative reference and input builder live on the scoring server;
editing this copy changes nothing except your own understanding.
"""

import jax, jax.numpy as jnp
import numpy as np

N_NODES = 10000


def gcn_conv(x, edge_index, W, b):
    n = x.shape[0]
    loop = jnp.arange(n, dtype=edge_index.dtype)
    src = jnp.concatenate([edge_index[0], loop])
    dst = jnp.concatenate([edge_index[1], loop])
    h = x @ W
    deg = jnp.zeros((n,), dtype=h.dtype).at[dst].add(1.0)
    deg_inv_sqrt = jnp.where(deg > 0, deg ** -0.5, 0.0)
    norm = deg_inv_sqrt[src] * deg_inv_sqrt[dst]
    msgs = h[src] * norm[:, None]
    out = jnp.zeros((n, W.shape[1]), dtype=h.dtype).at[dst].add(msgs)
    return out + b


def setup_inputs(seed: int = 0) -> dict:
    key = jax.random.key(seed)
    k = jax.random.split(key, 8)
    x = jax.random.normal(k[0], (N_NODES, 128), dtype=jnp.float32)
    edge_index = jax.random.randint(k[1], (2, 320000), 0, N_NODES, dtype=jnp.int64)
    W1 = jax.random.normal(k[2], (128, 64), dtype=jnp.float32) * (1.0 / np.sqrt(128))
    b1 = jnp.zeros((64,), dtype=jnp.float32)
    W2 = jax.random.normal(k[3], (64, 32), dtype=jnp.float32) * (1.0 / np.sqrt(64))
    b2 = jnp.zeros((32,), dtype=jnp.float32)
    W3 = jax.random.normal(k[4], (32, 40), dtype=jnp.float32) * (1.0 / np.sqrt(32))
    b3 = jnp.zeros((40,), dtype=jnp.float32)
    return {"x": x, "edge_index": edge_index, "W1": W1, "b1": b1, "W2": W2, "b2": b2, "W3": W3, "b3": b3}


def reference(x, edge_index, W1, b1, W2, b2, W3, b3):
    h = gcn_conv(x, edge_index, W1, b1)
    h = jax.nn.relu(h)
    h = gcn_conv(h, edge_index, W2, b2)
    h = jax.nn.relu(h)
    h = gcn_conv(h, edge_index, W3, b3)
    return jax.nn.softmax(h, axis=1)

if __name__ == "__main__":
    import jax
    _d = setup_inputs()
    print(jax.jit(kernel)(*tuple(_d.values())))

</pallas_src>

<mosaic_0001>
#map = affine_map<(d0, d1) -> (0, 0)>
#map1 = affine_map<(d0, d1) -> (0, 0, 0)>
module attributes {stable_mosaic.version = 14 : i64} {
  func.func @deg_kernel(%arg0: i32, %arg1: i32, %arg2: memref<2720x128xi32, #tpu.memory_space<hbm>>, %arg3: memref<640x16xf32, #tpu.memory_space<hbm>>, %arg4: memref<128x16xf32, #tpu.memory_space<hbm>>, %arg5: memref<2x10240x16xf32, #tpu.memory_space<hbm>>, %arg6: memref<160x128xi32, #tpu.memory_space<vmem>>, %arg7: memref<128x16xf32, #tpu.memory_space<vmem>>, %arg8: memref<10240x16xf32, #tpu.memory_space<vmem_shared>>, %arg9: memref<!tpu.dma_semaphore, #tpu.memory_space<semaphore_mem>>) attributes {dimension_semantics = [#tpu.dimension_semantics<core_parallel>, #tpu.dimension_semantics<subcore_parallel>], iteration_bounds = array<i64: 2, 16>, scalar_prefetch = 0 : i64, scratch_operands = 4 : i64, tpu.core_type = #tpu.core_type<sc_vector_subcore>, window_params = [{transform_indices = #map}, {transform_indices = #map}, {transform_indices = #map}, {transform_indices = #map1}]} {
    %eq3A = arith.constant 0 : i32
    %eq3A_0 = arith.cmpi eq, %arg0, %eq3A : i32
    %mul3A = arith.constant 80 : i32
    %mul3A_1 = arith.muli %arg1, %mul3A : i32
    %mul3A_2 = arith.constant 80 : i32
    %mul3A_3 = arith.muli %arg1, %mul3A_2 : i32
    %add3A = arith.constant 1280 : i32
    %add3A_4 = arith.addi %add3A, %mul3A_3 : i32
    %select_n3A = arith.select %eq3A_0, %mul3A_1, %add3A_4 : i32
    %eq3A_5 = arith.constant 0 : i32
    %eq3A_6 = arith.cmpi eq, %arg0, %eq3A_5 : i32
    %jit3A = arith.constant 20 : i32
    %jit3A_7 = arith.constant 20 : i32
    %select_n3A_8 = arith.select %eq3A_6, %jit3A, %jit3A_7 : i32
    %multiple_of3A = tpu.assume_multiple %select_n3A, 8 : i32
    %mul3A_9 = arith.constant 640 : i32
    %mul3A_10 = arith.muli %arg1, %mul3A_9 : i32
    %multiple_of3A_11 = tpu.assume_multiple %mul3A_10, 8 : i32
    "tpu.region"() ({
      %run_scoped3A = tpu.sem_alloc : memref<!tpu.dma_semaphore, #tpu.memory_space<semaphore_mem>>
      %dma_start3A = arith.constant 0 : i32
      %dma_start3A_30 = tpu.memref_slice %arg8[%multiple_of3A_11, %dma_start3A] : memref<10240x16xf32, #tpu.memory_space<vmem_shared>> -> memref<640x16xf32, #tpu.memory_space<vmem_shared>>
      tpu.enqueue_dma source(%arg3 : memref<640x16xf32, #tpu.memory_space<hbm>>) target(%dma_start3A_30 : memref<640x16xf32, #tpu.memory_space<vmem_shared>>) target_semaphore(%run_scoped3A : memref<!tpu.dma_semaphore, #tpu.memory_space<semaphore_mem>>)
      %dma_wait3A = arith.constant 0 : i32
      %dma_wait3A_31 = tpu.memref_slice %arg8[%multiple_of3A_11, %dma_wait3A] : memref<10240x16xf32, #tpu.memory_space<vmem_shared>> -> memref<640x16xf32, #tpu.memory_space<vmem_shared>>
      tpu.wait_dma2 semaphore(%run_scoped3A : memref<!tpu.dma_semaphore, #tpu.memory_space<semaphore_mem>>) src(%arg3 : memref<640x16xf32, #tpu.memory_space<hbm>>) dst(%dma_wait3A_31 : memref<640x16xf32, #tpu.memory_space<vmem_shared>>)
      tpu.yield
    }) : () -> ()
    "tpu.region"() ({
      %run_scoped3A = tpu.sem_alloc : memref<!tpu.dma_semaphore, #tpu.memory_space<semaphore_mem>>
      tpu.enqueue_dma source(%arg4 : memref<128x16xf32, #tpu.memory_space<hbm>>) target(%arg7 : memref<128x16xf32, #tpu.memory_space<vmem>>) target_semaphore(%run_scoped3A : memref<!tpu.dma_semaphore, #tpu.memory_space<semaphore_mem>>)
      tpu.wait_dma2 semaphore(%run_scoped3A : memref<!tpu.dma_semaphore, #tpu.memory_space<semaphore_mem>>) src(%arg4 : memref<128x16xf32, #tpu.memory_space<hbm>>) dst(%arg7 : memref<128x16xf32, #tpu.memory_space<vmem>>)
      tpu.yield
    }) : () -> ()
    "tpu.region"() ({
      %run_scoped3A = tpu.sem_alloc : memref<!tpu.dma_semaphore, #tpu.memory_space<semaphore_mem>>
      %dma_start3A = arith.constant 0 : i32
      %dma_start3A_30 = tpu.memref_slice %arg2[%multiple_of3A, %dma_start3A] : memref<2720x128xi32, #tpu.memory_space<hbm>> -> memref<160x128xi32, #tpu.memory_space<hbm>>
      %dma_start3A_31 = arith.constant 0 : i32
      %dma_start3A_32 = tpu.memref_slice %arg2[%multiple_of3A, %dma_start3A_31] : memref<2720x128xi32, #tpu.memory_space<hbm>> -> memref<160x128xi32, #tpu.memory_space<hbm>>
      tpu.enqueue_dma source(%dma_start3A_32 : memref<160x128xi32, #tpu.memory_space<hbm>>) target(%arg6 : memref<160x128xi32, #tpu.memory_space<vmem>>) target_semaphore(%run_scoped3A : memref<!tpu.dma_semaphore, #tpu.memory_space<semaphore_mem>>)
      %dma_wait3A = arith.constant 0 : i32
      %dma_wait3A_33 = tpu.memref_slice %arg2[%multiple_of3A, %dma_wait3A] : memref<2720x128xi32, #tpu.memory_space<hbm>> -> memref<160x128xi32, #tpu.memory_space<hbm>>
      %dma_wait3A_34 = arith.constant 0 : i32
      %dma_wait3A_35 = tpu.memref_slice %arg2[%multiple_of3A, %dma_wait3A_34] : memref<2720x128xi32, #tpu.memory_space<hbm>> -> memref<160x128xi32, #tpu.memory_space<hbm>>
      tpu.wait_dma2 semaphore(%run_scoped3A : memref<!tpu.dma_semaphore, #tpu.memory_space<semaphore_mem>>) src(%dma_wait3A_35 : memref<160x128xi32, #tpu.memory_space<hbm>>) dst(%arg6 : memref<160x128xi32, #tpu.memory_space<vmem>>)
      tpu.yield
    }) : () -> ()
    %barrier3A = arith.constant 0 : index
    tpu.barrier barrier_id(%barrier3A)
    %while3A = arith.constant 0 : i32
    %while3A_12 = arith.subi %select_n3A_8, %while3A : i32
    %while3A_13 = arith.addi %while3A, %while3A_12 : i32
    %while3A_14 = arith.constant 1 : i32
    %while3A_15 = arith.divsi %while3A_12, %while3A_14 : i32
    %while3A_16 = arith.muli %while3A_15, %while3A_14 : i32
    %while3A_17 = arith.addi %while3A, %while3A_16 : i32
    %while3A_18 = arith.constant 1 : i32
    scf.for %while3A_30 = %while3A to %while3A_17 step %while3A_18  : i32 {
      %mul3A_31 = arith.constant 4 : i32
      %mul3A_32 = arith.muli %while3A_30, %mul3A_31 : i32
      %add3A_33 = arith.constant 0 : i32
      %add3A_34 = arith.addi %mul3A_32, %add3A_33 : i32
      %dma_start3A = arith.constant 0 : i32
      %dma_start3A_35 = tpu.memref_slice %arg6[%add3A_34, %dma_start3A] : memref<160x128xi32, #tpu.memory_space<vmem>> -> memref<1x128xi32, #tpu.memory_space<vmem>>
      %dma_start3A_36 = tpu.memref_squeeze %dma_start3A_35 : memref<1x128xi32, #tpu.memory_space<vmem>> -> memref<128xi32, #tpu.memory_space<vmem>>
      %dma_start3A_37 = arith.constant 0 : i32
      %dma_start3A_38 = arith.constant 0 : i32
      %dma_start3A_39 = tpu.memref_slice %arg8[%dma_start3A_37, %dma_start3A_38] : memref<10240x16xf32, #tpu.memory_space<vmem_shared>> -> memref<10240x16xf32, #tpu.memory_space<vmem_shared>>
      tpu.enqueue_indirect_dma source(%arg7 : memref<128x16xf32, #tpu.memory_space<vmem>>) target(%dma_start3A_39 : memref<10240x16xf32, #tpu.memory_space<vmem_shared>>) offsets(%dma_start3A_36 : memref<128xi32, #tpu.memory_space<vmem>>) semaphore(%arg9 : memref<!tpu.dma_semaphore, #tpu.memory_space<semaphore_mem>>) {add = true}
      %mul3A_40 = arith.constant 4 : i32
      %mul3A_41 = arith.muli %while3A_30, %mul3A_40 : i32
      %add3A_42 = arith.constant 1 : i32
      %add3A_43 = arith.addi %mul3A_41, %add3A_42 : i32
      %dma_start3A_44 = arith.constant 0 : i32
      %dma_start3A_45 = tpu.memref_slice %arg6[%add3A_43, %dma_start3A_44] : memref<160x128xi32, #tpu.memory_space<vmem>> -> memref<1x128xi32, #tpu.memory_space<vmem>>
      %dma_start3A_46 = tpu.memref_squeeze %dma_start3A_45 : memref<1x128xi32, #tpu.memory_space<vmem>> -> memref<128xi32, #tpu.memory_space<vmem>>
      %dma_start3A_47 = arith.constant 0 : i32
      %dma_start3A_48 = arith.constant 0 : i32
      %dma_start3A_49 = tpu.memref_slice %arg8[%dma_start3A_47, %dma_start3A_48] : memref<10240x16xf32, #tpu.memory_space<vmem_shared>> -> memref<10240x16xf32, #tpu.memory_space<vmem_shared>>
      tpu.enqueue_indirect_dma source(%arg7 : memref<128x16xf32, #tpu.memory_space<vmem>>) target(%dma_start3A_49 : memref<10240x16xf32, #tpu.memory_space<vmem_shared>>) offsets(%dma_start3A_46 : memref<128xi32, #tpu.memory_space<vmem>>) semaphore(%arg9 : memref<!tpu.dma_semaphore, #tpu.memory_space<semaphore_mem>>) {add = true}
      %mul3A_50 = arith.constant 4 : i32
      %mul3A_51 = arith.muli %while3A_30, %mul3A_50 : i32
      %add3A_52 = arith.constant 2 : i32
      %add3A_53 = arith.addi %mul3A_51, %add3A_52 : i32
      %dma_start3A_54 = arith.constant 0 : i32
      %dma_start3A_55 = tpu.memref_slice %arg6[%add3A_53, %dma_start3A_54] : memref<160x128xi32, #tpu.memory_space<vmem>> -> memref<1x128xi32, #tpu.memory_space<vmem>>
      %dma_start3A_56 = tpu.memref_squeeze %dma_start3A_55 : memref<1x128xi32, #tpu.memory_space<vmem>> -> memref<128xi32, #tpu.memory_space<vmem>>
      %dma_start3A_57 = arith.constant 0 : i32
      %dma_start3A_58 = arith.constant 0 : i32
      %dma_start3A_59 = tpu.memref_slice %arg8[%dma_start3A_57, %dma_start3A_58] : memref<10240x16xf32, #tpu.memory_space<vmem_shared>> -> memref<10240x16xf32, #tpu.memory_space<vmem_shared>>
      tpu.enqueue_indirect_dma source(%arg7 : memref<128x16xf32, #tpu.memory_space<vmem>>) target(%dma_start3A_59 : memref<10240x16xf32, #tpu.memory_space<vmem_shared>>) offsets(%dma_start3A_56 : memref<128xi32, #tpu.memory_space<vmem>>) semaphore(%arg9 : memref<!tpu.dma_semaphore, #tpu.memory_space<semaphore_mem>>) {add = true}
      %mul3A_60 = arith.constant 4 : i32
      %mul3A_61 = arith.muli %while3A_30, %mul3A_60 : i32
      %add3A_62 = arith.constant 3 : i32
      %add3A_63 = arith.addi %mul3A_61, %add3A_62 : i32
      %dma_start3A_64 = arith.constant 0 : i32
      %dma_start3A_65 = tpu.memref_slice %arg6[%add3A_63, %dma_start3A_64] : memref<160x128xi32, #tpu.memory_space<vmem>> -> memref<1x128xi32, #tpu.memory_space<vmem>>
      %dma_start3A_66 = tpu.memref_squeeze %dma_start3A_65 : memref<1x128xi32, #tpu.memory_space<vmem>> -> memref<128xi32, #tpu.memory_space<vmem>>
      %dma_start3A_67 = arith.constant 0 : i32
      %dma_start3A_68 = arith.constant 0 : i32
      %dma_start3A_69 = tpu.memref_slice %arg8[%dma_start3A_67, %dma_start3A_68] : memref<10240x16xf32, #tpu.memory_space<vmem_shared>> -> memref<10240x16xf32, #tpu.memory_space<vmem_shared>>
      tpu.enqueue_indirect_dma source(%arg7 : memref<128x16xf32, #tpu.memory_space<vmem>>) target(%dma_start3A_69 : memref<10240x16xf32, #tpu.memory_space<vmem_shared>>) offsets(%dma_start3A_66 : memref<128xi32, #tpu.memory_space<vmem>>) semaphore(%arg9 : memref<!tpu.dma_semaphore, #tpu.memory_space<semaphore_mem>>) {add = true}
    }
    %while3A_19 = arith.constant 1 : i32
    scf.for %while3A_30 = %while3A_17 to %while3A_13 step %while3A_19  : i32 {
      %mul3A_31 = arith.constant 4 : i32
      %mul3A_32 = arith.muli %while3A_30, %mul3A_31 : i32
      %add3A_33 = arith.constant 0 : i32
      %add3A_34 = arith.addi %mul3A_32, %add3A_33 : i32
      %dma_start3A = arith.constant 0 : i32
      %dma_start3A_35 = tpu.memref_slice %arg6[%add3A_34, %dma_start3A] : memref<160x128xi32, #tpu.memory_space<vmem>> -> memref<1x128xi32, #tpu.memory_space<vmem>>
      %dma_start3A_36 = tpu.memref_squeeze %dma_start3A_35 : memref<1x128xi32, #tpu.memory_space<vmem>> -> memref<128xi32, #tpu.memory_space<vmem>>
      %dma_start3A_37 = arith.constant 0 : i32
      %dma_start3A_38 = arith.constant 0 : i32
      %dma_start3A_39 = tpu.memref_slice %arg8[%dma_start3A_37, %dma_start3A_38] : memref<10240x16xf32, #tpu.memory_space<vmem_shared>> -> memref<10240x16xf32, #tpu.memory_space<vmem_shared>>
      tpu.enqueue_indirect_dma source(%arg7 : memref<128x16xf32, #tpu.memory_space<vmem>>) target(%dma_start3A_39 : memref<10240x16xf32, #tpu.memory_space<vmem_shared>>) offsets(%dma_start3A_36 : memref<128xi32, #tpu.memory_space<vmem>>) semaphore(%arg9 : memref<!tpu.dma_semaphore, #tpu.memory_space<semaphore_mem>>) {add = true}
      %mul3A_40 = arith.constant 4 : i32
      %mul3A_41 = arith.muli %while3A_30, %mul3A_40 : i32
      %add3A_42 = arith.constant 1 : i32
      %add3A_43 = arith.addi %mul3A_41, %add3A_42 : i32
      %dma_start3A_44 = arith.constant 0 : i32
      %dma_start3A_45 = tpu.memref_slice %arg6[%add3A_43, %dma_start3A_44] : memref<160x128xi32, #tpu.memory_space<vmem>> -> memref<1x128xi32, #tpu.memory_space<vmem>>
      %dma_start3A_46 = tpu.memref_squeeze %dma_start3A_45 : memref<1x128xi32, #tpu.memory_space<vmem>> -> memref<128xi32, #tpu.memory_space<vmem>>
      %dma_start3A_47 = arith.constant 0 : i32
      %dma_start3A_48 = arith.constant 0 : i32
      %dma_start3A_49 = tpu.memref_slice %arg8[%dma_start3A_47, %dma_start3A_48] : memref<10240x16xf32, #tpu.memory_space<vmem_shared>> -> memref<10240x16xf32, #tpu.memory_space<vmem_shared>>
      tpu.enqueue_indirect_dma source(%arg7 : memref<128x16xf32, #tpu.memory_space<vmem>>) target(%dma_start3A_49 : memref<10240x16xf32, #tpu.memory_space<vmem_shared>>) offsets(%dma_start3A_46 : memref<128xi32, #tpu.memory_space<vmem>>) semaphore(%arg9 : memref<!tpu.dma_semaphore, #tpu.memory_space<semaphore_mem>>) {add = true}
      %mul3A_50 = arith.constant 4 : i32
      %mul3A_51 = arith.muli %while3A_30, %mul3A_50 : i32
      %add3A_52 = arith.constant 2 : i32
      %add3A_53 = arith.addi %mul3A_51, %add3A_52 : i32
      %dma_start3A_54 = arith.constant 0 : i32
      %dma_start3A_55 = tpu.memref_slice %arg6[%add3A_53, %dma_start3A_54] : memref<160x128xi32, #tpu.memory_space<vmem>> -> memref<1x128xi32, #tpu.memory_space<vmem>>
      %dma_start3A_56 = tpu.memref_squeeze %dma_start3A_55 : memref<1x128xi32, #tpu.memory_space<vmem>> -> memref<128xi32, #tpu.memory_space<vmem>>
      %dma_start3A_57 = arith.constant 0 : i32
      %dma_start3A_58 = arith.constant 0 : i32
      %dma_start3A_59 = tpu.memref_slice %arg8[%dma_start3A_57, %dma_start3A_58] : memref<10240x16xf32, #tpu.memory_space<vmem_shared>> -> memref<10240x16xf32, #tpu.memory_space<vmem_shared>>
      tpu.enqueue_indirect_dma source(%arg7 : memref<128x16xf32, #tpu.memory_space<vmem>>) target(%dma_start3A_59 : memref<10240x16xf32, #tpu.memory_space<vmem_shared>>) offsets(%dma_start3A_56 : memref<128xi32, #tpu.memory_space<vmem>>) semaphore(%arg9 : memref<!tpu.dma_semaphore, #tpu.memory_space<semaphore_mem>>) {add = true}
      %mul3A_60 = arith.constant 4 : i32
      %mul3A_61 = arith.muli %while3A_30, %mul3A_60 : i32
      %add3A_62 = arith.constant 3 : i32
      %add3A_63 = arith.addi %mul3A_61, %add3A_62 : i32
      %dma_start3A_64 = arith.constant 0 : i32
      %dma_start3A_65 = tpu.memref_slice %arg6[%add3A_63, %dma_start3A_64] : memref<160x128xi32, #tpu.memory_space<vmem>> -> memref<1x128xi32, #tpu.memory_space<vmem>>
      %dma_start3A_66 = tpu.memref_squeeze %dma_start3A_65 : memref<1x128xi32, #tpu.memory_space<vmem>> -> memref<128xi32, #tpu.memory_space<vmem>>
      %dma_start3A_67 = arith.constant 0 : i32
      %dma_start3A_68 = arith.constant 0 : i32
      %dma_start3A_69 = tpu.memref_slice %arg8[%dma_start3A_67, %dma_start3A_68] : memref<10240x16xf32, #tpu.memory_space<vmem_shared>> -> memref<10240x16xf32, #tpu.memory_space<vmem_shared>>
      tpu.enqueue_indirect_dma source(%arg7 : memref<128x16xf32, #tpu.memory_space<vmem>>) target(%dma_start3A_69 : memref<10240x16xf32, #tpu.memory_space<vmem_shared>>) offsets(%dma_start3A_66 : memref<128xi32, #tpu.memory_space<vmem>>) semaphore(%arg9 : memref<!tpu.dma_semaphore, #tpu.memory_space<semaphore_mem>>) {add = true}
    }
    %while3A_20 = arith.constant 0 : i32
    %while3A_21 = arith.subi %select_n3A_8, %while3A_20 : i32
    %while3A_22 = arith.addi %while3A_20, %while3A_21 : i32
    %while3A_23 = arith.constant 1 : i32
    %while3A_24 = arith.divsi %while3A_21, %while3A_23 : i32
    %while3A_25 = arith.muli %while3A_24, %while3A_23 : i32
    %while3A_26 = arith.addi %while3A_20, %while3A_25 : i32
    %while3A_27 = arith.constant 1 : i32
    scf.for %while3A_30 = %while3A_20 to %while3A_26 step %while3A_27  : i32 {
      %mul3A_31 = arith.constant 4 : i32
      %mul3A_32 = arith.muli %while3A_30, %mul3A_31 : i32
      %add3A_33 = arith.constant 0 : i32
      %add3A_34 = arith.addi %mul3A_32, %add3A_33 : i32
      %dma_wait3A = arith.constant 0 : i32
      %dma_wait3A_35 = tpu.memref_slice %arg6[%add3A_34, %dma_wait3A] : memref<160x128xi32, #tpu.memory_space<vmem>> -> memref<1x128xi32, #tpu.memory_space<vmem>>
      %dma_wait3A_36 = tpu.memref_squeeze %dma_wait3A_35 : memref<1x128xi32, #tpu.memory_space<vmem>> -> memref<128xi32, #tpu.memory_space<vmem>>
      %dma_wait3A_37 = arith.constant 0 : i32
      %dma_wait3A_38 = arith.constant 0 : i32
      %dma_wait3A_39 = tpu.memref_slice %arg8[%dma_wait3A_37, %dma_wait3A_38] : memref<10240x16xf32, #tpu.memory_space<vmem_shared>> -> memref<10240x16xf32, #tpu.memory_space<vmem_shared>>
      tpu.wait_indirect_dma semaphore(%arg9 : memref<!tpu.dma_semaphore, #tpu.memory_space<semaphore_mem>>) src(%arg7 : memref<128x16xf32, #tpu.memory_space<vmem>>) dst(%dma_wait3A_39 : memref<10240x16xf32, #tpu.memory_space<vmem_shared>>)
      %mul3A_40 = arith.constant 4 : i32
      %mul3A_41 = arith.muli %while3A_30, %mul3A_40 : i32
      %add3A_42 = arith.constant 1 : i32
      %add3A_43 = arith.addi %mul3A_41, %add3A_42 : i32
      %dma_wait3A_44 = arith.constant 0 : i32
      %dma_wait3A_45 = tpu.memref_slice %arg6[%add3A_43, %dma_wait3A_44] : memref<160x128xi32, #tpu.memory_space<vmem>> -> memref<1x128xi32, #tpu.memory_space<vmem>>
      %dma_wait3A_46 = tpu.memref_squeeze %dma_wait3A_45 : memref<1x128xi32, #tpu.memory_space<vmem>> -> memref<128xi32, #tpu.memory_space<vmem>>
      %dma_wait3A_47 = arith.constant 0 : i32
      %dma_wait3A_48 = arith.constant 0 : i32
      %dma_wait3A_49 = tpu.memref_slice %arg8[%dma_wait3A_47, %dma_wait3A_48] : memref<10240x16xf32, #tpu.memory_space<vmem_shared>> -> memref<10240x16xf32, #tpu.memory_space<vmem_shared>>
      tpu.wait_indirect_dma semaphore(%arg9 : memref<!tpu.dma_semaphore, #tpu.memory_space<semaphore_mem>>) src(%arg7 : memref<128x16xf32, #tpu.memory_space<vmem>>) dst(%dma_wait3A_49 : memref<10240x16xf32, #tpu.memory_space<vmem_shared>>)
      %mul3A_50 = arith.constant 4 : i32
      %mul3A_51 = arith.muli %while3A_30, %mul3A_50 : i32
      %add3A_52 = arith.constant 2 : i32
      %add3A_53 = arith.addi %mul3A_51, %add3A_52 : i32
      %dma_wait3A_54 = arith.constant 0 : i32
      %dma_wait3A_55 = tpu.memref_slice %arg6[%add3A_53, %dma_wait3A_54] : memref<160x128xi32, #tpu.memory_space<vmem>> -> memref<1x128xi32, #tpu.memory_space<vmem>>
      %dma_wait3A_56 = tpu.memref_squeeze %dma_wait3A_55 : memref<1x128xi32, #tpu.memory_space<vmem>> -> memref<128xi32, #tpu.memory_space<vmem>>
      %dma_wait3A_57 = arith.constant 0 : i32
      %dma_wait3A_58 = arith.constant 0 : i32
      %dma_wait3A_59 = tpu.memref_slice %arg8[%dma_wait3A_57, %dma_wait3A_58] : memref<10240x16xf32, #tpu.memory_space<vmem_shared>> -> memref<10240x16xf32, #tpu.memory_space<vmem_shared>>
      tpu.wait_indirect_dma semaphore(%arg9 : memref<!tpu.dma_semaphore, #tpu.memory_space<semaphore_mem>>) src(%arg7 : memref<128x16xf32, #tpu.memory_space<vmem>>) dst(%dma_wait3A_59 : memref<10240x16xf32, #tpu.memory_space<vmem_shared>>)
      %mul3A_60 = arith.constant 4 : i32
      %mul3A_61 = arith.muli %while3A_30, %mul3A_60 : i32
      %add3A_62 = arith.constant 3 : i32
      %add3A_63 = arith.addi %mul3A_61, %add3A_62 : i32
      %dma_wait3A_64 = arith.constant 0 : i32
      %dma_wait3A_65 = tpu.memref_slice %arg6[%add3A_63, %dma_wait3A_64] : memref<160x128xi32, #tpu.memory_space<vmem>> -> memref<1x128xi32, #tpu.memory_space<vmem>>
      %dma_wait3A_66 = tpu.memref_squeeze %dma_wait3A_65 : memref<1x128xi32, #tpu.memory_space<vmem>> -> memref<128xi32, #tpu.memory_space<vmem>>
      %dma_wait3A_67 = arith.constant 0 : i32
      %dma_wait3A_68 = arith.constant 0 : i32
      %dma_wait3A_69 = tpu.memref_slice %arg8[%dma_wait3A_67, %dma_wait3A_68] : memref<10240x16xf32, #tpu.memory_space<vmem_shared>> -> memref<10240x16xf32, #tpu.memory_space<vmem_shared>>
      tpu.wait_indirect_dma semaphore(%arg9 : memref<!tpu.dma_semaphore, #tpu.memory_space<semaphore_mem>>) src(%arg7 : memref<128x16xf32, #tpu.memory_space<vmem>>) dst(%dma_wait3A_69 : memref<10240x16xf32, #tpu.memory_space<vmem_shared>>)
    }
    %while3A_28 = arith.constant 1 : i32
    scf.for %while3A_30 = %while3A_26 to %while3A_22 step %while3A_28  : i32 {
      %mul3A_31 = arith.constant 4 : i32
      %mul3A_32 = arith.muli %while3A_30, %mul3A_31 : i32
      %add3A_33 = arith.constant 0 : i32
      %add3A_34 = arith.addi %mul3A_32, %add3A_33 : i32
      %dma_wait3A = arith.constant 0 : i32
      %dma_wait3A_35 = tpu.memref_slice %arg6[%add3A_34, %dma_wait3A] : memref<160x128xi32, #tpu.memory_space<vmem>> -> memref<1x128xi32, #tpu.memory_space<vmem>>
      %dma_wait3A_36 = tpu.memref_squeeze %dma_wait3A_35 : memref<1x128xi32, #tpu.memory_space<vmem>> -> memref<128xi32, #tpu.memory_space<vmem>>
      %dma_wait3A_37 = arith.constant 0 : i32
      %dma_wait3A_38 = arith.constant 0 : i32
      %dma_wait3A_39 = tpu.memref_slice %arg8[%dma_wait3A_37, %dma_wait3A_38] : memref<10240x16xf32, #tpu.memory_space<vmem_shared>> -> memref<10240x16xf32, #tpu.memory_space<vmem_shared>>
      tpu.wait_indirect_dma semaphore(%arg9 : memref<!tpu.dma_semaphore, #tpu.memory_space<semaphore_mem>>) src(%arg7 : memref<128x16xf32, #tpu.memory_space<vmem>>) dst(%dma_wait3A_39 : memref<10240x16xf32, #tpu.memory_space<vmem_shared>>)
      %mul3A_40 = arith.constant 4 : i32
      %mul3A_41 = arith.muli %while3A_30, %mul3A_40 : i32
      %add3A_42 = arith.constant 1 : i32
      %add3A_43 = arith.addi %mul3A_41, %add3A_42 : i32
      %dma_wait3A_44 = arith.constant 0 : i32
      %dma_wait3A_45 = tpu.memref_slice %arg6[%add3A_43, %dma_wait3A_44] : memref<160x128xi32, #tpu.memory_space<vmem>> -> memref<1x128xi32, #tpu.memory_space<vmem>>
      %dma_wait3A_46 = tpu.memref_squeeze %dma_wait3A_45 : memref<1x128xi32, #tpu.memory_space<vmem>> -> memref<128xi32, #tpu.memory_space<vmem>>
      %dma_wait3A_47 = arith.constant 0 : i32
      %dma_wait3A_48 = arith.constant 0 : i32
      %dma_wait3A_49 = tpu.memref_slice %arg8[%dma_wait3A_47, %dma_wait3A_48] : memref<10240x16xf32, #tpu.memory_space<vmem_shared>> -> memref<10240x16xf32, #tpu.memory_space<vmem_shared>>
      tpu.wait_indirect_dma semaphore(%arg9 : memref<!tpu.dma_semaphore, #tpu.memory_space<semaphore_mem>>) src(%arg7 : memref<128x16xf32, #tpu.memory_space<vmem>>) dst(%dma_wait3A_49 : memref<10240x16xf32, #tpu.memory_space<vmem_shared>>)
      %mul3A_50 = arith.constant 4 : i32
      %mul3A_51 = arith.muli %while3A_30, %mul3A_50 : i32
      %add3A_52 = arith.constant 2 : i32
      %add3A_53 = arith.addi %mul3A_51, %add3A_52 : i32
      %dma_wait3A_54 = arith.constant 0 : i32
      %dma_wait3A_55 = tpu.memref_slice %arg6[%add3A_53, %dma_wait3A_54] : memref<160x128xi32, #tpu.memory_space<vmem>> -> memref<1x128xi32, #tpu.memory_space<vmem>>
      %dma_wait3A_56 = tpu.memref_squeeze %dma_wait3A_55 : memref<1x128xi32, #tpu.memory_space<vmem>> -> memref<128xi32, #tpu.memory_space<vmem>>
      %dma_wait3A_57 = arith.constant 0 : i32
      %dma_wait3A_58 = arith.constant 0 : i32
      %dma_wait3A_59 = tpu.memref_slice %arg8[%dma_wait3A_57, %dma_wait3A_58] : memref<10240x16xf32, #tpu.memory_space<vmem_shared>> -> memref<10240x16xf32, #tpu.memory_space<vmem_shared>>
      tpu.wait_indirect_dma semaphore(%arg9 : memref<!tpu.dma_semaphore, #tpu.memory_space<semaphore_mem>>) src(%arg7 : memref<128x16xf32, #tpu.memory_space<vmem>>) dst(%dma_wait3A_59 : memref<10240x16xf32, #tpu.memory_space<vmem_shared>>)
      %mul3A_60 = arith.constant 4 : i32
      %mul3A_61 = arith.muli %while3A_30, %mul3A_60 : i32
      %add3A_62 = arith.constant 3 : i32
      %add3A_63 = arith.addi %mul3A_61, %add3A_62 : i32
      %dma_wait3A_64 = arith.constant 0 : i32
      %dma_wait3A_65 = tpu.memref_slice %arg6[%add3A_63, %dma_wait3A_64] : memref<160x128xi32, #tpu.memory_space<vmem>> -> memref<1x128xi32, #tpu.memory_space<vmem>>
      %dma_wait3A_66 = tpu.memref_squeeze %dma_wait3A_65 : memref<1x128xi32, #tpu.memory_space<vmem>> -> memref<128xi32, #tpu.memory_space<vmem>>
      %dma_wait3A_67 = arith.constant 0 : i32
      %dma_wait3A_68 = arith.constant 0 : i32
      %dma_wait3A_69 = tpu.memref_slice %arg8[%dma_wait3A_67, %dma_wait3A_68] : memref<10240x16xf32, #tpu.memory_space<vmem_shared>> -> memref<10240x16xf32, #tpu.memory_space<vmem_shared>>
      tpu.wait_indirect_dma semaphore(%arg9 : memref<!tpu.dma_semaphore, #tpu.memory_space<semaphore_mem>>) src(%arg7 : memref<128x16xf32, #tpu.memory_space<vmem>>) dst(%dma_wait3A_69 : memref<10240x16xf32, #tpu.memory_space<vmem_shared>>)
    }
    %barrier3A_29 = arith.constant 0 : index
    tpu.barrier barrier_id(%barrier3A_29)
    "tpu.region"() ({
      %run_scoped3A = tpu.sem_alloc : memref<!tpu.dma_semaphore, #tpu.memory_space<semaphore_mem>>
      %dma_start3A = arith.constant 0 : i32
      %dma_start3A_30 = tpu.memref_slice %arg5[%arg0, %multiple_of3A_11, %dma_start3A] : memref<2x10240x16xf32, #tpu.memory_space<hbm>> -> memref<1x640x16xf32, #tpu.memory_space<hbm>>
      %dma_start3A_31 = tpu.memref_squeeze %dma_start3A_30 : memref<1x640x16xf32, #tpu.memory_space<hbm>> -> memref<640x16xf32, #tpu.memory_space<hbm>>
      %dma_start3A_32 = arith.constant 0 : i32
      %dma_start3A_33 = tpu.memref_slice %arg8[%multiple_of3A_11, %dma_start3A_32] : memref<10240x16xf32, #tpu.memory_space<vmem_shared>> -> memref<640x16xf32, #tpu.memory_space<vmem_shared>>
      tpu.enqueue_dma source(%dma_start3A_33 : memref<640x16xf32, #tpu.memory_space<vmem_shared>>) target(%dma_start3A_31 : memref<640x16xf32, #tpu.memory_space<hbm>>) target_semaphore(%run_scoped3A : memref<!tpu.dma_semaphore, #tpu.memory_space<semaphore_mem>>)
      %dma_wait3A = arith.constant 0 : i32
      %dma_wait3A_34 = tpu.memref_slice %arg5[%arg0, %multiple_of3A_11, %dma_wait3A] : memref<2x10240x16xf32, #tpu.memory_space<hbm>> -> memref<1x640x16xf32, #tpu.memory_space<hbm>>
      %dma_wait3A_35 = tpu.memref_squeeze %dma_wait3A_34 : memref<1x640x16xf32, #tpu.memory_space<hbm>> -> memref<640x16xf32, #tpu.memory_space<hbm>>
      %dma_wait3A_36 = arith.constant 0 : i32
      %dma_wait3A_37 = tpu.memref_slice %arg8[%multiple_of3A_11, %dma_wait3A_36] : memref<10240x16xf32, #tpu.memory_space<vmem_shared>> -> memref<640x16xf32, #tpu.memory_space<vmem_shared>>
      tpu.wait_dma2 semaphore(%run_scoped3A : memref<!tpu.dma_semaphore, #tpu.memory_space<semaphore_mem>>) src(%dma_wait3A_37 : memref<640x16xf32, #tpu.memory_space<vmem_shared>>) dst(%dma_wait3A_35 : memref<640x16xf32, #tpu.memory_space<hbm>>)
      tpu.yield
    }) : () -> ()
    return
  }
}

#map = affine_map<(d0, d1) -> (0, 0)>
#map1 = affine_map<(d0, d1) -> (0, 0, 0)>
module attributes {stable_mosaic.version = 14 : i64} {
  func.func @agg_kernel(%arg0: i32, %arg1: i32, %arg2: memref<10240x48xf32, #tpu.memory_space<hbm>>, %arg3: memref<2720x128xi32, #tpu.memory_space<hbm>>, %arg4: memref<2720x128xi32, #tpu.memory_space<hbm>>, %arg5: memref<640x48xf32, #tpu.memory_space<hbm>>, %arg6: memref<2x10240x48xf32, #tpu.memory_space<hbm>>, %arg7: memref<160x128xi32, #tpu.memory_space<vmem>>, %arg8: memref<160x128xi32, #tpu.memory_space<vmem>>, %arg9: memref<4x128x48xf32, #tpu.memory_space<vmem>>, %arg10: memref<10240x48xf32, #tpu.memory_space<vmem_shared>>, %arg11: memref<10240x48xf32, #tpu.memory_space<vmem_shared>>, %arg12: memref<!tpu.dma_semaphore, #tpu.memory_space<semaphore_mem>>, %arg13: memref<!tpu.dma_semaphore, #tpu.memory_space<semaphore_mem>>, %arg14: memref<!tpu.dma_semaphore, #tpu.memory_space<semaphore_mem>>, %arg15: memref<!tpu.dma_semaphore, #tpu.memory_space<semaphore_mem>>, %arg16: memref<!tpu.dma_semaphore, #tpu.memory_space<semaphore_mem>>, %arg17: memref<!tpu.dma_semaphore, #tpu.memory_space<semaphore_mem>>, %arg18: memref<!tpu.dma_semaphore, #tpu.memory_space<semaphore_mem>>, %arg19: memref<!tpu.dma_semaphore, #tpu.memory_space<semaphore_mem>>) attributes {dimension_semantics = [#tpu.dimension_semantics<core_parallel>, #tpu.dimension_semantics<subcore_parallel>], iteration_bounds = array<i64: 2, 16>, scalar_prefetch = 0 : i64, scratch_operands = 13 : i64, tpu.core_type = #tpu.core_type<sc_vector_subcore>, window_params = [{transform_indices = #map}, {transform_indices = #map}, {transform_indices = #map}, {transform_indices = #map}, {transform_indices = #map1}]} {
    %eq3A = arith.constant 0 : i32
    %eq3A_0 = arith.cmpi eq, %arg0, %eq3A : i32
    %mul3A = arith.constant 80 : i32
    %mul3A_1 = arith.muli %arg1, %mul3A : i32
    %mul3A_2 = arith.constant 80 : i32
    %mul3A_3 = arith.muli %arg1, %mul3A_2 : i32
    %add3A = arith.constant 1280 : i32
    %add3A_4 = arith.addi %add3A, %mul3A_3 : i32
    %select_n3A = arith.select %eq3A_0, %mul3A_1, %add3A_4 : i32
    %eq3A_5 = arith.constant 0 : i32
    %eq3A_6 = arith.cmpi eq, %arg0, %eq3A_5 : i32
    %jit3A = arith.constant 20 : i32
    %jit3A_7 = arith.constant 20 : i32
    %select_n3A_8 = arith.select %eq3A_6, %jit3A, %jit3A_7 : i32
    %multiple_of3A = tpu.assume_multiple %select_n3A, 8 : i32
    %mul3A_9 = arith.constant 640 : i32
    %mul3A_10 = arith.muli %arg1, %mul3A_9 : i32
    %multiple_of3A_11 = tpu.assume_multiple %mul3A_10, 8 : i32
    "tpu.region"() ({
      %run_scoped3A = tpu.sem_alloc : memref<!tpu.dma_semaphore, #tpu.memory_space<semaphore_mem>>
      %dma_start3A_416 = arith.constant 0 : i32
      %dma_start3A_417 = tpu.memref_slice %arg10[%multiple_of3A_11, %dma_start3A_416] : memref<10240x48xf32, #tpu.memory_space<vmem_shared>> -> memref<640x48xf32, #tpu.memory_space<vmem_shared>>
      tpu.enqueue_dma source(%arg5 : memref<640x48xf32, #tpu.memory_space<hbm>>) target(%dma_start3A_417 : memref<640x48xf32, #tpu.memory_space<vmem_shared>>) target_semaphore(%run_scoped3A : memref<!tpu.dma_semaphore, #tpu.memory_space<semaphore_mem>>)
      %dma_wait3A_418 = arith.constant 0 : i32
      %dma_wait3A_419 = tpu.memref_slice %arg10[%multiple_of3A_11, %dma_wait3A_418] : memref<10240x48xf32, #tpu.memory_space<vmem_shared>> -> memref<640x48xf32, #tpu.memory_space<vmem_shared>>
      tpu.wait_dma2 semaphore(%run_scoped3A : memref<!tpu.dma_semaphore, #tpu.memory_space<semaphore_mem>>) src(%arg5 : memref<640x48xf32, #tpu.memory_space<hbm>>) dst(%dma_wait3A_419 : memref<640x48xf32, #tpu.memory_space<vmem_shared>>)
      tpu.yield
    }) : () -> ()
    "tpu.region"() ({
      %run_scoped3A = tpu.sem_alloc : memref<!tpu.dma_semaphore, #tpu.memory_space<semaphore_mem>>
      %dma_start3A_416 = arith.constant 0 : i32
      %dma_start3A_417 = tpu.memref_slice %arg11[%multiple_of3A_11, %dma_start3A_416] : memref<10240x48xf32, #tpu.memory_space<vmem_shared>> -> memref<640x48xf32, #tpu.memory_space<vmem_shared>>
      %dma_start3A_418 = arith.constant 0 : i32
      %dma_start3A_419 = tpu.memref_slice %arg2[%multiple_of3A_11, %dma_start3A_418] : memref<10240x48xf32, #tpu.memory_space<hbm>> -> memref<640x48xf32, #tpu.memory_space<hbm>>
      tpu.enqueue_dma source(%dma_start3A_419 : memref<640x48xf32, #tpu.memory_space<hbm>>) target(%dma_start3A_417 : memref<640x48xf32, #tpu.memory_space<vmem_shared>>) target_semaphore(%run_scoped3A : memref<!tpu.dma_semaphore, #tpu.memory_space<semaphore_mem>>)
      %dma_wait3A_420 = arith.constant 0 : i32
      %dma_wait3A_421 = tpu.memref_slice %arg11[%multiple_of3A_11, %dma_wait3A_420] : memref<10240x48xf32, #tpu.memory_space<vmem_shared>> -> memref<640x48xf32, #tpu.memory_space<vmem_shared>>
      %dma_wait3A_422 = arith.constant 0 : i32
      %dma_wait3A_423 = tpu.memref_slice %arg2[%multiple_of3A_11, %dma_wait3A_422] : memref<10240x48xf32, #tpu.memory_space<hbm>> -> memref<640x48xf32, #tpu.memory_space<hbm>>
      tpu.wait_dma2 semaphore(%run_scoped3A : memref<!tpu.dma_semaphore, #tpu.memory_space<semaphore_mem>>) src(%dma_wait3A_423 : memref<640x48xf32, #tpu.memory_space<hbm>>) dst(%dma_wait3A_421 : memref<640x48xf32, #tpu.memory_space<vmem_shared>>)
      tpu.yield
    }) : () -> ()
    "tpu.region"() ({
      %run_scoped3A = tpu.sem_alloc : memref<!tpu.dma_semaphore, #tpu.memory_space<semaphore_mem>>
      %dma_start3A_416 = arith.constant 0 : i32
      %dma_start3A_417 = tpu.memref_slice %arg3[%multiple_of3A, %dma_start3A_416] : memref<2720x128xi32, #tpu.memory_space<hbm>> -> memref<160x128xi32, #tpu.memory_space<hbm>>
      %dma_start3A_418 = arith.constant 0 : i32
      %dma_start3A_419 = tpu.memref_slice %arg3[%multiple_of3A, %dma_start3A_418] : memref<2720x128xi32, #tpu.memory_space<hbm>> -> memref<160x128xi32, #tpu.memory_space<hbm>>
      tpu.enqueue_dma source(%dma_start3A_419 : memref<160x128xi32, #tpu.memory_space<hbm>>) target(%arg7 : memref<160x128xi32, #tpu.memory_space<vmem>>) target_semaphore(%run_scoped3A : memref<!tpu.dma_semaphore, #tpu.memory_space<semaphore_mem>>)
      %dma_wait3A_420 = arith.constant 0 : i32
      %dma_wait3A_421 = tpu.memref_slice %arg3[%multiple_of3A, %dma_wait3A_420] : memref<2720x128xi32, #tpu.memory_space<hbm>> -> memref<160x128xi32, #tpu.memory_space<hbm>>
      %dma_wait3A_422 = arith.constant 0 : i32
      %dma_wait3A_423 = tpu.memref_slice %arg3[%multiple_of3A, %dma_wait3A_422] : memref<2720x128xi32, #tpu.memory_space<hbm>> -> memref<160x128xi32, #tpu.memory_space<hbm>>
      tpu.wait_dma2 semaphore(%run_scoped3A : memref<!tpu.dma_semaphore, #tpu.memory_space<semaphore_mem>>) src(%dma_wait3A_423 : memref<160x128xi32, #tpu.memory_space<hbm>>) dst(%arg7 : memref<160x128xi32, #tpu.memory_space<vmem>>)
      tpu.yield
    }) : () -> ()
    "tpu.region"() ({
      %run_scoped3A = tpu.sem_alloc : memref<!tpu.dma_semaphore, #tpu.memory_space<semaphore_mem>>
      %dma_start3A_416 = arith.constant 0 : i32
      %dma_start3A_417 = tpu.memref_slice %arg4[%multiple_of3A, %dma_start3A_416] : memref<2720x128xi32, #tpu.memory_space<hbm>> -> memref<160x128xi32, #tpu.memory_space<hbm>>
      %dma_start3A_418 = arith.constant 0 : i32
      %dma_start3A_419 = tpu.memref_slice %arg4[%multiple_of3A, %dma_start3A_418] : memref<2720x128xi32, #tpu.memory_space<hbm>> -> memref<160x128xi32, #tpu.memory_space<hbm>>
      tpu.enqueue_dma source(%dma_start3A_419 : memref<160x128xi32, #tpu.memory_space<hbm>>) target(%arg8 : memref<160x128xi32, #tpu.memory_space<vmem>>) target_semaphore(%run_scoped3A : memref<!tpu.dma_semaphore, #tpu.memory_space<semaphore_mem>>)
      %dma_wait3A_420 = arith.constant 0 : i32
      %dma_wait3A_421 = tpu.memref_slice %arg4[%multiple_of3A, %dma_wait3A_420] : memref<2720x128xi32, #tpu.memory_space<hbm>> -> memref<160x128xi32, #tpu.memory_space<hbm>>
      %dma_wait3A_422 = arith.constant 0 : i32
      %dma_wait3A_423 = tpu.memref_slice %arg4[%multiple_of3A, %dma_wait3A_422] : memref<2720x128xi32, #tpu.memory_space<hbm>> -> memref<160x128xi32, #tpu.memory_space<hbm>>
      tpu.wait_dma2 semaphore(%run_scoped3A : memref<!tpu.dma_semaphore, #tpu.memory_space<semaphore_mem>>) src(%dma_wait3A_423 : memref<160x128xi32, #tpu.memory_space<hbm>>) dst(%arg8 : memref<160x128xi32, #tpu.memory_space<vmem>>)
      tpu.yield
    }) : () -> ()
    %barrier3A = arith.constant 0 : index
    tpu.barrier barrier_id(%barrier3A)
    %dma_start3A = arith.constant 0 : i32
    %dma_start3A_12 = arith.constant 0 : i32
    %dma_start3A_13 = arith.constant 0 : i32
    %dma_start3A_14 = arith.constant 0 : i32
    %dma_start3A_15 = tpu.memref_slice %arg9[%dma_start3A_12, %dma_start3A_13, %dma_start3A_14] : memref<4x128x48xf32, #tpu.memory_space<vmem>> -> memref<1x128x48xf32, #tpu.memory_space<vmem>>
    %dma_start3A_16 = tpu.memref_squeeze %dma_start3A_15 : memref<1x128x48xf32, #tpu.memory_space<vmem>> -> memref<128x48xf32, #tpu.memory_space<vmem>>
    %dma_start3A_17 = arith.constant 0 : i32
    %dma_start3A_18 = tpu.memref_slice %arg7[%dma_start3A, %dma_start3A_17] : memref<160x128xi32, #tpu.memory_space<vmem>> -> memref<1x128xi32, #tpu.memory_space<vmem>>
    %dma_start3A_19 = tpu.memref_squeeze %dma_start3A_18 : memref<1x128xi32, #tpu.memory_space<vmem>> -> memref<128xi32, #tpu.memory_space<vmem>>
    %dma_start3A_20 = arith.constant 0 : i32
    %dma_start3A_21 = arith.constant 0 : i32
    %dma_start3A_22 = tpu.memref_slice %arg11[%dma_start3A_20, %dma_start3A_21] : memref<10240x48xf32, #tpu.memory_space<vmem_shared>> -> memref<10240x48xf32, #tpu.memory_space<vmem_shared>>
    tpu.enqueue_indirect_dma source(%dma_start3A_22 : memref<10240x48xf32, #tpu.memory_space<vmem_shared>>) target(%dma_start3A_16 : memref<128x48xf32, #tpu.memory_space<vmem>>) offsets(%dma_start3A_19 : memref<128xi32, #tpu.memory_space<vmem>>) semaphore(%arg12 : memref<!tpu.dma_semaphore, #tpu.memory_space<semaphore_mem>>)
    %dma_start3A_23 = arith.constant 1 : i32
    %dma_start3A_24 = arith.constant 1 : i32
    %dma_start3A_25 = arith.constant 0 : i32
    %dma_start3A_26 = arith.constant 0 : i32
    %dma_start3A_27 = tpu.memref_slice %arg9[%dma_start3A_24, %dma_start3A_25, %dma_start3A_26] : memref<4x128x48xf32, #tpu.memory_space<vmem>> -> memref<1x128x48xf32, #tpu.memory_space<vmem>>
    %dma_start3A_28 = tpu.memref_squeeze %dma_start3A_27 : memref<1x128x48xf32, #tpu.memory_space<vmem>> -> memref<128x48xf32, #tpu.memory_space<vmem>>
    %dma_start3A_29 = arith.constant 0 : i32
    %dma_start3A_30 = tpu.memref_slice %arg7[%dma_start3A_23, %dma_start3A_29] : memref<160x128xi32, #tpu.memory_space<vmem>> -> memref<1x128xi32, #tpu.memory_space<vmem>>
    %dma_start3A_31 = tpu.memref_squeeze %dma_start3A_30 : memref<1x128xi32, #tpu.memory_space<vmem>> -> memref<128xi32, #tpu.memory_space<vmem>>
    %dma_start3A_32 = arith.constant 0 : i32
    %dma_start3A_33 = arith.constant 0 : i32
    %dma_start3A_34 = tpu.memref_slice %arg11[%dma_start3A_32, %dma_start3A_33] : memref<10240x48xf32, #tpu.memory_space<vmem_shared>> -> memref<10240x48xf32, #tpu.memory_space<vmem_shared>>
    tpu.enqueue_indirect_dma source(%dma_start3A_34 : memref<10240x48xf32, #tpu.memory_space<vmem_shared>>) target(%dma_start3A_28 : memref<128x48xf32, #tpu.memory_space<vmem>>) offsets(%dma_start3A_31 : memref<128xi32, #tpu.memory_space<vmem>>) semaphore(%arg13 : memref<!tpu.dma_semaphore, #tpu.memory_space<semaphore_mem>>)
    %dma_wait3A = arith.constant 0 : i32
    %dma_wait3A_35 = arith.constant 0 : i32
    %dma_wait3A_36 = arith.constant 0 : i32
    %dma_wait3A_37 = arith.constant 0 : i32
    %dma_wait3A_38 = tpu.memref_slice %arg9[%dma_wait3A_35, %dma_wait3A_36, %dma_wait3A_37] : memref<4x128x48xf32, #tpu.memory_space<vmem>> -> memref<1x128x48xf32, #tpu.memory_space<vmem>>
    %dma_wait3A_39 = tpu.memref_squeeze %dma_wait3A_38 : memref<1x128x48xf32, #tpu.memory_space<vmem>> -> memref<128x48xf32, #tpu.memory_space<vmem>>
    %dma_wait3A_40 = arith.constant 0 : i32
    %dma_wait3A_41 = tpu.memref_slice %arg7[%dma_wait3A, %dma_wait3A_40] : memref<160x128xi32, #tpu.memory_space<vmem>> -> memref<1x128xi32, #tpu.memory_space<vmem>>
    %dma_wait3A_42 = tpu.memref_squeeze %dma_wait3A_41 : memref<1x128xi32, #tpu.memory_space<vmem>> -> memref<128xi32, #tpu.memory_space<vmem>>
    %dma_wait3A_43 = arith.constant 0 : i32
    %dma_wait3A_44 = arith.constant 0 : i32
    %dma_wait3A_45 = tpu.memref_slice %arg11[%dma_wait3A_43, %dma_wait3A_44] : memref<10240x48xf32, #tpu.memory_space<vmem_shared>> -> memref<10240x48xf32, #tpu.memory_space<vmem_shared>>
    tpu.wait_indirect_dma semaphore(%arg12 : memref<!tpu.dma_semaphore, #tpu.memory_space<semaphore_mem>>) src(%dma_wait3A_45 : memref<10240x48xf32, #tpu.memory_space<vmem_shared>>) dst(%dma_wait3A_39 : memref<128x48xf32, #tpu.memory_space<vmem>>)
    %dma_start3A_46 = arith.constant 0 : i32
    %dma_start3A_47 = arith.constant 0 : i32
    %dma_start3A_48 = arith.constant 0 : i32
    %dma_start3A_49 = arith.constant 0 : i32
    %dma_start3A_50 = tpu.memref_slice %arg9[%dma_start3A_46, %dma_start3A_48, %dma_start3A_49] : memref<4x128x48xf32, #tpu.memory_space<vmem>> -> memref<1x128x48xf32, #tpu.memory_space<vmem>>
    %dma_start3A_51 = tpu.memref_squeeze %dma_start3A_50 : memref<1x128x48xf32, #tpu.memory_space<vmem>> -> memref<128x48xf32, #tpu.memory_space<vmem>>
    %dma_start3A_52 = arith.constant 0 : i32
    %dma_start3A_53 = tpu.memref_slice %arg8[%dma_start3A_47, %dma_start3A_52] : memref<160x128xi32, #tpu.memory_space<vmem>> -> memref<1x128xi32, #tpu.memory_space<vmem>>
    %dma_start3A_54 = tpu.memref_squeeze %dma_start3A_53 : memref<1x128xi32, #tpu.memory_space<vmem>> -> memref<128xi32, #tpu.memory_space<vmem>>
    %dma_start3A_55 = arith.constant 0 : i32
    %dma_start3A_56 = arith.constant 0 : i32
    %dma_start3A_57 = tpu.memref_slice %arg10[%dma_start3A_55, %dma_start3A_56] : memref<10240x48xf32, #tpu.memory_space<vmem_shared>> -> memref<10240x48xf32, #tpu.memory_space<vmem_shared>>
    tpu.enqueue_indirect_dma source(%dma_start3A_51 : memref<128x48xf32, #tpu.memory_space<vmem>>) target(%dma_start3A_57 : memref<10240x48xf32, #tpu.memory_space<vmem_shared>>) offsets(%dma_start3A_54 : memref<128xi32, #tpu.memory_space<vmem>>) semaphore(%arg16 : memref<!tpu.dma_semaphore, #tpu.memory_space<semaphore_mem>>) {add = true}
    %dma_start3A_58 = arith.constant 2 : i32
    %dma_start3A_59 = arith.constant 2 : i32
    %dma_start3A_60 = arith.constant 0 : i32
    %dma_start3A_61 = arith.constant 0 : i32
    %dma_start3A_62 = tpu.memref_slice %arg9[%dma_start3A_59, %dma_start3A_60, %dma_start3A_61] : memref<4x128x48xf32, #tpu.memory_space<vmem>> -> memref<1x128x48xf32, #tpu.memory_space<vmem>>
    %dma_start3A_63 = tpu.memref_squeeze %dma_start3A_62 : memref<1x128x48xf32, #tpu.memory_space<vmem>> -> memref<128x48xf32, #tpu.memory_space<vmem>>
    %dma_start3A_64 = arith.constant 0 : i32
    %dma_start3A_65 = tpu.memref_slice %arg7[%dma_start3A_58, %dma_start3A_64] : memref<160x128xi32, #tpu.memory_space<vmem>> -> memref<1x128xi32, #tpu.memory_space<vmem>>
    %dma_start3A_66 = tpu.memref_squeeze %dma_start3A_65 : memref<1x128xi32, #tpu.memory_space<vmem>> -> memref<128xi32, #tpu.memory_space<vmem>>
    %dma_start3A_67 = arith.constant 0 : i32
    %dma_start3A_68 = arith.constant 0 : i32
    %dma_start3A_69 = tpu.memref_slice %arg11[%dma_start3A_67, %dma_start3A_68] : memref<10240x48xf32, #tpu.memory_space<vmem_shared>> -> memref<10240x48xf32, #tpu.memory_space<vmem_shared>>
    tpu.enqueue_indirect_dma source(%dma_start3A_69 : memref<10240x48xf32, #tpu.memory_space<vmem_shared>>) target(%dma_start3A_63 : memref<128x48xf32, #tpu.memory_space<vmem>>) offsets(%dma_start3A_66 : memref<128xi32, #tpu.memory_space<vmem>>) semaphore(%arg14 : memref<!tpu.dma_semaphore, #tpu.memory_space<semaphore_mem>>)
    %dma_wait3A_70 = arith.constant 1 : i32
    %dma_wait3A_71 = arith.constant 1 : i32
    %dma_wait3A_72 = arith.constant 0 : i32
    %dma_wait3A_73 = arith.constant 0 : i32
    %dma_wait3A_74 = tpu.memref_slice %arg9[%dma_wait3A_71, %dma_wait3A_72, %dma_wait3A_73] : memref<4x128x48xf32, #tpu.memory_space<vmem>> -> memref<1x128x48xf32, #tpu.memory_space<vmem>>
    %dma_wait3A_75 = tpu.memref_squeeze %dma_wait3A_74 : memref<1x128x48xf32, #tpu.memory_space<vmem>> -> memref<128x48xf32, #tpu.memory_space<vmem>>
    %dma_wait3A_76 = arith.constant 0 : i32
    %dma_wait3A_77 = tpu.memref_slice %arg7[%dma_wait3A_70, %dma_wait3A_76] : memref<160x128xi32, #tpu.memory_space<vmem>> -> memref<1x128xi32, #tpu.memory_space<vmem>>
    %dma_wait3A_78 = tpu.memref_squeeze %dma_wait3A_77 : memref<1x128xi32, #tpu.memory_space<vmem>> -> memref<128xi32, #tpu.memory_space<vmem>>
    %dma_wait3A_79 = arith.constant 0 : i32
    %dma_wait3A_80 = arith.constant 0 : i32
    %dma_wait3A_81 = tpu.memref_slice %arg11[%dma_wait3A_79, %dma_wait3A_80] : memref<10240x48xf32, #tpu.memory_space<vmem_shared>> -> memref<10240x48xf32, #tpu.memory_space<vmem_shared>>
    tpu.wait_indirect_dma semaphore(%arg13 : memref<!tpu.dma_semaphore, #tpu.memory_space<semaphore_mem>>) src(%dma_wait3A_81 : memref<10240x48xf32, #tpu.memory_space<vmem_shared>>) dst(%dma_wait3A_75 : memref<128x48xf32, #tpu.memory_space<vmem>>)
    %dma_start3A_82 = arith.constant 1 : i32
    %dma_start3A_83 = arith.constant 1 : i32
    %dma_start3A_84 = arith.constant 0 : i32
    %dma_start3A_85 = arith.constant 0 : i32
    %dma_start3A_86 = tpu.memref_slice %arg9[%dma_start3A_82, %dma_start3A_84, %dma_start3A_85] : memref<4x128x48xf32, #tpu.memory_space<vmem>> -> memref<1x128x48xf32, #tpu.memory_space<vmem>>
    %dma_start3A_87 = tpu.memref_squeeze %dma_start3A_86 : memref<1x128x48xf32, #tpu.memory_space<vmem>> -> memref<128x48xf32, #tpu.memory_space<vmem>>
    %dma_start3A_88 = arith.constant 0 : i32
    %dma_start3A_89 = tpu.memref_slice %arg8[%dma_start3A_83, %dma_start3A_88] : memref<160x128xi32, #tpu.memory_space<vmem>> -> memref<1x128xi32, #tpu.memory_space<vmem>>
    %dma_start3A_90 = tpu.memref_squeeze %dma_start3A_89 : memref<1x128xi32, #tpu.memory_space<vmem>> -> memref<128xi32, #tpu.memory_space<vmem>>
    %dma_start3A_91 = arith.constant 0 : i32
    %dma_start3A_92 = arith.constant 0 : i32
    %dma_start3A_93 = tpu.memref_slice %arg10[%dma_start3A_91, %dma_start3A_92] : memref<10240x48xf32, #tpu.memory_space<vmem_shared>> -> memref<10240x48xf32, #tpu.memory_space<vmem_shared>>
    tpu.enqueue_indirect_dma source(%dma_start3A_87 : memref<128x48xf32, #tpu.memory_space<vmem>>) target(%dma_start3A_93 : memref<10240x48xf32, #tpu.memory_space<vmem_shared>>) offsets(%dma_start3A_90 : memref<128xi32, #tpu.memory_space<vmem>>) semaphore(%arg17 : memref<!tpu.dma_semaphore, #tpu.memory_space<semaphore_mem>>) {add = true}
    %dma_start3A_94 = arith.constant 3 : i32
    %dma_start3A_95 = arith.constant 3 : i32
    %dma_start3A_96 = arith.constant 0 : i32
    %dma_start3A_97 = arith.constant 0 : i32
    %dma_start3A_98 = tpu.memref_slice %arg9[%dma_start3A_95, %dma_start3A_96, %dma_start3A_97] : memref<4x128x48xf32, #tpu.memory_space<vmem>> -> memref<1x128x48xf32, #tpu.memory_space<vmem>>
    %dma_start3A_99 = tpu.memref_squeeze %dma_start3A_98 : memref<1x128x48xf32, #tpu.memory_space<vmem>> -> memref<128x48xf32, #tpu.memory_space<vmem>>
    %dma_start3A_100 = arith.constant 0 : i32
    %dma_start3A_101 = tpu.memref_slice %arg7[%dma_start3A_94, %dma_start3A_100] : memref<160x128xi32, #tpu.memory_space<vmem>> -> memref<1x128xi32, #tpu.memory_space<vmem>>
    %dma_start3A_102 = tpu.memref_squeeze %dma_start3A_101 : memref<1x128xi32, #tpu.memory_space<vmem>> -> memref<128xi32, #tpu.memory_space<vmem>>
    %dma_start3A_103 = arith.constant 0 : i32
    %dma_start3A_104 = arith.constant 0 : i32
    %dma_start3A_105 = tpu.memref_slice %arg11[%dma_start3A_103, %dma_start3A_104] : memref<10240x48xf32, #tpu.memory_space<vmem_shared>> -> memref<10240x48xf32, #tpu.memory_space<vmem_shared>>
    tpu.enqueue_indirect_dma source(%dma_start3A_105 : memref<10240x48xf32, #tpu.memory_space<vmem_shared>>) target(%dma_start3A_99 : memref<128x48xf32, #tpu.memory_space<vmem>>) offsets(%dma_start3A_102 : memref<128xi32, #tpu.memory_space<vmem>>) semaphore(%arg15 : memref<!tpu.dma_semaphore, #tpu.memory_space<semaphore_mem>>)
    %dma_wait3A_106 = arith.constant 2 : i32
    %dma_wait3A_107 = arith.constant 2 : i32
    %dma_wait3A_108 = arith.constant 0 : i32
    %dma_wait3A_109 = arith.constant 0 : i32
    %dma_wait3A_110 = tpu.memref_slice %arg9[%dma_wait3A_107, %dma_wait3A_108, %dma_wait3A_109] : memref<4x128x48xf32, #tpu.memory_space<vmem>> -> memref<1x128x48xf32, #tpu.memory_space<vmem>>
    %dma_wait3A_111 = tpu.memref_squeeze %dma_wait3A_110 : memref<1x128x48xf32, #tpu.memory_space<vmem>> -> memref<128x48xf32, #tpu.memory_space<vmem>>
    %dma_wait3A_112 = arith.constant 0 : i32
    %dma_wait3A_113 = tpu.memref_slice %arg7[%dma_wait3A_106, %dma_wait3A_112] : memref<160x128xi32, #tpu.memory_space<vmem>> -> memref<1x128xi32, #tpu.memory_space<vmem>>
    %dma_wait3A_114 = tpu.memref_squeeze %dma_wait3A_113 : memref<1x128xi32, #tpu.memory_space<vmem>> -> memref<128xi32, #tpu.memory_space<vmem>>
    %dma_wait3A_115 = arith.constant 0 : i32
    %dma_wait3A_116 = arith.constant 0 : i32
    %dma_wait3A_117 = tpu.memref_slice %arg11[%dma_wait3A_115, %dma_wait3A_116] : memref<10240x48xf32, #tpu.memory_space<vmem_shared>> -> memref<10240x48xf32, #tpu.memory_space<vmem_shared>>
    tpu.wait_indirect_dma semaphore(%arg14 : memref<!tpu.dma_semaphore, #tpu.memory_space<semaphore_mem>>) src(%dma_wait3A_117 : memref<10240x48xf32, #tpu.memory_space<vmem_shared>>) dst(%dma_wait3A_111 : memref<128x48xf32, #tpu.memory_space<vmem>>)
    %dma_start3A_118 = arith.constant 2 : i32
    %dma_start3A_119 = arith.constant 2 : i32
    %dma_start3A_120 = arith.constant 0 : i32
    %dma_start3A_121 = arith.constant 0 : i32
    %dma_start3A_122 = tpu.memref_slice %arg9[%dma_start3A_118, %dma_start3A_120, %dma_start3A_121] : memref<4x128x48xf32, #tpu.memory_space<vmem>> -> memref<1x128x48xf32, #tpu.memory_space<vmem>>
    %dma_start3A_123 = tpu.memref_squeeze %dma_start3A_122 : memref<1x128x48xf32, #tpu.memory_space<vmem>> -> memref<128x48xf32, #tpu.memory_space<vmem>>
    %dma_start3A_124 = arith.constant 0 : i32
    %dma_start3A_125 = tpu.memref_slice %arg8[%dma_start3A_119, %dma_start3A_124] : memref<160x128xi32, #tpu.memory_space<vmem>> -> memref<1x128xi32, #tpu.memory_space<vmem>>
    %dma_start3A_126 = tpu.memref_squeeze %dma_start3A_125 : memref<1x128xi32, #tpu.memory_space<vmem>> -> memref<128xi32, #tpu.memory_space<vmem>>
    %dma_start3A_127 = arith.constant 0 : i32
    %dma_start3A_128 = arith.constant 0 : i32
    %dma_start3A_129 = tpu.memref_slice %arg10[%dma_start3A_127, %dma_start3A_128] : memref<10240x48xf32, #tpu.memory_space<vmem_shared>> -> memref<10240x48xf32, #tpu.memory_space<vmem_shared>>
    tpu.enqueue_indirect_dma source(%dma_start3A_123 : memref<128x48xf32, #tpu.memory_space<vmem>>) target(%dma_start3A_129 : memref<10240x48xf32, #tpu.memory_space<vmem_shared>>) offsets(%dma_start3A_126 : memref<128xi32, #tpu.memory_space<vmem>>) semaphore(%arg18 : memref<!tpu.dma_semaphore, #tpu.memory_space<semaphore_mem>>) {add = true}
    %dma_wait3A_130 = arith.constant 0 : i32
    %dma_wait3A_131 = arith.constant 0 : i32
    %dma_wait3A_132 = arith.constant 0 : i32
    %dma_wait3A_133 = arith.constant 0 : i32
    %dma_wait3A_134 = tpu.memref_slice %arg9[%dma_wait3A_130, %dma_wait3A_132, %dma_wait3A_133] : memref<4x128x48xf32, #tpu.memory_space<vmem>> -> memref<1x128x48xf32, #tpu.memory_space<vmem>>
    %dma_wait3A_135 = tpu.memref_squeeze %dma_wait3A_134 : memref<1x128x48xf32, #tpu.memory_space<vmem>> -> memref<128x48xf32, #tpu.memory_space<vmem>>
    %dma_wait3A_136 = arith.constant 0 : i32
    %dma_wait3A_137 = tpu.memref_slice %arg8[%dma_wait3A_131, %dma_wait3A_136] : memref<160x128xi32, #tpu.memory_space<vmem>> -> memref<1x128xi32, #tpu.memory_space<vmem>>
    %dma_wait3A_138 = tpu.memref_squeeze %dma_wait3A_137 : memref<1x128xi32, #tpu.memory_space<vmem>> -> memref<128xi32, #tpu.memory_space<vmem>>
    %dma_wait3A_139 = arith.constant 0 : i32
    %dma_wait3A_140 = arith.constant 0 : i32
    %dma_wait3A_141 = tpu.memref_slice %arg10[%dma_wait3A_139, %dma_wait3A_140] : memref<10240x48xf32, #tpu.memory_space<vmem_shared>> -> memref<10240x48xf32, #tpu.memory_space<vmem_shared>>
    tpu.wait_indirect_dma semaphore(%arg16 : memref<!tpu.dma_semaphore, #tpu.memory_space<semaphore_mem>>) src(%dma_wait3A_135 : memref<128x48xf32, #tpu.memory_space<vmem>>) dst(%dma_wait3A_141 : memref<10240x48xf32, #tpu.memory_space<vmem_shared>>)
    %dma_start3A_142 = arith.constant 4 : i32
    %dma_start3A_143 = arith.constant 0 : i32
    %dma_start3A_144 = arith.constant 0 : i32
    %dma_start3A_145 = arith.constant 0 : i32
    %dma_start3A_146 = tpu.memref_slice %arg9[%dma_start3A_143, %dma_start3A_144, %dma_start3A_145] : memref<4x128x48xf32, #tpu.memory_space<vmem>> -> memref<1x128x48xf32, #tpu.memory_space<vmem>>
    %dma_start3A_147 = tpu.memref_squeeze %dma_start3A_146 : memref<1x128x48xf32, #tpu.memory_space<vmem>> -> memref<128x48xf32, #tpu.memory_space<vmem>>
    %dma_start3A_148 = arith.constant 0 : i32
    %dma_start3A_149 = tpu.memref_slice %arg7[%dma_start3A_142, %dma_start3A_148] : memref<160x128xi32, #tpu.memory_space<vmem>> -> memref<1x128xi32, #tpu.memory_space<vmem>>
    %dma_start3A_150 = tpu.memref_squeeze %dma_start3A_149 : memref<1x128xi32, #tpu.memory_space<vmem>> -> memref<128xi32, #tpu.memory_space<vmem>>
    %dma_start3A_151 = arith.constant 0 : i32
    %dma_start3A_152 = arith.constant 0 : i32
    %dma_start3A_153 = tpu.memref_slice %arg11[%dma_start3A_151, %dma_start3A_152] : memref<10240x48xf32, #tpu.memory_space<vmem_shared>> -> memref<10240x48xf32, #tpu.memory_space<vmem_shared>>
    tpu.enqueue_indirect_dma source(%dma_start3A_153 : memref<10240x48xf32, #tpu.memory_space<vmem_shared>>) target(%dma_start3A_147 : memref<128x48xf32, #tpu.memory_space<vmem>>) offsets(%dma_start3A_150 : memref<128xi32, #tpu.memory_space<vmem>>) semaphore(%arg12 : memref<!tpu.dma_semaphore, #tpu.memory_space<semaphore_mem>>)
    %dma_wait3A_154 = arith.constant 3 : i32
    %dma_wait3A_155 = arith.constant 3 : i32
    %dma_wait3A_156 = arith.constant 0 : i32
    %dma_wait3A_157 = arith.constant 0 : i32
    %dma_wait3A_158 = tpu.memref_slice %arg9[%dma_wait3A_155, %dma_wait3A_156, %dma_wait3A_157] : memref<4x128x48xf32, #tpu.memory_space<vmem>> -> memref<1x128x48xf32, #tpu.memory_space<vmem>>
    %dma_wait3A_159 = tpu.memref_squeeze %dma_wait3A_158 : memref<1x128x48xf32, #tpu.memory_space<vmem>> -> memref<128x48xf32, #tpu.memory_space<vmem>>
    %dma_wait3A_160 = arith.constant 0 : i32
    %dma_wait3A_161 = tpu.memref_slice %arg7[%dma_wait3A_154, %dma_wait3A_160] : memref<160x128xi32, #tpu.memory_space<vmem>> -> memref<1x128xi32, #tpu.memory_space<vmem>>
    %dma_wait3A_162 = tpu.memref_squeeze %dma_wait3A_161 : memref<1x128xi32, #tpu.memory_space<vmem>> -> memref<128xi32, #tpu.memory_space<vmem>>
    %dma_wait3A_163 = arith.constant 0 : i32
    %dma_wait3A_164 = arith.constant 0 : i32
    %dma_wait3A_165 = tpu.memref_slice %arg11[%dma_wait3A_163, %dma_wait3A_164] : memref<10240x48xf32, #tpu.memory_space<vmem_shared>> -> memref<10240x48xf32, #tpu.memory_space<vmem_shared>>
    tpu.wait_indirect_dma semaphore(%arg15 : memref<!tpu.dma_semaphore, #tpu.memory_space<semaphore_mem>>) src(%dma_wait3A_165 : memref<10240x48xf32, #tpu.memory_space<vmem_shared>>) dst(%dma_wait3A_159 : memref<128x48xf32, #tpu.memory_space<vmem>>)
    %dma_start3A_166 = arith.constant 3 : i32
    %dma_start3A_167 = arith.constant 3 : i32
    %dma_start3A_168 = arith.constant 0 : i32
    %dma_start3A_169 = arith.constant 0 : i32
    %dma_start3A_170 = tpu.memref_slice %arg9[%dma_start3A_166, %dma_start3A_168, %dma_start3A_169] : memref<4x128x48xf32, #tpu.memory_space<vmem>> -> memref<1x128x48xf32, #tpu.memory_space<vmem>>
    %dma_start3A_171 = tpu.memref_squeeze %dma_start3A_170 : memref<1x128x48xf32, #tpu.memory_space<vmem>> -> memref<128x48xf32, #tpu.memory_space<vmem>>
    %dma_start3A_172 = arith.constant 0 : i32
    %dma_start3A_173 = tpu.memref_slice %arg8[%dma_start3A_167, %dma_start3A_172] : memref<160x128xi32, #tpu.memory_space<vmem>> -> memref<1x128xi32, #tpu.memory_space<vmem>>
    %dma_start3A_174 = tpu.memref_squeeze %dma_start3A_173 : memref<1x128xi32, #tpu.memory_space<vmem>> -> memref<128xi32, #tpu.memory_space<vmem>>
    %dma_start3A_175 = arith.constant 0 : i32
    %dma_start3A_176 = arith.constant 0 : i32
    %dma_start3A_177 = tpu.memref_slice %arg10[%dma_start3A_175, %dma_start3A_176] : memref<10240x48xf32, #tpu.memory_space<vmem_shared>> -> memref<10240x48xf32, #tpu.memory_space<vmem_shared>>
    tpu.enqueue_indirect_dma source(%dma_start3A_171 : memref<128x48xf32, #tpu.memory_space<vmem>>) target(%dma_start3A_177 : memref<10240x48xf32, #tpu.memory_space<vmem_shared>>) offsets(%dma_start3A_174 : memref<128xi32, #tpu.memory_space<vmem>>) semaphore(%arg19 : memref<!tpu.dma_semaphore, #tpu.memory_space<semaphore_mem>>) {add = true}
    %dma_wait3A_178 = arith.constant 1 : i32
    %dma_wait3A_179 = arith.constant 1 : i32
    %dma_wait3A_180 = arith.constant 0 : i32
    %dma_wait3A_181 = arith.constant 0 : i32
    %dma_wait3A_182 = tpu.memref_slice %arg9[%dma_wait3A_178, %dma_wait3A_180, %dma_wait3A_181] : memref<4x128x48xf32, #tpu.memory_space<vmem>> -> memref<1x128x48xf32, #tpu.memory_space<vmem>>
    %dma_wait3A_183 = tpu.memref_squeeze %dma_wait3A_182 : memref<1x128x48xf32, #tpu.memory_space<vmem>> -> memref<128x48xf32, #tpu.memory_space<vmem>>
    %dma_wait3A_184 = arith.constant 0 : i32
    %dma_wait3A_185 = tpu.memref_slice %arg8[%dma_wait3A_179, %dma_wait3A_184] : memref<160x128xi32, #tpu.memory_space<vmem>> -> memref<1x128xi32, #tpu.memory_space<vmem>>
    %dma_wait3A_186 = tpu.memref_squeeze %dma_wait3A_185 : memref<1x128xi32, #tpu.memory_space<vmem>> -> memref<128xi32, #tpu.memory_space<vmem>>
    %dma_wait3A_187 = arith.constant 0 : i32
    %dma_wait3A_188 = arith.constant 0 : i32
    %dma_wait3A_189 = tpu.memref_slice %arg10[%dma_wait3A_187, %dma_wait3A_188] : memref<10240x48xf32, #tpu.memory_space<vmem_shared>> -> memref<10240x48xf32, #tpu.memory_space<vmem_shared>>
    tpu.wait_indirect_dma semaphore(%arg17 : memref<!tpu.dma_semaphore, #tpu.memory_space<semaphore_mem>>) src(%dma_wait3A_183 : memref<128x48xf32, #tpu.memory_space<vmem>>) dst(%dma_wait3A_189 : memref<10240x48xf32, #tpu.memory_space<vmem_shared>>)
    %dma_start3A_190 = arith.constant 5 : i32
    %dma_start3A_191 = arith.constant 1 : i32
    %dma_start3A_192 = arith.constant 0 : i32
    %dma_start3A_193 = arith.constant 0 : i32
    %dma_start3A_194 = tpu.memref_slice %arg9[%dma_start3A_191, %dma_start3A_192, %dma_start3A_193] : memref<4x128x48xf32, #tpu.memory_space<vmem>> -> memref<1x128x48xf32, #tpu.memory_space<vmem>>
    %dma_start3A_195 = tpu.memref_squeeze %dma_start3A_194 : memref<1x128x48xf32, #tpu.memory_space<vmem>> -> memref<128x48xf32, #tpu.memory_space<vmem>>
    %dma_start3A_196 = arith.constant 0 : i32
    %dma_start3A_197 = tpu.memref_slice %arg7[%dma_start3A_190, %dma_start3A_196] : memref<160x128xi32, #tpu.memory_space<vmem>> -> memref<1x128xi32, #tpu.memory_space<vmem>>
    %dma_start3A_198 = tpu.memref_squeeze %dma_start3A_197 : memref<1x128xi32, #tpu.memory_space<vmem>> -> memref<128xi32, #tpu.memory_space<vmem>>
    %dma_start3A_199 = arith.constant 0 : i32
    %dma_start3A_200 = arith.constant 0 : i32
    %dma_start3A_201 = tpu.memref_slice %arg11[%dma_start3A_199, %dma_start3A_200] : memref<10240x48xf32, #tpu.memory_space<vmem_shared>> -> memref<10240x48xf32, #tpu.memory_space<vmem_shared>>
    tpu.enqueue_indirect_dma source(%dma_start3A_201 : memref<10240x48xf32, #tpu.memory_space<vmem_shared>>) target(%dma_start3A_195 : memref<128x48xf32, #tpu.memory_space<vmem>>) offsets(%dma_start3A_198 : memref<128xi32, #tpu.memory_space<vmem>>) semaphore(%arg13 : memref<!tpu.dma_semaphore, #tpu.memory_space<semaphore_mem>>)
    %sub3A = arith.constant 1 : i32
    %sub3A_202 = arith.subi %select_n3A_8, %sub3A : i32
    %while3A = arith.constant 1 : i32
    %while3A_203 = arith.subi %sub3A_202, %while3A : i32
    %while3A_204 = arith.addi %while3A, %while3A_203 : i32
    %while3A_205 = arith.constant 1 : i32
    %while3A_206 = arith.divsi %while3A_203, %while3A_205 : i32
    %while3A_207 = arith.muli %while3A_206, %while3A_205 : i32
    %while3A_208 = arith.addi %while3A, %while3A_207 : i32
    %while3A_209 = arith.constant 1 : i32
    scf.for %while3A_416 = %while3A to %while3A_208 step %while3A_209  : i32 {
      %mul3A_417 = arith.constant 4 : i32
      %mul3A_418 = arith.muli %while3A_416, %mul3A_417 : i32
      %add3A_419 = arith.constant 0 : i32
      %add3A_420 = arith.addi %mul3A_418, %add3A_419 : i32
      %dma_wait3A_421 = arith.constant 0 : i32
      %dma_wait3A_422 = arith.constant 0 : i32
      %dma_wait3A_423 = arith.constant 0 : i32
      %dma_wait3A_424 = tpu.memref_slice %arg9[%dma_wait3A_421, %dma_wait3A_422, %dma_wait3A_423] : memref<4x128x48xf32, #tpu.memory_space<vmem>> -> memref<1x128x48xf32, #tpu.memory_space<vmem>>
      %dma_wait3A_425 = tpu.memref_squeeze %dma_wait3A_424 : memref<1x128x48xf32, #tpu.memory_space<vmem>> -> memref<128x48xf32, #tpu.memory_space<vmem>>
      %dma_wait3A_426 = arith.constant 0 : i32
      %dma_wait3A_427 = tpu.memref_slice %arg7[%add3A_420, %dma_wait3A_426] : memref<160x128xi32, #tpu.memory_space<vmem>> -> memref<1x128xi32, #tpu.memory_space<vmem>>
      %dma_wait3A_428 = tpu.memref_squeeze %dma_wait3A_427 : memref<1x128xi32, #tpu.memory_space<vmem>> -> memref<128xi32, #tpu.memory_space<vmem>>
      %dma_wait3A_429 = arith.constant 0 : i32
      %dma_wait3A_430 = arith.constant 0 : i32
      %dma_wait3A_431 = tpu.memref_slice %arg11[%dma_wait3A_429, %dma_wait3A_430] : memref<10240x48xf32, #tpu.memory_space<vmem_shared>> -> memref<10240x48xf32, #tpu.memory_space<vmem_shared>>
      tpu.wait_indirect_dma semaphore(%arg12 : memref<!tpu.dma_semaphore, #tpu.memory_space<semaphore_mem>>) src(%dma_wait3A_431 : memref<10240x48xf32, #tpu.memory_space<vmem_shared>>) dst(%dma_wait3A_425 : memref<128x48xf32, #tpu.memory_space<vmem>>)
      %dma_start3A_432 = arith.constant 0 : i32
      %dma_start3A_433 = arith.constant 0 : i32
      %dma_start3A_434 = arith.constant 0 : i32
      %dma_start3A_435 = tpu.memref_slice %arg9[%dma_start3A_432, %dma_start3A_433, %dma_start3A_434] : memref<4x128x48xf32, #tpu.memory_space<vmem>> -> memref<1x128x48xf32, #tpu.memory_space<vmem>>
      %dma_start3A_436 = tpu.memref_squeeze %dma_start3A_435 : memref<1x128x48xf32, #tpu.memory_space<vmem>> -> memref<128x48xf32, #tpu.memory_space<vmem>>
      %dma_start3A_437 = arith.constant 0 : i32
      %dma_start3A_438 = tpu.memref_slice %arg8[%add3A_420, %dma_start3A_437] : memref<160x128xi32, #tpu.memory_space<vmem>> -> memref<1x128xi32, #tpu.memory_space<vmem>>
      %dma_start3A_439 = tpu.memref_squeeze %dma_start3A_438 : memref<1x128xi32, #tpu.memory_space<vmem>> -> memref<128xi32, #tpu.memory_space<vmem>>
      %dma_start3A_440 = arith.constant 0 : i32
      %dma_start3A_441 = arith.constant 0 : i32
      %dma_start3A_442 = tpu.memref_slice %arg10[%dma_start3A_440, %dma_start3A_441] : memref<10240x48xf32, #tpu.memory_space<vmem_shared>> -> memref<10240x48xf32, #tpu.memory_space<vmem_shared>>
      tpu.enqueue_indirect_dma source(%dma_start3A_436 : memref<128x48xf32, #tpu.memory_space<vmem>>) target(%dma_start3A_442 : memref<10240x48xf32, #tpu.memory_space<vmem_shared>>) offsets(%dma_start3A_439 : memref<128xi32, #tpu.memory_space<vmem>>) semaphore(%arg16 : memref<!tpu.dma_semaphore, #tpu.memory_space<semaphore_mem>>) {add = true}
      %sub3A_443 = arith.constant 2 : i32
      %sub3A_444 = arith.subi %add3A_420, %sub3A_443 : i32
      %dma_wait3A_445 = arith.constant 2 : i32
      %dma_wait3A_446 = arith.constant 0 : i32
      %dma_wait3A_447 = arith.constant 0 : i32
      %dma_wait3A_448 = tpu.memref_slice %arg9[%dma_wait3A_445, %dma_wait3A_446, %dma_wait3A_447] : memref<4x128x48xf32, #tpu.memory_space<vmem>> -> memref<1x128x48xf32, #tpu.memory_space<vmem>>
      %dma_wait3A_449 = tpu.memref_squeeze %dma_wait3A_448 : memref<1x128x48xf32, #tpu.memory_space<vmem>> -> memref<128x48xf32, #tpu.memory_space<vmem>>
      %dma_wait3A_450 = arith.constant 0 : i32
      %dma_wait3A_451 = tpu.memref_slice %arg8[%sub3A_444, %dma_wait3A_450] : memref<160x128xi32, #tpu.memory_space<vmem>> -> memref<1x128xi32, #tpu.memory_space<vmem>>
      %dma_wait3A_452 = tpu.memref_squeeze %dma_wait3A_451 : memref<1x128xi32, #tpu.memory_space<vmem>> -> memref<128xi32, #tpu.memory_space<vmem>>
      %dma_wait3A_453 = arith.constant 0 : i32
      %dma_wait3A_454 = arith.constant 0 : i32
      %dma_wait3A_455 = tpu.memref_slice %arg10[%dma_wait3A_453, %dma_wait3A_454] : memref<10240x48xf32, #tpu.memory_space<vmem_shared>> -> memref<10240x48xf32, #tpu.memory_space<vmem_shared>>
      tpu.wait_indirect_dma semaphore(%arg18 : memref<!tpu.dma_semaphore, #tpu.memory_space<semaphore_mem>>) src(%dma_wait3A_449 : memref<128x48xf32, #tpu.memory_space<vmem>>) dst(%dma_wait3A_455 : memref<10240x48xf32, #tpu.memory_space<vmem_shared>>)
      %add3A_456 = arith.constant 2 : i32
      %add3A_457 = arith.addi %add3A_420, %add3A_456 : i32
      %dma_start3A_458 = arith.constant 2 : i32
      %dma_start3A_459 = arith.constant 0 : i32
      %dma_start3A_460 = arith.constant 0 : i32
      %dma_start3A_461 = tpu.memref_slice %arg9[%dma_start3A_458, %dma_start3A_459, %dma_start3A_460] : memref<4x128x48xf32, #tpu.memory_space<vmem>> -> memref<1x128x48xf32, #tpu.memory_space<vmem>>
      %dma_start3A_462 = tpu.memref_squeeze %dma_start3A_461 : memref<1x128x48xf32, #tpu.memory_space<vmem>> -> memref<128x48xf32, #tpu.memory_space<vmem>>
      %dma_start3A_463 = arith.constant 0 : i32
      %dma_start3A_464 = tpu.memref_slice %arg7[%add3A_457, %dma_start3A_463] : memref<160x128xi32, #tpu.memory_space<vmem>> -> memref<1x128xi32, #tpu.memory_space<vmem>>
      %dma_start3A_465 = tpu.memref_squeeze %dma_start3A_464 : memref<1x128xi32, #tpu.memory_space<vmem>> -> memref<128xi32, #tpu.memory_space<vmem>>
      %dma_start3A_466 = arith.constant 0 : i32
      %dma_start3A_467 = arith.constant 0 : i32
      %dma_start3A_468 = tpu.memref_slice %arg11[%dma_start3A_466, %dma_start3A_467] : memref<10240x48xf32, #tpu.memory_space<vmem_shared>> -> memref<10240x48xf32, #tpu.memory_space<vmem_shared>>
      tpu.enqueue_indirect_dma source(%dma_start3A_468 : memref<10240x48xf32, #tpu.memory_space<vmem_shared>>) target(%dma_start3A_462 : memref<128x48xf32, #tpu.memory_space<vmem>>) offsets(%dma_start3A_465 : memref<128xi32, #tpu.memory_space<vmem>>) semaphore(%arg14 : memref<!tpu.dma_semaphore, #tpu.memory_space<semaphore_mem>>)
      %mul3A_469 = arith.constant 4 : i32
      %mul3A_470 = arith.muli %while3A_416, %mul3A_469 : i32
      %add3A_471 = arith.constant 1 : i32
      %add3A_472 = arith.addi %mul3A_470, %add3A_471 : i32
      %dma_wait3A_473 = arith.constant 1 : i32
      %dma_wait3A_474 = arith.constant 0 : i32
      %dma_wait3A_475 = arith.constant 0 : i32
      %dma_wait3A_476 = tpu.memref_slice %arg9[%dma_wait3A_473, %dma_wait3A_474, %dma_wait3A_475] : memref<4x128x48xf32, #tpu.memory_space<vmem>> -> memref<1x128x48xf32, #tpu.memory_space<vmem>>
      %dma_wait3A_477 = tpu.memref_squeeze %dma_wait3A_476 : memref<1x128x48xf32, #tpu.memory_space<vmem>> -> memref<128x48xf32, #tpu.memory_space<vmem>>
      %dma_wait3A_478 = arith.constant 0 : i32
      %dma_wait3A_479 = tpu.memref_slice %arg7[%add3A_472, %dma_wait3A_478] : memref<160x128xi32, #tpu.memory_space<vmem>> -> memref<1x128xi32, #tpu.memory_space<vmem>>
      %dma_wait3A_480 = tpu.memref_squeeze %dma_wait3A_479 : memref<1x128xi32, #tpu.memory_space<vmem>> -> memref<128xi32, #tpu.memory_space<vmem>>
      %dma_wait3A_481 = arith.constant 0 : i32
      %dma_wait3A_482 = arith.constant 0 : i32
      %dma_wait3A_483 = tpu.memref_slice %arg11[%dma_wait3A_481, %dma_wait3A_482] : memref<10240x48xf32, #tpu.memory_space<vmem_shared>> -> memref<10240x48xf32, #tpu.memory_space<vmem_shared>>
      tpu.wait_indirect_dma semaphore(%arg13 : memref<!tpu.dma_semaphore, #tpu.memory_space<semaphore_mem>>) src(%dma_wait3A_483 : memref<10240x48xf32, #tpu.memory_space<vmem_shared>>) dst(%dma_wait3A_477 : memref<128x48xf32, #tpu.memory_space<vmem>>)
      %dma_start3A_484 = arith.constant 1 : i32
      %dma_start3A_485 = arith.constant 0 : i32
      %dma_start3A_486 = arith.constant 0 : i32
      %dma_start3A_487 = tpu.memref_slice %arg9[%dma_start3A_484, %dma_start3A_485, %dma_start3A_486] : memref<4x128x48xf32, #tpu.memory_space<vmem>> -> memref<1x128x48xf32, #tpu.memory_space<vmem>>
      %dma_start3A_488 = tpu.memref_squeeze %dma_start3A_487 : memref<1x128x48xf32, #tpu.memory_space<vmem>> -> memref<128x48xf32, #tpu.memory_space<vmem>>
      %dma_start3A_489 = arith.constant 0 : i32
      %dma_start3A_490 = tpu.memref_slice %arg8[%add3A_472, %dma_start3A_489] : memref<160x128xi32, #tpu.memory_space<vmem>> -> memref<1x128xi32, #tpu.memory_space<vmem>>
      %dma_start3A_491 = tpu.memref_squeeze %dma_start3A_490 : memref<1x128xi32, #tpu.memory_space<vmem>> -> memref<128xi32, #tpu.memory_space<vmem>>
      %dma_start3A_492 = arith.constant 0 : i32
      %dma_start3A_493 = arith.constant 0 : i32
      %dma_start3A_494 = tpu.memref_slice %arg10[%dma_start3A_492, %dma_start3A_493] : memref<10240x48xf32, #tpu.memory_space<vmem_shared>> -> memref<10240x48xf32, #tpu.memory_space<vmem_shared>>
      tpu.enqueue_indirect_dma source(%dma_start3A_488 : memref<128x48xf32, #tpu.memory_space<vmem>>) target(%dma_start3A_494 : memref<10240x48xf32, #tpu.memory_space<vmem_shared>>) offsets(%dma_start3A_491 : memref<128xi32, #tpu.memory_space<vmem>>) semaphore(%arg17 : memref<!tpu.dma_semaphore, #tpu.memory_space<semaphore_mem>>) {add = true}
      %sub3A_495 = arith.constant 2 : i32
      %sub3A_496 = arith.subi %add3A_472, %sub3A_495 : i32
      %dma_wait3A_497 = arith.constant 3 : i32
      %dma_wait3A_498 = arith.constant 0 : i32
      %dma_wait3A_499 = arith.constant 0 : i32
      %dma_wait3A_500 = tpu.memref_slice %arg9[%dma_wait3A_497, %dma_wait3A_498, %dma_wait3A_499] : memref<4x128x48xf32, #tpu.memory_space<vmem>> -> memref<1x128x48xf32, #tpu.memory_space<vmem>>
      %dma_wait3A_501 = tpu.memref_squeeze %dma_wait3A_500 : memref<1x128x48xf32, #tpu.memory_space<vmem>> -> memref<128x48xf32, #tpu.memory_space<vmem>>
      %dma_wait3A_502 = arith.constant 0 : i32
      %dma_wait3A_503 = tpu.memref_slice %arg8[%sub3A_496, %dma_wait3A_502] : memref<160x128xi32, #tpu.memory_space<vmem>> -> memref<1x128xi32, #tpu.memory_space<vmem>>
      %dma_wait3A_504 = tpu.memref_squeeze %dma_wait3A_503 : memref<1x128xi32, #tpu.memory_space<vmem>> -> memref<128xi32, #tpu.memory_space<vmem>>
      %dma_wait3A_505 = arith.constant 0 : i32
      %dma_wait3A_506 = arith.constant 0 : i32
      %dma_wait3A_507 = tpu.memref_slice %arg10[%dma_wait3A_505, %dma_wait3A_506] : memref<10240x48xf32, #tpu.memory_space<vmem_shared>> -> memref<10240x48xf32, #tpu.memory_space<vmem_shared>>
      tpu.wait_indirect_dma semaphore(%arg19 : memref<!tpu.dma_semaphore, #tpu.memory_space<semaphore_mem>>) src(%dma_wait3A_501 : memref<128x48xf32, #tpu.memory_space<vmem>>) dst(%dma_wait3A_507 : memref<10240x48xf32, #tpu.memory_space<vmem_shared>>)
      %add3A_508 = arith.constant 2 : i32
      %add3A_509 = arith.addi %add3A_472, %add3A_508 : i32
      %dma_start3A_510 = arith.constant 3 : i32
      %dma_start3A_511 = arith.constant 0 : i32
      %dma_start3A_512 = arith.constant 0 : i32
      %dma_start3A_513 = tpu.memref_slice %arg9[%dma_start3A_510, %dma_start3A_511, %dma_start3A_512] : memref<4x128x48xf32, #tpu.memory_space<vmem>> -> memref<1x128x48xf32, #tpu.memory_space<vmem>>
      %dma_start3A_514 = tpu.memref_squeeze %dma_start3A_513 : memref<1x128x48xf32, #tpu.memory_space<vmem>> -> memref<128x48xf32, #tpu.memory_space<vmem>>
      %dma_start3A_515 = arith.constant 0 : i32
      %dma_start3A_516 = tpu.memref_slice %arg7[%add3A_509, %dma_start3A_515] : memref<160x128xi32, #tpu.memory_space<vmem>> -> memref<1x128xi32, #tpu.memory_space<vmem>>
      %dma_start3A_517 = tpu.memref_squeeze %dma_start3A_516 : memref<1x128xi32, #tpu.memory_space<vmem>> -> memref<128xi32, #tpu.memory_space<vmem>>
      %dma_start3A_518 = arith.constant 0 : i32
      %dma_start3A_519 = arith.constant 0 : i32
      %dma_start3A_520 = tpu.memref_slice %arg11[%dma_start3A_518, %dma_start3A_519] : memref<10240x48xf32, #tpu.memory_space<vmem_shared>> -> memref<10240x48xf32, #tpu.memory_space<vmem_shared>>
      tpu.enqueue_indirect_dma source(%dma_start3A_520 : memref<10240x48xf32, #tpu.memory_space<vmem_shared>>) target(%dma_start3A_514 : memref<128x48xf32, #tpu.memory_space<vmem>>) offsets(%dma_start3A_517 : memref<128xi32, #tpu.memory_space<vmem>>) semaphore(%arg15 : memref<!tpu.dma_semaphore, #tpu.memory_space<semaphore_mem>>)
      %mul3A_521 = arith.constant 4 : i32
      %mul3A_522 = arith.muli %while3A_416, %mul3A_521 : i32
      %add3A_523 = arith.constant 2 : i32
      %add3A_524 = arith.addi %mul3A_522, %add3A_523 : i32
      %dma_wait3A_525 = arith.constant 2 : i32
      %dma_wait3A_526 = arith.constant 0 : i32
      %dma_wait3A_527 = arith.constant 0 : i32
      %dma_wait3A_528 = tpu.memref_slice %arg9[%dma_wait3A_525, %dma_wait3A_526, %dma_wait3A_527] : memref<4x128x48xf32, #tpu.memory_space<vmem>> -> memref<1x128x48xf32, #tpu.memory_space<vmem>>
      %dma_wait3A_529 = tpu.memref_squeeze %dma_wait3A_528 : memref<1x128x48xf32, #tpu.memory_space<vmem>> -> memref<128x48xf32, #tpu.memory_space<vmem>>
      %dma_wait3A_530 = arith.constant 0 : i32
      %dma_wait3A_531 = tpu.memref_slice %arg7[%add3A_524, %dma_wait3A_530] : memref<160x128xi32, #tpu.memory_space<vmem>> -> memref<1x128xi32, #tpu.memory_space<vmem>>
      %dma_wait3A_532 = tpu.memref_squeeze %dma_wait3A_531 : memref<1x128xi32, #tpu.memory_space<vmem>> -> memref<128xi32, #tpu.memory_space<vmem>>
      %dma_wait3A_533 = arith.constant 0 : i32
      %dma_wait3A_534 = arith.constant 0 : i32
      %dma_wait3A_535 = tpu.memref_slice %arg11[%dma_wait3A_533, %dma_wait3A_534] : memref<10240x48xf32, #tpu.memory_space<vmem_shared>> -> memref<10240x48xf32, #tpu.memory_space<vmem_shared>>
      tpu.wait_indirect_dma semaphore(%arg14 : memref<!tpu.dma_semaphore, #tpu.memory_space<semaphore_mem>>) src(%dma_wait3A_535 : memref<10240x48xf32, #tpu.memory_space<vmem_shared>>) dst(%dma_wait3A_529 : memref<128x48xf32, #tpu.memory_space<vmem>>)
      %dma_start3A_536 = arith.constant 2 : i32
      %dma_start3A_537 = arith.constant 0 : i32
      %dma_start3A_538 = arith.constant 0 : i32
      %dma_start3A_539 = tpu.memref_slice %arg9[%dma_start3A_536, %dma_start3A_537, %dma_start3A_538] : memref<4x128x48xf32, #tpu.memory_space<vmem>> -> memref<1x128x48xf32, #tpu.memory_space<vmem>>
      %dma_start3A_540 = tpu.memref_squeeze %dma_start3A_539 : memref<1x128x48xf32, #tpu.memory_space<vmem>> -> memref<128x48xf32, #tpu.memory_space<vmem>>
      %dma_start3A_541 = arith.constant 0 : i32
      %dma_start3A_542 = tpu.memref_slice %arg8[%add3A_524, %dma_start3A_541] : memref<160x128xi32, #tpu.memory_space<vmem>> -> memref<1x128xi32, #tpu.memory_space<vmem>>
      %dma_start3A_543 = tpu.memref_squeeze %dma_start3A_542 : memref<1x128xi32, #tpu.memory_space<vmem>> -> memref<128xi32, #tpu.memory_space<vmem>>
      %dma_start3A_544 = arith.constant 0 : i32
      %dma_start3A_545 = arith.constant 0 : i32
      %dma_start3A_546 = tpu.memref_slice %arg10[%dma_start3A_544, %dma_start3A_545] : memref<10240x48xf32, #tpu.memory_space<vmem_shared>> -> memref<10240x48xf32, #tpu.memory_space<vmem_shared>>
      tpu.enqueue_indirect_dma source(%dma_start3A_540 : memref<128x48xf32, #tpu.memory_space<vmem>>) target(%dma_start3A_546 : memref<10240x48xf32, #tpu.memory_space<vmem_shared>>) offsets(%dma_start3A_543 : memref<128xi32, #tpu.memory_space<vmem>>) semaphore(%arg18 : memref<!tpu.dma_semaphore, #tpu.memory_space<semaphore_mem>>) {add = true}
      %sub3A_547 = arith.constant 2 : i32
      %sub3A_548 = arith.subi %add3A_524, %sub3A_547 : i32
      %dma_wait3A_549 = arith.constant 0 : i32
      %dma_wait3A_550 = arith.constant 0 : i32
      %dma_wait3A_551 = arith.constant 0 : i32
      %dma_wait3A_552 = tpu.memref_slice %arg9[%dma_wait3A_549, %dma_wait3A_550, %dma_wait3A_551] : memref<4x128x48xf32, #tpu.memory_space<vmem>> -> memref<1x128x48xf32, #tpu.memory_space<vmem>>
      %dma_wait3A_553 = tpu.memref_squeeze %dma_wait3A_552 : memref<1x128x48xf32, #tpu.memory_space<vmem>> -> memref<128x48xf32, #tpu.memory_space<vmem>>
      %dma_wait3A_554 = arith.constant 0 : i32
      %dma_wait3A_555 = tpu.memref_slice %arg8[%sub3A_548, %dma_wait3A_554] : memref<160x128xi32, #tpu.memory_space<vmem>> -> memref<1x128xi32, #tpu.memory_space<vmem>>
      %dma_wait3A_556 = tpu.memref_squeeze %dma_wait3A_555 : memref<1x128xi32, #tpu.memory_space<vmem>> -> memref<128xi32, #tpu.memory_space<vmem>>
      %dma_wait3A_557 = arith.constant 0 : i32
      %dma_wait3A_558 = arith.constant 0 : i32
      %dma_wait3A_559 = tpu.memref_slice %arg10[%dma_wait3A_557, %dma_wait3A_558] : memref<10240x48xf32, #tpu.memory_space<vmem_shared>> -> memref<10240x48xf32, #tpu.memory_space<vmem_shared>>
      tpu.wait_indirect_dma semaphore(%arg16 : memref<!tpu.dma_semaphore, #tpu.memory_space<semaphore_mem>>) src(%dma_wait3A_553 : memref<128x48xf32, #tpu.memory_space<vmem>>) dst(%dma_wait3A_559 : memref<10240x48xf32, #tpu.memory_space<vmem_shared>>)
      %add3A_560 = arith.constant 2 : i32
      %add3A_561 = arith.addi %add3A_524, %add3A_560 : i32
      %dma_start3A_562 = arith.constant 0 : i32
      %dma_start3A_563 = arith.constant 0 : i32
      %dma_start3A_564 = arith.constant 0 : i32
      %dma_start3A_565 = tpu.memref_slice %arg9[%dma_start3A_562, %dma_start3A_563, %dma_start3A_564] : memref<4x128x48xf32, #tpu.memory_space<vmem>> -> memref<1x128x48xf32, #tpu.memory_space<vmem>>
      %dma_start3A_566 = tpu.memref_squeeze %dma_start3A_565 : memref<1x128x48xf32, #tpu.memory_space<vmem>> -> memref<128x48xf32, #tpu.memory_space<vmem>>
      %dma_start3A_567 = arith.constant 0 : i32
      %dma_start3A_568 = tpu.memref_slice %arg7[%add3A_561, %dma_start3A_567] : memref<160x128xi32, #tpu.memory_space<vmem>> -> memref<1x128xi32, #tpu.memory_space<vmem>>
      %dma_start3A_569 = tpu.memref_squeeze %dma_start3A_568 : memref<1x128xi32, #tpu.memory_space<vmem>> -> memref<128xi32, #tpu.memory_space<vmem>>
      %dma_start3A_570 = arith.constant 0 : i32
      %dma_start3A_571 = arith.constant 0 : i32
      %dma_start3A_572 = tpu.memref_slice %arg11[%dma_start3A_570, %dma_start3A_571] : memref<10240x48xf32, #tpu.memory_space<vmem_shared>> -> memref<10240x48xf32, #tpu.memory_space<vmem_shared>>
      tpu.enqueue_indirect_dma source(%dma_start3A_572 : memref<10240x48xf32, #tpu.memory_space<vmem_shared>>) target(%dma_start3A_566 : memref<128x48xf32, #tpu.memory_space<vmem>>) offsets(%dma_start3A_569 : memref<128xi32, #tpu.memory_space<vmem>>) semaphore(%arg12 : memref<!tpu.dma_semaphore, #tpu.memory_space<semaphore_mem>>)
      %mul3A_573 = arith.constant 4 : i32
      %mul3A_574 = arith.muli %while3A_416, %mul3A_573 : i32
      %add3A_575 = arith.constant 3 : i32
      %add3A_576 = arith.addi %mul3A_574, %add3A_575 : i32
      %dma_wait3A_577 = arith.constant 3 : i32
      %dma_wait3A_578 = arith.constant 0 : i32
      %dma_wait3A_579 = arith.constant 0 : i32
      %dma_wait3A_580 = tpu.memref_slice %arg9[%dma_wait3A_577, %dma_wait3A_578, %dma_wait3A_579] : memref<4x128x48xf32, #tpu.memory_space<vmem>> -> memref<1x128x48xf32, #tpu.memory_space<vmem>>
      %dma_wait3A_581 = tpu.memref_squeeze %dma_wait3A_580 : memref<1x128x48xf32, #tpu.memory_space<vmem>> -> memref<128x48xf32, #tpu.memory_space<vmem>>
      %dma_wait3A_582 = arith.constant 0 : i32
      %dma_wait3A_583 = tpu.memref_slice %arg7[%add3A_576, %dma_wait3A_582] : memref<160x128xi32, #tpu.memory_space<vmem>> -> memref<1x128xi32, #tpu.memory_space<vmem>>
      %dma_wait3A_584 = tpu.memref_squeeze %dma_wait3A_583 : memref<1x128xi32, #tpu.memory_space<vmem>> -> memref<128xi32, #tpu.memory_space<vmem>>
      %dma_wait3A_585 = arith.constant 0 : i32
      %dma_wait3A_586 = arith.constant 0 : i32
      %dma_wait3A_587 = tpu.memref_slice %arg11[%dma_wait3A_585, %dma_wait3A_586] : memref<10240x48xf32, #tpu.memory_space<vmem_shared>> -> memref<10240x48xf32, #tpu.memory_space<vmem_shared>>
      tpu.wait_indirect_dma semaphore(%arg15 : memref<!tpu.dma_semaphore, #tpu.memory_space<semaphore_mem>>) src(%dma_wait3A_587 : memref<10240x48xf32, #tpu.memory_space<vmem_shared>>) dst(%dma_wait3A_581 : memref<128x48xf32, #tpu.memory_space<vmem>>)
      %dma_start3A_588 = arith.constant 3 : i32
      %dma_start3A_589 = arith.constant 0 : i32
      %dma_start3A_590 = arith.constant 0 : i32
      %dma_start3A_591 = tpu.memref_slice %arg9[%dma_start3A_588, %dma_start3A_589, %dma_start3A_590] : memref<4x128x48xf32, #tpu.memory_space<vmem>> -> memref<1x128x48xf32, #tpu.memory_space<vmem>>
      %dma_start3A_592 = tpu.memref_squeeze %dma_start3A_591 : memref<1x128x48xf32, #tpu.memory_space<vmem>> -> memref<128x48xf32, #tpu.memory_space<vmem>>
      %dma_start3A_593 = arith.constant 0 : i32
      %dma_start3A_594 = tpu.memref_slice %arg8[%add3A_576, %dma_start3A_593] : memref<160x128xi32, #tpu.memory_space<vmem>> -> memref<1x128xi32, #tpu.memory_space<vmem>>
      %dma_start3A_595 = tpu.memref_squeeze %dma_start3A_594 : memref<1x128xi32, #tpu.memory_space<vmem>> -> memref<128xi32, #tpu.memory_space<vmem>>
      %dma_start3A_596 = arith.constant 0 : i32
      %dma_start3A_597 = arith.constant 0 : i32
      %dma_start3A_598 = tpu.memref_slice %arg10[%dma_start3A_596, %dma_start3A_597] : memref<10240x48xf32, #tpu.memory_space<vmem_shared>> -> memref<10240x48xf32, #tpu.memory_space<vmem_shared>>
      tpu.enqueue_indirect_dma source(%dma_start3A_592 : memref<128x48xf32, #tpu.memory_space<vmem>>) target(%dma_start3A_598 : memref<10240x48xf32, #tpu.memory_space<vmem_shared>>) offsets(%dma_start3A_595 : memref<128xi32, #tpu.memory_space<vmem>>) semaphore(%arg19 : memref<!tpu.dma_semaphore, #tpu.memory_space<semaphore_mem>>) {add = true}
      %sub3A_599 = arith.constant 2 : i32
      %sub3A_600 = arith.subi %add3A_576, %sub3A_599 : i32
      %dma_wait3A_601 = arith.constant 1 : i32
      %dma_wait3A_602 = arith.constant 0 : i32
      %dma_wait3A_603 = arith.constant 0 : i32
      %dma_wait3A_604 = tpu.memref_slice %arg9[%dma_wait3A_601, %dma_wait3A_602, %dma_wait3A_603] : memref<4x128x48xf32, #tpu.memory_space<vmem>> -> memref<1x128x48xf32, #tpu.memory_space<vmem>>
      %dma_wait3A_605 = tpu.memref_squeeze %dma_wait3A_604 : memref<1x128x48xf32, #tpu.memory_space<vmem>> -> memref<128x48xf32, #tpu.memory_space<vmem>>
      %dma_wait3A_606 = arith.constant 0 : i32
      %dma_wait3A_607 = tpu.memref_slice %arg8[%sub3A_600, %dma_wait3A_606] : memref<160x128xi32, #tpu.memory_space<vmem>> -> memref<1x128xi32, #tpu.memory_space<vmem>>
      %dma_wait3A_608 = tpu.memref_squeeze %dma_wait3A_607 : memref<1x128xi32, #tpu.memory_space<vmem>> -> memref<128xi32, #tpu.memory_space<vmem>>
      %dma_wait3A_609 = arith.constant 0 : i32
      %dma_wait3A_610 = arith.constant 0 : i32
      %dma_wait3A_611 = tpu.memref_slice %arg10[%dma_wait3A_609, %dma_wait3A_610] : memref<10240x48xf32, #tpu.memory_space<vmem_shared>> -> memref<10240x48xf32, #tpu.memory_space<vmem_shared>>
      tpu.wait_indirect_dma semaphore(%arg17 : memref<!tpu.dma_semaphore, #tpu.memory_space<semaphore_mem>>) src(%dma_wait3A_605 : memref<128x48xf32, #tpu.memory_space<vmem>>) dst(%dma_wait3A_611 : memref<10240x48xf32, #tpu.memory_space<vmem_shared>>)
      %add3A_612 = arith.constant 2 : i32
      %add3A_613 = arith.addi %add3A_576, %add3A_612 : i32
      %dma_start3A_614 = arith.constant 1 : i32
      %dma_start3A_615 = arith.constant 0 : i32
      %dma_start3A_616 = arith.constant 0 : i32
      %dma_start3A_617 = tpu.memref_slice %arg9[%dma_start3A_614, %dma_start3A_615, %dma_start3A_616] : memref<4x128x48xf32, #tpu.memory_space<vmem>> -> memref<1x128x48xf32, #tpu.memory_space<vmem>>
      %dma_start3A_618 = tpu.memref_squeeze %dma_start3A_617 : memref<1x128x48xf32, #tpu.memory_space<vmem>> -> memref<128x48xf32, #tpu.memory_space<vmem>>
      %dma_start3A_619 = arith.constant 0 : i32
      %dma_start3A_620 = tpu.memref_slice %arg7[%add3A_613, %dma_start3A_619] : memref<160x128xi32, #tpu.memory_space<vmem>> -> memref<1x128xi32, #tpu.memory_space<vmem>>
      %dma_start3A_621 = tpu.memref_squeeze %dma_start3A_620 : memref<1x128xi32, #tpu.memory_space<vmem>> -> memref<128xi32, #tpu.memory_space<vmem>>
      %dma_start3A_622 = arith.constant 0 : i32
      %dma_start3A_623 = arith.constant 0 : i32
      %dma_start3A_624 = tpu.memref_slice %arg11[%dma_start3A_622, %dma_start3A_623] : memref<10240x48xf32, #tpu.memory_space<vmem_shared>> -> memref<10240x48xf32, #tpu.memory_space<vmem_shared>>
      tpu.enqueue_indirect_dma source(%dma_start3A_624 : memref<10240x48xf32, #tpu.memory_space<vmem_shared>>) target(%dma_start3A_618 : memref<128x48xf32, #tpu.memory_space<vmem>>) offsets(%dma_start3A_621 : memref<128xi32, #tpu.memory_space<vmem>>) semaphore(%arg13 : memref<!tpu.dma_semaphore, #tpu.memory_space<semaphore_mem>>)
    }
    %while3A_210 = arith.constant 1 : i32
    scf.for %while3A_416 = %while3A_208 to %while3A_204 step %while3A_210  : i32 {
      %mul3A_417 = arith.constant 4 : i32
      %mul3A_418 = arith.muli %while3A_416, %mul3A_417 : i32
      %add3A_419 = arith.constant 0 : i32
      %add3A_420 = arith.addi %mul3A_418, %add3A_419 : i32
      %dma_wait3A_421 = arith.constant 0 : i32
      %dma_wait3A_422 = arith.constant 0 : i32
      %dma_wait3A_423 = arith.constant 0 : i32
      %dma_wait3A_424 = tpu.memref_slice %arg9[%dma_wait3A_421, %dma_wait3A_422, %dma_wait3A_423] : memref<4x128x48xf32, #tpu.memory_space<vmem>> -> memref<1x128x48xf32, #tpu.memory_space<vmem>>
      %dma_wait3A_425 = tpu.memref_squeeze %dma_wait3A_424 : memref<1x128x48xf32, #tpu.memory_space<vmem>> -> memref<128x48xf32, #tpu.memory_space<vmem>>
      %dma_wait3A_426 = arith.constant 0 : i32
      %dma_wait3A_427 = tpu.memref_slice %arg7[%add3A_420, %dma_wait3A_426] : memref<160x128xi32, #tpu.memory_space<vmem>> -> memref<1x128xi32, #tpu.memory_space<vmem>>
      %dma_wait3A_428 = tpu.memref_squeeze %dma_wait3A_427 : memref<1x128xi32, #tpu.memory_space<vmem>> -> memref<128xi32, #tpu.memory_space<vmem>>
      %dma_wait3A_429 = arith.constant 0 : i32
      %dma_wait3A_430 = arith.constant 0 : i32
      %dma_wait3A_431 = tpu.memref_slice %arg11[%dma_wait3A_429, %dma_wait3A_430] : memref<10240x48xf32, #tpu.memory_space<vmem_shared>> -> memref<10240x48xf32, #tpu.memory_space<vmem_shared>>
      tpu.wait_indirect_dma semaphore(%arg12 : memref<!tpu.dma_semaphore, #tpu.memory_space<semaphore_mem>>) src(%dma_wait3A_431 : memref<10240x48xf32, #tpu.memory_space<vmem_shared>>) dst(%dma_wait3A_425 : memref<128x48xf32, #tpu.memory_space<vmem>>)
      %dma_start3A_432 = arith.constant 0 : i32
      %dma_start3A_433 = arith.constant 0 : i32
      %dma_start3A_434 = arith.constant 0 : i32
      %dma_start3A_435 = tpu.memref_slice %arg9[%dma_start3A_432, %dma_start3A_433, %dma_start3A_434] : memref<4x128x48xf32, #tpu.memory_space<vmem>> -> memref<1x128x48xf32, #tpu.memory_space<vmem>>
      %dma_start3A_436 = tpu.memref_squeeze %dma_start3A_435 : memref<1x128x48xf32, #tpu.memory_space<vmem>> -> memref<128x48xf32, #tpu.memory_space<vmem>>
      %dma_start3A_437 = arith.constant 0 : i32
      %dma_start3A_438 = tpu.memref_slice %arg8[%add3A_420, %dma_start3A_437] : memref<160x128xi32, #tpu.memory_space<vmem>> -> memref<1x128xi32, #tpu.memory_space<vmem>>
      %dma_start3A_439 = tpu.memref_squeeze %dma_start3A_438 : memref<1x128xi32, #tpu.memory_space<vmem>> -> memref<128xi32, #tpu.memory_space<vmem>>
      %dma_start3A_440 = arith.constant 0 : i32
      %dma_start3A_441 = arith.constant 0 : i32
      %dma_start3A_442 = tpu.memref_slice %arg10[%dma_start3A_440, %dma_start3A_441] : memref<10240x48xf32, #tpu.memory_space<vmem_shared>> -> memref<10240x48xf32, #tpu.memory_space<vmem_shared>>
      tpu.enqueue_indirect_dma source(%dma_start3A_436 : memref<128x48xf32, #tpu.memory_space<vmem>>) target(%dma_start3A_442 : memref<10240x48xf32, #tpu.memory_space<vmem_shared>>) offsets(%dma_start3A_439 : memref<128xi32, #tpu.memory_space<vmem>>) semaphore(%arg16 : memref<!tpu.dma_semaphore, #tpu.memory_space<semaphore_mem>>) {add = true}
      %sub3A_443 = arith.constant 2 : i32
      %sub3A_444 = arith.subi %add3A_420, %sub3A_443 : i32
      %dma_wait3A_445 = arith.constant 2 : i32
      %dma_wait3A_446 = arith.constant 0 : i32
      %dma_wait3A_447 = arith.constant 0 : i32
      %dma_wait3A_448 = tpu.memref_slice %arg9[%dma_wait3A_445, %dma_wait3A_446, %dma_wait3A_447] : memref<4x128x48xf32, #tpu.memory_space<vmem>> -> memref<1x128x48xf32, #tpu.memory_space<vmem>>
      %dma_wait3A_449 = tpu.memref_squeeze %dma_wait3A_448 : memref<1x128x48xf32, #tpu.memory_space<vmem>> -> memref<128x48xf32, #tpu.memory_space<vmem>>
      %dma_wait3A_450 = arith.constant 0 : i32
      %dma_wait3A_451 = tpu.memref_slice %arg8[%sub3A_444, %dma_wait3A_450] : memref<160x128xi32, #tpu.memory_space<vmem>> -> memref<1x128xi32, #tpu.memory_space<vmem>>
      %dma_wait3A_452 = tpu.memref_squeeze %dma_wait3A_451 : memref<1x128xi32, #tpu.memory_space<vmem>> -> memref<128xi32, #tpu.memory_space<vmem>>
      %dma_wait3A_453 = arith.constant 0 : i32
      %dma_wait3A_454 = arith.constant 0 : i32
      %dma_wait3A_455 = tpu.memref_slice %arg10[%dma_wait3A_453, %dma_wait3A_454] : memref<10240x48xf32, #tpu.memory_space<vmem_shared>> -> memref<10240x48xf32, #tpu.memory_space<vmem_shared>>
      tpu.wait_indirect_dma semaphore(%arg18 : memref<!tpu.dma_semaphore, #tpu.memory_space<semaphore_mem>>) src(%dma_wait3A_449 : memref<128x48xf32, #tpu.memory_space<vmem>>) dst(%dma_wait3A_455 : memref<10240x48xf32, #tpu.memory_space<vmem_shared>>)
      %add3A_456 = arith.constant 2 : i32
      %add3A_457 = arith.addi %add3A_420, %add3A_456 : i32
      %dma_start3A_458 = arith.constant 2 : i32
      %dma_start3A_459 = arith.constant 0 : i32
      %dma_start3A_460 = arith.constant 0 : i32
      %dma_start3A_461 = tpu.memref_slice %arg9[%dma_start3A_458, %dma_start3A_459, %dma_start3A_460] : memref<4x128x48xf32, #tpu.memory_space<vmem>> -> memref<1x128x48xf32, #tpu.memory_space<vmem>>
      %dma_start3A_462 = tpu.memref_squeeze %dma_start3A_461 : memref<1x128x48xf32, #tpu.memory_space<vmem>> -> memref<128x48xf32, #tpu.memory_space<vmem>>
      %dma_start3A_463 = arith.constant 0 : i32
      %dma_start3A_464 = tpu.memref_slice %arg7[%add3A_457, %dma_start3A_463] : memref<160x128xi32, #tpu.memory_space<vmem>> -> memref<1x128xi32, #tpu.memory_space<vmem>>
      %dma_start3A_465 = tpu.memref_squeeze %dma_start3A_464 : memref<1x128xi32, #tpu.memory_space<vmem>> -> memref<128xi32, #tpu.memory_space<vmem>>
      %dma_start3A_466 = arith.constant 0 : i32
      %dma_start3A_467 = arith.constant 0 : i32
      %dma_start3A_468 = tpu.memref_slice %arg11[%dma_start3A_466, %dma_start3A_467] : memref<10240x48xf32, #tpu.memory_space<vmem_shared>> -> memref<10240x48xf32, #tpu.memory_space<vmem_shared>>
      tpu.enqueue_indirect_dma source(%dma_start3A_468 : memref<10240x48xf32, #tpu.memory_space<vmem_shared>>) target(%dma_start3A_462 : memref<128x48xf32, #tpu.memory_space<vmem>>) offsets(%dma_start3A_465 : memref<128xi32, #tpu.memory_space<vmem>>) semaphore(%arg14 : memref<!tpu.dma_semaphore, #tpu.memory_space<semaphore_mem>>)
      %mul3A_469 = arith.constant 4 : i32
      %mul3A_470 = arith.muli %while3A_416, %mul3A_469 : i32
      %add3A_471 = arith.constant 1 : i32
      %add3A_472 = arith.addi %mul3A_470, %add3A_471 : i32
      %dma_wait3A_473 = arith.constant 1 : i32
      %dma_wait3A_474 = arith.constant 0 : i32
      %dma_wait3A_475 = arith.constant 0 : i32
      %dma_wait3A_476 = tpu.memref_slice %arg9[%dma_wait3A_473, %dma_wait3A_474, %dma_wait3A_475] : memref<4x128x48xf32, #tpu.memory_space<vmem>> -> memref<1x128x48xf32, #tpu.memory_space<vmem>>
      %dma_wait3A_477 = tpu.memref_squeeze %dma_wait3A_476 : memref<1x128x48xf32, #tpu.memory_space<vmem>> -> memref<128x48xf32, #tpu.memory_space<vmem>>
      %dma_wait3A_478 = arith.constant 0 : i32
      %dma_wait3A_479 = tpu.memref_slice %arg7[%add3A_472, %dma_wait3A_478] : memref<160x128xi32, #tpu.memory_space<vmem>> -> memref<1x128xi32, #tpu.memory_space<vmem>>
      %dma_wait3A_480 = tpu.memref_squeeze %dma_wait3A_479 : memref<1x128xi32, #tpu.memory_space<vmem>> -> memref<128xi32, #tpu.memory_space<vmem>>
      %dma_wait3A_481 = arith.constant 0 : i32
      %dma_wait3A_482 = arith.constant 0 : i32
      %dma_wait3A_483 = tpu.memref_slice %arg11[%dma_wait3A_481, %dma_wait3A_482] : memref<10240x48xf32, #tpu.memory_space<vmem_shared>> -> memref<10240x48xf32, #tpu.memory_space<vmem_shared>>
      tpu.wait_indirect_dma semaphore(%arg13 : memref<!tpu.dma_semaphore, #tpu.memory_space<semaphore_mem>>) src(%dma_wait3A_483 : memref<10240x48xf32, #tpu.memory_space<vmem_shared>>) dst(%dma_wait3A_477 : memref<128x48xf32, #tpu.memory_space<vmem>>)
      %dma_start3A_484 = arith.constant 1 : i32
      %dma_start3A_485 = arith.constant 0 : i32
      %dma_start3A_486 = arith.constant 0 : i32
      %dma_start3A_487 = tpu.memref_slice %arg9[%dma_start3A_484, %dma_start3A_485, %dma_start3A_486] : memref<4x128x48xf32, #tpu.memory_space<vmem>> -> memref<1x128x48xf32, #tpu.memory_space<vmem>>
      %dma_start3A_488 = tpu.memref_squeeze %dma_start3A_487 : memref<1x128x48xf32, #tpu.memory_space<vmem>> -> memref<128x48xf32, #tpu.memory_space<vmem>>
      %dma_start3A_489 = arith.constant 0 : i32
      %dma_start3A_490 = tpu.memref_slice %arg8[%add3A_472, %dma_start3A_489] : memref<160x128xi32, #tpu.memory_space<vmem>> -> memref<1x128xi32, #tpu.memory_space<vmem>>
      %dma_start3A_491 = tpu.memref_squeeze %dma_start3A_490 : memref<1x128xi32, #tpu.memory_space<vmem>> -> memref<128xi32, #tpu.memory_space<vmem>>
      %dma_start3A_492 = arith.constant 0 : i32
      %dma_start3A_493 = arith.constant 0 : i32
      %dma_start3A_494 = tpu.memref_slice %arg10[%dma_start3A_492, %dma_start3A_493] : memref<10240x48xf32, #tpu.memory_space<vmem_shared>> -> memref<10240x48xf32, #tpu.memory_space<vmem_shared>>
      tpu.enqueue_indirect_dma source(%dma_start3A_488 : memref<128x48xf32, #tpu.memory_space<vmem>>) target(%dma_start3A_494 : memref<10240x48xf32, #tpu.memory_space<vmem_shared>>) offsets(%dma_start3A_491 : memref<128xi32, #tpu.memory_space<vmem>>) semaphore(%arg17 : memref<!tpu.dma_semaphore, #tpu.memory_space<semaphore_mem>>) {add = true}
      %sub3A_495 = arith.constant 2 : i32
      %sub3A_496 = arith.subi %add3A_472, %sub3A_495 : i32
      %dma_wait3A_497 = arith.constant 3 : i32
      %dma_wait3A_498 = arith.constant 0 : i32
      %dma_wait3A_499 = arith.constant 0 : i32
      %dma_wait3A_500 = tpu.memref_slice %arg9[%dma_wait3A_497, %dma_wait3A_498, %dma_wait3A_499] : memref<4x128x48xf32, #tpu.memory_space<vmem>> -> memref<1x128x48xf32, #tpu.memory_space<vmem>>
      %dma_wait3A_501 = tpu.memref_squeeze %dma_wait3A_500 : memref<1x128x48xf32, #tpu.memory_space<vmem>> -> memref<128x48xf32, #tpu.memory_space<vmem>>
      %dma_wait3A_502 = arith.constant 0 : i32
      %dma_wait3A_503 = tpu.memref_slice %arg8[%sub3A_496, %dma_wait3A_502] : memref<160x128xi32, #tpu.memory_space<vmem>> -> memref<1x128xi32, #tpu.memory_space<vmem>>
      %dma_wait3A_504 = tpu.memref_squeeze %dma_wait3A_503 : memref<1x128xi32, #tpu.memory_space<vmem>> -> memref<128xi32, #tpu.memory_space<vmem>>
      %dma_wait3A_505 = arith.constant 0 : i32
      %dma_wait3A_506 = arith.constant 0 : i32
      %dma_wait3A_507 = tpu.memref_slice %arg10[%dma_wait3A_505, %dma_wait3A_506] : memref<10240x48xf32, #tpu.memory_space<vmem_shared>> -> memref<10240x48xf32, #tpu.memory_space<vmem_shared>>
      tpu.wait_indirect_dma semaphore(%arg19 : memref<!tpu.dma_semaphore, #tpu.memory_space<semaphore_mem>>) src(%dma_wait3A_501 : memref<128x48xf32, #tpu.memory_space<vmem>>) dst(%dma_wait3A_507 : memref<10240x48xf32, #tpu.memory_space<vmem_shared>>)
      %add3A_508 = arith.constant 2 : i32
      %add3A_509 = arith.addi %add3A_472, %add3A_508 : i32
      %dma_start3A_510 = arith.constant 3 : i32
      %dma_start3A_511 = arith.constant 0 : i32
      %dma_start3A_512 = arith.constant 0 : i32
      %dma_start3A_513 = tpu.memref_slice %arg9[%dma_start3A_510, %dma_start3A_511, %dma_start3A_512] : memref<4x128x48xf32, #tpu.memory_space<vmem>> -> memref<1x128x48xf32, #tpu.memory_space<vmem>>
      %dma_start3A_514 = tpu.memref_squeeze %dma_start3A_513 : memref<1x128x48xf32, #tpu.memory_space<vmem>> -> memref<128x48xf32, #tpu.memory_space<vmem>>
      %dma_start3A_515 = arith.constant 0 : i32
      %dma_start3A_516 = tpu.memref_slice %arg7[%add3A_509, %dma_start3A_515] : memref<160x128xi32, #tpu.memory_space<vmem>> -> memref<1x128xi32, #tpu.memory_space<vmem>>
      %dma_start3A_517 = tpu.memref_squeeze %dma_start3A_516 : memref<1x128xi32, #tpu.memory_space<vmem>> -> memref<128xi32, #tpu.memory_space<vmem>>
      %dma_start3A_518 = arith.constant 0 : i32
      %dma_start3A_519 = arith.constant 0 : i32
      %dma_start3A_520 = tpu.memref_slice %arg11[%dma_start3A_518, %dma_start3A_519] : memref<10240x48xf32, #tpu.memory_space<vmem_shared>> -> memref<10240x48xf32, #tpu.memory_space<vmem_shared>>
      tpu.enqueue_indirect_dma source(%dma_start3A_520 : memref<10240x48xf32, #tpu.memory_space<vmem_shared>>) target(%dma_start3A_514 : memref<128x48xf32, #tpu.memory_space<vmem>>) offsets(%dma_start3A_517 : memref<128xi32, #tpu.memory_space<vmem>>) semaphore(%arg15 : memref<!tpu.dma_semaphore, #tpu.memory_space<semaphore_mem>>)
      %mul3A_521 = arith.constant 4 : i32
      %mul3A_522 = arith.muli %while3A_416, %mul3A_521 : i32
      %add3A_523 = arith.constant 2 : i32
      %add3A_524 = arith.addi %mul3A_522, %add3A_523 : i32
      %dma_wait3A_525 = arith.constant 2 : i32
      %dma_wait3A_526 = arith.constant 0 : i32
      %dma_wait3A_527 = arith.constant 0 : i32
      %dma_wait3A_528 = tpu.memref_slice %arg9[%dma_wait3A_525, %dma_wait3A_526, %dma_wait3A_527] : memref<4x128x48xf32, #tpu.memory_space<vmem>> -> memref<1x128x48xf32, #tpu.memory_space<vmem>>
      %dma_wait3A_529 = tpu.memref_squeeze %dma_wait3A_528 : memref<1x128x48xf32, #tpu.memory_space<vmem>> -> memref<128x48xf32, #tpu.memory_space<vmem>>
      %dma_wait3A_530 = arith.constant 0 : i32
      %dma_wait3A_531 = tpu.memref_slice %arg7[%add3A_524, %dma_wait3A_530] : memref<160x128xi32, #tpu.memory_space<vmem>> -> memref<1x128xi32, #tpu.memory_space<vmem>>
      %dma_wait3A_532 = tpu.memref_squeeze %dma_wait3A_531 : memref<1x128xi32, #tpu.memory_space<vmem>> -> memref<128xi32, #tpu.memory_space<vmem>>
      %dma_wait3A_533 = arith.constant 0 : i32
      %dma_wait3A_534 = arith.constant 0 : i32
      %dma_wait3A_535 = tpu.memref_slice %arg11[%dma_wait3A_533, %dma_wait3A_534] : memref<10240x48xf32, #tpu.memory_space<vmem_shared>> -> memref<10240x48xf32, #tpu.memory_space<vmem_shared>>
      tpu.wait_indirect_dma semaphore(%arg14 : memref<!tpu.dma_semaphore, #tpu.memory_space<semaphore_mem>>) src(%dma_wait3A_535 : memref<10240x48xf32, #tpu.memory_space<vmem_shared>>) dst(%dma_wait3A_529 : memref<128x48xf32, #tpu.memory_space<vmem>>)
      %dma_start3A_536 = arith.constant 2 : i32
      %dma_start3A_537 = arith.constant 0 : i32
      %dma_start3A_538 = arith.constant 0 : i32
      %dma_start3A_539 = tpu.memref_slice %arg9[%dma_start3A_536, %dma_start3A_537, %dma_start3A_538] : memref<4x128x48xf32, #tpu.memory_space<vmem>> -> memref<1x128x48xf32, #tpu.memory_space<vmem>>
      %dma_start3A_540 = tpu.memref_squeeze %dma_start3A_539 : memref<1x128x48xf32, #tpu.memory_space<vmem>> -> memref<128x48xf32, #tpu.memory_space<vmem>>
      %dma_start3A_541 = arith.constant 0 : i32
      %dma_start3A_542 = tpu.memref_slice %arg8[%add3A_524, %dma_start3A_541] : memref<160x128xi32, #tpu.memory_space<vmem>> -> memref<1x128xi32, #tpu.memory_space<vmem>>
      %dma_start3A_543 = tpu.memref_squeeze %dma_start3A_542 : memref<1x128xi32, #tpu.memory_space<vmem>> -> memref<128xi32, #tpu.memory_space<vmem>>
      %dma_start3A_544 = arith.constant 0 : i32
      %dma_start3A_545 = arith.constant 0 : i32
      %dma_start3A_546 = tpu.memref_slice %arg10[%dma_start3A_544, %dma_start3A_545] : memref<10240x48xf32, #tpu.memory_space<vmem_shared>> -> memref<10240x48xf32, #tpu.memory_space<vmem_shared>>
      tpu.enqueue_indirect_dma source(%dma_start3A_540 : memref<128x48xf32, #tpu.memory_space<vmem>>) target(%dma_start3A_546 : memref<10240x48xf32, #tpu.memory_space<vmem_shared>>) offsets(%dma_start3A_543 : memref<128xi32, #tpu.memory_space<vmem>>) semaphore(%arg18 : memref<!tpu.dma_semaphore, #tpu.memory_space<semaphore_mem>>) {add = true}
      %sub3A_547 = arith.constant 2 : i32
      %sub3A_548 = arith.subi %add3A_524, %sub3A_547 : i32
      %dma_wait3A_549 = arith.constant 0 : i32
      %dma_wait3A_550 = arith.constant 0 : i32
      %dma_wait3A_551 = arith.constant 0 : i32
      %dma_wait3A_552 = tpu.memref_slice %arg9[%dma_wait3A_549, %dma_wait3A_550, %dma_wait3A_551] : memref<4x128x48xf32, #tpu.memory_space<vmem>> -> memref<1x128x48xf32, #tpu.memory_space<vmem>>
      %dma_wait3A_553 = tpu.memref_squeeze %dma_wait3A_552 : memref<1x128x48xf32, #tpu.memory_space<vmem>> -> memref<128x48xf32, #tpu.memory_space<vmem>>
      %dma_wait3A_554 = arith.constant 0 : i32
      %dma_wait3A_555 = tpu.memref_slice %arg8[%sub3A_548, %dma_wait3A_554] : memref<160x128xi32, #tpu.memory_space<vmem>> -> memref<1x128xi32, #tpu.memory_space<vmem>>
      %dma_wait3A_556 = tpu.memref_squeeze %dma_wait3A_555 : memref<1x128xi32, #tpu.memory_space<vmem>> -> memref<128xi32, #tpu.memory_space<vmem>>
      %dma_wait3A_557 = arith.constant 0 : i32
      %dma_wait3A_558 = arith.constant 0 : i32
      %dma_wait3A_559 = tpu.memref_slice %arg10[%dma_wait3A_557, %dma_wait3A_558] : memref<10240x48xf32, #tpu.memory_space<vmem_shared>> -> memref<10240x48xf32, #tpu.memory_space<vmem_shared>>
      tpu.wait_indirect_dma semaphore(%arg16 : memref<!tpu.dma_semaphore, #tpu.memory_space<semaphore_mem>>) src(%dma_wait3A_553 : memref<128x48xf32, #tpu.memory_space<vmem>>) dst(%dma_wait3A_559 : memref<10240x48xf32, #tpu.memory_space<vmem_shared>>)
      %add3A_560 = arith.constant 2 : i32
      %add3A_561 = arith.addi %add3A_524, %add3A_560 : i32
      %dma_start3A_562 = arith.constant 0 : i32
      %dma_start3A_563 = arith.constant 0 : i32
      %dma_start3A_564 = arith.constant 0 : i32
      %dma_start3A_565 = tpu.memref_slice %arg9[%dma_start3A_562, %dma_start3A_563, %dma_start3A_564] : memref<4x128x48xf32, #tpu.memory_space<vmem>> -> memref<1x128x48xf32, #tpu.memory_space<vmem>>
      %dma_start3A_566 = tpu.memref_squeeze %dma_start3A_565 : memref<1x128x48xf32, #tpu.memory_space<vmem>> -> memref<128x48xf32, #tpu.memory_space<vmem>>
      %dma_start3A_567 = arith.constant 0 : i32
      %dma_start3A_568 = tpu.memref_slice %arg7[%add3A_561, %dma_start3A_567] : memref<160x128xi32, #tpu.memory_space<vmem>> -> memref<1x128xi32, #tpu.memory_space<vmem>>
      %dma_start3A_569 = tpu.memref_squeeze %dma_start3A_568 : memref<1x128xi32, #tpu.memory_space<vmem>> -> memref<128xi32, #tpu.memory_space<vmem>>
      %dma_start3A_570 = arith.constant 0 : i32
      %dma_start3A_571 = arith.constant 0 : i32
      %dma_start3A_572 = tpu.memref_slice %arg11[%dma_start3A_570, %dma_start3A_571] : memref<10240x48xf32, #tpu.memory_space<vmem_shared>> -> memref<10240x48xf32, #tpu.memory_space<vmem_shared>>
      tpu.enqueue_indirect_dma source(%dma_start3A_572 : memref<10240x48xf32, #tpu.memory_space<vmem_shared>>) target(%dma_start3A_566 : memref<128x48xf32, #tpu.memory_space<vmem>>) offsets(%dma_start3A_569 : memref<128xi32, #tpu.memory_space<vmem>>) semaphore(%arg12 : memref<!tpu.dma_semaphore, #tpu.memory_space<semaphore_mem>>)
      %mul3A_573 = arith.constant 4 : i32
      %mul3A_574 = arith.muli %while3A_416, %mul3A_573 : i32
      %add3A_575 = arith.constant 3 : i32
      %add3A_576 = arith.addi %mul3A_574, %add3A_575 : i32
      %dma_wait3A_577 = arith.constant 3 : i32
      %dma_wait3A_578 = arith.constant 0 : i32
      %dma_wait3A_579 = arith.constant 0 : i32
      %dma_wait3A_580 = tpu.memref_slice %arg9[%dma_wait3A_577, %dma_wait3A_578, %dma_wait3A_579] : memref<4x128x48xf32, #tpu.memory_space<vmem>> -> memref<1x128x48xf32, #tpu.memory_space<vmem>>
      %dma_wait3A_581 = tpu.memref_squeeze %dma_wait3A_580 : memref<1x128x48xf32, #tpu.memory_space<vmem>> -> memref<128x48xf32, #tpu.memory_space<vmem>>
      %dma_wait3A_582 = arith.constant 0 : i32
      %dma_wait3A_583 = tpu.memref_slice %arg7[%add3A_576, %dma_wait3A_582] : memref<160x128xi32, #tpu.memory_space<vmem>> -> memref<1x128xi32, #tpu.memory_space<vmem>>
      %dma_wait3A_584 = tpu.memref_squeeze %dma_wait3A_583 : memref<1x128xi32, #tpu.memory_space<vmem>> -> memref<128xi32, #tpu.memory_space<vmem>>
      %dma_wait3A_585 = arith.constant 0 : i32
      %dma_wait3A_586 = arith.constant 0 : i32
      %dma_wait3A_587 = tpu.memref_slice %arg11[%dma_wait3A_585, %dma_wait3A_586] : memref<10240x48xf32, #tpu.memory_space<vmem_shared>> -> memref<10240x48xf32, #tpu.memory_space<vmem_shared>>
      tpu.wait_indirect_dma semaphore(%arg15 : memref<!tpu.dma_semaphore, #tpu.memory_space<semaphore_mem>>) src(%dma_wait3A_587 : memref<10240x48xf32, #tpu.memory_space<vmem_shared>>) dst(%dma_wait3A_581 : memref<128x48xf32, #tpu.memory_space<vmem>>)
      %dma_start3A_588 = arith.constant 3 : i32
      %dma_start3A_589 = arith.constant 0 : i32
      %dma_start3A_590 = arith.constant 0 : i32
      %dma_start3A_591 = tpu.memref_slice %arg9[%dma_start3A_588, %dma_start3A_589, %dma_start3A_590] : memref<4x128x48xf32, #tpu.memory_space<vmem>> -> memref<1x128x48xf32, #tpu.memory_space<vmem>>
      %dma_start3A_592 = tpu.memref_squeeze %dma_start3A_591 : memref<1x128x48xf32, #tpu.memory_space<vmem>> -> memref<128x48xf32, #tpu.memory_space<vmem>>
      %dma_start3A_593 = arith.constant 0 : i32
      %dma_start3A_594 = tpu.memref_slice %arg8[%add3A_576, %dma_start3A_593] : memref<160x128xi32, #tpu.memory_space<vmem>> -> memref<1x128xi32, #tpu.memory_space<vmem>>
      %dma_start3A_595 = tpu.memref_squeeze %dma_start3A_594 : memref<1x128xi32, #tpu.memory_space<vmem>> -> memref<128xi32, #tpu.memory_space<vmem>>
      %dma_start3A_596 = arith.constant 0 : i32
      %dma_start3A_597 = arith.constant 0 : i32
      %dma_start3A_598 = tpu.memref_slice %arg10[%dma_start3A_596, %dma_start3A_597] : memref<10240x48xf32, #tpu.memory_space<vmem_shared>> -> memref<10240x48xf32, #tpu.memory_space<vmem_shared>>
      tpu.enqueue_indirect_dma source(%dma_start3A_592 : memref<128x48xf32, #tpu.memory_space<vmem>>) target(%dma_start3A_598 : memref<10240x48xf32, #tpu.memory_space<vmem_shared>>) offsets(%dma_start3A_595 : memref<128xi32, #tpu.memory_space<vmem>>) semaphore(%arg19 : memref<!tpu.dma_semaphore, #tpu.memory_space<semaphore_mem>>) {add = true}
      %sub3A_599 = arith.constant 2 : i32
      %sub3A_600 = arith.subi %add3A_576, %sub3A_599 : i32
      %dma_wait3A_601 = arith.constant 1 : i32
      %dma_wait3A_602 = arith.constant 0 : i32
      %dma_wait3A_603 = arith.constant 0 : i32
      %dma_wait3A_604 = tpu.memref_slice %arg9[%dma_wait3A_601, %dma_wait3A_602, %dma_wait3A_603] : memref<4x128x48xf32, #tpu.memory_space<vmem>> -> memref<1x128x48xf32, #tpu.memory_space<vmem>>
      %dma_wait3A_605 = tpu.memref_squeeze %dma_wait3A_604 : memref<1x128x48xf32, #tpu.memory_space<vmem>> -> memref<128x48xf32, #tpu.memory_space<vmem>>
      %dma_wait3A_606 = arith.constant 0 : i32
      %dma_wait3A_607 = tpu.memref_slice %arg8[%sub3A_600, %dma_wait3A_606] : memref<160x128xi32, #tpu.memory_space<vmem>> -> memref<1x128xi32, #tpu.memory_space<vmem>>
      %dma_wait3A_608 = tpu.memref_squeeze %dma_wait3A_607 : memref<1x128xi32, #tpu.memory_space<vmem>> -> memref<128xi32, #tpu.memory_space<vmem>>
      %dma_wait3A_609 = arith.constant 0 : i32
      %dma_wait3A_610 = arith.constant 0 : i32
      %dma_wait3A_611 = tpu.memref_slice %arg10[%dma_wait3A_609, %dma_wait3A_610] : memref<10240x48xf32, #tpu.memory_space<vmem_shared>> -> memref<10240x48xf32, #tpu.memory_space<vmem_shared>>
      tpu.wait_indirect_dma semaphore(%arg17 : memref<!tpu.dma_semaphore, #tpu.memory_space<semaphore_mem>>) src(%dma_wait3A_605 : memref<128x48xf32, #tpu.memory_space<vmem>>) dst(%dma_wait3A_611 : memref<10240x48xf32, #tpu.memory_space<vmem_shared>>)
      %add3A_612 = arith.constant 2 : i32
      %add3A_613 = arith.addi %add3A_576, %add3A_612 : i32
      %dma_start3A_614 = arith.constant 1 : i32
      %dma_start3A_615 = arith.constant 0 : i32
      %dma_start3A_616 = arith.constant 0 : i32
      %dma_start3A_617 = tpu.memref_slice %arg9[%dma_start3A_614, %dma_start3A_615, %dma_start3A_616] : memref<4x128x48xf32, #tpu.memory_space<vmem>> -> memref<1x128x48xf32, #tpu.memory_space<vmem>>
      %dma_start3A_618 = tpu.memref_squeeze %dma_start3A_617 : memref<1x128x48xf32, #tpu.memory_space<vmem>> -> memref<128x48xf32, #tpu.memory_space<vmem>>
      %dma_start3A_619 = arith.constant 0 : i32
      %dma_start3A_620 = tpu.memref_slice %arg7[%add3A_613, %dma_start3A_619] : memref<160x128xi32, #tpu.memory_space<vmem>> -> memref<1x128xi32, #tpu.memory_space<vmem>>
      %dma_start3A_621 = tpu.memref_squeeze %dma_start3A_620 : memref<1x128xi32, #tpu.memory_space<vmem>> -> memref<128xi32, #tpu.memory_space<vmem>>
      %dma_start3A_622 = arith.constant 0 : i32
      %dma_start3A_623 = arith.constant 0 : i32
      %dma_start3A_624 = tpu.memref_slice %arg11[%dma_start3A_622, %dma_start3A_623] : memref<10240x48xf32, #tpu.memory_space<vmem_shared>> -> memref<10240x48xf32, #tpu.memory_space<vmem_shared>>
      tpu.enqueue_indirect_dma source(%dma_start3A_624 : memref<10240x48xf32, #tpu.memory_space<vmem_shared>>) target(%dma_start3A_618 : memref<128x48xf32, #tpu.memory_space<vmem>>) offsets(%dma_start3A_621 : memref<128xi32, #tpu.memory_space<vmem>>) semaphore(%arg13 : memref<!tpu.dma_semaphore, #tpu.memory_space<semaphore_mem>>)
    }
    %sub3A_211 = arith.constant 1 : i32
    %sub3A_212 = arith.subi %select_n3A_8, %sub3A_211 : i32
    %mul3A_213 = arith.constant 4 : i32
    %mul3A_214 = arith.muli %sub3A_212, %mul3A_213 : i32
    %add3A_215 = arith.constant 0 : i32
    %add3A_216 = arith.addi %mul3A_214, %add3A_215 : i32
    %dma_wait3A_217 = arith.constant 0 : i32
    %dma_wait3A_218 = arith.constant 0 : i32
    %dma_wait3A_219 = arith.constant 0 : i32
    %dma_wait3A_220 = tpu.memref_slice %arg9[%dma_wait3A_217, %dma_wait3A_218, %dma_wait3A_219] : memref<4x128x48xf32, #tpu.memory_space<vmem>> -> memref<1x128x48xf32, #tpu.memory_space<vmem>>
    %dma_wait3A_221 = tpu.memref_squeeze %dma_wait3A_220 : memref<1x128x48xf32, #tpu.memory_space<vmem>> -> memref<128x48xf32, #tpu.memory_space<vmem>>
    %dma_wait3A_222 = arith.constant 0 : i32
    %dma_wait3A_223 = tpu.memref_slice %arg7[%add3A_216, %dma_wait3A_222] : memref<160x128xi32, #tpu.memory_space<vmem>> -> memref<1x128xi32, #tpu.memory_space<vmem>>
    %dma_wait3A_224 = tpu.memref_squeeze %dma_wait3A_223 : memref<1x128xi32, #tpu.memory_space<vmem>> -> memref<128xi32, #tpu.memory_space<vmem>>
    %dma_wait3A_225 = arith.constant 0 : i32
    %dma_wait3A_226 = arith.constant 0 : i32
    %dma_wait3A_227 = tpu.memref_slice %arg11[%dma_wait3A_225, %dma_wait3A_226] : memref<10240x48xf32, #tpu.memory_space<vmem_shared>> -> memref<10240x48xf32, #tpu.memory_space<vmem_shared>>
    tpu.wait_indirect_dma semaphore(%arg12 : memref<!tpu.dma_semaphore, #tpu.memory_space<semaphore_mem>>) src(%dma_wait3A_227 : memref<10240x48xf32, #tpu.memory_space<vmem_shared>>) dst(%dma_wait3A_221 : memref<128x48xf32, #tpu.memory_space<vmem>>)
    %dma_start3A_228 = arith.constant 0 : i32
    %dma_start3A_229 = arith.constant 0 : i32
    %dma_start3A_230 = arith.constant 0 : i32
    %dma_start3A_231 = tpu.memref_slice %arg9[%dma_start3A_228, %dma_start3A_229, %dma_start3A_230] : memref<4x128x48xf32, #tpu.memory_space<vmem>> -> memref<1x128x48xf32, #tpu.memory_space<vmem>>
    %dma_start3A_232 = tpu.memref_squeeze %dma_start3A_231 : memref<1x128x48xf32, #tpu.memory_space<vmem>> -> memref<128x48xf32, #tpu.memory_space<vmem>>
    %dma_start3A_233 = arith.constant 0 : i32
    %dma_start3A_234 = tpu.memref_slice %arg8[%add3A_216, %dma_start3A_233] : memref<160x128xi32, #tpu.memory_space<vmem>> -> memref<1x128xi32, #tpu.memory_space<vmem>>
    %dma_start3A_235 = tpu.memref_squeeze %dma_start3A_234 : memref<1x128xi32, #tpu.memory_space<vmem>> -> memref<128xi32, #tpu.memory_space<vmem>>
    %dma_start3A_236 = arith.constant 0 : i32
    %dma_start3A_237 = arith.constant 0 : i32
    %dma_start3A_238 = tpu.memref_slice %arg10[%dma_start3A_236, %dma_start3A_237] : memref<10240x48xf32, #tpu.memory_space<vmem_shared>> -> memref<10240x48xf32, #tpu.memory_space<vmem_shared>>
    tpu.enqueue_indirect_dma source(%dma_start3A_232 : memref<128x48xf32, #tpu.memory_space<vmem>>) target(%dma_start3A_238 : memref<10240x48xf32, #tpu.memory_space<vmem_shared>>) offsets(%dma_start3A_235 : memref<128xi32, #tpu.memory_space<vmem>>) semaphore(%arg16 : memref<!tpu.dma_semaphore, #tpu.memory_space<semaphore_mem>>) {add = true}
    %sub3A_239 = arith.constant 2 : i32
    %sub3A_240 = arith.subi %add3A_216, %sub3A_239 : i32
    %dma_wait3A_241 = arith.constant 2 : i32
    %dma_wait3A_242 = arith.constant 0 : i32
    %dma_wait3A_243 = arith.constant 0 : i32
    %dma_wait3A_244 = tpu.memref_slice %arg9[%dma_wait3A_241, %dma_wait3A_242, %dma_wait3A_243] : memref<4x128x48xf32, #tpu.memory_space<vmem>> -> memref<1x128x48xf32, #tpu.memory_space<vmem>>
    %dma_wait3A_245 = tpu.memref_squeeze %dma_wait3A_244 : memref<1x128x48xf32, #tpu.memory_space<vmem>> -> memref<128x48xf32, #tpu.memory_space<vmem>>
    %dma_wait3A_246 = arith.constant 0 : i32
    %dma_wait3A_247 = tpu.memref_slice %arg8[%sub3A_240, %dma_wait3A_246] : memref<160x128xi32, #tpu.memory_space<vmem>> -> memref<1x128xi32, #tpu.memory_space<vmem>>
    %dma_wait3A_248 = tpu.memref_squeeze %dma_wait3A_247 : memref<1x128xi32, #tpu.memory_space<vmem>> -> memref<128xi32, #tpu.memory_space<vmem>>
    %dma_wait3A_249 = arith.constant 0 : i32
    %dma_wait3A_250 = arith.constant 0 : i32
    %dma_wait3A_251 = tpu.memref_slice %arg10[%dma_wait3A_249, %dma_wait3A_250] : memref<10240x48xf32, #tpu.memory_space<vmem_shared>> -> memref<10240x48xf32, #tpu.memory_space<vmem_shared>>
    tpu.wait_indirect_dma semaphore(%arg18 : memref<!tpu.dma_semaphore, #tpu.memory_space<semaphore_mem>>) src(%dma_wait3A_245 : memref<128x48xf32, #tpu.memory_space<vmem>>) dst(%dma_wait3A_251 : memref<10240x48xf32, #tpu.memory_space<vmem_shared>>)
    %add3A_252 = arith.constant 2 : i32
    %add3A_253 = arith.addi %add3A_216, %add3A_252 : i32
    %dma_start3A_254 = arith.constant 2 : i32
    %dma_start3A_255 = arith.constant 0 : i32
    %dma_start3A_256 = arith.constant 0 : i32
    %dma_start3A_257 = tpu.memref_slice %arg9[%dma_start3A_254, %dma_start3A_255, %dma_start3A_256] : memref<4x128x48xf32, #tpu.memory_space<vmem>> -> memref<1x128x48xf32, #tpu.memory_space<vmem>>
    %dma_start3A_258 = tpu.memref_squeeze %dma_start3A_257 : memref<1x128x48xf32, #tpu.memory_space<vmem>> -> memref<128x48xf32, #tpu.memory_space<vmem>>
    %dma_start3A_259 = arith.constant 0 : i32
    %dma_start3A_260 = tpu.memref_slice %arg7[%add3A_253, %dma_start3A_259] : memref<160x128xi32, #tpu.memory_space<vmem>> -> memref<1x128xi32, #tpu.memory_space<vmem>>
    %dma_start3A_261 = tpu.memref_squeeze %dma_start3A_260 : memref<1x128xi32, #tpu.memory_space<vmem>> -> memref<128xi32, #tpu.memory_space<vmem>>
    %dma_start3A_262 = arith.constant 0 : i32
    %dma_start3A_263 = arith.constant 0 : i32
    %dma_start3A_264 = tpu.memref_slice %arg11[%dma_start3A_262, %dma_start3A_263] : memref<10240x48xf32, #tpu.memory_space<vmem_shared>> -> memref<10240x48xf32, #tpu.memory_space<vmem_shared>>
    tpu.enqueue_indirect_dma source(%dma_start3A_264 : memref<10240x48xf32, #tpu.memory_space<vmem_shared>>) target(%dma_start3A_258 : memref<128x48xf32, #tpu.memory_space<vmem>>) offsets(%dma_start3A_261 : memref<128xi32, #tpu.memory_space<vmem>>) semaphore(%arg14 : memref<!tpu.dma_semaphore, #tpu.memory_space<semaphore_mem>>)
    %add3A_265 = arith.constant 1 : i32
    %add3A_266 = arith.addi %mul3A_214, %add3A_265 : i32
    %dma_wait3A_267 = arith.constant 1 : i32
    %dma_wait3A_268 = arith.constant 0 : i32
    %dma_wait3A_269 = arith.constant 0 : i32
    %dma_wait3A_270 = tpu.memref_slice %arg9[%dma_wait3A_267, %dma_wait3A_268, %dma_wait3A_269] : memref<4x128x48xf32, #tpu.memory_space<vmem>> -> memref<1x128x48xf32, #tpu.memory_space<vmem>>
    %dma_wait3A_271 = tpu.memref_squeeze %dma_wait3A_270 : memref<1x128x48xf32, #tpu.memory_space<vmem>> -> memref<128x48xf32, #tpu.memory_space<vmem>>
    %dma_wait3A_272 = arith.constant 0 : i32
    %dma_wait3A_273 = tpu.memref_slice %arg7[%add3A_266, %dma_wait3A_272] : memref<160x128xi32, #tpu.memory_space<vmem>> -> memref<1x128xi32, #tpu.memory_space<vmem>>
    %dma_wait3A_274 = tpu.memref_squeeze %dma_wait3A_273 : memref<1x128xi32, #tpu.memory_space<vmem>> -> memref<128xi32, #tpu.memory_space<vmem>>
    %dma_wait3A_275 = arith.constant 0 : i32
    %dma_wait3A_276 = arith.constant 0 : i32
    %dma_wait3A_277 = tpu.memref_slice %arg11[%dma_wait3A_275, %dma_wait3A_276] : memref<10240x48xf32, #tpu.memory_space<vmem_shared>> -> memref<10240x48xf32, #tpu.memory_space<vmem_shared>>
    tpu.wait_indirect_dma semaphore(%arg13 : memref<!tpu.dma_semaphore, #tpu.memory_space<semaphore_mem>>) src(%dma_wait3A_277 : memref<10240x48xf32, #tpu.memory_space<vmem_shared>>) dst(%dma_wait3A_271 : memref<128x48xf32, #tpu.memory_space<vmem>>)
    %dma_start3A_278 = arith.constant 1 : i32
    %dma_start3A_279 = arith.constant 0 : i32
    %dma_start3A_280 = arith.constant 0 : i32
    %dma_start3A_281 = tpu.memref_slice %arg9[%dma_start3A_278, %dma_start3A_279, %dma_start3A_280] : memref<4x128x48xf32, #tpu.memory_space<vmem>> -> memref<1x128x48xf32, #tpu.memory_space<vmem>>
    %dma_start3A_282 = tpu.memref_squeeze %dma_start3A_281 : memref<1x128x48xf32, #tpu.memory_space<vmem>> -> memref<128x48xf32, #tpu.memory_space<vmem>>
    %dma_start3A_283 = arith.constant 0 : i32
    %dma_start3A_284 = tpu.memref_slice %arg8[%add3A_266, %dma_start3A_283] : memref<160x128xi32, #tpu.memory_space<vmem>> -> memref<1x128xi32, #tpu.memory_space<vmem>>
    %dma_start3A_285 = tpu.memref_squeeze %dma_start3A_284 : memref<1x128xi32, #tpu.memory_space<vmem>> -> memref<128xi32, #tpu.memory_space<vmem>>
    %dma_start3A_286 = arith.constant 0 : i32
    %dma_start3A_287 = arith.constant 0 : i32
    %dma_start3A_288 = tpu.memref_slice %arg10[%dma_start3A_286, %dma_start3A_287] : memref<10240x48xf32, #tpu.memory_space<vmem_shared>> -> memref<10240x48xf32, #tpu.memory_space<vmem_shared>>
    tpu.enqueue_indirect_dma source(%dma_start3A_282 : memref<128x48xf32, #tpu.memory_space<vmem>>) target(%dma_start3A_288 : memref<10240x48xf32, #tpu.memory_space<vmem_shared>>) offsets(%dma_start3A_285 : memref<128xi32, #tpu.memory_space<vmem>>) semaphore(%arg17 : memref<!tpu.dma_semaphore, #tpu.memory_space<semaphore_mem>>) {add = true}
    %sub3A_289 = arith.constant 2 : i32
    %sub3A_290 = arith.subi %add3A_266, %sub3A_289 : i32
    %dma_wait3A_291 = arith.constant 3 : i32
    %dma_wait3A_292 = arith.constant 0 : i32
    %dma_wait3A_293 = arith.constant 0 : i32
    %dma_wait3A_294 = tpu.memref_slice %arg9[%dma_wait3A_291, %dma_wait3A_292, %dma_wait3A_293] : memref<4x128x48xf32, #tpu.memory_space<vmem>> -> memref<1x128x48xf32, #tpu.memory_space<vmem>>
    %dma_wait3A_295 = tpu.memref_squeeze %dma_wait3A_294 : memref<1x128x48xf32, #tpu.memory_space<vmem>> -> memref<128x48xf32, #tpu.memory_space<vmem>>
    %dma_wait3A_296 = arith.constant 0 : i32
    %dma_wait3A_297 = tpu.memref_slice %arg8[%sub3A_290, %dma_wait3A_296] : memref<160x128xi32, #tpu.memory_space<vmem>> -> memref<1x128xi32, #tpu.memory_space<vmem>>
    %dma_wait3A_298 = tpu.memref_squeeze %dma_wait3A_297 : memref<1x128xi32, #tpu.memory_space<vmem>> -> memref<128xi32, #tpu.memory_space<vmem>>
    %dma_wait3A_299 = arith.constant 0 : i32
    %dma_wait3A_300 = arith.constant 0 : i32
    %dma_wait3A_301 = tpu.memref_slice %arg10[%dma_wait3A_299, %dma_wait3A_300] : memref<10240x48xf32, #tpu.memory_space<vmem_shared>> -> memref<10240x48xf32, #tpu.memory_space<vmem_shared>>
    tpu.wait_indirect_dma semaphore(%arg19 : memref<!tpu.dma_semaphore, #tpu.memory_space<semaphore_mem>>) src(%dma_wait3A_295 : memref<128x48xf32, #tpu.memory_space<vmem>>) dst(%dma_wait3A_301 : memref<10240x48xf32, #tpu.memory_space<vmem_shared>>)
    %add3A_302 = arith.constant 2 : i32
    %add3A_303 = arith.addi %add3A_266, %add3A_302 : i32
    %dma_start3A_304 = arith.constant 3 : i32
    %dma_start3A_305 = arith.constant 0 : i32
    %dma_start3A_306 = arith.constant 0 : i32
    %dma_start3A_307 = tpu.memref_slice %arg9[%dma_start3A_304, %dma_start3A_305, %dma_start3A_306] : memref<4x128x48xf32, #tpu.memory_space<vmem>> -> memref<1x128x48xf32, #tpu.memory_space<vmem>>
    %dma_start3A_308 = tpu.memref_squeeze %dma_start3A_307 : memref<1x128x48xf32, #tpu.memory_space<vmem>> -> memref<128x48xf32, #tpu.memory_space<vmem>>
    %dma_start3A_309 = arith.constant 0 : i32
    %dma_start3A_310 = tpu.memref_slice %arg7[%add3A_303, %dma_start3A_309] : memref<160x128xi32, #tpu.memory_space<vmem>> -> memref<1x128xi32, #tpu.memory_space<vmem>>
    %dma_start3A_311 = tpu.memref_squeeze %dma_start3A_310 : memref<1x128xi32, #tpu.memory_space<vmem>> -> memref<128xi32, #tpu.memory_space<vmem>>
    %dma_start3A_312 = arith.constant 0 : i32
    %dma_start3A_313 = arith.constant 0 : i32
    %dma_start3A_314 = tpu.memref_slice %arg11[%dma_start3A_312, %dma_start3A_313] : memref<10240x48xf32, #tpu.memory_space<vmem_shared>> -> memref<10240x48xf32, #tpu.memory_space<vmem_shared>>
    tpu.enqueue_indirect_dma source(%dma_start3A_314 : memref<10240x48xf32, #tpu.memory_space<vmem_shared>>) target(%dma_start3A_308 : memref<128x48xf32, #tpu.memory_space<vmem>>) offsets(%dma_start3A_311 : memref<128xi32, #tpu.memory_space<vmem>>) semaphore(%arg15 : memref<!tpu.dma_semaphore, #tpu.memory_space<semaphore_mem>>)
    %add3A_315 = arith.constant 2 : i32
    %add3A_316 = arith.addi %mul3A_214, %add3A_315 : i32
    %dma_wait3A_317 = arith.constant 2 : i32
    %dma_wait3A_318 = arith.constant 0 : i32
    %dma_wait3A_319 = arith.constant 0 : i32
    %dma_wait3A_320 = tpu.memref_slice %arg9[%dma_wait3A_317, %dma_wait3A_318, %dma_wait3A_319] : memref<4x128x48xf32, #tpu.memory_space<vmem>> -> memref<1x128x48xf32, #tpu.memory_space<vmem>>
    %dma_wait3A_321 = tpu.memref_squeeze %dma_wait3A_320 : memref<1x128x48xf32, #tpu.memory_space<vmem>> -> memref<128x48xf32, #tpu.memory_space<vmem>>
    %dma_wait3A_322 = arith.constant 0 : i32
    %dma_wait3A_323 = tpu.memref_slice %arg7[%add3A_316, %dma_wait3A_322] : memref<160x128xi32, #tpu.memory_space<vmem>> -> memref<1x128xi32, #tpu.memory_space<vmem>>
    %dma_wait3A_324 = tpu.memref_squeeze %dma_wait3A_323 : memref<1x128xi32, #tpu.memory_space<vmem>> -> memref<128xi32, #tpu.memory_space<vmem>>
    %dma_wait3A_325 = arith.constant 0 : i32
    %dma_wait3A_326 = arith.constant 0 : i32
    %dma_wait3A_327 = tpu.memref_slice %arg11[%dma_wait3A_325, %dma_wait3A_326] : memref<10240x48xf32, #tpu.memory_space<vmem_shared>> -> memref<10240x48xf32, #tpu.memory_space<vmem_shared>>
    tpu.wait_indirect_dma semaphore(%arg14 : memref<!tpu.dma_semaphore, #tpu.memory_space<semaphore_mem>>) src(%dma_wait3A_327 : memref<10240x48xf32, #tpu.memory_space<vmem_shared>>) dst(%dma_wait3A_321 : memref<128x48xf32, #tpu.memory_space<vmem>>)
    %dma_start3A_328 = arith.constant 2 : i32
    %dma_start3A_329 = arith.constant 0 : i32
    %dma_start3A_330 = arith.constant 0 : i32
    %dma_start3A_331 = tpu.memref_slice %arg9[%dma_start3A_328, %dma_start3A_329, %dma_start3A_330] : memref<4x128x48xf32, #tpu.memory_space<vmem>> -> memref<1x128x48xf32, #tpu.memory_space<vmem>>
    %dma_start3A_332 = tpu.memref_squeeze %dma_start3A_331 : memref<1x128x48xf32, #tpu.memory_space<vmem>> -> memref<128x48xf32, #tpu.memory_space<vmem>>
    %dma_start3A_333 = arith.constant 0 : i32
    %dma_start3A_334 = tpu.memref_slice %arg8[%add3A_316, %dma_start3A_333] : memref<160x128xi32, #tpu.memory_space<vmem>> -> memref<1x128xi32, #tpu.memory_space<vmem>>
    %dma_start3A_335 = tpu.memref_squeeze %dma_start3A_334 : memref<1x128xi32, #tpu.memory_space<vmem>> -> memref<128xi32, #tpu.memory_space<vmem>>
    %dma_start3A_336 = arith.constant 0 : i32
    %dma_start3A_337 = arith.constant 0 : i32
    %dma_start3A_338 = tpu.memref_slice %arg10[%dma_start3A_336, %dma_start3A_337] : memref<10240x48xf32, #tpu.memory_space<vmem_shared>> -> memref<10240x48xf32, #tpu.memory_space<vmem_shared>>
    tpu.enqueue_indirect_dma source(%dma_start3A_332 : memref<128x48xf32, #tpu.memory_space<vmem>>) target(%dma_start3A_338 : memref<10240x48xf32, #tpu.memory_space<vmem_shared>>) offsets(%dma_start3A_335 : memref<128xi32, #tpu.memory_space<vmem>>) semaphore(%arg18 : memref<!tpu.dma_semaphore, #tpu.memory_space<semaphore_mem>>) {add = true}
    %add3A_339 = arith.constant 3 : i32
    %add3A_340 = arith.addi %mul3A_214, %add3A_339 : i32
    %dma_wait3A_341 = arith.constant 3 : i32
    %dma_wait3A_342 = arith.constant 0 : i32
    %dma_wait3A_343 = arith.constant 0 : i32
    %dma_wait3A_344 = tpu.memref_slice %arg9[%dma_wait3A_341, %dma_wait3A_342, %dma_wait3A_343] : memref<4x128x48xf32, #tpu.memory_space<vmem>> -> memref<1x128x48xf32, #tpu.memory_space<vmem>>
    %dma_wait3A_345 = tpu.memref_squeeze %dma_wait3A_344 : memref<1x128x48xf32, #tpu.memory_space<vmem>> -> memref<128x48xf32, #tpu.memory_space<vmem>>
    %dma_wait3A_346 = arith.constant 0 : i32
    %dma_wait3A_347 = tpu.memref_slice %arg7[%add3A_340, %dma_wait3A_346] : memref<160x128xi32, #tpu.memory_space<vmem>> -> memref<1x128xi32, #tpu.memory_space<vmem>>
    %dma_wait3A_348 = tpu.memref_squeeze %dma_wait3A_347 : memref<1x128xi32, #tpu.memory_space<vmem>> -> memref<128xi32, #tpu.memory_space<vmem>>
    %dma_wait3A_349 = arith.constant 0 : i32
    %dma_wait3A_350 = arith.constant 0 : i32
    %dma_wait3A_351 = tpu.memref_slice %arg11[%dma_wait3A_349, %dma_wait3A_350] : memref<10240x48xf32, #tpu.memory_space<vmem_shared>> -> memref<10240x48xf32, #tpu.memory_space<vmem_shared>>
    tpu.wait_indirect_dma semaphore(%arg15 : memref<!tpu.dma_semaphore, #tpu.memory_space<semaphore_mem>>) src(%dma_wait3A_351 : memref<10240x48xf32, #tpu.memory_space<vmem_shared>>) dst(%dma_wait3A_345 : memref<128x48xf32, #tpu.memory_space<vmem>>)
    %dma_start3A_352 = arith.constant 3 : i32
    %dma_start3A_353 = arith.constant 0 : i32
    %dma_start3A_354 = arith.constant 0 : i32
    %dma_start3A_355 = tpu.memref_slice %arg9[%dma_start3A_352, %dma_start3A_353, %dma_start3A_354] : memref<4x128x48xf32, #tpu.memory_space<vmem>> -> memref<1x128x48xf32, #tpu.memory_space<vmem>>
    %dma_start3A_356 = tpu.memref_squeeze %dma_start3A_355 : memref<1x128x48xf32, #tpu.memory_space<vmem>> -> memref<128x48xf32, #tpu.memory_space<vmem>>
    %dma_start3A_357 = arith.constant 0 : i32
    %dma_start3A_358 = tpu.memref_slice %arg8[%add3A_340, %dma_start3A_357] : memref<160x128xi32, #tpu.memory_space<vmem>> -> memref<1x128xi32, #tpu.memory_space<vmem>>
    %dma_start3A_359 = tpu.memref_squeeze %dma_start3A_358 : memref<1x128xi32, #tpu.memory_space<vmem>> -> memref<128xi32, #tpu.memory_space<vmem>>
    %dma_start3A_360 = arith.constant 0 : i32
    %dma_start3A_361 = arith.constant 0 : i32
    %dma_start3A_362 = tpu.memref_slice %arg10[%dma_start3A_360, %dma_start3A_361] : memref<10240x48xf32, #tpu.memory_space<vmem_shared>> -> memref<10240x48xf32, #tpu.memory_space<vmem_shared>>
    tpu.enqueue_indirect_dma source(%dma_start3A_356 : memref<128x48xf32, #tpu.memory_space<vmem>>) target(%dma_start3A_362 : memref<10240x48xf32, #tpu.memory_space<vmem_shared>>) offsets(%dma_start3A_359 : memref<128xi32, #tpu.memory_space<vmem>>) semaphore(%arg19 : memref<!tpu.dma_semaphore, #tpu.memory_space<semaphore_mem>>) {add = true}
    %add3A_363 = arith.constant 0 : i32
    %add3A_364 = arith.addi %mul3A_214, %add3A_363 : i32
    %dma_wait3A_365 = arith.constant 0 : i32
    %dma_wait3A_366 = arith.constant 0 : i32
    %dma_wait3A_367 = arith.constant 0 : i32
    %dma_wait3A_368 = tpu.memref_slice %arg9[%dma_wait3A_365, %dma_wait3A_366, %dma_wait3A_367] : memref<4x128x48xf32, #tpu.memory_space<vmem>> -> memref<1x128x48xf32, #tpu.memory_space<vmem>>
    %dma_wait3A_369 = tpu.memref_squeeze %dma_wait3A_368 : memref<1x128x48xf32, #tpu.memory_space<vmem>> -> memref<128x48xf32, #tpu.memory_space<vmem>>
    %dma_wait3A_370 = arith.constant 0 : i32
    %dma_wait3A_371 = tpu.memref_slice %arg8[%add3A_364, %dma_wait3A_370] : memref<160x128xi32, #tpu.memory_space<vmem>> -> memref<1x128xi32, #tpu.memory_space<vmem>>
    %dma_wait3A_372 = tpu.memref_squeeze %dma_wait3A_371 : memref<1x128xi32, #tpu.memory_space<vmem>> -> memref<128xi32, #tpu.memory_space<vmem>>
    %dma_wait3A_373 = arith.constant 0 : i32
    %dma_wait3A_374 = arith.constant 0 : i32
    %dma_wait3A_375 = tpu.memref_slice %arg10[%dma_wait3A_373, %dma_wait3A_374] : memref<10240x48xf32, #tpu.memory_space<vmem_shared>> -> memref<10240x48xf32, #tpu.memory_space<vmem_shared>>
    tpu.wait_indirect_dma semaphore(%arg16 : memref<!tpu.dma_semaphore, #tpu.memory_space<semaphore_mem>>) src(%dma_wait3A_369 : memref<128x48xf32, #tpu.memory_space<vmem>>) dst(%dma_wait3A_375 : memref<10240x48xf32, #tpu.memory_space<vmem_shared>>)
    %add3A_376 = arith.constant 1 : i32
    %add3A_377 = arith.addi %mul3A_214, %add3A_376 : i32
    %dma_wait3A_378 = arith.constant 1 : i32
    %dma_wait3A_379 = arith.constant 0 : i32
    %dma_wait3A_380 = arith.constant 0 : i32
    %dma_wait3A_381 = tpu.memref_slice %arg9[%dma_wait3A_378, %dma_wait3A_379, %dma_wait3A_380] : memref<4x128x48xf32, #tpu.memory_space<vmem>> -> memref<1x128x48xf32, #tpu.memory_space<vmem>>
    %dma_wait3A_382 = tpu.memref_squeeze %dma_wait3A_381 : memref<1x128x48xf32, #tpu.memory_space<vmem>> -> memref<128x48xf32, #tpu.memory_space<vmem>>
    %dma_wait3A_383 = arith.constant 0 : i32
    %dma_wait3A_384 = tpu.memref_slice %arg8[%add3A_377, %dma_wait3A_383] : memref<160x128xi32, #tpu.memory_space<vmem>> -> memref<1x128xi32, #tpu.memory_space<vmem>>
    %dma_wait3A_385 = tpu.memref_squeeze %dma_wait3A_384 : memref<1x128xi32, #tpu.memory_space<vmem>> -> memref<128xi32, #tpu.memory_space<vmem>>
    %dma_wait3A_386 = arith.constant 0 : i32
    %dma_wait3A_387 = arith.constant 0 : i32
    %dma_wait3A_388 = tpu.memref_slice %arg10[%dma_wait3A_386, %dma_wait3A_387] : memref<10240x48xf32, #tpu.memory_space<vmem_shared>> -> memref<10240x48xf32, #tpu.memory_space<vmem_shared>>
    tpu.wait_indirect_dma semaphore(%arg17 : memref<!tpu.dma_semaphore, #tpu.memory_space<semaphore_mem>>) src(%dma_wait3A_382 : memref<128x48xf32, #tpu.memory_space<vmem>>) dst(%dma_wait3A_388 : memref<10240x48xf32, #tpu.memory_space<vmem_shared>>)
    %add3A_389 = arith.constant 2 : i32
    %add3A_390 = arith.addi %mul3A_214, %add3A_389 : i32
    %dma_wait3A_391 = arith.constant 2 : i32
    %dma_wait3A_392 = arith.constant 0 : i32
    %dma_wait3A_393 = arith.constant 0 : i32
    %dma_wait3A_394 = tpu.memref_slice %arg9[%dma_wait3A_391, %dma_wait3A_392, %dma_wait3A_393] : memref<4x128x48xf32, #tpu.memory_space<vmem>> -> memref<1x128x48xf32, #tpu.memory_space<vmem>>
    %dma_wait3A_395 = tpu.memref_squeeze %dma_wait3A_394 : memref<1x128x48xf32, #tpu.memory_space<vmem>> -> memref<128x48xf32, #tpu.memory_space<vmem>>
    %dma_wait3A_396 = arith.constant 0 : i32
    %dma_wait3A_397 = tpu.memref_slice %arg8[%add3A_390, %dma_wait3A_396] : memref<160x128xi32, #tpu.memory_space<vmem>> -> memref<1x128xi32, #tpu.memory_space<vmem>>
    %dma_wait3A_398 = tpu.memref_squeeze %dma_wait3A_397 : memref<1x128xi32, #tpu.memory_space<vmem>> -> memref<128xi32, #tpu.memory_space<vmem>>
    %dma_wait3A_399 = arith.constant 0 : i32
    %dma_wait3A_400 = arith.constant 0 : i32
    %dma_wait3A_401 = tpu.memref_slice %arg10[%dma_wait3A_399, %dma_wait3A_400] : memref<10240x48xf32, #tpu.memory_space<vmem_shared>> -> memref<10240x48xf32, #tpu.memory_space<vmem_shared>>
    tpu.wait_indirect_dma semaphore(%arg18 : memref<!tpu.dma_semaphore, #tpu.memory_space<semaphore_mem>>) src(%dma_wait3A_395 : memref<128x48xf32, #tpu.memory_space<vmem>>) dst(%dma_wait3A_401 : memref<10240x48xf32, #tpu.memory_space<vmem_shared>>)
    %add3A_402 = arith.constant 3 : i32
    %add3A_403 = arith.addi %mul3A_214, %add3A_402 : i32
    %dma_wait3A_404 = arith.constant 3 : i32
    %dma_wait3A_405 = arith.constant 0 : i32
    %dma_wait3A_406 = arith.constant 0 : i32
    %dma_wait3A_407 = tpu.memref_slice %arg9[%dma_wait3A_404, %dma_wait3A_405, %dma_wait3A_406] : memref<4x128x48xf32, #tpu.memory_space<vmem>> -> memref<1x128x48xf32, #tpu.memory_space<vmem>>
    %dma_wait3A_408 = tpu.memref_squeeze %dma_wait3A_407 : memref<1x128x48xf32, #tpu.memory_space<vmem>> -> memref<128x48xf32, #tpu.memory_space<vmem>>
    %dma_wait3A_409 = arith.constant 0 : i32
    %dma_wait3A_410 = tpu.memref_slice %arg8[%add3A_403, %dma_wait3A_409] : memref<160x128xi32, #tpu.memory_space<vmem>> -> memref<1x128xi32, #tpu.memory_space<vmem>>
    %dma_wait3A_411 = tpu.memref_squeeze %dma_wait3A_410 : memref<1x128xi32, #tpu.memory_space<vmem>> -> memref<128xi32, #tpu.memory_space<vmem>>
    %dma_wait3A_412 = arith.constant 0 : i32
    %dma_wait3A_413 = arith.constant 0 : i32
    %dma_wait3A_414 = tpu.memref_slice %arg10[%dma_wait3A_412, %dma_wait3A_413] : memref<10240x48xf32, #tpu.memory_space<vmem_shared>> -> memref<10240x48xf32, #tpu.memory_space<vmem_shared>>
    tpu.wait_indirect_dma semaphore(%arg19 : memref<!tpu.dma_semaphore, #tpu.memory_space<semaphore_mem>>) src(%dma_wait3A_408 : memref<128x48xf32, #tpu.memory_space<vmem>>) dst(%dma_wait3A_414 : memref<10240x48xf32, #tpu.memory_space<vmem_shared>>)
    %barrier3A_415 = arith.constant 0 : index
    tpu.barrier barrier_id(%barrier3A_415)
    "tpu.region"() ({
      %run_scoped3A = tpu.sem_alloc : memref<!tpu.dma_semaphore, #tpu.memory_space<semaphore_mem>>
      %dma_start3A_416 = arith.constant 0 : i32
      %dma_start3A_417 = tpu.memref_slice %arg6[%arg0, %multiple_of3A_11, %dma_start3A_416] : memref<2x10240x48xf32, #tpu.memory_space<hbm>> -> memref<1x640x48xf32, #tpu.memory_space<hbm>>
      %dma_start3A_418 = tpu.memref_squeeze %dma_start3A_417 : memref<1x640x48xf32, #tpu.memory_space<hbm>> -> memref<640x48xf32, #tpu.memory_space<hbm>>
      %dma_start3A_419 = arith.constant 0 : i32
      %dma_start3A_420 = tpu.memref_slice %arg10[%multiple_of3A_11, %dma_start3A_419] : memref<10240x48xf32, #tpu.memory_space<vmem_shared>> -> memref<640x48xf32, #tpu.memory_space<vmem_shared>>
      tpu.enqueue_dma source(%dma_start3A_420 : memref<640x48xf32, #tpu.memory_space<vmem_shared>>) target(%dma_start3A_418 : memref<640x48xf32, #tpu.memory_space<hbm>>) target_semaphore(%run_scoped3A : memref<!tpu.dma_semaphore, #tpu.memory_space<semaphore_mem>>)
      %dma_wait3A_421 = arith.constant 0 : i32
      %dma_wait3A_422 = tpu.memref_slice %arg6[%arg0, %multiple_of3A_11, %dma_wait3A_421] : memref<2x10240x48xf32, #tpu.memory_space<hbm>> -> memref<1x640x48xf32, #tpu.memory_space<hbm>>
      %dma_wait3A_423 = tpu.memref_squeeze %dma_wait3A_422 : memref<1x640x48xf32, #tpu.memory_space<hbm>> -> memref<640x48xf32, #tpu.memory_space<hbm>>
      %dma_wait3A_424 = arith.constant 0 : i32
      %dma_wait3A_425 = tpu.memref_slice %arg10[%multiple_of3A_11, %dma_wait3A_424] : memref<10240x48xf32, #tpu.memory_space<vmem_shared>> -> memref<640x48xf32, #tpu.memory_space<vmem_shared>>
      tpu.wait_dma2 semaphore(%run_scoped3A : memref<!tpu.dma_semaphore, #tpu.memory_space<semaphore_mem>>) src(%dma_wait3A_425 : memref<640x48xf32, #tpu.memory_space<vmem_shared>>) dst(%dma_wait3A_423 : memref<640x48xf32, #tpu.memory_space<hbm>>)
      tpu.yield
    }) : () -> ()
    return
  }
}

#map = affine_map<(d0, d1) -> (0, 0)>
#map1 = affine_map<(d0, d1) -> (0, 0, 0)>
module attributes {stable_mosaic.version = 14 : i64} {
  func.func @agg_kernel(%arg0: i32, %arg1: i32, %arg2: memref<10240x32xf32, #tpu.memory_space<hbm>>, %arg3: memref<2720x128xi32, #tpu.memory_space<hbm>>, %arg4: memref<2720x128xi32, #tpu.memory_space<hbm>>, %arg5: memref<640x32xf32, #tpu.memory_space<hbm>>, %arg6: memref<2x10240x32xf32, #tpu.memory_space<hbm>>, %arg7: memref<160x128xi32, #tpu.memory_space<vmem>>, %arg8: memref<160x128xi32, #tpu.memory_space<vmem>>, %arg9: memref<4x128x32xf32, #tpu.memory_space<vmem>>, %arg10: memref<10240x32xf32, #tpu.memory_space<vmem_shared>>, %arg11: memref<10240x32xf32, #tpu.memory_space<vmem_shared>>, %arg12: memref<!tpu.dma_semaphore, #tpu.memory_space<semaphore_mem>>, %arg13: memref<!tpu.dma_semaphore, #tpu.memory_space<semaphore_mem>>, %arg14: memref<!tpu.dma_semaphore, #tpu.memory_space<semaphore_mem>>, %arg15: memref<!tpu.dma_semaphore, #tpu.memory_space<semaphore_mem>>, %arg16: memref<!tpu.dma_semaphore, #tpu.memory_space<semaphore_mem>>, %arg17: memref<!tpu.dma_semaphore, #tpu.memory_space<semaphore_mem>>, %arg18: memref<!tpu.dma_semaphore, #tpu.memory_space<semaphore_mem>>, %arg19: memref<!tpu.dma_semaphore, #tpu.memory_space<semaphore_mem>>) attributes {dimension_semantics = [#tpu.dimension_semantics<core_parallel>, #tpu.dimension_semantics<subcore_parallel>], iteration_bounds = array<i64: 2, 16>, scalar_prefetch = 0 : i64, scratch_operands = 13 : i64, tpu.core_type = #tpu.core_type<sc_vector_subcore>, window_params = [{transform_indices = #map}, {transform_indices = #map}, {transform_indices = #map}, {transform_indices = #map}, {transform_indices = #map1}]} {
    %eq3A = arith.constant 0 : i32
    %eq3A_0 = arith.cmpi eq, %arg0, %eq3A : i32
    %mul3A = arith.constant 80 : i32
    %mul3A_1 = arith.muli %arg1, %mul3A : i32
    %mul3A_2 = arith.constant 80 : i32
    %mul3A_3 = arith.muli %arg1, %mul3A_2 : i32
    %add3A = arith.constant 1280 : i32
    %add3A_4 = arith.addi %add3A, %mul3A_3 : i32
    %select_n3A = arith.select %eq3A_0, %mul3A_1, %add3A_4 : i32
    %eq3A_5 = arith.constant 0 : i32
    %eq3A_6 = arith.cmpi eq, %arg0, %eq3A_5 : i32
    %jit3A = arith.constant 20 : i32
    %jit3A_7 = arith.constant 20 : i32
    %select_n3A_8 = arith.select %eq3A_6, %jit3A, %jit3A_7 : i32
    %multiple_of3A = tpu.assume_multiple %select_n3A, 8 : i32
    %mul3A_9 = arith.constant 640 : i32
    %mul3A_10 = arith.muli %arg1, %mul3A_9 : i32
    %multiple_of3A_11 = tpu.assume_multiple %mul3A_10, 8 : i32
    "tpu.region"() ({
      %run_scoped3A = tpu.sem_alloc : memref<!tpu.dma_semaphore, #tpu.memory_space<semaphore_mem>>
      %dma_start3A_416 = arith.constant 0 : i32
      %dma_start3A_417 = tpu.memref_slice %arg10[%multiple_of3A_11, %dma_start3A_416] : memref<10240x32xf32, #tpu.memory_space<vmem_shared>> -> memref<640x32xf32, #tpu.memory_space<vmem_shared>>
      tpu.enqueue_dma source(%arg5 : memref<640x32xf32, #tpu.memory_space<hbm>>) target(%dma_start3A_417 : memref<640x32xf32, #tpu.memory_space<vmem_shared>>) target_semaphore(%run_scoped3A : memref<!tpu.dma_semaphore, #tpu.memory_space<semaphore_mem>>)
      %dma_wait3A_418 = arith.constant 0 : i32
      %dma_wait3A_419 = tpu.memref_slice %arg10[%multiple_of3A_11, %dma_wait3A_418] : memref<10240x32xf32, #tpu.memory_space<vmem_shared>> -> memref<640x32xf32, #tpu.memory_space<vmem_shared>>
      tpu.wait_dma2 semaphore(%run_scoped3A : memref<!tpu.dma_semaphore, #tpu.memory_space<semaphore_mem>>) src(%arg5 : memref<640x32xf32, #tpu.memory_space<hbm>>) dst(%dma_wait3A_419 : memref<640x32xf32, #tpu.memory_space<vmem_shared>>)
      tpu.yield
    }) : () -> ()
    "tpu.region"() ({
      %run_scoped3A = tpu.sem_alloc : memref<!tpu.dma_semaphore, #tpu.memory_space<semaphore_mem>>
      %dma_start3A_416 = arith.constant 0 : i32
      %dma_start3A_417 = tpu.memref_slice %arg11[%multiple_of3A_11, %dma_start3A_416] : memref<10240x32xf32, #tpu.memory_space<vmem_shared>> -> memref<640x32xf32, #tpu.memory_space<vmem_shared>>
      %dma_start3A_418 = arith.constant 0 : i32
      %dma_start3A_419 = tpu.memref_slice %arg2[%multiple_of3A_11, %dma_start3A_418] : memref<10240x32xf32, #tpu.memory_space<hbm>> -> memref<640x32xf32, #tpu.memory_space<hbm>>
      tpu.enqueue_dma source(%dma_start3A_419 : memref<640x32xf32, #tpu.memory_space<hbm>>) target(%dma_start3A_417 : memref<640x32xf32, #tpu.memory_space<vmem_shared>>) target_semaphore(%run_scoped3A : memref<!tpu.dma_semaphore, #tpu.memory_space<semaphore_mem>>)
      %dma_wait3A_420 = arith.constant 0 : i32
      %dma_wait3A_421 = tpu.memref_slice %arg11[%multiple_of3A_11, %dma_wait3A_420] : memref<10240x32xf32, #tpu.memory_space<vmem_shared>> -> memref<640x32xf32, #tpu.memory_space<vmem_shared>>
      %dma_wait3A_422 = arith.constant 0 : i32
      %dma_wait3A_423 = tpu.memref_slice %arg2[%multiple_of3A_11, %dma_wait3A_422] : memref<10240x32xf32, #tpu.memory_space<hbm>> -> memref<640x32xf32, #tpu.memory_space<hbm>>
      tpu.wait_dma2 semaphore(%run_scoped3A : memref<!tpu.dma_semaphore, #tpu.memory_space<semaphore_mem>>) src(%dma_wait3A_423 : memref<640x32xf32, #tpu.memory_space<hbm>>) dst(%dma_wait3A_421 : memref<640x32xf32, #tpu.memory_space<vmem_shared>>)
      tpu.yield
    }) : () -> ()
    "tpu.region"() ({
      %run_scoped3A = tpu.sem_alloc : memref<!tpu.dma_semaphore, #tpu.memory_space<semaphore_mem>>
      %dma_start3A_416 = arith.constant 0 : i32
      %dma_start3A_417 = tpu.memref_slice %arg3[%multiple_of3A, %dma_start3A_416] : memref<2720x128xi32, #tpu.memory_space<hbm>> -> memref<160x128xi32, #tpu.memory_space<hbm>>
      %dma_start3A_418 = arith.constant 0 : i32
      %dma_start3A_419 = tpu.memref_slice %arg3[%multiple_of3A, %dma_start3A_418] : memref<2720x128xi32, #tpu.memory_space<hbm>> -> memref<160x128xi32, #tpu.memory_space<hbm>>
      tpu.enqueue_dma source(%dma_start3A_419 : memref<160x128xi32, #tpu.memory_space<hbm>>) target(%arg7 : memref<160x128xi32, #tpu.memory_space<vmem>>) target_semaphore(%run_scoped3A : memref<!tpu.dma_semaphore, #tpu.memory_space<semaphore_mem>>)
      %dma_wait3A_420 = arith.constant 0 : i32
      %dma_wait3A_421 = tpu.memref_slice %arg3[%multiple_of3A, %dma_wait3A_420] : memref<2720x128xi32, #tpu.memory_space<hbm>> -> memref<160x128xi32, #tpu.memory_space<hbm>>
      %dma_wait3A_422 = arith.constant 0 : i32
      %dma_wait3A_423 = tpu.memref_slice %arg3[%multiple_of3A, %dma_wait3A_422] : memref<2720x128xi32, #tpu.memory_space<hbm>> -> memref<160x128xi32, #tpu.memory_space<hbm>>
      tpu.wait_dma2 semaphore(%run_scoped3A : memref<!tpu.dma_semaphore, #tpu.memory_space<semaphore_mem>>) src(%dma_wait3A_423 : memref<160x128xi32, #tpu.memory_space<hbm>>) dst(%arg7 : memref<160x128xi32, #tpu.memory_space<vmem>>)
      tpu.yield
    }) : () -> ()
    "tpu.region"() ({
      %run_scoped3A = tpu.sem_alloc : memref<!tpu.dma_semaphore, #tpu.memory_space<semaphore_mem>>
      %dma_start3A_416 = arith.constant 0 : i32
      %dma_start3A_417 = tpu.memref_slice %arg4[%multiple_of3A, %dma_start3A_416] : memref<2720x128xi32, #tpu.memory_space<hbm>> -> memref<160x128xi32, #tpu.memory_space<hbm>>
      %dma_start3A_418 = arith.constant 0 : i32
      %dma_start3A_419 = tpu.memref_slice %arg4[%multiple_of3A, %dma_start3A_418] : memref<2720x128xi32, #tpu.memory_space<hbm>> -> memref<160x128xi32, #tpu.memory_space<hbm>>
      tpu.enqueue_dma source(%dma_start3A_419 : memref<160x128xi32, #tpu.memory_space<hbm>>) target(%arg8 : memref<160x128xi32, #tpu.memory_space<vmem>>) target_semaphore(%run_scoped3A : memref<!tpu.dma_semaphore, #tpu.memory_space<semaphore_mem>>)
      %dma_wait3A_420 = arith.constant 0 : i32
      %dma_wait3A_421 = tpu.memref_slice %arg4[%multiple_of3A, %dma_wait3A_420] : memref<2720x128xi32, #tpu.memory_space<hbm>> -> memref<160x128xi32, #tpu.memory_space<hbm>>
      %dma_wait3A_422 = arith.constant 0 : i32
      %dma_wait3A_423 = tpu.memref_slice %arg4[%multiple_of3A, %dma_wait3A_422] : memref<2720x128xi32, #tpu.memory_space<hbm>> -> memref<160x128xi32, #tpu.memory_space<hbm>>
      tpu.wait_dma2 semaphore(%run_scoped3A : memref<!tpu.dma_semaphore, #tpu.memory_space<semaphore_mem>>) src(%dma_wait3A_423 : memref<160x128xi32, #tpu.memory_space<hbm>>) dst(%arg8 : memref<160x128xi32, #tpu.memory_space<vmem>>)
      tpu.yield
    }) : () -> ()
    %barrier3A = arith.constant 0 : index
    tpu.barrier barrier_id(%barrier3A)
    %dma_start3A = arith.constant 0 : i32
    %dma_start3A_12 = arith.constant 0 : i32
    %dma_start3A_13 = arith.constant 0 : i32
    %dma_start3A_14 = arith.constant 0 : i32
    %dma_start3A_15 = tpu.memref_slice %arg9[%dma_start3A_12, %dma_start3A_13, %dma_start3A_14] : memref<4x128x32xf32, #tpu.memory_space<vmem>> -> memref<1x128x32xf32, #tpu.memory_space<vmem>>
    %dma_start3A_16 = tpu.memref_squeeze %dma_start3A_15 : memref<1x128x32xf32, #tpu.memory_space<vmem>> -> memref<128x32xf32, #tpu.memory_space<vmem>>
    %dma_start3A_17 = arith.constant 0 : i32
    %dma_start3A_18 = tpu.memref_slice %arg7[%dma_start3A, %dma_start3A_17] : memref<160x128xi32, #tpu.memory_space<vmem>> -> memref<1x128xi32, #tpu.memory_space<vmem>>
    %dma_start3A_19 = tpu.memref_squeeze %dma_start3A_18 : memref<1x128xi32, #tpu.memory_space<vmem>> -> memref<128xi32, #tpu.memory_space<vmem>>
    %dma_start3A_20 = arith.constant 0 : i32
    %dma_start3A_21 = arith.constant 0 : i32
    %dma_start3A_22 = tpu.memref_slice %arg11[%dma_start3A_20, %dma_start3A_21] : memref<10240x32xf32, #tpu.memory_space<vmem_shared>> -> memref<10240x32xf32, #tpu.memory_space<vmem_shared>>
    tpu.enqueue_indirect_dma source(%dma_start3A_22 : memref<10240x32xf32, #tpu.memory_space<vmem_shared>>) target(%dma_start3A_16 : memref<128x32xf32, #tpu.memory_space<vmem>>) offsets(%dma_start3A_19 : memref<128xi32, #tpu.memory_space<vmem>>) semaphore(%arg12 : memref<!tpu.dma_semaphore, #tpu.memory_space<semaphore_mem>>)
    %dma_start3A_23 = arith.constant 1 : i32
    %dma_start3A_24 = arith.constant 1 : i32
    %dma_start3A_25 = arith.constant 0 : i32
    %dma_start3A_26 = arith.constant 0 : i32
    %dma_start3A_27 = tpu.memref_slice %arg9[%dma_start3A_24, %dma_start3A_25, %dma_start3A_26] : memref<4x128x32xf32, #tpu.memory_space<vmem>> -> memref<1x128x32xf32, #tpu.memory_space<vmem>>
    %dma_start3A_28 = tpu.memref_squeeze %dma_start3A_27 : memref<1x128x32xf32, #tpu.memory_space<vmem>> -> memref<128x32xf32, #tpu.memory_space<vmem>>
    %dma_start3A_29 = arith.constant 0 : i32
    %dma_start3A_30 = tpu.memref_slice %arg7[%dma_start3A_23, %dma_start3A_29] : memref<160x128xi32, #tpu.memory_space<vmem>> -> memref<1x128xi32, #tpu.memory_space<vmem>>
    %dma_start3A_31 = tpu.memref_squeeze %dma_start3A_30 : memref<1x128xi32, #tpu.memory_space<vmem>> -> memref<128xi32, #tpu.memory_space<vmem>>
    %dma_start3A_32 = arith.constant 0 : i32
    %dma_start3A_33 = arith.constant 0 : i32
    %dma_start3A_34 = tpu.memref_slice %arg11[%dma_start3A_32, %dma_start3A_33] : memref<10240x32xf32, #tpu.memory_space<vmem_shared>> -> memref<10240x32xf32, #tpu.memory_space<vmem_shared>>
    tpu.enqueue_indirect_dma source(%dma_start3A_34 : memref<10240x32xf32, #tpu.memory_space<vmem_shared>>) target(%dma_start3A_28 : memref<128x32xf32, #tpu.memory_space<vmem>>) offsets(%dma_start3A_31 : memref<128xi32, #tpu.memory_space<vmem>>) semaphore(%arg13 : memref<!tpu.dma_semaphore, #tpu.memory_space<semaphore_mem>>)
    %dma_wait3A = arith.constant 0 : i32
    %dma_wait3A_35 = arith.constant 0 : i32
    %dma_wait3A_36 = arith.constant 0 : i32
    %dma_wait3A_37 = arith.constant 0 : i32
    %dma_wait3A_38 = tpu.memref_slice %arg9[%dma_wait3A_35, %dma_wait3A_36, %dma_wait3A_37] : memref<4x128x32xf32, #tpu.memory_space<vmem>> -> memref<1x128x32xf32, #tpu.memory_space<vmem>>
    %dma_wait3A_39 = tpu.memref_squeeze %dma_wait3A_38 : memref<1x128x32xf32, #tpu.memory_space<vmem>> -> memref<128x32xf32, #tpu.memory_space<vmem>>
    %dma_wait3A_40 = arith.constant 0 : i32
    %dma_wait3A_41 = tpu.memref_slice %arg7[%dma_wait3A, %dma_wait3A_40] : memref<160x128xi32, #tpu.memory_space<vmem>> -> memref<1x128xi32, #tpu.memory_space<vmem>>
    %dma_wait3A_42 = tpu.memref_squeeze %dma_wait3A_41 : memref<1x128xi32, #tpu.memory_space<vmem>> -> memref<128xi32, #tpu.memory_space<vmem>>
    %dma_wait3A_43 = arith.constant 0 : i32
    %dma_wait3A_44 = arith.constant 0 : i32
    %dma_wait3A_45 = tpu.memref_slice %arg11[%dma_wait3A_43, %dma_wait3A_44] : memref<10240x32xf32, #tpu.memory_space<vmem_shared>> -> memref<10240x32xf32, #tpu.memory_space<vmem_shared>>
    tpu.wait_indirect_dma semaphore(%arg12 : memref<!tpu.dma_semaphore, #tpu.memory_space<semaphore_mem>>) src(%dma_wait3A_45 : memref<10240x32xf32, #tpu.memory_space<vmem_shared>>) dst(%dma_wait3A_39 : memref<128x32xf32, #tpu.memory_space<vmem>>)
    %dma_start3A_46 = arith.constant 0 : i32
    %dma_start3A_47 = arith.constant 0 : i32
    %dma_start3A_48 = arith.constant 0 : i32
    %dma_start3A_49 = arith.constant 0 : i32
    %dma_start3A_50 = tpu.memref_slice %arg9[%dma_start3A_46, %dma_start3A_48, %dma_start3A_49] : memref<4x128x32xf32, #tpu.memory_space<vmem>> -> memref<1x128x32xf32, #tpu.memory_space<vmem>>
    %dma_start3A_51 = tpu.memref_squeeze %dma_start3A_50 : memref<1x128x32xf32, #tpu.memory_space<vmem>> -> memref<128x32xf32, #tpu.memory_space<vmem>>
    %dma_start3A_52 = arith.constant 0 : i32
    %dma_start3A_53 = tpu.memref_slice %arg8[%dma_start3A_47, %dma_start3A_52] : memref<160x128xi32, #tpu.memory_space<vmem>> -> memref<1x128xi32, #tpu.memory_space<vmem>>
    %dma_start3A_54 = tpu.memref_squeeze %dma_start3A_53 : memref<1x128xi32, #tpu.memory_space<vmem>> -> memref<128xi32, #tpu.memory_space<vmem>>
    %dma_start3A_55 = arith.constant 0 : i32
    %dma_start3A_56 = arith.constant 0 : i32
    %dma_start3A_57 = tpu.memref_slice %arg10[%dma_start3A_55, %dma_start3A_56] : memref<10240x32xf32, #tpu.memory_space<vmem_shared>> -> memref<10240x32xf32, #tpu.memory_space<vmem_shared>>
    tpu.enqueue_indirect_dma source(%dma_start3A_51 : memref<128x32xf32, #tpu.memory_space<vmem>>) target(%dma_start3A_57 : memref<10240x32xf32, #tpu.memory_space<vmem_shared>>) offsets(%dma_start3A_54 : memref<128xi32, #tpu.memory_space<vmem>>) semaphore(%arg16 : memref<!tpu.dma_semaphore, #tpu.memory_space<semaphore_mem>>) {add = true}
    %dma_start3A_58 = arith.constant 2 : i32
    %dma_start3A_59 = arith.constant 2 : i32
    %dma_start3A_60 = arith.constant 0 : i32
    %dma_start3A_61 = arith.constant 0 : i32
    %dma_start3A_62 = tpu.memref_slice %arg9[%dma_start3A_59, %dma_start3A_60, %dma_start3A_61] : memref<4x128x32xf32, #tpu.memory_space<vmem>> -> memref<1x128x32xf32, #tpu.memory_space<vmem>>
    %dma_start3A_63 = tpu.memref_squeeze %dma_start3A_62 : memref<1x128x32xf32, #tpu.memory_space<vmem>> -> memref<128x32xf32, #tpu.memory_space<vmem>>
    %dma_start3A_64 = arith.constant 0 : i32
    %dma_start3A_65 = tpu.memref_slice %arg7[%dma_start3A_58, %dma_start3A_64] : memref<160x128xi32, #tpu.memory_space<vmem>> -> memref<1x128xi32, #tpu.memory_space<vmem>>
    %dma_start3A_66 = tpu.memref_squeeze %dma_start3A_65 : memref<1x128xi32, #tpu.memory_space<vmem>> -> memref<128xi32, #tpu.memory_space<vmem>>
    %dma_start3A_67 = arith.constant 0 : i32
    %dma_start3A_68 = arith.constant 0 : i32
    %dma_start3A_69 = tpu.memref_slice %arg11[%dma_start3A_67, %dma_start3A_68] : memref<10240x32xf32, #tpu.memory_space<vmem_shared>> -> memref<10240x32xf32, #tpu.memory_space<vmem_shared>>
    tpu.enqueue_indirect_dma source(%dma_start3A_69 : memref<10240x32xf32, #tpu.memory_space<vmem_shared>>) target(%dma_start3A_63 : memref<128x32xf32, #tpu.memory_space<vmem>>) offsets(%dma_start3A_66 : memref<128xi32, #tpu.memory_space<vmem>>) semaphore(%arg14 : memref<!tpu.dma_semaphore, #tpu.memory_space<semaphore_mem>>)
    %dma_wait3A_70 = arith.constant 1 : i32
    %dma_wait3A_71 = arith.constant 1 : i32
    %dma_wait3A_72 = arith.constant 0 : i32
    %dma_wait3A_73 = arith.constant 0 : i32
    %dma_wait3A_74 = tpu.memref_slice %arg9[%dma_wait3A_71, %dma_wait3A_72, %dma_wait3A_73] : memref<4x128x32xf32, #tpu.memory_space<vmem>> -> memref<1x128x32xf32, #tpu.memory_space<vmem>>
    %dma_wait3A_75 = tpu.memref_squeeze %dma_wait3A_74 : memref<1x128x32xf32, #tpu.memory_space<vmem>> -> memref<128x32xf32, #tpu.memory_space<vmem>>
    %dma_wait3A_76 = arith.constant 0 : i32
    %dma_wait3A_77 = tpu.memref_slice %arg7[%dma_wait3A_70, %dma_wait3A_76] : memref<160x128xi32, #tpu.memory_space<vmem>> -> memref<1x128xi32, #tpu.memory_space<vmem>>
    %dma_wait3A_78 = tpu.memref_squeeze %dma_wait3A_77 : memref<1x128xi32, #tpu.memory_space<vmem>> -> memref<128xi32, #tpu.memory_space<vmem>>
    %dma_wait3A_79 = arith.constant 0 : i32
    %dma_wait3A_80 = arith.constant 0 : i32
    %dma_wait3A_81 = tpu.memref_slice %arg11[%dma_wait3A_79, %dma_wait3A_80] : memref<10240x32xf32, #tpu.memory_space<vmem_shared>> -> memref<10240x32xf32, #tpu.memory_space<vmem_shared>>
    tpu.wait_indirect_dma semaphore(%arg13 : memref<!tpu.dma_semaphore, #tpu.memory_space<semaphore_mem>>) src(%dma_wait3A_81 : memref<10240x32xf32, #tpu.memory_space<vmem_shared>>) dst(%dma_wait3A_75 : memref<128x32xf32, #tpu.memory_space<vmem>>)
    %dma_start3A_82 = arith.constant 1 : i32
    %dma_start3A_83 = arith.constant 1 : i32
    %dma_start3A_84 = arith.constant 0 : i32
    %dma_start3A_85 = arith.constant 0 : i32
    %dma_start3A_86 = tpu.memref_slice %arg9[%dma_start3A_82, %dma_start3A_84, %dma_start3A_85] : memref<4x128x32xf32, #tpu.memory_space<vmem>> -> memref<1x128x32xf32, #tpu.memory_space<vmem>>
    %dma_start3A_87 = tpu.memref_squeeze %dma_start3A_86 : memref<1x128x32xf32, #tpu.memory_space<vmem>> -> memref<128x32xf32, #tpu.memory_space<vmem>>
    %dma_start3A_88 = arith.constant 0 : i32
    %dma_start3A_89 = tpu.memref_slice %arg8[%dma_start3A_83, %dma_start3A_88] : memref<160x128xi32, #tpu.memory_space<vmem>> -> memref<1x128xi32, #tpu.memory_space<vmem>>
    %dma_start3A_90 = tpu.memref_squeeze %dma_start3A_89 : memref<1x128xi32, #tpu.memory_space<vmem>> -> memref<128xi32, #tpu.memory_space<vmem>>
    %dma_start3A_91 = arith.constant 0 : i32
    %dma_start3A_92 = arith.constant 0 : i32
    %dma_start3A_93 = tpu.memref_slice %arg10[%dma_start3A_91, %dma_start3A_92] : memref<10240x32xf32, #tpu.memory_space<vmem_shared>> -> memref<10240x32xf32, #tpu.memory_space<vmem_shared>>
    tpu.enqueue_indirect_dma source(%dma_start3A_87 : memref<128x32xf32, #tpu.memory_space<vmem>>) target(%dma_start3A_93 : memref<10240x32xf32, #tpu.memory_space<vmem_shared>>) offsets(%dma_start3A_90 : memref<128xi32, #tpu.memory_space<vmem>>) semaphore(%arg17 : memref<!tpu.dma_semaphore, #tpu.memory_space<semaphore_mem>>) {add = true}
    %dma_start3A_94 = arith.constant 3 : i32
    %dma_start3A_95 = arith.constant 3 : i32
    %dma_start3A_96 = arith.constant 0 : i32
    %dma_start3A_97 = arith.constant 0 : i32
    %dma_start3A_98 = tpu.memref_slice %arg9[%dma_start3A_95, %dma_start3A_96, %dma_start3A_97] : memref<4x128x32xf32, #tpu.memory_space<vmem>> -> memref<1x128x32xf32, #tpu.memory_space<vmem>>
    %dma_start3A_99 = tpu.memref_squeeze %dma_start3A_98 : memref<1x128x32xf32, #tpu.memory_space<vmem>> -> memref<128x32xf32, #tpu.memory_space<vmem>>
    %dma_start3A_100 = arith.constant 0 : i32
    %dma_start3A_101 = tpu.memref_slice %arg7[%dma_start3A_94, %dma_start3A_100] : memref<160x128xi32, #tpu.memory_space<vmem>> -> memref<1x128xi32, #tpu.memory_space<vmem>>
    %dma_start3A_102 = tpu.memref_squeeze %dma_start3A_101 : memref<1x128xi32, #tpu.memory_space<vmem>> -> memref<128xi32, #tpu.memory_space<vmem>>
    %dma_start3A_103 = arith.constant 0 : i32
    %dma_start3A_104 = arith.constant 0 : i32
    %dma_start3A_105 = tpu.memref_slice %arg11[%dma_start3A_103, %dma_start3A_104] : memref<10240x32xf32, #tpu.memory_space<vmem_shared>> -> memref<10240x32xf32, #tpu.memory_space<vmem_shared>>
    tpu.enqueue_indirect_dma source(%dma_start3A_105 : memref<10240x32xf32, #tpu.memory_space<vmem_shared>>) target(%dma_start3A_99 : memref<128x32xf32, #tpu.memory_space<vmem>>) offsets(%dma_start3A_102 : memref<128xi32, #tpu.memory_space<vmem>>) semaphore(%arg15 : memref<!tpu.dma_semaphore, #tpu.memory_space<semaphore_mem>>)
    %dma_wait3A_106 = arith.constant 2 : i32
    %dma_wait3A_107 = arith.constant 2 : i32
    %dma_wait3A_108 = arith.constant 0 : i32
    %dma_wait3A_109 = arith.constant 0 : i32
    %dma_wait3A_110 = tpu.memref_slice %arg9[%dma_wait3A_107, %dma_wait3A_108, %dma_wait3A_109] : memref<4x128x32xf32, #tpu.memory_space<vmem>> -> memref<1x128x32xf32, #tpu.memory_space<vmem>>
    %dma_wait3A_111 = tpu.memref_squeeze %dma_wait3A_110 : memref<1x128x32xf32, #tpu.memory_space<vmem>> -> memref<128x32xf32, #tpu.memory_space<vmem>>
    %dma_wait3A_112 = arith.constant 0 : i32
    %dma_wait3A_113 = tpu.memref_slice %arg7[%dma_wait3A_106, %dma_wait3A_112] : memref<160x128xi32, #tpu.memory_space<vmem>> -> memref<1x128xi32, #tpu.memory_space<vmem>>
    %dma_wait3A_114 = tpu.memref_squeeze %dma_wait3A_113 : memref<1x128xi32, #tpu.memory_space<vmem>> -> memref<128xi32, #tpu.memory_space<vmem>>
    %dma_wait3A_115 = arith.constant 0 : i32
    %dma_wait3A_116 = arith.constant 0 : i32
    %dma_wait3A_117 = tpu.memref_slice %arg11[%dma_wait3A_115, %dma_wait3A_116] : memref<10240x32xf32, #tpu.memory_space<vmem_shared>> -> memref<10240x32xf32, #tpu.memory_space<vmem_shared>>
    tpu.wait_indirect_dma semaphore(%arg14 : memref<!tpu.dma_semaphore, #tpu.memory_space<semaphore_mem>>) src(%dma_wait3A_117 : memref<10240x32xf32, #tpu.memory_space<vmem_shared>>) dst(%dma_wait3A_111 : memref<128x32xf32, #tpu.memory_space<vmem>>)
    %dma_start3A_118 = arith.constant 2 : i32
    %dma_start3A_119 = arith.constant 2 : i32
    %dma_start3A_120 = arith.constant 0 : i32
    %dma_start3A_121 = arith.constant 0 : i32
    %dma_start3A_122 = tpu.memref_slice %arg9[%dma_start3A_118, %dma_start3A_120, %dma_start3A_121] : memref<4x128x32xf32, #tpu.memory_space<vmem>> -> memref<1x128x32xf32, #tpu.memory_space<vmem>>
    %dma_start3A_123 = tpu.memref_squeeze %dma_start3A_122 : memref<1x128x32xf32, #tpu.memory_space<vmem>> -> memref<128x32xf32, #tpu.memory_space<vmem>>
    %dma_start3A_124 = arith.constant 0 : i32
    %dma_start3A_125 = tpu.memref_slice %arg8[%dma_start3A_119, %dma_start3A_124] : memref<160x128xi32, #tpu.memory_space<vmem>> -> memref<1x128xi32, #tpu.memory_space<vmem>>
    %dma_start3A_126 = tpu.memref_squeeze %dma_start3A_125 : memref<1x128xi32, #tpu.memory_space<vmem>> -> memref<128xi32, #tpu.memory_space<vmem>>
    %dma_start3A_127 = arith.constant 0 : i32
    %dma_start3A_128 = arith.constant 0 : i32
    %dma_start3A_129 = tpu.memref_slice %arg10[%dma_start3A_127, %dma_start3A_128] : memref<10240x32xf32, #tpu.memory_space<vmem_shared>> -> memref<10240x32xf32, #tpu.memory_space<vmem_shared>>
    tpu.enqueue_indirect_dma source(%dma_start3A_123 : memref<128x32xf32, #tpu.memory_space<vmem>>) target(%dma_start3A_129 : memref<10240x32xf32, #tpu.memory_space<vmem_shared>>) offsets(%dma_start3A_126 : memref<128xi32, #tpu.memory_space<vmem>>) semaphore(%arg18 : memref<!tpu.dma_semaphore, #tpu.memory_space<semaphore_mem>>) {add = true}
    %dma_wait3A_130 = arith.constant 0 : i32
    %dma_wait3A_131 = arith.constant 0 : i32
    %dma_wait3A_132 = arith.constant 0 : i32
    %dma_wait3A_133 = arith.constant 0 : i32
    %dma_wait3A_134 = tpu.memref_slice %arg9[%dma_wait3A_130, %dma_wait3A_132, %dma_wait3A_133] : memref<4x128x32xf32, #tpu.memory_space<vmem>> -> memref<1x128x32xf32, #tpu.memory_space<vmem>>
    %dma_wait3A_135 = tpu.memref_squeeze %dma_wait3A_134 : memref<1x128x32xf32, #tpu.memory_space<vmem>> -> memref<128x32xf32, #tpu.memory_space<vmem>>
    %dma_wait3A_136 = arith.constant 0 : i32
    %dma_wait3A_137 = tpu.memref_slice %arg8[%dma_wait3A_131, %dma_wait3A_136] : memref<160x128xi32, #tpu.memory_space<vmem>> -> memref<1x128xi32, #tpu.memory_space<vmem>>
    %dma_wait3A_138 = tpu.memref_squeeze %dma_wait3A_137 : memref<1x128xi32, #tpu.memory_space<vmem>> -> memref<128xi32, #tpu.memory_space<vmem>>
    %dma_wait3A_139 = arith.constant 0 : i32
    %dma_wait3A_140 = arith.constant 0 : i32
    %dma_wait3A_141 = tpu.memref_slice %arg10[%dma_wait3A_139, %dma_wait3A_140] : memref<10240x32xf32, #tpu.memory_space<vmem_shared>> -> memref<10240x32xf32, #tpu.memory_space<vmem_shared>>
    tpu.wait_indirect_dma semaphore(%arg16 : memref<!tpu.dma_semaphore, #tpu.memory_space<semaphore_mem>>) src(%dma_wait3A_135 : memref<128x32xf32, #tpu.memory_space<vmem>>) dst(%dma_wait3A_141 : memref<10240x32xf32, #tpu.memory_space<vmem_shared>>)
    %dma_start3A_142 = arith.constant 4 : i32
    %dma_start3A_143 = arith.constant 0 : i32
    %dma_start3A_144 = arith.constant 0 : i32
    %dma_start3A_145 = arith.constant 0 : i32
    %dma_start3A_146 = tpu.memref_slice %arg9[%dma_start3A_143, %dma_start3A_144, %dma_start3A_145] : memref<4x128x32xf32, #tpu.memory_space<vmem>> -> memref<1x128x32xf32, #tpu.memory_space<vmem>>
    %dma_start3A_147 = tpu.memref_squeeze %dma_start3A_146 : memref<1x128x32xf32, #tpu.memory_space<vmem>> -> memref<128x32xf32, #tpu.memory_space<vmem>>
    %dma_start3A_148 = arith.constant 0 : i32
    %dma_start3A_149 = tpu.memref_slice %arg7[%dma_start3A_142, %dma_start3A_148] : memref<160x128xi32, #tpu.memory_space<vmem>> -> memref<1x128xi32, #tpu.memory_space<vmem>>
    %dma_start3A_150 = tpu.memref_squeeze %dma_start3A_149 : memref<1x128xi32, #tpu.memory_space<vmem>> -> memref<128xi32, #tpu.memory_space<vmem>>
    %dma_start3A_151 = arith.constant 0 : i32
    %dma_start3A_152 = arith.constant 0 : i32
    %dma_start3A_153 = tpu.memref_slice %arg11[%dma_start3A_151, %dma_start3A_152] : memref<10240x32xf32, #tpu.memory_space<vmem_shared>> -> memref<10240x32xf32, #tpu.memory_space<vmem_shared>>
    tpu.enqueue_indirect_dma source(%dma_start3A_153 : memref<10240x32xf32, #tpu.memory_space<vmem_shared>>) target(%dma_start3A_147 : memref<128x32xf32, #tpu.memory_space<vmem>>) offsets(%dma_start3A_150 : memref<128xi32, #tpu.memory_space<vmem>>) semaphore(%arg12 : memref<!tpu.dma_semaphore, #tpu.memory_space<semaphore_mem>>)
    %dma_wait3A_154 = arith.constant 3 : i32
    %dma_wait3A_155 = arith.constant 3 : i32
    %dma_wait3A_156 = arith.constant 0 : i32
    %dma_wait3A_157 = arith.constant 0 : i32
    %dma_wait3A_158 = tpu.memref_slice %arg9[%dma_wait3A_155, %dma_wait3A_156, %dma_wait3A_157] : memref<4x128x32xf32, #tpu.memory_space<vmem>> -> memref<1x128x32xf32, #tpu.memory_space<vmem>>
    %dma_wait3A_159 = tpu.memref_squeeze %dma_wait3A_158 : memref<1x128x32xf32, #tpu.memory_space<vmem>> -> memref<128x32xf32, #tpu.memory_space<vmem>>
    %dma_wait3A_160 = arith.constant 0 : i32
    %dma_wait3A_161 = tpu.memref_slice %arg7[%dma_wait3A_154, %dma_wait3A_160] : memref<160x128xi32, #tpu.memory_space<vmem>> -> memref<1x128xi32, #tpu.memory_space<vmem>>
    %dma_wait3A_162 = tpu.memref_squeeze %dma_wait3A_161 : memref<1x128xi32, #tpu.memory_space<vmem>> -> memref<128xi32, #tpu.memory_space<vmem>>
    %dma_wait3A_163 = arith.constant 0 : i32
    %dma_wait3A_164 = arith.constant 0 : i32
    %dma_wait3A_165 = tpu.memref_slice %arg11[%dma_wait3A_163, %dma_wait3A_164] : memref<10240x32xf32, #tpu.memory_space<vmem_shared>> -> memref<10240x32xf32, #tpu.memory_space<vmem_shared>>
    tpu.wait_indirect_dma semaphore(%arg15 : memref<!tpu.dma_semaphore, #tpu.memory_space<semaphore_mem>>) src(%dma_wait3A_165 : memref<10240x32xf32, #tpu.memory_space<vmem_shared>>) dst(%dma_wait3A_159 : memref<128x32xf32, #tpu.memory_space<vmem>>)
    %dma_start3A_166 = arith.constant 3 : i32
    %dma_start3A_167 = arith.constant 3 : i32
    %dma_start3A_168 = arith.constant 0 : i32
    %dma_start3A_169 = arith.constant 0 : i32
    %dma_start3A_170 = tpu.memref_slice %arg9[%dma_start3A_166, %dma_start3A_168, %dma_start3A_169] : memref<4x128x32xf32, #tpu.memory_space<vmem>> -> memref<1x128x32xf32, #tpu.memory_space<vmem>>
    %dma_start3A_171 = tpu.memref_squeeze %dma_start3A_170 : memref<1x128x32xf32, #tpu.memory_space<vmem>> -> memref<128x32xf32, #tpu.memory_space<vmem>>
    %dma_start3A_172 = arith.constant 0 : i32
    %dma_start3A_173 = tpu.memref_slice %arg8[%dma_start3A_167, %dma_start3A_172] : memref<160x128xi32, #tpu.memory_space<vmem>> -> memref<1x128xi32, #tpu.memory_space<vmem>>
    %dma_start3A_174 = tpu.memref_squeeze %dma_start3A_173 : memref<1x128xi32, #tpu.memory_space<vmem>> -> memref<128xi32, #tpu.memory_space<vmem>>
    %dma_start3A_175 = arith.constant 0 : i32
    %dma_start3A_176 = arith.constant 0 : i32
    %dma_start3A_177 = tpu.memref_slice %arg10[%dma_start3A_175, %dma_start3A_176] : memref<10240x32xf32, #tpu.memory_space<vmem_shared>> -> memref<10240x32xf32, #tpu.memory_space<vmem_shared>>
    tpu.enqueue_indirect_dma source(%dma_start3A_171 : memref<128x32xf32, #tpu.memory_space<vmem>>) target(%dma_start3A_177 : memref<10240x32xf32, #tpu.memory_space<vmem_shared>>) offsets(%dma_start3A_174 : memref<128xi32, #tpu.memory_space<vmem>>) semaphore(%arg19 : memref<!tpu.dma_semaphore, #tpu.memory_space<semaphore_mem>>) {add = true}
    %dma_wait3A_178 = arith.constant 1 : i32
    %dma_wait3A_179 = arith.constant 1 : i32
    %dma_wait3A_180 = arith.constant 0 : i32
    %dma_wait3A_181 = arith.constant 0 : i32
    %dma_wait3A_182 = tpu.memref_slice %arg9[%dma_wait3A_178, %dma_wait3A_180, %dma_wait3A_181] : memref<4x128x32xf32, #tpu.memory_space<vmem>> -> memref<1x128x32xf32, #tpu.memory_space<vmem>>
    %dma_wait3A_183 = tpu.memref_squeeze %dma_wait3A_182 : memref<1x128x32xf32, #tpu.memory_space<vmem>> -> memref<128x32xf32, #tpu.memory_space<vmem>>
    %dma_wait3A_184 = arith.constant 0 : i32
    %dma_wait3A_185 = tpu.memref_slice %arg8[%dma_wait3A_179, %dma_wait3A_184] : memref<160x128xi32, #tpu.memory_space<vmem>> -> memref<1x128xi32, #tpu.memory_space<vmem>>
    %dma_wait3A_186 = tpu.memref_squeeze %dma_wait3A_185 : memref<1x128xi32, #tpu.memory_space<vmem>> -> memref<128xi32, #tpu.memory_space<vmem>>
    %dma_wait3A_187 = arith.constant 0 : i32
    %dma_wait3A_188 = arith.constant 0 : i32
    %dma_wait3A_189 = tpu.memref_slice %arg10[%dma_wait3A_187, %dma_wait3A_188] : memref<10240x32xf32, #tpu.memory_space<vmem_shared>> -> memref<10240x32xf32, #tpu.memory_space<vmem_shared>>
    tpu.wait_indirect_dma semaphore(%arg17 : memref<!tpu.dma_semaphore, #tpu.memory_space<semaphore_mem>>) src(%dma_wait3A_183 : memref<128x32xf32, #tpu.memory_space<vmem>>) dst(%dma_wait3A_189 : memref<10240x32xf32, #tpu.memory_space<vmem_shared>>)
    %dma_start3A_190 = arith.constant 5 : i32
    %dma_start3A_191 = arith.constant 1 : i32
    %dma_start3A_192 = arith.constant 0 : i32
    %dma_start3A_193 = arith.constant 0 : i32
    %dma_start3A_194 = tpu.memref_slice %arg9[%dma_start3A_191, %dma_start3A_192, %dma_start3A_193] : memref<4x128x32xf32, #tpu.memory_space<vmem>> -> memref<1x128x32xf32, #tpu.memory_space<vmem>>
    %dma_start3A_195 = tpu.memref_squeeze %dma_start3A_194 : memref<1x128x32xf32, #tpu.memory_space<vmem>> -> memref<128x32xf32, #tpu.memory_space<vmem>>
    %dma_start3A_196 = arith.constant 0 : i32
    %dma_start3A_197 = tpu.memref_slice %arg7[%dma_start3A_190, %dma_start3A_196] : memref<160x128xi32, #tpu.memory_space<vmem>> -> memref<1x128xi32, #tpu.memory_space<vmem>>
    %dma_start3A_198 = tpu.memref_squeeze %dma_start3A_197 : memref<1x128xi32, #tpu.memory_space<vmem>> -> memref<128xi32, #tpu.memory_space<vmem>>
    %dma_start3A_199 = arith.constant 0 : i32
    %dma_start3A_200 = arith.constant 0 : i32
    %dma_start3A_201 = tpu.memref_slice %arg11[%dma_start3A_199, %dma_start3A_200] : memref<10240x32xf32, #tpu.memory_space<vmem_shared>> -> memref<10240x32xf32, #tpu.memory_space<vmem_shared>>
    tpu.enqueue_indirect_dma source(%dma_start3A_201 : memref<10240x32xf32, #tpu.memory_space<vmem_shared>>) target(%dma_start3A_195 : memref<128x32xf32, #tpu.memory_space<vmem>>) offsets(%dma_start3A_198 : memref<128xi32, #tpu.memory_space<vmem>>) semaphore(%arg13 : memref<!tpu.dma_semaphore, #tpu.memory_space<semaphore_mem>>)
    %sub3A = arith.constant 1 : i32
    %sub3A_202 = arith.subi %select_n3A_8, %sub3A : i32
    %while3A = arith.constant 1 : i32
    %while3A_203 = arith.subi %sub3A_202, %while3A : i32
    %while3A_204 = arith.addi %while3A, %while3A_203 : i32
    %while3A_205 = arith.constant 1 : i32
    %while3A_206 = arith.divsi %while3A_203, %while3A_205 : i32
    %while3A_207 = arith.muli %while3A_206, %while3A_205 : i32
    %while3A_208 = arith.addi %while3A, %while3A_207 : i32
    %while3A_209 = arith.constant 1 : i32
    scf.for %while3A_416 = %while3A to %while3A_208 step %while3A_209  : i32 {
      %mul3A_417 = arith.constant 4 : i32
      %mul3A_418 = arith.muli %while3A_416, %mul3A_417 : i32
      %add3A_419 = arith.constant 0 : i32
      %add3A_420 = arith.addi %mul3A_418, %add3A_419 : i32
      %dma_wait3A_421 = arith.constant 0 : i32
      %dma_wait3A_422 = arith.constant 0 : i32
      %dma_wait3A_423 = arith.constant 0 : i32
      %dma_wait3A_424 = tpu.memref_slice %arg9[%dma_wait3A_421, %dma_wait3A_422, %dma_wait3A_423] : memref<4x128x32xf32, #tpu.memory_space<vmem>> -> memref<1x128x32xf32, #tpu.memory_space<vmem>>
      %dma_wait3A_425 = tpu.memref_squeeze %dma_wait3A_424 : memref<1x128x32xf32, #tpu.memory_space<vmem>> -> memref<128x32xf32, #tpu.memory_space<vmem>>
      %dma_wait3A_426 = arith.constant 0 : i32
      %dma_wait3A_427 = tpu.memref_slice %arg7[%add3A_420, %dma_wait3A_426] : memref<160x128xi32, #tpu.memory_space<vmem>> -> memref<1x128xi32, #tpu.memory_space<vmem>>
      %dma_wait3A_428 = tpu.memref_squeeze %dma_wait3A_427 : memref<1x128xi32, #tpu.memory_space<vmem>> -> memref<128xi32, #tpu.memory_space<vmem>>
      %dma_wait3A_429 = arith.constant 0 : i32
      %dma_wait3A_430 = arith.constant 0 : i32
      %dma_wait3A_431 = tpu.memref_slice %arg11[%dma_wait3A_429, %dma_wait3A_430] : memref<10240x32xf32, #tpu.memory_space<vmem_shared>> -> memref<10240x32xf32, #tpu.memory_space<vmem_shared>>
      tpu.wait_indirect_dma semaphore(%arg12 : memref<!tpu.dma_semaphore, #tpu.memory_space<semaphore_mem>>) src(%dma_wait3A_431 : memref<10240x32xf32, #tpu.memory_space<vmem_shared>>) dst(%dma_wait3A_425 : memref<128x32xf32, #tpu.memory_space<vmem>>)
      %dma_start3A_432 = arith.constant 0 : i32
      %dma_start3A_433 = arith.constant 0 : i32
      %dma_start3A_434 = arith.constant 0 : i32
      %dma_start3A_435 = tpu.memref_slice %arg9[%dma_start3A_432, %dma_start3A_433, %dma_start3A_434] : memref<4x128x32xf32, #tpu.memory_space<vmem>> -> memref<1x128x32xf32, #tpu.memory_space<vmem>>
      %dma_start3A_436 = tpu.memref_squeeze %dma_start3A_435 : memref<1x128x32xf32, #tpu.memory_space<vmem>> -> memref<128x32xf32, #tpu.memory_space<vmem>>
      %dma_start3A_437 = arith.constant 0 : i32
      %dma_start3A_438 = tpu.memref_slice %arg8[%add3A_420, %dma_start3A_437] : memref<160x128xi32, #tpu.memory_space<vmem>> -> memref<1x128xi32, #tpu.memory_space<vmem>>
      %dma_start3A_439 = tpu.memref_squeeze %dma_start3A_438 : memref<1x128xi32, #tpu.memory_space<vmem>> -> memref<128xi32, #tpu.memory_space<vmem>>
      %dma_start3A_440 = arith.constant 0 : i32
      %dma_start3A_441 = arith.constant 0 : i32
      %dma_start3A_442 = tpu.memref_slice %arg10[%dma_start3A_440, %dma_start3A_441] : memref<10240x32xf32, #tpu.memory_space<vmem_shared>> -> memref<10240x32xf32, #tpu.memory_space<vmem_shared>>
      tpu.enqueue_indirect_dma source(%dma_start3A_436 : memref<128x32xf32, #tpu.memory_space<vmem>>) target(%dma_start3A_442 : memref<10240x32xf32, #tpu.memory_space<vmem_shared>>) offsets(%dma_start3A_439 : memref<128xi32, #tpu.memory_space<vmem>>) semaphore(%arg16 : memref<!tpu.dma_semaphore, #tpu.memory_space<semaphore_mem>>) {add = true}
      %sub3A_443 = arith.constant 2 : i32
      %sub3A_444 = arith.subi %add3A_420, %sub3A_443 : i32
      %dma_wait3A_445 = arith.constant 2 : i32
      %dma_wait3A_446 = arith.constant 0 : i32
      %dma_wait3A_447 = arith.constant 0 : i32
      %dma_wait3A_448 = tpu.memref_slice %arg9[%dma_wait3A_445, %dma_wait3A_446, %dma_wait3A_447] : memref<4x128x32xf32, #tpu.memory_space<vmem>> -> memref<1x128x32xf32, #tpu.memory_space<vmem>>
      %dma_wait3A_449 = tpu.memref_squeeze %dma_wait3A_448 : memref<1x128x32xf32, #tpu.memory_space<vmem>> -> memref<128x32xf32, #tpu.memory_space<vmem>>
      %dma_wait3A_450 = arith.constant 0 : i32
      %dma_wait3A_451 = tpu.memref_slice %arg8[%sub3A_444, %dma_wait3A_450] : memref<160x128xi32, #tpu.memory_space<vmem>> -> memref<1x128xi32, #tpu.memory_space<vmem>>
      %dma_wait3A_452 = tpu.memref_squeeze %dma_wait3A_451 : memref<1x128xi32, #tpu.memory_space<vmem>> -> memref<128xi32, #tpu.memory_space<vmem>>
      %dma_wait3A_453 = arith.constant 0 : i32
      %dma_wait3A_454 = arith.constant 0 : i32
      %dma_wait3A_455 = tpu.memref_slice %arg10[%dma_wait3A_453, %dma_wait3A_454] : memref<10240x32xf32, #tpu.memory_space<vmem_shared>> -> memref<10240x32xf32, #tpu.memory_space<vmem_shared>>
      tpu.wait_indirect_dma semaphore(%arg18 : memref<!tpu.dma_semaphore, #tpu.memory_space<semaphore_mem>>) src(%dma_wait3A_449 : memref<128x32xf32, #tpu.memory_space<vmem>>) dst(%dma_wait3A_455 : memref<10240x32xf32, #tpu.memory_space<vmem_shared>>)
      %add3A_456 = arith.constant 2 : i32
      %add3A_457 = arith.addi %add3A_420, %add3A_456 : i32
      %dma_start3A_458 = arith.constant 2 : i32
      %dma_start3A_459 = arith.constant 0 : i32
      %dma_start3A_460 = arith.constant 0 : i32
      %dma_start3A_461 = tpu.memref_slice %arg9[%dma_start3A_458, %dma_start3A_459, %dma_start3A_460] : memref<4x128x32xf32, #tpu.memory_space<vmem>> -> memref<1x128x32xf32, #tpu.memory_space<vmem>>
      %dma_start3A_462 = tpu.memref_squeeze %dma_start3A_461 : memref<1x128x32xf32, #tpu.memory_space<vmem>> -> memref<128x32xf32, #tpu.memory_space<vmem>>
      %dma_start3A_463 = arith.constant 0 : i32
      %dma_start3A_464 = tpu.memref_slice %arg7[%add3A_457, %dma_start3A_463] : memref<160x128xi32, #tpu.memory_space<vmem>> -> memref<1x128xi32, #tpu.memory_space<vmem>>
      %dma_start3A_465 = tpu.memref_squeeze %dma_start3A_464 : memref<1x128xi32, #tpu.memory_space<vmem>> -> memref<128xi32, #tpu.memory_space<vmem>>
      %dma_start3A_466 = arith.constant 0 : i32
      %dma_start3A_467 = arith.constant 0 : i32
      %dma_start3A_468 = tpu.memref_slice %arg11[%dma_start3A_466, %dma_start3A_467] : memref<10240x32xf32, #tpu.memory_space<vmem_shared>> -> memref<10240x32xf32, #tpu.memory_space<vmem_shared>>
      tpu.enqueue_indirect_dma source(%dma_start3A_468 : memref<10240x32xf32, #tpu.memory_space<vmem_shared>>) target(%dma_start3A_462 : memref<128x32xf32, #tpu.memory_space<vmem>>) offsets(%dma_start3A_465 : memref<128xi32, #tpu.memory_space<vmem>>) semaphore(%arg14 : memref<!tpu.dma_semaphore, #tpu.memory_space<semaphore_mem>>)
      %mul3A_469 = arith.constant 4 : i32
      %mul3A_470 = arith.muli %while3A_416, %mul3A_469 : i32
      %add3A_471 = arith.constant 1 : i32
      %add3A_472 = arith.addi %mul3A_470, %add3A_471 : i32
      %dma_wait3A_473 = arith.constant 1 : i32
      %dma_wait3A_474 = arith.constant 0 : i32
      %dma_wait3A_475 = arith.constant 0 : i32
      %dma_wait3A_476 = tpu.memref_slice %arg9[%dma_wait3A_473, %dma_wait3A_474, %dma_wait3A_475] : memref<4x128x32xf32, #tpu.memory_space<vmem>> -> memref<1x128x32xf32, #tpu.memory_space<vmem>>
      %dma_wait3A_477 = tpu.memref_squeeze %dma_wait3A_476 : memref<1x128x32xf32, #tpu.memory_space<vmem>> -> memref<128x32xf32, #tpu.memory_space<vmem>>
      %dma_wait3A_478 = arith.constant 0 : i32
      %dma_wait3A_479 = tpu.memref_slice %arg7[%add3A_472, %dma_wait3A_478] : memref<160x128xi32, #tpu.memory_space<vmem>> -> memref<1x128xi32, #tpu.memory_space<vmem>>
      %dma_wait3A_480 = tpu.memref_squeeze %dma_wait3A_479 : memref<1x128xi32, #tpu.memory_space<vmem>> -> memref<128xi32, #tpu.memory_space<vmem>>
      %dma_wait3A_481 = arith.constant 0 : i32
      %dma_wait3A_482 = arith.constant 0 : i32
      %dma_wait3A_483 = tpu.memref_slice %arg11[%dma_wait3A_481, %dma_wait3A_482] : memref<10240x32xf32, #tpu.memory_space<vmem_shared>> -> memref<10240x32xf32, #tpu.memory_space<vmem_shared>>
      tpu.wait_indirect_dma semaphore(%arg13 : memref<!tpu.dma_semaphore, #tpu.memory_space<semaphore_mem>>) src(%dma_wait3A_483 : memref<10240x32xf32, #tpu.memory_space<vmem_shared>>) dst(%dma_wait3A_477 : memref<128x32xf32, #tpu.memory_space<vmem>>)
      %dma_start3A_484 = arith.constant 1 : i32
      %dma_start3A_485 = arith.constant 0 : i32
      %dma_start3A_486 = arith.constant 0 : i32
      %dma_start3A_487 = tpu.memref_slice %arg9[%dma_start3A_484, %dma_start3A_485, %dma_start3A_486] : memref<4x128x32xf32, #tpu.memory_space<vmem>> -> memref<1x128x32xf32, #tpu.memory_space<vmem>>
      %dma_start3A_488 = tpu.memref_squeeze %dma_start3A_487 : memref<1x128x32xf32, #tpu.memory_space<vmem>> -> memref<128x32xf32, #tpu.memory_space<vmem>>
      %dma_start3A_489 = arith.constant 0 : i32
      %dma_start3A_490 = tpu.memref_slice %arg8[%add3A_472, %dma_start3A_489] : memref<160x128xi32, #tpu.memory_space<vmem>> -> memref<1x128xi32, #tpu.memory_space<vmem>>
      %dma_start3A_491 = tpu.memref_squeeze %dma_start3A_490 : memref<1x128xi32, #tpu.memory_space<vmem>> -> memref<128xi32, #tpu.memory_space<vmem>>
      %dma_start3A_492 = arith.constant 0 : i32
      %dma_start3A_493 = arith.constant 0 : i32
      %dma_start3A_494 = tpu.memref_slice %arg10[%dma_start3A_492, %dma_start3A_493] : memref<10240x32xf32, #tpu.memory_space<vmem_shared>> -> memref<10240x32xf32, #tpu.memory_space<vmem_shared>>
      tpu.enqueue_indirect_dma source(%dma_start3A_488 : memref<128x32xf32, #tpu.memory_space<vmem>>) target(%dma_start3A_494 : memref<10240x32xf32, #tpu.memory_space<vmem_shared>>) offsets(%dma_start3A_491 : memref<128xi32, #tpu.memory_space<vmem>>) semaphore(%arg17 : memref<!tpu.dma_semaphore, #tpu.memory_space<semaphore_mem>>) {add = true}
      %sub3A_495 = arith.constant 2 : i32
      %sub3A_496 = arith.subi %add3A_472, %sub3A_495 : i32
      %dma_wait3A_497 = arith.constant 3 : i32
      %dma_wait3A_498 = arith.constant 0 : i32
      %dma_wait3A_499 = arith.constant 0 : i32
      %dma_wait3A_500 = tpu.memref_slice %arg9[%dma_wait3A_497, %dma_wait3A_498, %dma_wait3A_499] : memref<4x128x32xf32, #tpu.memory_space<vmem>> -> memref<1x128x32xf32, #tpu.memory_space<vmem>>
      %dma_wait3A_501 = tpu.memref_squeeze %dma_wait3A_500 : memref<1x128x32xf32, #tpu.memory_space<vmem>> -> memref<128x32xf32, #tpu.memory_space<vmem>>
      %dma_wait3A_502 = arith.constant 0 : i32
      %dma_wait3A_503 = tpu.memref_slice %arg8[%sub3A_496, %dma_wait3A_502] : memref<160x128xi32, #tpu.memory_space<vmem>> -> memref<1x128xi32, #tpu.memory_space<vmem>>
      %dma_wait3A_504 = tpu.memref_squeeze %dma_wait3A_503 : memref<1x128xi32, #tpu.memory_space<vmem>> -> memref<128xi32, #tpu.memory_space<vmem>>
      %dma_wait3A_505 = arith.constant 0 : i32
      %dma_wait3A_506 = arith.constant 0 : i32
      %dma_wait3A_507 = tpu.memref_slice %arg10[%dma_wait3A_505, %dma_wait3A_506] : memref<10240x32xf32, #tpu.memory_space<vmem_shared>> -> memref<10240x32xf32, #tpu.memory_space<vmem_shared>>
      tpu.wait_indirect_dma semaphore(%arg19 : memref<!tpu.dma_semaphore, #tpu.memory_space<semaphore_mem>>) src(%dma_wait3A_501 : memref<128x32xf32, #tpu.memory_space<vmem>>) dst(%dma_wait3A_507 : memref<10240x32xf32, #tpu.memory_space<vmem_shared>>)
      %add3A_508 = arith.constant 2 : i32
      %add3A_509 = arith.addi %add3A_472, %add3A_508 : i32
      %dma_start3A_510 = arith.constant 3 : i32
      %dma_start3A_511 = arith.constant 0 : i32
      %dma_start3A_512 = arith.constant 0 : i32
      %dma_start3A_513 = tpu.memref_slice %arg9[%dma_start3A_510, %dma_start3A_511, %dma_start3A_512] : memref<4x128x32xf32, #tpu.memory_space<vmem>> -> memref<1x128x32xf32, #tpu.memory_space<vmem>>
      %dma_start3A_514 = tpu.memref_squeeze %dma_start3A_513 : memref<1x128x32xf32, #tpu.memory_space<vmem>> -> memref<128x32xf32, #tpu.memory_space<vmem>>
      %dma_start3A_515 = arith.constant 0 : i32
      %dma_start3A_516 = tpu.memref_slice %arg7[%add3A_509, %dma_start3A_515] : memref<160x128xi32, #tpu.memory_space<vmem>> -> memref<1x128xi32, #tpu.memory_space<vmem>>
      %dma_start3A_517 = tpu.memref_squeeze %dma_start3A_516 : memref<1x128xi32, #tpu.memory_space<vmem>> -> memref<128xi32, #tpu.memory_space<vmem>>
      %dma_start3A_518 = arith.constant 0 : i32
      %dma_start3A_519 = arith.constant 0 : i32
      %dma_start3A_520 = tpu.memref_slice %arg11[%dma_start3A_518, %dma_start3A_519] : memref<10240x32xf32, #tpu.memory_space<vmem_shared>> -> memref<10240x32xf32, #tpu.memory_space<vmem_shared>>
      tpu.enqueue_indirect_dma source(%dma_start3A_520 : memref<10240x32xf32, #tpu.memory_space<vmem_shared>>) target(%dma_start3A_514 : memref<128x32xf32, #tpu.memory_space<vmem>>) offsets(%dma_start3A_517 : memref<128xi32, #tpu.memory_space<vmem>>) semaphore(%arg15 : memref<!tpu.dma_semaphore, #tpu.memory_space<semaphore_mem>>)
      %mul3A_521 = arith.constant 4 : i32
      %mul3A_522 = arith.muli %while3A_416, %mul3A_521 : i32
      %add3A_523 = arith.constant 2 : i32
      %add3A_524 = arith.addi %mul3A_522, %add3A_523 : i32
      %dma_wait3A_525 = arith.constant 2 : i32
      %dma_wait3A_526 = arith.constant 0 : i32
      %dma_wait3A_527 = arith.constant 0 : i32
      %dma_wait3A_528 = tpu.memref_slice %arg9[%dma_wait3A_525, %dma_wait3A_526, %dma_wait3A_527] : memref<4x128x32xf32, #tpu.memory_space<vmem>> -> memref<1x128x32xf32, #tpu.memory_space<vmem>>
      %dma_wait3A_529 = tpu.memref_squeeze %dma_wait3A_528 : memref<1x128x32xf32, #tpu.memory_space<vmem>> -> memref<128x32xf32, #tpu.memory_space<vmem>>
      %dma_wait3A_530 = arith.constant 0 : i32
      %dma_wait3A_531 = tpu.memref_slice %arg7[%add3A_524, %dma_wait3A_530] : memref<160x128xi32, #tpu.memory_space<vmem>> -> memref<1x128xi32, #tpu.memory_space<vmem>>
      %dma_wait3A_532 = tpu.memref_squeeze %dma_wait3A_531 : memref<1x128xi32, #tpu.memory_space<vmem>> -> memref<128xi32, #tpu.memory_space<vmem>>
      %dma_wait3A_533 = arith.constant 0 : i32
      %dma_wait3A_534 = arith.constant 0 : i32
      %dma_wait3A_535 = tpu.memref_slice %arg11[%dma_wait3A_533, %dma_wait3A_534] : memref<10240x32xf32, #tpu.memory_space<vmem_shared>> -> memref<10240x32xf32, #tpu.memory_space<vmem_shared>>
      tpu.wait_indirect_dma semaphore(%arg14 : memref<!tpu.dma_semaphore, #tpu.memory_space<semaphore_mem>>) src(%dma_wait3A_535 : memref<10240x32xf32, #tpu.memory_space<vmem_shared>>) dst(%dma_wait3A_529 : memref<128x32xf32, #tpu.memory_space<vmem>>)
      %dma_start3A_536 = arith.constant 2 : i32
      %dma_start3A_537 = arith.constant 0 : i32
      %dma_start3A_538 = arith.constant 0 : i32
      %dma_start3A_539 = tpu.memref_slice %arg9[%dma_start3A_536, %dma_start3A_537, %dma_start3A_538] : memref<4x128x32xf32, #tpu.memory_space<vmem>> -> memref<1x128x32xf32, #tpu.memory_space<vmem>>
      %dma_start3A_540 = tpu.memref_squeeze %dma_start3A_539 : memref<1x128x32xf32, #tpu.memory_space<vmem>> -> memref<128x32xf32, #tpu.memory_space<vmem>>
      %dma_start3A_541 = arith.constant 0 : i32
      %dma_start3A_542 = tpu.memref_slice %arg8[%add3A_524, %dma_start3A_541] : memref<160x128xi32, #tpu.memory_space<vmem>> -> memref<1x128xi32, #tpu.memory_space<vmem>>
      %dma_start3A_543 = tpu.memref_squeeze %dma_start3A_542 : memref<1x128xi32, #tpu.memory_space<vmem>> -> memref<128xi32, #tpu.memory_space<vmem>>
      %dma_start3A_544 = arith.constant 0 : i32
      %dma_start3A_545 = arith.constant 0 : i32
      %dma_start3A_546 = tpu.memref_slice %arg10[%dma_start3A_544, %dma_start3A_545] : memref<10240x32xf32, #tpu.memory_space<vmem_shared>> -> memref<10240x32xf32, #tpu.memory_space<vmem_shared>>
      tpu.enqueue_indirect_dma source(%dma_start3A_540 : memref<128x32xf32, #tpu.memory_space<vmem>>) target(%dma_start3A_546 : memref<10240x32xf32, #tpu.memory_space<vmem_shared>>) offsets(%dma_start3A_543 : memref<128xi32, #tpu.memory_space<vmem>>) semaphore(%arg18 : memref<!tpu.dma_semaphore, #tpu.memory_space<semaphore_mem>>) {add = true}
      %sub3A_547 = arith.constant 2 : i32
      %sub3A_548 = arith.subi %add3A_524, %sub3A_547 : i32
      %dma_wait3A_549 = arith.constant 0 : i32
      %dma_wait3A_550 = arith.constant 0 : i32
      %dma_wait3A_551 = arith.constant 0 : i32
      %dma_wait3A_552 = tpu.memref_slice %arg9[%dma_wait3A_549, %dma_wait3A_550, %dma_wait3A_551] : memref<4x128x32xf32, #tpu.memory_space<vmem>> -> memref<1x128x32xf32, #tpu.memory_space<vmem>>
      %dma_wait3A_553 = tpu.memref_squeeze %dma_wait3A_552 : memref<1x128x32xf32, #tpu.memory_space<vmem>> -> memref<128x32xf32, #tpu.memory_space<vmem>>
      %dma_wait3A_554 = arith.constant 0 : i32
      %dma_wait3A_555 = tpu.memref_slice %arg8[%sub3A_548, %dma_wait3A_554] : memref<160x128xi32, #tpu.memory_space<vmem>> -> memref<1x128xi32, #tpu.memory_space<vmem>>
      %dma_wait3A_556 = tpu.memref_squeeze %dma_wait3A_555 : memref<1x128xi32, #tpu.memory_space<vmem>> -> memref<128xi32, #tpu.memory_space<vmem>>
      %dma_wait3A_557 = arith.constant 0 : i32
      %dma_wait3A_558 = arith.constant 0 : i32
      %dma_wait3A_559 = tpu.memref_slice %arg10[%dma_wait3A_557, %dma_wait3A_558] : memref<10240x32xf32, #tpu.memory_space<vmem_shared>> -> memref<10240x32xf32, #tpu.memory_space<vmem_shared>>
      tpu.wait_indirect_dma semaphore(%arg16 : memref<!tpu.dma_semaphore, #tpu.memory_space<semaphore_mem>>) src(%dma_wait3A_553 : memref<128x32xf32, #tpu.memory_space<vmem>>) dst(%dma_wait3A_559 : memref<10240x32xf32, #tpu.memory_space<vmem_shared>>)
      %add3A_560 = arith.constant 2 : i32
      %add3A_561 = arith.addi %add3A_524, %add3A_560 : i32
      %dma_start3A_562 = arith.constant 0 : i32
      %dma_start3A_563 = arith.constant 0 : i32
      %dma_start3A_564 = arith.constant 0 : i32
      %dma_start3A_565 = tpu.memref_slice %arg9[%dma_start3A_562, %dma_start3A_563, %dma_start3A_564] : memref<4x128x32xf32, #tpu.memory_space<vmem>> -> memref<1x128x32xf32, #tpu.memory_space<vmem>>
      %dma_start3A_566 = tpu.memref_squeeze %dma_start3A_565 : memref<1x128x32xf32, #tpu.memory_space<vmem>> -> memref<128x32xf32, #tpu.memory_space<vmem>>
      %dma_start3A_567 = arith.constant 0 : i32
      %dma_start3A_568 = tpu.memref_slice %arg7[%add3A_561, %dma_start3A_567] : memref<160x128xi32, #tpu.memory_space<vmem>> -> memref<1x128xi32, #tpu.memory_space<vmem>>
      %dma_start3A_569 = tpu.memref_squeeze %dma_start3A_568 : memref<1x128xi32, #tpu.memory_space<vmem>> -> memref<128xi32, #tpu.memory_space<vmem>>
      %dma_start3A_570 = arith.constant 0 : i32
      %dma_start3A_571 = arith.constant 0 : i32
      %dma_start3A_572 = tpu.memref_slice %arg11[%dma_start3A_570, %dma_start3A_571] : memref<10240x32xf32, #tpu.memory_space<vmem_shared>> -> memref<10240x32xf32, #tpu.memory_space<vmem_shared>>
      tpu.enqueue_indirect_dma source(%dma_start3A_572 : memref<10240x32xf32, #tpu.memory_space<vmem_shared>>) target(%dma_start3A_566 : memref<128x32xf32, #tpu.memory_space<vmem>>) offsets(%dma_start3A_569 : memref<128xi32, #tpu.memory_space<vmem>>) semaphore(%arg12 : memref<!tpu.dma_semaphore, #tpu.memory_space<semaphore_mem>>)
      %mul3A_573 = arith.constant 4 : i32
      %mul3A_574 = arith.muli %while3A_416, %mul3A_573 : i32
      %add3A_575 = arith.constant 3 : i32
      %add3A_576 = arith.addi %mul3A_574, %add3A_575 : i32
      %dma_wait3A_577 = arith.constant 3 : i32
      %dma_wait3A_578 = arith.constant 0 : i32
      %dma_wait3A_579 = arith.constant 0 : i32
      %dma_wait3A_580 = tpu.memref_slice %arg9[%dma_wait3A_577, %dma_wait3A_578, %dma_wait3A_579] : memref<4x128x32xf32, #tpu.memory_space<vmem>> -> memref<1x128x32xf32, #tpu.memory_space<vmem>>
      %dma_wait3A_581 = tpu.memref_squeeze %dma_wait3A_580 : memref<1x128x32xf32, #tpu.memory_space<vmem>> -> memref<128x32xf32, #tpu.memory_space<vmem>>
      %dma_wait3A_582 = arith.constant 0 : i32
      %dma_wait3A_583 = tpu.memref_slice %arg7[%add3A_576, %dma_wait3A_582] : memref<160x128xi32, #tpu.memory_space<vmem>> -> memref<1x128xi32, #tpu.memory_space<vmem>>
      %dma_wait3A_584 = tpu.memref_squeeze %dma_wait3A_583 : memref<1x128xi32, #tpu.memory_space<vmem>> -> memref<128xi32, #tpu.memory_space<vmem>>
      %dma_wait3A_585 = arith.constant 0 : i32
      %dma_wait3A_586 = arith.constant 0 : i32
      %dma_wait3A_587 = tpu.memref_slice %arg11[%dma_wait3A_585, %dma_wait3A_586] : memref<10240x32xf32, #tpu.memory_space<vmem_shared>> -> memref<10240x32xf32, #tpu.memory_space<vmem_shared>>
      tpu.wait_indirect_dma semaphore(%arg15 : memref<!tpu.dma_semaphore, #tpu.memory_space<semaphore_mem>>) src(%dma_wait3A_587 : memref<10240x32xf32, #tpu.memory_space<vmem_shared>>) dst(%dma_wait3A_581 : memref<128x32xf32, #tpu.memory_space<vmem>>)
      %dma_start3A_588 = arith.constant 3 : i32
      %dma_start3A_589 = arith.constant 0 : i32
      %dma_start3A_590 = arith.constant 0 : i32
      %dma_start3A_591 = tpu.memref_slice %arg9[%dma_start3A_588, %dma_start3A_589, %dma_start3A_590] : memref<4x128x32xf32, #tpu.memory_space<vmem>> -> memref<1x128x32xf32, #tpu.memory_space<vmem>>
      %dma_start3A_592 = tpu.memref_squeeze %dma_start3A_591 : memref<1x128x32xf32, #tpu.memory_space<vmem>> -> memref<128x32xf32, #tpu.memory_space<vmem>>
      %dma_start3A_593 = arith.constant 0 : i32
      %dma_start3A_594 = tpu.memref_slice %arg8[%add3A_576, %dma_start3A_593] : memref<160x128xi32, #tpu.memory_space<vmem>> -> memref<1x128xi32, #tpu.memory_space<vmem>>
      %dma_start3A_595 = tpu.memref_squeeze %dma_start3A_594 : memref<1x128xi32, #tpu.memory_space<vmem>> -> memref<128xi32, #tpu.memory_space<vmem>>
      %dma_start3A_596 = arith.constant 0 : i32
      %dma_start3A_597 = arith.constant 0 : i32
      %dma_start3A_598 = tpu.memref_slice %arg10[%dma_start3A_596, %dma_start3A_597] : memref<10240x32xf32, #tpu.memory_space<vmem_shared>> -> memref<10240x32xf32, #tpu.memory_space<vmem_shared>>
      tpu.enqueue_indirect_dma source(%dma_start3A_592 : memref<128x32xf32, #tpu.memory_space<vmem>>) target(%dma_start3A_598 : memref<10240x32xf32, #tpu.memory_space<vmem_shared>>) offsets(%dma_start3A_595 : memref<128xi32, #tpu.memory_space<vmem>>) semaphore(%arg19 : memref<!tpu.dma_semaphore, #tpu.memory_space<semaphore_mem>>) {add = true}
      %sub3A_599 = arith.constant 2 : i32
      %sub3A_600 = arith.subi %add3A_576, %sub3A_599 : i32
      %dma_wait3A_601 = arith.constant 1 : i32
      %dma_wait3A_602 = arith.constant 0 : i32
      %dma_wait3A_603 = arith.constant 0 : i32
      %dma_wait3A_604 = tpu.memref_slice %arg9[%dma_wait3A_601, %dma_wait3A_602, %dma_wait3A_603] : memref<4x128x32xf32, #tpu.memory_space<vmem>> -> memref<1x128x32xf32, #tpu.memory_space<vmem>>
      %dma_wait3A_605 = tpu.memref_squeeze %dma_wait3A_604 : memref<1x128x32xf32, #tpu.memory_space<vmem>> -> memref<128x32xf32, #tpu.memory_space<vmem>>
      %dma_wait3A_606 = arith.constant 0 : i32
      %dma_wait3A_607 = tpu.memref_slice %arg8[%sub3A_600, %dma_wait3A_606] : memref<160x128xi32, #tpu.memory_space<vmem>> -> memref<1x128xi32, #tpu.memory_space<vmem>>
      %dma_wait3A_608 = tpu.memref_squeeze %dma_wait3A_607 : memref<1x128xi32, #tpu.memory_space<vmem>> -> memref<128xi32, #tpu.memory_space<vmem>>
      %dma_wait3A_609 = arith.constant 0 : i32
      %dma_wait3A_610 = arith.constant 0 : i32
      %dma_wait3A_611 = tpu.memref_slice %arg10[%dma_wait3A_609, %dma_wait3A_610] : memref<10240x32xf32, #tpu.memory_space<vmem_shared>> -> memref<10240x32xf32, #tpu.memory_space<vmem_shared>>
      tpu.wait_indirect_dma semaphore(%arg17 : memref<!tpu.dma_semaphore, #tpu.memory_space<semaphore_mem>>) src(%dma_wait3A_605 : memref<128x32xf32, #tpu.memory_space<vmem>>) dst(%dma_wait3A_611 : memref<10240x32xf32, #tpu.memory_space<vmem_shared>>)
      %add3A_612 = arith.constant 2 : i32
      %add3A_613 = arith.addi %add3A_576, %add3A_612 : i32
      %dma_start3A_614 = arith.constant 1 : i32
      %dma_start3A_615 = arith.constant 0 : i32
      %dma_start3A_616 = arith.constant 0 : i32
      %dma_start3A_617 = tpu.memref_slice %arg9[%dma_start3A_614, %dma_start3A_615, %dma_start3A_616] : memref<4x128x32xf32, #tpu.memory_space<vmem>> -> memref<1x128x32xf32, #tpu.memory_space<vmem>>
      %dma_start3A_618 = tpu.memref_squeeze %dma_start3A_617 : memref<1x128x32xf32, #tpu.memory_space<vmem>> -> memref<128x32xf32, #tpu.memory_space<vmem>>
      %dma_start3A_619 = arith.constant 0 : i32
      %dma_start3A_620 = tpu.memref_slice %arg7[%add3A_613, %dma_start3A_619] : memref<160x128xi32, #tpu.memory_space<vmem>> -> memref<1x128xi32, #tpu.memory_space<vmem>>
      %dma_start3A_621 = tpu.memref_squeeze %dma_start3A_620 : memref<1x128xi32, #tpu.memory_space<vmem>> -> memref<128xi32, #tpu.memory_space<vmem>>
      %dma_start3A_622 = arith.constant 0 : i32
      %dma_start3A_623 = arith.constant 0 : i32
      %dma_start3A_624 = tpu.memref_slice %arg11[%dma_start3A_622, %dma_start3A_623] : memref<10240x32xf32, #tpu.memory_space<vmem_shared>> -> memref<10240x32xf32, #tpu.memory_space<vmem_shared>>
      tpu.enqueue_indirect_dma source(%dma_start3A_624 : memref<10240x32xf32, #tpu.memory_space<vmem_shared>>) target(%dma_start3A_618 : memref<128x32xf32, #tpu.memory_space<vmem>>) offsets(%dma_start3A_621 : memref<128xi32, #tpu.memory_space<vmem>>) semaphore(%arg13 : memref<!tpu.dma_semaphore, #tpu.memory_space<semaphore_mem>>)
    }
    %while3A_210 = arith.constant 1 : i32
    scf.for %while3A_416 = %while3A_208 to %while3A_204 step %while3A_210  : i32 {
      %mul3A_417 = arith.constant 4 : i32
      %mul3A_418 = arith.muli %while3A_416, %mul3A_417 : i32
      %add3A_419 = arith.constant 0 : i32
      %add3A_420 = arith.addi %mul3A_418, %add3A_419 : i32
      %dma_wait3A_421 = arith.constant 0 : i32
      %dma_wait3A_422 = arith.constant 0 : i32
      %dma_wait3A_423 = arith.constant 0 : i32
      %dma_wait3A_424 = tpu.memref_slice %arg9[%dma_wait3A_421, %dma_wait3A_422, %dma_wait3A_423] : memref<4x128x32xf32, #tpu.memory_space<vmem>> -> memref<1x128x32xf32, #tpu.memory_space<vmem>>
      %dma_wait3A_425 = tpu.memref_squeeze %dma_wait3A_424 : memref<1x128x32xf32, #tpu.memory_space<vmem>> -> memref<128x32xf32, #tpu.memory_space<vmem>>
      %dma_wait3A_426 = arith.constant 0 : i32
      %dma_wait3A_427 = tpu.memref_slice %arg7[%add3A_420, %dma_wait3A_426] : memref<160x128xi32, #tpu.memory_space<vmem>> -> memref<1x128xi32, #tpu.memory_space<vmem>>
      %dma_wait3A_428 = tpu.memref_squeeze %dma_wait3A_427 : memref<1x128xi32, #tpu.memory_space<vmem>> -> memref<128xi32, #tpu.memory_space<vmem>>
      %dma_wait3A_429 = arith.constant 0 : i32
      %dma_wait3A_430 = arith.constant 0 : i32
      %dma_wait3A_431 = tpu.memref_slice %arg11[%dma_wait3A_429, %dma_wait3A_430] : memref<10240x32xf32, #tpu.memory_space<vmem_shared>> -> memref<10240x32xf32, #tpu.memory_space<vmem_shared>>
      tpu.wait_indirect_dma semaphore(%arg12 : memref<!tpu.dma_semaphore, #tpu.memory_space<semaphore_mem>>) src(%dma_wait3A_431 : memref<10240x32xf32, #tpu.memory_space<vmem_shared>>) dst(%dma_wait3A_425 : memref<128x32xf32, #tpu.memory_space<vmem>>)
      %dma_start3A_432 = arith.constant 0 : i32
      %dma_start3A_433 = arith.constant 0 : i32
      %dma_start3A_434 = arith.constant 0 : i32
      %dma_start3A_435 = tpu.memref_slice %arg9[%dma_start3A_432, %dma_start3A_433, %dma_start3A_434] : memref<4x128x32xf32, #tpu.memory_space<vmem>> -> memref<1x128x32xf32, #tpu.memory_space<vmem>>
      %dma_start3A_436 = tpu.memref_squeeze %dma_start3A_435 : memref<1x128x32xf32, #tpu.memory_space<vmem>> -> memref<128x32xf32, #tpu.memory_space<vmem>>
      %dma_start3A_437 = arith.constant 0 : i32
      %dma_start3A_438 = tpu.memref_slice %arg8[%add3A_420, %dma_start3A_437] : memref<160x128xi32, #tpu.memory_space<vmem>> -> memref<1x128xi32, #tpu.memory_space<vmem>>
      %dma_start3A_439 = tpu.memref_squeeze %dma_start3A_438 : memref<1x128xi32, #tpu.memory_space<vmem>> -> memref<128xi32, #tpu.memory_space<vmem>>
      %dma_start3A_440 = arith.constant 0 : i32
      %dma_start3A_441 = arith.constant 0 : i32
      %dma_start3A_442 = tpu.memref_slice %arg10[%dma_start3A_440, %dma_start3A_441] : memref<10240x32xf32, #tpu.memory_space<vmem_shared>> -> memref<10240x32xf32, #tpu.memory_space<vmem_shared>>
      tpu.enqueue_indirect_dma source(%dma_start3A_436 : memref<128x32xf32, #tpu.memory_space<vmem>>) target(%dma_start3A_442 : memref<10240x32xf32, #tpu.memory_space<vmem_shared>>) offsets(%dma_start3A_439 : memref<128xi32, #tpu.memory_space<vmem>>) semaphore(%arg16 : memref<!tpu.dma_semaphore, #tpu.memory_space<semaphore_mem>>) {add = true}
      %sub3A_443 = arith.constant 2 : i32
      %sub3A_444 = arith.subi %add3A_420, %sub3A_443 : i32
      %dma_wait3A_445 = arith.constant 2 : i32
      %dma_wait3A_446 = arith.constant 0 : i32
      %dma_wait3A_447 = arith.constant 0 : i32
      %dma_wait3A_448 = tpu.memref_slice %arg9[%dma_wait3A_445, %dma_wait3A_446, %dma_wait3A_447] : memref<4x128x32xf32, #tpu.memory_space<vmem>> -> memref<1x128x32xf32, #tpu.memory_space<vmem>>
      %dma_wait3A_449 = tpu.memref_squeeze %dma_wait3A_448 : memref<1x128x32xf32, #tpu.memory_space<vmem>> -> memref<128x32xf32, #tpu.memory_space<vmem>>
      %dma_wait3A_450 = arith.constant 0 : i32
      %dma_wait3A_451 = tpu.memref_slice %arg8[%sub3A_444, %dma_wait3A_450] : memref<160x128xi32, #tpu.memory_space<vmem>> -> memref<1x128xi32, #tpu.memory_space<vmem>>
      %dma_wait3A_452 = tpu.memref_squeeze %dma_wait3A_451 : memref<1x128xi32, #tpu.memory_space<vmem>> -> memref<128xi32, #tpu.memory_space<vmem>>
      %dma_wait3A_453 = arith.constant 0 : i32
      %dma_wait3A_454 = arith.constant 0 : i32
      %dma_wait3A_455 = tpu.memref_slice %arg10[%dma_wait3A_453, %dma_wait3A_454] : memref<10240x32xf32, #tpu.memory_space<vmem_shared>> -> memref<10240x32xf32, #tpu.memory_space<vmem_shared>>
      tpu.wait_indirect_dma semaphore(%arg18 : memref<!tpu.dma_semaphore, #tpu.memory_space<semaphore_mem>>) src(%dma_wait3A_449 : memref<128x32xf32, #tpu.memory_space<vmem>>) dst(%dma_wait3A_455 : memref<10240x32xf32, #tpu.memory_space<vmem_shared>>)
      %add3A_456 = arith.constant 2 : i32
      %add3A_457 = arith.addi %add3A_420, %add3A_456 : i32
      %dma_start3A_458 = arith.constant 2 : i32
      %dma_start3A_459 = arith.constant 0 : i32
      %dma_start3A_460 = arith.constant 0 : i32
      %dma_start3A_461 = tpu.memref_slice %arg9[%dma_start3A_458, %dma_start3A_459, %dma_start3A_460] : memref<4x128x32xf32, #tpu.memory_space<vmem>> -> memref<1x128x32xf32, #tpu.memory_space<vmem>>
      %dma_start3A_462 = tpu.memref_squeeze %dma_start3A_461 : memref<1x128x32xf32, #tpu.memory_space<vmem>> -> memref<128x32xf32, #tpu.memory_space<vmem>>
      %dma_start3A_463 = arith.constant 0 : i32
      %dma_start3A_464 = tpu.memref_slice %arg7[%add3A_457, %dma_start3A_463] : memref<160x128xi32, #tpu.memory_space<vmem>> -> memref<1x128xi32, #tpu.memory_space<vmem>>
      %dma_start3A_465 = tpu.memref_squeeze %dma_start3A_464 : memref<1x128xi32, #tpu.memory_space<vmem>> -> memref<128xi32, #tpu.memory_space<vmem>>
      %dma_start3A_466 = arith.constant 0 : i32
      %dma_start3A_467 = arith.constant 0 : i32
      %dma_start3A_468 = tpu.memref_slice %arg11[%dma_start3A_466, %dma_start3A_467] : memref<10240x32xf32, #tpu.memory_space<vmem_shared>> -> memref<10240x32xf32, #tpu.memory_space<vmem_shared>>
      tpu.enqueue_indirect_dma source(%dma_start3A_468 : memref<10240x32xf32, #tpu.memory_space<vmem_shared>>) target(%dma_start3A_462 : memref<128x32xf32, #tpu.memory_space<vmem>>) offsets(%dma_start3A_465 : memref<128xi32, #tpu.memory_space<vmem>>) semaphore(%arg14 : memref<!tpu.dma_semaphore, #tpu.memory_space<semaphore_mem>>)
      %mul3A_469 = arith.constant 4 : i32
      %mul3A_470 = arith.muli %while3A_416, %mul3A_469 : i32
      %add3A_471 = arith.constant 1 : i32
      %add3A_472 = arith.addi %mul3A_470, %add3A_471 : i32
      %dma_wait3A_473 = arith.constant 1 : i32
      %dma_wait3A_474 = arith.constant 0 : i32
      %dma_wait3A_475 = arith.constant 0 : i32
      %dma_wait3A_476 = tpu.memref_slice %arg9[%dma_wait3A_473, %dma_wait3A_474, %dma_wait3A_475] : memref<4x128x32xf32, #tpu.memory_space<vmem>> -> memref<1x128x32xf32, #tpu.memory_space<vmem>>
      %dma_wait3A_477 = tpu.memref_squeeze %dma_wait3A_476 : memref<1x128x32xf32, #tpu.memory_space<vmem>> -> memref<128x32xf32, #tpu.memory_space<vmem>>
      %dma_wait3A_478 = arith.constant 0 : i32
      %dma_wait3A_479 = tpu.memref_slice %arg7[%add3A_472, %dma_wait3A_478] : memref<160x128xi32, #tpu.memory_space<vmem>> -> memref<1x128xi32, #tpu.memory_space<vmem>>
      %dma_wait3A_480 = tpu.memref_squeeze %dma_wait3A_479 : memref<1x128xi32, #tpu.memory_space<vmem>> -> memref<128xi32, #tpu.memory_space<vmem>>
      %dma_wait3A_481 = arith.constant 0 : i32
      %dma_wait3A_482 = arith.constant 0 : i32
      %dma_wait3A_483 = tpu.memref_slice %arg11[%dma_wait3A_481, %dma_wait3A_482] : memref<10240x32xf32, #tpu.memory_space<vmem_shared>> -> memref<10240x32xf32, #tpu.memory_space<vmem_shared>>
      tpu.wait_indirect_dma semaphore(%arg13 : memref<!tpu.dma_semaphore, #tpu.memory_space<semaphore_mem>>) src(%dma_wait3A_483 : memref<10240x32xf32, #tpu.memory_space<vmem_shared>>) dst(%dma_wait3A_477 : memref<128x32xf32, #tpu.memory_space<vmem>>)
      %dma_start3A_484 = arith.constant 1 : i32
      %dma_start3A_485 = arith.constant 0 : i32
      %dma_start3A_486 = arith.constant 0 : i32
      %dma_start3A_487 = tpu.memref_slice %arg9[%dma_start3A_484, %dma_start3A_485, %dma_start3A_486] : memref<4x128x32xf32, #tpu.memory_space<vmem>> -> memref<1x128x32xf32, #tpu.memory_space<vmem>>
      %dma_start3A_488 = tpu.memref_squeeze %dma_start3A_487 : memref<1x128x32xf32, #tpu.memory_space<vmem>> -> memref<128x32xf32, #tpu.memory_space<vmem>>
      %dma_start3A_489 = arith.constant 0 : i32
      %dma_start3A_490 = tpu.memref_slice %arg8[%add3A_472, %dma_start3A_489] : memref<160x128xi32, #tpu.memory_space<vmem>> -> memref<1x128xi32, #tpu.memory_space<vmem>>
      %dma_start3A_491 = tpu.memref_squeeze %dma_start3A_490 : memref<1x128xi32, #tpu.memory_space<vmem>> -> memref<128xi32, #tpu.memory_space<vmem>>
      %dma_start3A_492 = arith.constant 0 : i32
      %dma_start3A_493 = arith.constant 0 : i32
      %dma_start3A_494 = tpu.memref_slice %arg10[%dma_start3A_492, %dma_start3A_493] : memref<10240x32xf32, #tpu.memory_space<vmem_shared>> -> memref<10240x32xf32, #tpu.memory_space<vmem_shared>>
      tpu.enqueue_indirect_dma source(%dma_start3A_488 : memref<128x32xf32, #tpu.memory_space<vmem>>) target(%dma_start3A_494 : memref<10240x32xf32, #tpu.memory_space<vmem_shared>>) offsets(%dma_start3A_491 : memref<128xi32, #tpu.memory_space<vmem>>) semaphore(%arg17 : memref<!tpu.dma_semaphore, #tpu.memory_space<semaphore_mem>>) {add = true}
      %sub3A_495 = arith.constant 2 : i32
      %sub3A_496 = arith.subi %add3A_472, %sub3A_495 : i32
      %dma_wait3A_497 = arith.constant 3 : i32
      %dma_wait3A_498 = arith.constant 0 : i32
      %dma_wait3A_499 = arith.constant 0 : i32
      %dma_wait3A_500 = tpu.memref_slice %arg9[%dma_wait3A_497, %dma_wait3A_498, %dma_wait3A_499] : memref<4x128x32xf32, #tpu.memory_space<vmem>> -> memref<1x128x32xf32, #tpu.memory_space<vmem>>
      %dma_wait3A_501 = tpu.memref_squeeze %dma_wait3A_500 : memref<1x128x32xf32, #tpu.memory_space<vmem>> -> memref<128x32xf32, #tpu.memory_space<vmem>>
      %dma_wait3A_502 = arith.constant 0 : i32
      %dma_wait3A_503 = tpu.memref_slice %arg8[%sub3A_496, %dma_wait3A_502] : memref<160x128xi32, #tpu.memory_space<vmem>> -> memref<1x128xi32, #tpu.memory_space<vmem>>
      %dma_wait3A_504 = tpu.memref_squeeze %dma_wait3A_503 : memref<1x128xi32, #tpu.memory_space<vmem>> -> memref<128xi32, #tpu.memory_space<vmem>>
      %dma_wait3A_505 = arith.constant 0 : i32
      %dma_wait3A_506 = arith.constant 0 : i32
      %dma_wait3A_507 = tpu.memref_slice %arg10[%dma_wait3A_505, %dma_wait3A_506] : memref<10240x32xf32, #tpu.memory_space<vmem_shared>> -> memref<10240x32xf32, #tpu.memory_space<vmem_shared>>
      tpu.wait_indirect_dma semaphore(%arg19 : memref<!tpu.dma_semaphore, #tpu.memory_space<semaphore_mem>>) src(%dma_wait3A_501 : memref<128x32xf32, #tpu.memory_space<vmem>>) dst(%dma_wait3A_507 : memref<10240x32xf32, #tpu.memory_space<vmem_shared>>)
      %add3A_508 = arith.constant 2 : i32
      %add3A_509 = arith.addi %add3A_472, %add3A_508 : i32
      %dma_start3A_510 = arith.constant 3 : i32
      %dma_start3A_511 = arith.constant 0 : i32
      %dma_start3A_512 = arith.constant 0 : i32
      %dma_start3A_513 = tpu.memref_slice %arg9[%dma_start3A_510, %dma_start3A_511, %dma_start3A_512] : memref<4x128x32xf32, #tpu.memory_space<vmem>> -> memref<1x128x32xf32, #tpu.memory_space<vmem>>
      %dma_start3A_514 = tpu.memref_squeeze %dma_start3A_513 : memref<1x128x32xf32, #tpu.memory_space<vmem>> -> memref<128x32xf32, #tpu.memory_space<vmem>>
      %dma_start3A_515 = arith.constant 0 : i32
      %dma_start3A_516 = tpu.memref_slice %arg7[%add3A_509, %dma_start3A_515] : memref<160x128xi32, #tpu.memory_space<vmem>> -> memref<1x128xi32, #tpu.memory_space<vmem>>
      %dma_start3A_517 = tpu.memref_squeeze %dma_start3A_516 : memref<1x128xi32, #tpu.memory_space<vmem>> -> memref<128xi32, #tpu.memory_space<vmem>>
      %dma_start3A_518 = arith.constant 0 : i32
      %dma_start3A_519 = arith.constant 0 : i32
      %dma_start3A_520 = tpu.memref_slice %arg11[%dma_start3A_518, %dma_start3A_519] : memref<10240x32xf32, #tpu.memory_space<vmem_shared>> -> memref<10240x32xf32, #tpu.memory_space<vmem_shared>>
      tpu.enqueue_indirect_dma source(%dma_start3A_520 : memref<10240x32xf32, #tpu.memory_space<vmem_shared>>) target(%dma_start3A_514 : memref<128x32xf32, #tpu.memory_space<vmem>>) offsets(%dma_start3A_517 : memref<128xi32, #tpu.memory_space<vmem>>) semaphore(%arg15 : memref<!tpu.dma_semaphore, #tpu.memory_space<semaphore_mem>>)
      %mul3A_521 = arith.constant 4 : i32
      %mul3A_522 = arith.muli %while3A_416, %mul3A_521 : i32
      %add3A_523 = arith.constant 2 : i32
      %add3A_524 = arith.addi %mul3A_522, %add3A_523 : i32
      %dma_wait3A_525 = arith.constant 2 : i32
      %dma_wait3A_526 = arith.constant 0 : i32
      %dma_wait3A_527 = arith.constant 0 : i32
      %dma_wait3A_528 = tpu.memref_slice %arg9[%dma_wait3A_525, %dma_wait3A_526, %dma_wait3A_527] : memref<4x128x32xf32, #tpu.memory_space<vmem>> -> memref<1x128x32xf32, #tpu.memory_space<vmem>>
      %dma_wait3A_529 = tpu.memref_squeeze %dma_wait3A_528 : memref<1x128x32xf32, #tpu.memory_space<vmem>> -> memref<128x32xf32, #tpu.memory_space<vmem>>
      %dma_wait3A_530 = arith.constant 0 : i32
      %dma_wait3A_531 = tpu.memref_slice %arg7[%add3A_524, %dma_wait3A_530] : memref<160x128xi32, #tpu.memory_space<vmem>> -> memref<1x128xi32, #tpu.memory_space<vmem>>
      %dma_wait3A_532 = tpu.memref_squeeze %dma_wait3A_531 : memref<1x128xi32, #tpu.memory_space<vmem>> -> memref<128xi32, #tpu.memory_space<vmem>>
      %dma_wait3A_533 = arith.constant 0 : i32
      %dma_wait3A_534 = arith.constant 0 : i32
      %dma_wait3A_535 = tpu.memref_slice %arg11[%dma_wait3A_533, %dma_wait3A_534] : memref<10240x32xf32, #tpu.memory_space<vmem_shared>> -> memref<10240x32xf32, #tpu.memory_space<vmem_shared>>
      tpu.wait_indirect_dma semaphore(%arg14 : memref<!tpu.dma_semaphore, #tpu.memory_space<semaphore_mem>>) src(%dma_wait3A_535 : memref<10240x32xf32, #tpu.memory_space<vmem_shared>>) dst(%dma_wait3A_529 : memref<128x32xf32, #tpu.memory_space<vmem>>)
      %dma_start3A_536 = arith.constant 2 : i32
      %dma_start3A_537 = arith.constant 0 : i32
      %dma_start3A_538 = arith.constant 0 : i32
      %dma_start3A_539 = tpu.memref_slice %arg9[%dma_start3A_536, %dma_start3A_537, %dma_start3A_538] : memref<4x128x32xf32, #tpu.memory_space<vmem>> -> memref<1x128x32xf32, #tpu.memory_space<vmem>>
      %dma_start3A_540 = tpu.memref_squeeze %dma_start3A_539 : memref<1x128x32xf32, #tpu.memory_space<vmem>> -> memref<128x32xf32, #tpu.memory_space<vmem>>
      %dma_start3A_541 = arith.constant 0 : i32
      %dma_start3A_542 = tpu.memref_slice %arg8[%add3A_524, %dma_start3A_541] : memref<160x128xi32, #tpu.memory_space<vmem>> -> memref<1x128xi32, #tpu.memory_space<vmem>>
      %dma_start3A_543 = tpu.memref_squeeze %dma_start3A_542 : memref<1x128xi32, #tpu.memory_space<vmem>> -> memref<128xi32, #tpu.memory_space<vmem>>
      %dma_start3A_544 = arith.constant 0 : i32
      %dma_start3A_545 = arith.constant 0 : i32
      %dma_start3A_546 = tpu.memref_slice %arg10[%dma_start3A_544, %dma_start3A_545] : memref<10240x32xf32, #tpu.memory_space<vmem_shared>> -> memref<10240x32xf32, #tpu.memory_space<vmem_shared>>
      tpu.enqueue_indirect_dma source(%dma_start3A_540 : memref<128x32xf32, #tpu.memory_space<vmem>>) target(%dma_start3A_546 : memref<10240x32xf32, #tpu.memory_space<vmem_shared>>) offsets(%dma_start3A_543 : memref<128xi32, #tpu.memory_space<vmem>>) semaphore(%arg18 : memref<!tpu.dma_semaphore, #tpu.memory_space<semaphore_mem>>) {add = true}
      %sub3A_547 = arith.constant 2 : i32
      %sub3A_548 = arith.subi %add3A_524, %sub3A_547 : i32
      %dma_wait3A_549 = arith.constant 0 : i32
      %dma_wait3A_550 = arith.constant 0 : i32
      %dma_wait3A_551 = arith.constant 0 : i32
      %dma_wait3A_552 = tpu.memref_slice %arg9[%dma_wait3A_549, %dma_wait3A_550, %dma_wait3A_551] : memref<4x128x32xf32, #tpu.memory_space<vmem>> -> memref<1x128x32xf32, #tpu.memory_space<vmem>>
      %dma_wait3A_553 = tpu.memref_squeeze %dma_wait3A_552 : memref<1x128x32xf32, #tpu.memory_space<vmem>> -> memref<128x32xf32, #tpu.memory_space<vmem>>
      %dma_wait3A_554 = arith.constant 0 : i32
      %dma_wait3A_555 = tpu.memref_slice %arg8[%sub3A_548, %dma_wait3A_554] : memref<160x128xi32, #tpu.memory_space<vmem>> -> memref<1x128xi32, #tpu.memory_space<vmem>>
      %dma_wait3A_556 = tpu.memref_squeeze %dma_wait3A_555 : memref<1x128xi32, #tpu.memory_space<vmem>> -> memref<128xi32, #tpu.memory_space<vmem>>
      %dma_wait3A_557 = arith.constant 0 : i32
      %dma_wait3A_558 = arith.constant 0 : i32
      %dma_wait3A_559 = tpu.memref_slice %arg10[%dma_wait3A_557, %dma_wait3A_558] : memref<10240x32xf32, #tpu.memory_space<vmem_shared>> -> memref<10240x32xf32, #tpu.memory_space<vmem_shared>>
      tpu.wait_indirect_dma semaphore(%arg16 : memref<!tpu.dma_semaphore, #tpu.memory_space<semaphore_mem>>) src(%dma_wait3A_553 : memref<128x32xf32, #tpu.memory_space<vmem>>) dst(%dma_wait3A_559 : memref<10240x32xf32, #tpu.memory_space<vmem_shared>>)
      %add3A_560 = arith.constant 2 : i32
      %add3A_561 = arith.addi %add3A_524, %add3A_560 : i32
      %dma_start3A_562 = arith.constant 0 : i32
      %dma_start3A_563 = arith.constant 0 : i32
      %dma_start3A_564 = arith.constant 0 : i32
      %dma_start3A_565 = tpu.memref_slice %arg9[%dma_start3A_562, %dma_start3A_563, %dma_start3A_564] : memref<4x128x32xf32, #tpu.memory_space<vmem>> -> memref<1x128x32xf32, #tpu.memory_space<vmem>>
      %dma_start3A_566 = tpu.memref_squeeze %dma_start3A_565 : memref<1x128x32xf32, #tpu.memory_space<vmem>> -> memref<128x32xf32, #tpu.memory_space<vmem>>
      %dma_start3A_567 = arith.constant 0 : i32
      %dma_start3A_568 = tpu.memref_slice %arg7[%add3A_561, %dma_start3A_567] : memref<160x128xi32, #tpu.memory_space<vmem>> -> memref<1x128xi32, #tpu.memory_space<vmem>>
      %dma_start3A_569 = tpu.memref_squeeze %dma_start3A_568 : memref<1x128xi32, #tpu.memory_space<vmem>> -> memref<128xi32, #tpu.memory_space<vmem>>
      %dma_start3A_570 = arith.constant 0 : i32
      %dma_start3A_571 = arith.constant 0 : i32
      %dma_start3A_572 = tpu.memref_slice %arg11[%dma_start3A_570, %dma_start3A_571] : memref<10240x32xf32, #tpu.memory_space<vmem_shared>> -> memref<10240x32xf32, #tpu.memory_space<vmem_shared>>
      tpu.enqueue_indirect_dma source(%dma_start3A_572 : memref<10240x32xf32, #tpu.memory_space<vmem_shared>>) target(%dma_start3A_566 : memref<128x32xf32, #tpu.memory_space<vmem>>) offsets(%dma_start3A_569 : memref<128xi32, #tpu.memory_space<vmem>>) semaphore(%arg12 : memref<!tpu.dma_semaphore, #tpu.memory_space<semaphore_mem>>)
      %mul3A_573 = arith.constant 4 : i32
      %mul3A_574 = arith.muli %while3A_416, %mul3A_573 : i32
      %add3A_575 = arith.constant 3 : i32
      %add3A_576 = arith.addi %mul3A_574, %add3A_575 : i32
      %dma_wait3A_577 = arith.constant 3 : i32
      %dma_wait3A_578 = arith.constant 0 : i32
      %dma_wait3A_579 = arith.constant 0 : i32
      %dma_wait3A_580 = tpu.memref_slice %arg9[%dma_wait3A_577, %dma_wait3A_578, %dma_wait3A_579] : memref<4x128x32xf32, #tpu.memory_space<vmem>> -> memref<1x128x32xf32, #tpu.memory_space<vmem>>
      %dma_wait3A_581 = tpu.memref_squeeze %dma_wait3A_580 : memref<1x128x32xf32, #tpu.memory_space<vmem>> -> memref<128x32xf32, #tpu.memory_space<vmem>>
      %dma_wait3A_582 = arith.constant 0 : i32
      %dma_wait3A_583 = tpu.memref_slice %arg7[%add3A_576, %dma_wait3A_582] : memref<160x128xi32, #tpu.memory_space<vmem>> -> memref<1x128xi32, #tpu.memory_space<vmem>>
      %dma_wait3A_584 = tpu.memref_squeeze %dma_wait3A_583 : memref<1x128xi32, #tpu.memory_space<vmem>> -> memref<128xi32, #tpu.memory_space<vmem>>
      %dma_wait3A_585 = arith.constant 0 : i32
      %dma_wait3A_586 = arith.constant 0 : i32
      %dma_wait3A_587 = tpu.memref_slice %arg11[%dma_wait3A_585, %dma_wait3A_586] : memref<10240x32xf32, #tpu.memory_space<vmem_shared>> -> memref<10240x32xf32, #tpu.memory_space<vmem_shared>>
      tpu.wait_indirect_dma semaphore(%arg15 : memref<!tpu.dma_semaphore, #tpu.memory_space<semaphore_mem>>) src(%dma_wait3A_587 : memref<10240x32xf32, #tpu.memory_space<vmem_shared>>) dst(%dma_wait3A_581 : memref<128x32xf32, #tpu.memory_space<vmem>>)
      %dma_start3A_588 = arith.constant 3 : i32
      %dma_start3A_589 = arith.constant 0 : i32
      %dma_start3A_590 = arith.constant 0 : i32
      %dma_start3A_591 = tpu.memref_slice %arg9[%dma_start3A_588, %dma_start3A_589, %dma_start3A_590] : memref<4x128x32xf32, #tpu.memory_space<vmem>> -> memref<1x128x32xf32, #tpu.memory_space<vmem>>
      %dma_start3A_592 = tpu.memref_squeeze %dma_start3A_591 : memref<1x128x32xf32, #tpu.memory_space<vmem>> -> memref<128x32xf32, #tpu.memory_space<vmem>>
      %dma_start3A_593 = arith.constant 0 : i32
      %dma_start3A_594 = tpu.memref_slice %arg8[%add3A_576, %dma_start3A_593] : memref<160x128xi32, #tpu.memory_space<vmem>> -> memref<1x128xi32, #tpu.memory_space<vmem>>
      %dma_start3A_595 = tpu.memref_squeeze %dma_start3A_594 : memref<1x128xi32, #tpu.memory_space<vmem>> -> memref<128xi32, #tpu.memory_space<vmem>>
      %dma_start3A_596 = arith.constant 0 : i32
      %dma_start3A_597 = arith.constant 0 : i32
      %dma_start3A_598 = tpu.memref_slice %arg10[%dma_start3A_596, %dma_start3A_597] : memref<10240x32xf32, #tpu.memory_space<vmem_shared>> -> memref<10240x32xf32, #tpu.memory_space<vmem_shared>>
      tpu.enqueue_indirect_dma source(%dma_start3A_592 : memref<128x32xf32, #tpu.memory_space<vmem>>) target(%dma_start3A_598 : memref<10240x32xf32, #tpu.memory_space<vmem_shared>>) offsets(%dma_start3A_595 : memref<128xi32, #tpu.memory_space<vmem>>) semaphore(%arg19 : memref<!tpu.dma_semaphore, #tpu.memory_space<semaphore_mem>>) {add = true}
      %sub3A_599 = arith.constant 2 : i32
      %sub3A_600 = arith.subi %add3A_576, %sub3A_599 : i32
      %dma_wait3A_601 = arith.constant 1 : i32
      %dma_wait3A_602 = arith.constant 0 : i32
      %dma_wait3A_603 = arith.constant 0 : i32
      %dma_wait3A_604 = tpu.memref_slice %arg9[%dma_wait3A_601, %dma_wait3A_602, %dma_wait3A_603] : memref<4x128x32xf32, #tpu.memory_space<vmem>> -> memref<1x128x32xf32, #tpu.memory_space<vmem>>
      %dma_wait3A_605 = tpu.memref_squeeze %dma_wait3A_604 : memref<1x128x32xf32, #tpu.memory_space<vmem>> -> memref<128x32xf32, #tpu.memory_space<vmem>>
      %dma_wait3A_606 = arith.constant 0 : i32
      %dma_wait3A_607 = tpu.memref_slice %arg8[%sub3A_600, %dma_wait3A_606] : memref<160x128xi32, #tpu.memory_space<vmem>> -> memref<1x128xi32, #tpu.memory_space<vmem>>
      %dma_wait3A_608 = tpu.memref_squeeze %dma_wait3A_607 : memref<1x128xi32, #tpu.memory_space<vmem>> -> memref<128xi32, #tpu.memory_space<vmem>>
      %dma_wait3A_609 = arith.constant 0 : i32
      %dma_wait3A_610 = arith.constant 0 : i32
      %dma_wait3A_611 = tpu.memref_slice %arg10[%dma_wait3A_609, %dma_wait3A_610] : memref<10240x32xf32, #tpu.memory_space<vmem_shared>> -> memref<10240x32xf32, #tpu.memory_space<vmem_shared>>
      tpu.wait_indirect_dma semaphore(%arg17 : memref<!tpu.dma_semaphore, #tpu.memory_space<semaphore_mem>>) src(%dma_wait3A_605 : memref<128x32xf32, #tpu.memory_space<vmem>>) dst(%dma_wait3A_611 : memref<10240x32xf32, #tpu.memory_space<vmem_shared>>)
      %add3A_612 = arith.constant 2 : i32
      %add3A_613 = arith.addi %add3A_576, %add3A_612 : i32
      %dma_start3A_614 = arith.constant 1 : i32
      %dma_start3A_615 = arith.constant 0 : i32
      %dma_start3A_616 = arith.constant 0 : i32
      %dma_start3A_617 = tpu.memref_slice %arg9[%dma_start3A_614, %dma_start3A_615, %dma_start3A_616] : memref<4x128x32xf32, #tpu.memory_space<vmem>> -> memref<1x128x32xf32, #tpu.memory_space<vmem>>
      %dma_start3A_618 = tpu.memref_squeeze %dma_start3A_617 : memref<1x128x32xf32, #tpu.memory_space<vmem>> -> memref<128x32xf32, #tpu.memory_space<vmem>>
      %dma_start3A_619 = arith.constant 0 : i32
      %dma_start3A_620 = tpu.memref_slice %arg7[%add3A_613, %dma_start3A_619] : memref<160x128xi32, #tpu.memory_space<vmem>> -> memref<1x128xi32, #tpu.memory_space<vmem>>
      %dma_start3A_621 = tpu.memref_squeeze %dma_start3A_620 : memref<1x128xi32, #tpu.memory_space<vmem>> -> memref<128xi32, #tpu.memory_space<vmem>>
      %dma_start3A_622 = arith.constant 0 : i32
      %dma_start3A_623 = arith.constant 0 : i32
      %dma_start3A_624 = tpu.memref_slice %arg11[%dma_start3A_622, %dma_start3A_623] : memref<10240x32xf32, #tpu.memory_space<vmem_shared>> -> memref<10240x32xf32, #tpu.memory_space<vmem_shared>>
      tpu.enqueue_indirect_dma source(%dma_start3A_624 : memref<10240x32xf32, #tpu.memory_space<vmem_shared>>) target(%dma_start3A_618 : memref<128x32xf32, #tpu.memory_space<vmem>>) offsets(%dma_start3A_621 : memref<128xi32, #tpu.memory_space<vmem>>) semaphore(%arg13 : memref<!tpu.dma_semaphore, #tpu.memory_space<semaphore_mem>>)
    }
    %sub3A_211 = arith.constant 1 : i32
    %sub3A_212 = arith.subi %select_n3A_8, %sub3A_211 : i32
    %mul3A_213 = arith.constant 4 : i32
    %mul3A_214 = arith.muli %sub3A_212, %mul3A_213 : i32
    %add3A_215 = arith.constant 0 : i32
    %add3A_216 = arith.addi %mul3A_214, %add3A_215 : i32
    %dma_wait3A_217 = arith.constant 0 : i32
    %dma_wait3A_218 = arith.constant 0 : i32
    %dma_wait3A_219 = arith.constant 0 : i32
    %dma_wait3A_220 = tpu.memref_slice %arg9[%dma_wait3A_217, %dma_wait3A_218, %dma_wait3A_219] : memref<4x128x32xf32, #tpu.memory_space<vmem>> -> memref<1x128x32xf32, #tpu.memory_space<vmem>>
    %dma_wait3A_221 = tpu.memref_squeeze %dma_wait3A_220 : memref<1x128x32xf32, #tpu.memory_space<vmem>> -> memref<128x32xf32, #tpu.memory_space<vmem>>
    %dma_wait3A_222 = arith.constant 0 : i32
    %dma_wait3A_223 = tpu.memref_slice %arg7[%add3A_216, %dma_wait3A_222] : memref<160x128xi32, #tpu.memory_space<vmem>> -> memref<1x128xi32, #tpu.memory_space<vmem>>
    %dma_wait3A_224 = tpu.memref_squeeze %dma_wait3A_223 : memref<1x128xi32, #tpu.memory_space<vmem>> -> memref<128xi32, #tpu.memory_space<vmem>>
    %dma_wait3A_225 = arith.constant 0 : i32
    %dma_wait3A_226 = arith.constant 0 : i32
    %dma_wait3A_227 = tpu.memref_slice %arg11[%dma_wait3A_225, %dma_wait3A_226] : memref<10240x32xf32, #tpu.memory_space<vmem_shared>> -> memref<10240x32xf32, #tpu.memory_space<vmem_shared>>
    tpu.wait_indirect_dma semaphore(%arg12 : memref<!tpu.dma_semaphore, #tpu.memory_space<semaphore_mem>>) src(%dma_wait3A_227 : memref<10240x32xf32, #tpu.memory_space<vmem_shared>>) dst(%dma_wait3A_221 : memref<128x32xf32, #tpu.memory_space<vmem>>)
    %dma_start3A_228 = arith.constant 0 : i32
    %dma_start3A_229 = arith.constant 0 : i32
    %dma_start3A_230 = arith.constant 0 : i32
    %dma_start3A_231 = tpu.memref_slice %arg9[%dma_start3A_228, %dma_start3A_229, %dma_start3A_230] : memref<4x128x32xf32, #tpu.memory_space<vmem>> -> memref<1x128x32xf32, #tpu.memory_space<vmem>>
    %dma_start3A_232 = tpu.memref_squeeze %dma_start3A_231 : memref<1x128x32xf32, #tpu.memory_space<vmem>> -> memref<128x32xf32, #tpu.memory_space<vmem>>
    %dma_start3A_233 = arith.constant 0 : i32
    %dma_start3A_234 = tpu.memref_slice %arg8[%add3A_216, %dma_start3A_233] : memref<160x128xi32, #tpu.memory_space<vmem>> -> memref<1x128xi32, #tpu.memory_space<vmem>>
    %dma_start3A_235 = tpu.memref_squeeze %dma_start3A_234 : memref<1x128xi32, #tpu.memory_space<vmem>> -> memref<128xi32, #tpu.memory_space<vmem>>
    %dma_start3A_236 = arith.constant 0 : i32
    %dma_start3A_237 = arith.constant 0 : i32
    %dma_start3A_238 = tpu.memref_slice %arg10[%dma_start3A_236, %dma_start3A_237] : memref<10240x32xf32, #tpu.memory_space<vmem_shared>> -> memref<10240x32xf32, #tpu.memory_space<vmem_shared>>
    tpu.enqueue_indirect_dma source(%dma_start3A_232 : memref<128x32xf32, #tpu.memory_space<vmem>>) target(%dma_start3A_238 : memref<10240x32xf32, #tpu.memory_space<vmem_shared>>) offsets(%dma_start3A_235 : memref<128xi32, #tpu.memory_space<vmem>>) semaphore(%arg16 : memref<!tpu.dma_semaphore, #tpu.memory_space<semaphore_mem>>) {add = true}
    %sub3A_239 = arith.constant 2 : i32
    %sub3A_240 = arith.subi %add3A_216, %sub3A_239 : i32
    %dma_wait3A_241 = arith.constant 2 : i32
    %dma_wait3A_242 = arith.constant 0 : i32
    %dma_wait3A_243 = arith.constant 0 : i32
    %dma_wait3A_244 = tpu.memref_slice %arg9[%dma_wait3A_241, %dma_wait3A_242, %dma_wait3A_243] : memref<4x128x32xf32, #tpu.memory_space<vmem>> -> memref<1x128x32xf32, #tpu.memory_space<vmem>>
    %dma_wait3A_245 = tpu.memref_squeeze %dma_wait3A_244 : memref<1x128x32xf32, #tpu.memory_space<vmem>> -> memref<128x32xf32, #tpu.memory_space<vmem>>
    %dma_wait3A_246 = arith.constant 0 : i32
    %dma_wait3A_247 = tpu.memref_slice %arg8[%sub3A_240, %dma_wait3A_246] : memref<160x128xi32, #tpu.memory_space<vmem>> -> memref<1x128xi32, #tpu.memory_space<vmem>>
    %dma_wait3A_248 = tpu.memref_squeeze %dma_wait3A_247 : memref<1x128xi32, #tpu.memory_space<vmem>> -> memref<128xi32, #tpu.memory_space<vmem>>
    %dma_wait3A_249 = arith.constant 0 : i32
    %dma_wait3A_250 = arith.constant 0 : i32
    %dma_wait3A_251 = tpu.memref_slice %arg10[%dma_wait3A_249, %dma_wait3A_250] : memref<10240x32xf32, #tpu.memory_space<vmem_shared>> -> memref<10240x32xf32, #tpu.memory_space<vmem_shared>>
    tpu.wait_indirect_dma semaphore(%arg18 : memref<!tpu.dma_semaphore, #tpu.memory_space<semaphore_mem>>) src(%dma_wait3A_245 : memref<128x32xf32, #tpu.memory_space<vmem>>) dst(%dma_wait3A_251 : memref<10240x32xf32, #tpu.memory_space<vmem_shared>>)
    %add3A_252 = arith.constant 2 : i32
    %add3A_253 = arith.addi %add3A_216, %add3A_252 : i32
    %dma_start3A_254 = arith.constant 2 : i32
    %dma_start3A_255 = arith.constant 0 : i32
    %dma_start3A_256 = arith.constant 0 : i32
    %dma_start3A_257 = tpu.memref_slice %arg9[%dma_start3A_254, %dma_start3A_255, %dma_start3A_256] : memref<4x128x32xf32, #tpu.memory_space<vmem>> -> memref<1x128x32xf32, #tpu.memory_space<vmem>>
    %dma_start3A_258 = tpu.memref_squeeze %dma_start3A_257 : memref<1x128x32xf32, #tpu.memory_space<vmem>> -> memref<128x32xf32, #tpu.memory_space<vmem>>
    %dma_start3A_259 = arith.constant 0 : i32
    %dma_start3A_260 = tpu.memref_slice %arg7[%add3A_253, %dma_start3A_259] : memref<160x128xi32, #tpu.memory_space<vmem>> -> memref<1x128xi32, #tpu.memory_space<vmem>>
    %dma_start3A_261 = tpu.memref_squeeze %dma_start3A_260 : memref<1x128xi32, #tpu.memory_space<vmem>> -> memref<128xi32, #tpu.memory_space<vmem>>
    %dma_start3A_262 = arith.constant 0 : i32
    %dma_start3A_263 = arith.constant 0 : i32
    %dma_start3A_264 = tpu.memref_slice %arg11[%dma_start3A_262, %dma_start3A_263] : memref<10240x32xf32, #tpu.memory_space<vmem_shared>> -> memref<10240x32xf32, #tpu.memory_space<vmem_shared>>
    tpu.enqueue_indirect_dma source(%dma_start3A_264 : memref<10240x32xf32, #tpu.memory_space<vmem_shared>>) target(%dma_start3A_258 : memref<128x32xf32, #tpu.memory_space<vmem>>) offsets(%dma_start3A_261 : memref<128xi32, #tpu.memory_space<vmem>>) semaphore(%arg14 : memref<!tpu.dma_semaphore, #tpu.memory_space<semaphore_mem>>)
    %add3A_265 = arith.constant 1 : i32
    %add3A_266 = arith.addi %mul3A_214, %add3A_265 : i32
    %dma_wait3A_267 = arith.constant 1 : i32
    %dma_wait3A_268 = arith.constant 0 : i32
    %dma_wait3A_269 = arith.constant 0 : i32
    %dma_wait3A_270 = tpu.memref_slice %arg9[%dma_wait3A_267, %dma_wait3A_268, %dma_wait3A_269] : memref<4x128x32xf32, #tpu.memory_space<vmem>> -> memref<1x128x32xf32, #tpu.memory_space<vmem>>
    %dma_wait3A_271 = tpu.memref_squeeze %dma_wait3A_270 : memref<1x128x32xf32, #tpu.memory_space<vmem>> -> memref<128x32xf32, #tpu.memory_space<vmem>>
    %dma_wait3A_272 = arith.constant 0 : i32
    %dma_wait3A_273 = tpu.memref_slice %arg7[%add3A_266, %dma_wait3A_272] : memref<160x128xi32, #tpu.memory_space<vmem>> -> memref<1x128xi32, #tpu.memory_space<vmem>>
    %dma_wait3A_274 = tpu.memref_squeeze %dma_wait3A_273 : memref<1x128xi32, #tpu.memory_space<vmem>> -> memref<128xi32, #tpu.memory_space<vmem>>
    %dma_wait3A_275 = arith.constant 0 : i32
    %dma_wait3A_276 = arith.constant 0 : i32
    %dma_wait3A_277 = tpu.memref_slice %arg11[%dma_wait3A_275, %dma_wait3A_276] : memref<10240x32xf32, #tpu.memory_space<vmem_shared>> -> memref<10240x32xf32, #tpu.memory_space<vmem_shared>>
    tpu.wait_indirect_dma semaphore(%arg13 : memref<!tpu.dma_semaphore, #tpu.memory_space<semaphore_mem>>) src(%dma_wait3A_277 : memref<10240x32xf32, #tpu.memory_space<vmem_shared>>) dst(%dma_wait3A_271 : memref<128x32xf32, #tpu.memory_space<vmem>>)
    %dma_start3A_278 = arith.constant 1 : i32
    %dma_start3A_279 = arith.constant 0 : i32
    %dma_start3A_280 = arith.constant 0 : i32
    %dma_start3A_281 = tpu.memref_slice %arg9[%dma_start3A_278, %dma_start3A_279, %dma_start3A_280] : memref<4x128x32xf32, #tpu.memory_space<vmem>> -> memref<1x128x32xf32, #tpu.memory_space<vmem>>
    %dma_start3A_282 = tpu.memref_squeeze %dma_start3A_281 : memref<1x128x32xf32, #tpu.memory_space<vmem>> -> memref<128x32xf32, #tpu.memory_space<vmem>>
    %dma_start3A_283 = arith.constant 0 : i32
    %dma_start3A_284 = tpu.memref_slice %arg8[%add3A_266, %dma_start3A_283] : memref<160x128xi32, #tpu.memory_space<vmem>> -> memref<1x128xi32, #tpu.memory_space<vmem>>
    %dma_start3A_285 = tpu.memref_squeeze %dma_start3A_284 : memref<1x128xi32, #tpu.memory_space<vmem>> -> memref<128xi32, #tpu.memory_space<vmem>>
    %dma_start3A_286 = arith.constant 0 : i32
    %dma_start3A_287 = arith.constant 0 : i32
    %dma_start3A_288 = tpu.memref_slice %arg10[%dma_start3A_286, %dma_start3A_287] : memref<10240x32xf32, #tpu.memory_space<vmem_shared>> -> memref<10240x32xf32, #tpu.memory_space<vmem_shared>>
    tpu.enqueue_indirect_dma source(%dma_start3A_282 : memref<128x32xf32, #tpu.memory_space<vmem>>) target(%dma_start3A_288 : memref<10240x32xf32, #tpu.memory_space<vmem_shared>>) offsets(%dma_start3A_285 : memref<128xi32, #tpu.memory_space<vmem>>) semaphore(%arg17 : memref<!tpu.dma_semaphore, #tpu.memory_space<semaphore_mem>>) {add = true}
    %sub3A_289 = arith.constant 2 : i32
    %sub3A_290 = arith.subi %add3A_266, %sub3A_289 : i32
    %dma_wait3A_291 = arith.constant 3 : i32
    %dma_wait3A_292 = arith.constant 0 : i32
    %dma_wait3A_293 = arith.constant 0 : i32
    %dma_wait3A_294 = tpu.memref_slice %arg9[%dma_wait3A_291, %dma_wait3A_292, %dma_wait3A_293] : memref<4x128x32xf32, #tpu.memory_space<vmem>> -> memref<1x128x32xf32, #tpu.memory_space<vmem>>
    %dma_wait3A_295 = tpu.memref_squeeze %dma_wait3A_294 : memref<1x128x32xf32, #tpu.memory_space<vmem>> -> memref<128x32xf32, #tpu.memory_space<vmem>>
    %dma_wait3A_296 = arith.constant 0 : i32
    %dma_wait3A_297 = tpu.memref_slice %arg8[%sub3A_290, %dma_wait3A_296] : memref<160x128xi32, #tpu.memory_space<vmem>> -> memref<1x128xi32, #tpu.memory_space<vmem>>
    %dma_wait3A_298 = tpu.memref_squeeze %dma_wait3A_297 : memref<1x128xi32, #tpu.memory_space<vmem>> -> memref<128xi32, #tpu.memory_space<vmem>>
    %dma_wait3A_299 = arith.constant 0 : i32
    %dma_wait3A_300 = arith.constant 0 : i32
    %dma_wait3A_301 = tpu.memref_slice %arg10[%dma_wait3A_299, %dma_wait3A_300] : memref<10240x32xf32, #tpu.memory_space<vmem_shared>> -> memref<10240x32xf32, #tpu.memory_space<vmem_shared>>
    tpu.wait_indirect_dma semaphore(%arg19 : memref<!tpu.dma_semaphore, #tpu.memory_space<semaphore_mem>>) src(%dma_wait3A_295 : memref<128x32xf32, #tpu.memory_space<vmem>>) dst(%dma_wait3A_301 : memref<10240x32xf32, #tpu.memory_space<vmem_shared>>)
    %add3A_302 = arith.constant 2 : i32
    %add3A_303 = arith.addi %add3A_266, %add3A_302 : i32
    %dma_start3A_304 = arith.constant 3 : i32
    %dma_start3A_305 = arith.constant 0 : i32
    %dma_start3A_306 = arith.constant 0 : i32
    %dma_start3A_307 = tpu.memref_slice %arg9[%dma_start3A_304, %dma_start3A_305, %dma_start3A_306] : memref<4x128x32xf32, #tpu.memory_space<vmem>> -> memref<1x128x32xf32, #tpu.memory_space<vmem>>
    %dma_start3A_308 = tpu.memref_squeeze %dma_start3A_307 : memref<1x128x32xf32, #tpu.memory_space<vmem>> -> memref<128x32xf32, #tpu.memory_space<vmem>>
    %dma_start3A_309 = arith.constant 0 : i32
    %dma_start3A_310 = tpu.memref_slice %arg7[%add3A_303, %dma_start3A_309] : memref<160x128xi32, #tpu.memory_space<vmem>> -> memref<1x128xi32, #tpu.memory_space<vmem>>
    %dma_start3A_311 = tpu.memref_squeeze %dma_start3A_310 : memref<1x128xi32, #tpu.memory_space<vmem>> -> memref<128xi32, #tpu.memory_space<vmem>>
    %dma_start3A_312 = arith.constant 0 : i32
    %dma_start3A_313 = arith.constant 0 : i32
    %dma_start3A_314 = tpu.memref_slice %arg11[%dma_start3A_312, %dma_start3A_313] : memref<10240x32xf32, #tpu.memory_space<vmem_shared>> -> memref<10240x32xf32, #tpu.memory_space<vmem_shared>>
    tpu.enqueue_indirect_dma source(%dma_start3A_314 : memref<10240x32xf32, #tpu.memory_space<vmem_shared>>) target(%dma_start3A_308 : memref<128x32xf32, #tpu.memory_space<vmem>>) offsets(%dma_start3A_311 : memref<128xi32, #tpu.memory_space<vmem>>) semaphore(%arg15 : memref<!tpu.dma_semaphore, #tpu.memory_space<semaphore_mem>>)
    %add3A_315 = arith.constant 2 : i32
    %add3A_316 = arith.addi %mul3A_214, %add3A_315 : i32
    %dma_wait3A_317 = arith.constant 2 : i32
    %dma_wait3A_318 = arith.constant 0 : i32
    %dma_wait3A_319 = arith.constant 0 : i32
    %dma_wait3A_320 = tpu.memref_slice %arg9[%dma_wait3A_317, %dma_wait3A_318, %dma_wait3A_319] : memref<4x128x32xf32, #tpu.memory_space<vmem>> -> memref<1x128x32xf32, #tpu.memory_space<vmem>>
    %dma_wait3A_321 = tpu.memref_squeeze %dma_wait3A_320 : memref<1x128x32xf32, #tpu.memory_space<vmem>> -> memref<128x32xf32, #tpu.memory_space<vmem>>
    %dma_wait3A_322 = arith.constant 0 : i32
    %dma_wait3A_323 = tpu.memref_slice %arg7[%add3A_316, %dma_wait3A_322] : memref<160x128xi32, #tpu.memory_space<vmem>> -> memref<1x128xi32, #tpu.memory_space<vmem>>
    %dma_wait3A_324 = tpu.memref_squeeze %dma_wait3A_323 : memref<1x128xi32, #tpu.memory_space<vmem>> -> memref<128xi32, #tpu.memory_space<vmem>>
    %dma_wait3A_325 = arith.constant 0 : i32
    %dma_wait3A_326 = arith.constant 0 : i32
    %dma_wait3A_327 = tpu.memref_slice %arg11[%dma_wait3A_325, %dma_wait3A_326] : memref<10240x32xf32, #tpu.memory_space<vmem_shared>> -> memref<10240x32xf32, #tpu.memory_space<vmem_shared>>
    tpu.wait_indirect_dma semaphore(%arg14 : memref<!tpu.dma_semaphore, #tpu.memory_space<semaphore_mem>>) src(%dma_wait3A_327 : memref<10240x32xf32, #tpu.memory_space<vmem_shared>>) dst(%dma_wait3A_321 : memref<128x32xf32, #tpu.memory_space<vmem>>)
    %dma_start3A_328 = arith.constant 2 : i32
    %dma_start3A_329 = arith.constant 0 : i32
    %dma_start3A_330 = arith.constant 0 : i32
    %dma_start3A_331 = tpu.memref_slice %arg9[%dma_start3A_328, %dma_start3A_329, %dma_start3A_330] : memref<4x128x32xf32, #tpu.memory_space<vmem>> -> memref<1x128x32xf32, #tpu.memory_space<vmem>>
    %dma_start3A_332 = tpu.memref_squeeze %dma_start3A_331 : memref<1x128x32xf32, #tpu.memory_space<vmem>> -> memref<128x32xf32, #tpu.memory_space<vmem>>
    %dma_start3A_333 = arith.constant 0 : i32
    %dma_start3A_334 = tpu.memref_slice %arg8[%add3A_316, %dma_start3A_333] : memref<160x128xi32, #tpu.memory_space<vmem>> -> memref<1x128xi32, #tpu.memory_space<vmem>>
    %dma_start3A_335 = tpu.memref_squeeze %dma_start3A_334 : memref<1x128xi32, #tpu.memory_space<vmem>> -> memref<128xi32, #tpu.memory_space<vmem>>
    %dma_start3A_336 = arith.constant 0 : i32
    %dma_start3A_337 = arith.constant 0 : i32
    %dma_start3A_338 = tpu.memref_slice %arg10[%dma_start3A_336, %dma_start3A_337] : memref<10240x32xf32, #tpu.memory_space<vmem_shared>> -> memref<10240x32xf32, #tpu.memory_space<vmem_shared>>
    tpu.enqueue_indirect_dma source(%dma_start3A_332 : memref<128x32xf32, #tpu.memory_space<vmem>>) target(%dma_start3A_338 : memref<10240x32xf32, #tpu.memory_space<vmem_shared>>) offsets(%dma_start3A_335 : memref<128xi32, #tpu.memory_space<vmem>>) semaphore(%arg18 : memref<!tpu.dma_semaphore, #tpu.memory_space<semaphore_mem>>) {add = true}
    %add3A_339 = arith.constant 3 : i32
    %add3A_340 = arith.addi %mul3A_214, %add3A_339 : i32
    %dma_wait3A_341 = arith.constant 3 : i32
    %dma_wait3A_342 = arith.constant 0 : i32
    %dma_wait3A_343 = arith.constant 0 : i32
    %dma_wait3A_344 = tpu.memref_slice %arg9[%dma_wait3A_341, %dma_wait3A_342, %dma_wait3A_343] : memref<4x128x32xf32, #tpu.memory_space<vmem>> -> memref<1x128x32xf32, #tpu.memory_space<vmem>>
    %dma_wait3A_345 = tpu.memref_squeeze %dma_wait3A_344 : memref<1x128x32xf32, #tpu.memory_space<vmem>> -> memref<128x32xf32, #tpu.memory_space<vmem>>
    %dma_wait3A_346 = arith.constant 0 : i32
    %dma_wait3A_347 = tpu.memref_slice %arg7[%add3A_340, %dma_wait3A_346] : memref<160x128xi32, #tpu.memory_space<vmem>> -> memref<1x128xi32, #tpu.memory_space<vmem>>
    %dma_wait3A_348 = tpu.memref_squeeze %dma_wait3A_347 : memref<1x128xi32, #tpu.memory_space<vmem>> -> memref<128xi32, #tpu.memory_space<vmem>>
    %dma_wait3A_349 = arith.constant 0 : i32
    %dma_wait3A_350 = arith.constant 0 : i32
    %dma_wait3A_351 = tpu.memref_slice %arg11[%dma_wait3A_349, %dma_wait3A_350] : memref<10240x32xf32, #tpu.memory_space<vmem_shared>> -> memref<10240x32xf32, #tpu.memory_space<vmem_shared>>
    tpu.wait_indirect_dma semaphore(%arg15 : memref<!tpu.dma_semaphore, #tpu.memory_space<semaphore_mem>>) src(%dma_wait3A_351 : memref<10240x32xf32, #tpu.memory_space<vmem_shared>>) dst(%dma_wait3A_345 : memref<128x32xf32, #tpu.memory_space<vmem>>)
    %dma_start3A_352 = arith.constant 3 : i32
    %dma_start3A_353 = arith.constant 0 : i32
    %dma_start3A_354 = arith.constant 0 : i32
    %dma_start3A_355 = tpu.memref_slice %arg9[%dma_start3A_352, %dma_start3A_353, %dma_start3A_354] : memref<4x128x32xf32, #tpu.memory_space<vmem>> -> memref<1x128x32xf32, #tpu.memory_space<vmem>>
    %dma_start3A_356 = tpu.memref_squeeze %dma_start3A_355 : memref<1x128x32xf32, #tpu.memory_space<vmem>> -> memref<128x32xf32, #tpu.memory_space<vmem>>
    %dma_start3A_357 = arith.constant 0 : i32
    %dma_start3A_358 = tpu.memref_slice %arg8[%add3A_340, %dma_start3A_357] : memref<160x128xi32, #tpu.memory_space<vmem>> -> memref<1x128xi32, #tpu.memory_space<vmem>>
    %dma_start3A_359 = tpu.memref_squeeze %dma_start3A_358 : memref<1x128xi32, #tpu.memory_space<vmem>> -> memref<128xi32, #tpu.memory_space<vmem>>
    %dma_start3A_360 = arith.constant 0 : i32
    %dma_start3A_361 = arith.constant 0 : i32
    %dma_start3A_362 = tpu.memref_slice %arg10[%dma_start3A_360, %dma_start3A_361] : memref<10240x32xf32, #tpu.memory_space<vmem_shared>> -> memref<10240x32xf32, #tpu.memory_space<vmem_shared>>
    tpu.enqueue_indirect_dma source(%dma_start3A_356 : memref<128x32xf32, #tpu.memory_space<vmem>>) target(%dma_start3A_362 : memref<10240x32xf32, #tpu.memory_space<vmem_shared>>) offsets(%dma_start3A_359 : memref<128xi32, #tpu.memory_space<vmem>>) semaphore(%arg19 : memref<!tpu.dma_semaphore, #tpu.memory_space<semaphore_mem>>) {add = true}
    %add3A_363 = arith.constant 0 : i32
    %add3A_364 = arith.addi %mul3A_214, %add3A_363 : i32
    %dma_wait3A_365 = arith.constant 0 : i32
    %dma_wait3A_366 = arith.constant 0 : i32
    %dma_wait3A_367 = arith.constant 0 : i32
    %dma_wait3A_368 = tpu.memref_slice %arg9[%dma_wait3A_365, %dma_wait3A_366, %dma_wait3A_367] : memref<4x128x32xf32, #tpu.memory_space<vmem>> -> memref<1x128x32xf32, #tpu.memory_space<vmem>>
    %dma_wait3A_369 = tpu.memref_squeeze %dma_wait3A_368 : memref<1x128x32xf32, #tpu.memory_space<vmem>> -> memref<128x32xf32, #tpu.memory_space<vmem>>
    %dma_wait3A_370 = arith.constant 0 : i32
    %dma_wait3A_371 = tpu.memref_slice %arg8[%add3A_364, %dma_wait3A_370] : memref<160x128xi32, #tpu.memory_space<vmem>> -> memref<1x128xi32, #tpu.memory_space<vmem>>
    %dma_wait3A_372 = tpu.memref_squeeze %dma_wait3A_371 : memref<1x128xi32, #tpu.memory_space<vmem>> -> memref<128xi32, #tpu.memory_space<vmem>>
    %dma_wait3A_373 = arith.constant 0 : i32
    %dma_wait3A_374 = arith.constant 0 : i32
    %dma_wait3A_375 = tpu.memref_slice %arg10[%dma_wait3A_373, %dma_wait3A_374] : memref<10240x32xf32, #tpu.memory_space<vmem_shared>> -> memref<10240x32xf32, #tpu.memory_space<vmem_shared>>
    tpu.wait_indirect_dma semaphore(%arg16 : memref<!tpu.dma_semaphore, #tpu.memory_space<semaphore_mem>>) src(%dma_wait3A_369 : memref<128x32xf32, #tpu.memory_space<vmem>>) dst(%dma_wait3A_375 : memref<10240x32xf32, #tpu.memory_space<vmem_shared>>)
    %add3A_376 = arith.constant 1 : i32
    %add3A_377 = arith.addi %mul3A_214, %add3A_376 : i32
    %dma_wait3A_378 = arith.constant 1 : i32
    %dma_wait3A_379 = arith.constant 0 : i32
    %dma_wait3A_380 = arith.constant 0 : i32
    %dma_wait3A_381 = tpu.memref_slice %arg9[%dma_wait3A_378, %dma_wait3A_379, %dma_wait3A_380] : memref<4x128x32xf32, #tpu.memory_space<vmem>> -> memref<1x128x32xf32, #tpu.memory_space<vmem>>
    %dma_wait3A_382 = tpu.memref_squeeze %dma_wait3A_381 : memref<1x128x32xf32, #tpu.memory_space<vmem>> -> memref<128x32xf32, #tpu.memory_space<vmem>>
    %dma_wait3A_383 = arith.constant 0 : i32
    %dma_wait3A_384 = tpu.memref_slice %arg8[%add3A_377, %dma_wait3A_383] : memref<160x128xi32, #tpu.memory_space<vmem>> -> memref<1x128xi32, #tpu.memory_space<vmem>>
    %dma_wait3A_385 = tpu.memref_squeeze %dma_wait3A_384 : memref<1x128xi32, #tpu.memory_space<vmem>> -> memref<128xi32, #tpu.memory_space<vmem>>
    %dma_wait3A_386 = arith.constant 0 : i32
    %dma_wait3A_387 = arith.constant 0 : i32
    %dma_wait3A_388 = tpu.memref_slice %arg10[%dma_wait3A_386, %dma_wait3A_387] : memref<10240x32xf32, #tpu.memory_space<vmem_shared>> -> memref<10240x32xf32, #tpu.memory_space<vmem_shared>>
    tpu.wait_indirect_dma semaphore(%arg17 : memref<!tpu.dma_semaphore, #tpu.memory_space<semaphore_mem>>) src(%dma_wait3A_382 : memref<128x32xf32, #tpu.memory_space<vmem>>) dst(%dma_wait3A_388 : memref<10240x32xf32, #tpu.memory_space<vmem_shared>>)
    %add3A_389 = arith.constant 2 : i32
    %add3A_390 = arith.addi %mul3A_214, %add3A_389 : i32
    %dma_wait3A_391 = arith.constant 2 : i32
    %dma_wait3A_392 = arith.constant 0 : i32
    %dma_wait3A_393 = arith.constant 0 : i32
    %dma_wait3A_394 = tpu.memref_slice %arg9[%dma_wait3A_391, %dma_wait3A_392, %dma_wait3A_393] : memref<4x128x32xf32, #tpu.memory_space<vmem>> -> memref<1x128x32xf32, #tpu.memory_space<vmem>>
    %dma_wait3A_395 = tpu.memref_squeeze %dma_wait3A_394 : memref<1x128x32xf32, #tpu.memory_space<vmem>> -> memref<128x32xf32, #tpu.memory_space<vmem>>
    %dma_wait3A_396 = arith.constant 0 : i32
    %dma_wait3A_397 = tpu.memref_slice %arg8[%add3A_390, %dma_wait3A_396] : memref<160x128xi32, #tpu.memory_space<vmem>> -> memref<1x128xi32, #tpu.memory_space<vmem>>
    %dma_wait3A_398 = tpu.memref_squeeze %dma_wait3A_397 : memref<1x128xi32, #tpu.memory_space<vmem>> -> memref<128xi32, #tpu.memory_space<vmem>>
    %dma_wait3A_399 = arith.constant 0 : i32
    %dma_wait3A_400 = arith.constant 0 : i32
    %dma_wait3A_401 = tpu.memref_slice %arg10[%dma_wait3A_399, %dma_wait3A_400] : memref<10240x32xf32, #tpu.memory_space<vmem_shared>> -> memref<10240x32xf32, #tpu.memory_space<vmem_shared>>
    tpu.wait_indirect_dma semaphore(%arg18 : memref<!tpu.dma_semaphore, #tpu.memory_space<semaphore_mem>>) src(%dma_wait3A_395 : memref<128x32xf32, #tpu.memory_space<vmem>>) dst(%dma_wait3A_401 : memref<10240x32xf32, #tpu.memory_space<vmem_shared>>)
    %add3A_402 = arith.constant 3 : i32
    %add3A_403 = arith.addi %mul3A_214, %add3A_402 : i32
    %dma_wait3A_404 = arith.constant 3 : i32
    %dma_wait3A_405 = arith.constant 0 : i32
    %dma_wait3A_406 = arith.constant 0 : i32
    %dma_wait3A_407 = tpu.memref_slice %arg9[%dma_wait3A_404, %dma_wait3A_405, %dma_wait3A_406] : memref<4x128x32xf32, #tpu.memory_space<vmem>> -> memref<1x128x32xf32, #tpu.memory_space<vmem>>
    %dma_wait3A_408 = tpu.memref_squeeze %dma_wait3A_407 : memref<1x128x32xf32, #tpu.memory_space<vmem>> -> memref<128x32xf32, #tpu.memory_space<vmem>>
    %dma_wait3A_409 = arith.constant 0 : i32
    %dma_wait3A_410 = tpu.memref_slice %arg8[%add3A_403, %dma_wait3A_409] : memref<160x128xi32, #tpu.memory_space<vmem>> -> memref<1x128xi32, #tpu.memory_space<vmem>>
    %dma_wait3A_411 = tpu.memref_squeeze %dma_wait3A_410 : memref<1x128xi32, #tpu.memory_space<vmem>> -> memref<128xi32, #tpu.memory_space<vmem>>
    %dma_wait3A_412 = arith.constant 0 : i32
    %dma_wait3A_413 = arith.constant 0 : i32
    %dma_wait3A_414 = tpu.memref_slice %arg10[%dma_wait3A_412, %dma_wait3A_413] : memref<10240x32xf32, #tpu.memory_space<vmem_shared>> -> memref<10240x32xf32, #tpu.memory_space<vmem_shared>>
    tpu.wait_indirect_dma semaphore(%arg19 : memref<!tpu.dma_semaphore, #tpu.memory_space<semaphore_mem>>) src(%dma_wait3A_408 : memref<128x32xf32, #tpu.memory_space<vmem>>) dst(%dma_wait3A_414 : memref<10240x32xf32, #tpu.memory_space<vmem_shared>>)
    %barrier3A_415 = arith.constant 0 : index
    tpu.barrier barrier_id(%barrier3A_415)
    "tpu.region"() ({
      %run_scoped3A = tpu.sem_alloc : memref<!tpu.dma_semaphore, #tpu.memory_space<semaphore_mem>>
      %dma_start3A_416 = arith.constant 0 : i32
      %dma_start3A_417 = tpu.memref_slice %arg6[%arg0, %multiple_of3A_11, %dma_start3A_416] : memref<2x10240x32xf32, #tpu.memory_space<hbm>> -> memref<1x640x32xf32, #tpu.memory_space<hbm>>
      %dma_start3A_418 = tpu.memref_squeeze %dma_start3A_417 : memref<1x640x32xf32, #tpu.memory_space<hbm>> -> memref<640x32xf32, #tpu.memory_space<hbm>>
      %dma_start3A_419 = arith.constant 0 : i32
      %dma_start3A_420 = tpu.memref_slice %arg10[%multiple_of3A_11, %dma_start3A_419] : memref<10240x32xf32, #tpu.memory_space<vmem_shared>> -> memref<640x32xf32, #tpu.memory_space<vmem_shared>>
      tpu.enqueue_dma source(%dma_start3A_420 : memref<640x32xf32, #tpu.memory_space<vmem_shared>>) target(%dma_start3A_418 : memref<640x32xf32, #tpu.memory_space<hbm>>) target_semaphore(%run_scoped3A : memref<!tpu.dma_semaphore, #tpu.memory_space<semaphore_mem>>)
      %dma_wait3A_421 = arith.constant 0 : i32
      %dma_wait3A_422 = tpu.memref_slice %arg6[%arg0, %multiple_of3A_11, %dma_wait3A_421] : memref<2x10240x32xf32, #tpu.memory_space<hbm>> -> memref<1x640x32xf32, #tpu.memory_space<hbm>>
      %dma_wait3A_423 = tpu.memref_squeeze %dma_wait3A_422 : memref<1x640x32xf32, #tpu.memory_space<hbm>> -> memref<640x32xf32, #tpu.memory_space<hbm>>
      %dma_wait3A_424 = arith.constant 0 : i32
      %dma_wait3A_425 = tpu.memref_slice %arg10[%multiple_of3A_11, %dma_wait3A_424] : memref<10240x32xf32, #tpu.memory_space<vmem_shared>> -> memref<640x32xf32, #tpu.memory_space<vmem_shared>>
      tpu.wait_dma2 semaphore(%run_scoped3A : memref<!tpu.dma_semaphore, #tpu.memory_space<semaphore_mem>>) src(%dma_wait3A_425 : memref<640x32xf32, #tpu.memory_space<vmem_shared>>) dst(%dma_wait3A_423 : memref<640x32xf32, #tpu.memory_space<hbm>>)
      tpu.yield
    }) : () -> ()
    return
  }
}

#map = affine_map<(d0, d1) -> (0, 0)>
module attributes {stable_mosaic.version = 14 : i64} {
  func.func @dual_kernel(%arg0: i32, %arg1: i32, %arg2: memref<10240x32xf32, #tpu.memory_space<hbm>>, %arg3: memref<10240x32xf32, #tpu.memory_space<hbm>>, %arg4: memref<2720x128xi32, #tpu.memory_space<hbm>>, %arg5: memref<2720x128xi32, #tpu.memory_space<hbm>>, %arg6: memref<640x32xf32, #tpu.memory_space<hbm>>, %arg7: memref<10240x32xf32, #tpu.memory_space<hbm>>, %arg8: memref<10240x32xf32, #tpu.memory_space<hbm>>, %arg9: memref<160x128xi32, #tpu.memory_space<vmem>>, %arg10: memref<160x128xi32, #tpu.memory_space<vmem>>, %arg11: memref<4x128x32xf32, #tpu.memory_space<vmem>>, %arg12: memref<10240x32xf32, #tpu.memory_space<vmem_shared>>, %arg13: memref<10240x32xf32, #tpu.memory_space<vmem_shared>>, %arg14: memref<!tpu.dma_semaphore, #tpu.memory_space<semaphore_mem>>, %arg15: memref<!tpu.dma_semaphore, #tpu.memory_space<semaphore_mem>>, %arg16: memref<!tpu.dma_semaphore, #tpu.memory_space<semaphore_mem>>, %arg17: memref<!tpu.dma_semaphore, #tpu.memory_space<semaphore_mem>>, %arg18: memref<!tpu.dma_semaphore, #tpu.memory_space<semaphore_mem>>, %arg19: memref<!tpu.dma_semaphore, #tpu.memory_space<semaphore_mem>>, %arg20: memref<!tpu.dma_semaphore, #tpu.memory_space<semaphore_mem>>, %arg21: memref<!tpu.dma_semaphore, #tpu.memory_space<semaphore_mem>>) attributes {dimension_semantics = [#tpu.dimension_semantics<core_parallel>, #tpu.dimension_semantics<subcore_parallel>], iteration_bounds = array<i64: 2, 16>, scalar_prefetch = 0 : i64, scratch_operands = 13 : i64, tpu.core_type = #tpu.core_type<sc_vector_subcore>, window_params = [{transform_indices = #map}, {transform_indices = #map}, {transform_indices = #map}, {transform_indices = #map}, {transform_indices = #map}, {transform_indices = #map}, {transform_indices = #map}]} {
    %mul3A = arith.constant 160 : i32
    %mul3A_0 = arith.muli %arg1, %mul3A : i32
    %multiple_of3A = tpu.assume_multiple %mul3A_0, 8 : i32
    %mul3A_1 = arith.constant 640 : i32
    %mul3A_2 = arith.muli %arg1, %mul3A_1 : i32
    %multiple_of3A_3 = tpu.assume_multiple %mul3A_2, 8 : i32
    "tpu.region"() ({
      %run_scoped3A = tpu.sem_alloc : memref<!tpu.dma_semaphore, #tpu.memory_space<semaphore_mem>>
      %dma_start3A_408 = arith.constant 0 : i32
      %dma_start3A_409 = tpu.memref_slice %arg12[%multiple_of3A_3, %dma_start3A_408] : memref<10240x32xf32, #tpu.memory_space<vmem_shared>> -> memref<640x32xf32, #tpu.memory_space<vmem_shared>>
      tpu.enqueue_dma source(%arg6 : memref<640x32xf32, #tpu.memory_space<hbm>>) target(%dma_start3A_409 : memref<640x32xf32, #tpu.memory_space<vmem_shared>>) target_semaphore(%run_scoped3A : memref<!tpu.dma_semaphore, #tpu.memory_space<semaphore_mem>>)
      %dma_wait3A_410 = arith.constant 0 : i32
      %dma_wait3A_411 = tpu.memref_slice %arg12[%multiple_of3A_3, %dma_wait3A_410] : memref<10240x32xf32, #tpu.memory_space<vmem_shared>> -> memref<640x32xf32, #tpu.memory_space<vmem_shared>>
      tpu.wait_dma2 semaphore(%run_scoped3A : memref<!tpu.dma_semaphore, #tpu.memory_space<semaphore_mem>>) src(%arg6 : memref<640x32xf32, #tpu.memory_space<hbm>>) dst(%dma_wait3A_411 : memref<640x32xf32, #tpu.memory_space<vmem_shared>>)
      tpu.yield
    }) : () -> ()
    %eq3A = arith.constant 0 : i32
    %eq3A_4 = arith.cmpi eq, %arg0, %eq3A : i32
    %convert_element_type3A = arith.extui %eq3A_4 : i1 to i32
    %cond3A = arith.constant 0 : i32
    %cond3A_5 = arith.cmpi ne, %convert_element_type3A, %cond3A : i32
    scf.if %cond3A_5 {
      "tpu.region"() ({
        %run_scoped3A = tpu.sem_alloc : memref<!tpu.dma_semaphore, #tpu.memory_space<semaphore_mem>>
        %dma_start3A_408 = arith.constant 0 : i32
        %dma_start3A_409 = tpu.memref_slice %arg13[%multiple_of3A_3, %dma_start3A_408] : memref<10240x32xf32, #tpu.memory_space<vmem_shared>> -> memref<640x32xf32, #tpu.memory_space<vmem_shared>>
        %dma_start3A_410 = arith.constant 0 : i32
        %dma_start3A_411 = tpu.memref_slice %arg2[%multiple_of3A_3, %dma_start3A_410] : memref<10240x32xf32, #tpu.memory_space<hbm>> -> memref<640x32xf32, #tpu.memory_space<hbm>>
        tpu.enqueue_dma source(%dma_start3A_411 : memref<640x32xf32, #tpu.memory_space<hbm>>) target(%dma_start3A_409 : memref<640x32xf32, #tpu.memory_space<vmem_shared>>) target_semaphore(%run_scoped3A : memref<!tpu.dma_semaphore, #tpu.memory_space<semaphore_mem>>)
        %dma_wait3A_412 = arith.constant 0 : i32
        %dma_wait3A_413 = tpu.memref_slice %arg13[%multiple_of3A_3, %dma_wait3A_412] : memref<10240x32xf32, #tpu.memory_space<vmem_shared>> -> memref<640x32xf32, #tpu.memory_space<vmem_shared>>
        %dma_wait3A_414 = arith.constant 0 : i32
        %dma_wait3A_415 = tpu.memref_slice %arg2[%multiple_of3A_3, %dma_wait3A_414] : memref<10240x32xf32, #tpu.memory_space<hbm>> -> memref<640x32xf32, #tpu.memory_space<hbm>>
        tpu.wait_dma2 semaphore(%run_scoped3A : memref<!tpu.dma_semaphore, #tpu.memory_space<semaphore_mem>>) src(%dma_wait3A_415 : memref<640x32xf32, #tpu.memory_space<hbm>>) dst(%dma_wait3A_413 : memref<640x32xf32, #tpu.memory_space<vmem_shared>>)
        tpu.yield
      }) : () -> ()
    } else {
    }
    %eq3A_6 = arith.constant 1 : i32
    %eq3A_7 = arith.cmpi eq, %arg0, %eq3A_6 : i32
    %convert_element_type3A_8 = arith.extui %eq3A_7 : i1 to i32
    %cond3A_9 = arith.constant 0 : i32
    %cond3A_10 = arith.cmpi ne, %convert_element_type3A_8, %cond3A_9 : i32
    scf.if %cond3A_10 {
      "tpu.region"() ({
        %run_scoped3A = tpu.sem_alloc : memref<!tpu.dma_semaphore, #tpu.memory_space<semaphore_mem>>
        %dma_start3A_408 = arith.constant 0 : i32
        %dma_start3A_409 = tpu.memref_slice %arg13[%multiple_of3A_3, %dma_start3A_408] : memref<10240x32xf32, #tpu.memory_space<vmem_shared>> -> memref<640x32xf32, #tpu.memory_space<vmem_shared>>
        %dma_start3A_410 = arith.constant 0 : i32
        %dma_start3A_411 = tpu.memref_slice %arg3[%multiple_of3A_3, %dma_start3A_410] : memref<10240x32xf32, #tpu.memory_space<hbm>> -> memref<640x32xf32, #tpu.memory_space<hbm>>
        tpu.enqueue_dma source(%dma_start3A_411 : memref<640x32xf32, #tpu.memory_space<hbm>>) target(%dma_start3A_409 : memref<640x32xf32, #tpu.memory_space<vmem_shared>>) target_semaphore(%run_scoped3A : memref<!tpu.dma_semaphore, #tpu.memory_space<semaphore_mem>>)
        %dma_wait3A_412 = arith.constant 0 : i32
        %dma_wait3A_413 = tpu.memref_slice %arg13[%multiple_of3A_3, %dma_wait3A_412] : memref<10240x32xf32, #tpu.memory_space<vmem_shared>> -> memref<640x32xf32, #tpu.memory_space<vmem_shared>>
        %dma_wait3A_414 = arith.constant 0 : i32
        %dma_wait3A_415 = tpu.memref_slice %arg3[%multiple_of3A_3, %dma_wait3A_414] : memref<10240x32xf32, #tpu.memory_space<hbm>> -> memref<640x32xf32, #tpu.memory_space<hbm>>
        tpu.wait_dma2 semaphore(%run_scoped3A : memref<!tpu.dma_semaphore, #tpu.memory_space<semaphore_mem>>) src(%dma_wait3A_415 : memref<640x32xf32, #tpu.memory_space<hbm>>) dst(%dma_wait3A_413 : memref<640x32xf32, #tpu.memory_space<vmem_shared>>)
        tpu.yield
      }) : () -> ()
    } else {
    }
    "tpu.region"() ({
      %run_scoped3A = tpu.sem_alloc : memref<!tpu.dma_semaphore, #tpu.memory_space<semaphore_mem>>
      %dma_start3A_408 = arith.constant 0 : i32
      %dma_start3A_409 = tpu.memref_slice %arg4[%multiple_of3A, %dma_start3A_408] : memref<2720x128xi32, #tpu.memory_space<hbm>> -> memref<160x128xi32, #tpu.memory_space<hbm>>
      %dma_start3A_410 = arith.constant 0 : i32
      %dma_start3A_411 = tpu.memref_slice %arg4[%multiple_of3A, %dma_start3A_410] : memref<2720x128xi32, #tpu.memory_space<hbm>> -> memref<160x128xi32, #tpu.memory_space<hbm>>
      tpu.enqueue_dma source(%dma_start3A_411 : memref<160x128xi32, #tpu.memory_space<hbm>>) target(%arg9 : memref<160x128xi32, #tpu.memory_space<vmem>>) target_semaphore(%run_scoped3A : memref<!tpu.dma_semaphore, #tpu.memory_space<semaphore_mem>>)
      %dma_wait3A_412 = arith.constant 0 : i32
      %dma_wait3A_413 = tpu.memref_slice %arg4[%multiple_of3A, %dma_wait3A_412] : memref<2720x128xi32, #tpu.memory_space<hbm>> -> memref<160x128xi32, #tpu.memory_space<hbm>>
      %dma_wait3A_414 = arith.constant 0 : i32
      %dma_wait3A_415 = tpu.memref_slice %arg4[%multiple_of3A, %dma_wait3A_414] : memref<2720x128xi32, #tpu.memory_space<hbm>> -> memref<160x128xi32, #tpu.memory_space<hbm>>
      tpu.wait_dma2 semaphore(%run_scoped3A : memref<!tpu.dma_semaphore, #tpu.memory_space<semaphore_mem>>) src(%dma_wait3A_415 : memref<160x128xi32, #tpu.memory_space<hbm>>) dst(%arg9 : memref<160x128xi32, #tpu.memory_space<vmem>>)
      tpu.yield
    }) : () -> ()
    "tpu.region"() ({
      %run_scoped3A = tpu.sem_alloc : memref<!tpu.dma_semaphore, #tpu.memory_space<semaphore_mem>>
      %dma_start3A_408 = arith.constant 0 : i32
      %dma_start3A_409 = tpu.memref_slice %arg5[%multiple_of3A, %dma_start3A_408] : memref<2720x128xi32, #tpu.memory_space<hbm>> -> memref<160x128xi32, #tpu.memory_space<hbm>>
      %dma_start3A_410 = arith.constant 0 : i32
      %dma_start3A_411 = tpu.memref_slice %arg5[%multiple_of3A, %dma_start3A_410] : memref<2720x128xi32, #tpu.memory_space<hbm>> -> memref<160x128xi32, #tpu.memory_space<hbm>>
      tpu.enqueue_dma source(%dma_start3A_411 : memref<160x128xi32, #tpu.memory_space<hbm>>) target(%arg10 : memref<160x128xi32, #tpu.memory_space<vmem>>) target_semaphore(%run_scoped3A : memref<!tpu.dma_semaphore, #tpu.memory_space<semaphore_mem>>)
      %dma_wait3A_412 = arith.constant 0 : i32
      %dma_wait3A_413 = tpu.memref_slice %arg5[%multiple_of3A, %dma_wait3A_412] : memref<2720x128xi32, #tpu.memory_space<hbm>> -> memref<160x128xi32, #tpu.memory_space<hbm>>
      %dma_wait3A_414 = arith.constant 0 : i32
      %dma_wait3A_415 = tpu.memref_slice %arg5[%multiple_of3A, %dma_wait3A_414] : memref<2720x128xi32, #tpu.memory_space<hbm>> -> memref<160x128xi32, #tpu.memory_space<hbm>>
      tpu.wait_dma2 semaphore(%run_scoped3A : memref<!tpu.dma_semaphore, #tpu.memory_space<semaphore_mem>>) src(%dma_wait3A_415 : memref<160x128xi32, #tpu.memory_space<hbm>>) dst(%arg10 : memref<160x128xi32, #tpu.memory_space<vmem>>)
      tpu.yield
    }) : () -> ()
    %barrier3A = arith.constant 0 : index
    tpu.barrier barrier_id(%barrier3A)
    %dma_start3A = arith.constant 0 : i32
    %dma_start3A_11 = arith.constant 0 : i32
    %dma_start3A_12 = arith.constant 0 : i32
    %dma_start3A_13 = arith.constant 0 : i32
    %dma_start3A_14 = tpu.memref_slice %arg11[%dma_start3A_11, %dma_start3A_12, %dma_start3A_13] : memref<4x128x32xf32, #tpu.memory_space<vmem>> -> memref<1x128x32xf32, #tpu.memory_space<vmem>>
    %dma_start3A_15 = tpu.memref_squeeze %dma_start3A_14 : memref<1x128x32xf32, #tpu.memory_space<vmem>> -> memref<128x32xf32, #tpu.memory_space<vmem>>
    %dma_start3A_16 = arith.constant 0 : i32
    %dma_start3A_17 = tpu.memref_slice %arg9[%dma_start3A, %dma_start3A_16] : memref<160x128xi32, #tpu.memory_space<vmem>> -> memref<1x128xi32, #tpu.memory_space<vmem>>
    %dma_start3A_18 = tpu.memref_squeeze %dma_start3A_17 : memref<1x128xi32, #tpu.memory_space<vmem>> -> memref<128xi32, #tpu.memory_space<vmem>>
    %dma_start3A_19 = arith.constant 0 : i32
    %dma_start3A_20 = arith.constant 0 : i32
    %dma_start3A_21 = tpu.memref_slice %arg13[%dma_start3A_19, %dma_start3A_20] : memref<10240x32xf32, #tpu.memory_space<vmem_shared>> -> memref<10240x32xf32, #tpu.memory_space<vmem_shared>>
    tpu.enqueue_indirect_dma source(%dma_start3A_21 : memref<10240x32xf32, #tpu.memory_space<vmem_shared>>) target(%dma_start3A_15 : memref<128x32xf32, #tpu.memory_space<vmem>>) offsets(%dma_start3A_18 : memref<128xi32, #tpu.memory_space<vmem>>) semaphore(%arg14 : memref<!tpu.dma_semaphore, #tpu.memory_space<semaphore_mem>>)
    %dma_start3A_22 = arith.constant 1 : i32
    %dma_start3A_23 = arith.constant 1 : i32
    %dma_start3A_24 = arith.constant 0 : i32
    %dma_start3A_25 = arith.constant 0 : i32
    %dma_start3A_26 = tpu.memref_slice %arg11[%dma_start3A_23, %dma_start3A_24, %dma_start3A_25] : memref<4x128x32xf32, #tpu.memory_space<vmem>> -> memref<1x128x32xf32, #tpu.memory_space<vmem>>
    %dma_start3A_27 = tpu.memref_squeeze %dma_start3A_26 : memref<1x128x32xf32, #tpu.memory_space<vmem>> -> memref<128x32xf32, #tpu.memory_space<vmem>>
    %dma_start3A_28 = arith.constant 0 : i32
    %dma_start3A_29 = tpu.memref_slice %arg9[%dma_start3A_22, %dma_start3A_28] : memref<160x128xi32, #tpu.memory_space<vmem>> -> memref<1x128xi32, #tpu.memory_space<vmem>>
    %dma_start3A_30 = tpu.memref_squeeze %dma_start3A_29 : memref<1x128xi32, #tpu.memory_space<vmem>> -> memref<128xi32, #tpu.memory_space<vmem>>
    %dma_start3A_31 = arith.constant 0 : i32
    %dma_start3A_32 = arith.constant 0 : i32
    %dma_start3A_33 = tpu.memref_slice %arg13[%dma_start3A_31, %dma_start3A_32] : memref<10240x32xf32, #tpu.memory_space<vmem_shared>> -> memref<10240x32xf32, #tpu.memory_space<vmem_shared>>
    tpu.enqueue_indirect_dma source(%dma_start3A_33 : memref<10240x32xf32, #tpu.memory_space<vmem_shared>>) target(%dma_start3A_27 : memref<128x32xf32, #tpu.memory_space<vmem>>) offsets(%dma_start3A_30 : memref<128xi32, #tpu.memory_space<vmem>>) semaphore(%arg15 : memref<!tpu.dma_semaphore, #tpu.memory_space<semaphore_mem>>)
    %dma_wait3A = arith.constant 0 : i32
    %dma_wait3A_34 = arith.constant 0 : i32
    %dma_wait3A_35 = arith.constant 0 : i32
    %dma_wait3A_36 = arith.constant 0 : i32
    %dma_wait3A_37 = tpu.memref_slice %arg11[%dma_wait3A_34, %dma_wait3A_35, %dma_wait3A_36] : memref<4x128x32xf32, #tpu.memory_space<vmem>> -> memref<1x128x32xf32, #tpu.memory_space<vmem>>
    %dma_wait3A_38 = tpu.memref_squeeze %dma_wait3A_37 : memref<1x128x32xf32, #tpu.memory_space<vmem>> -> memref<128x32xf32, #tpu.memory_space<vmem>>
    %dma_wait3A_39 = arith.constant 0 : i32
    %dma_wait3A_40 = tpu.memref_slice %arg9[%dma_wait3A, %dma_wait3A_39] : memref<160x128xi32, #tpu.memory_space<vmem>> -> memref<1x128xi32, #tpu.memory_space<vmem>>
    %dma_wait3A_41 = tpu.memref_squeeze %dma_wait3A_40 : memref<1x128xi32, #tpu.memory_space<vmem>> -> memref<128xi32, #tpu.memory_space<vmem>>
    %dma_wait3A_42 = arith.constant 0 : i32
    %dma_wait3A_43 = arith.constant 0 : i32
    %dma_wait3A_44 = tpu.memref_slice %arg13[%dma_wait3A_42, %dma_wait3A_43] : memref<10240x32xf32, #tpu.memory_space<vmem_shared>> -> memref<10240x32xf32, #tpu.memory_space<vmem_shared>>
    tpu.wait_indirect_dma semaphore(%arg14 : memref<!tpu.dma_semaphore, #tpu.memory_space<semaphore_mem>>) src(%dma_wait3A_44 : memref<10240x32xf32, #tpu.memory_space<vmem_shared>>) dst(%dma_wait3A_38 : memref<128x32xf32, #tpu.memory_space<vmem>>)
    %dma_start3A_45 = arith.constant 0 : i32
    %dma_start3A_46 = arith.constant 0 : i32
    %dma_start3A_47 = arith.constant 0 : i32
    %dma_start3A_48 = arith.constant 0 : i32
    %dma_start3A_49 = tpu.memref_slice %arg11[%dma_start3A_45, %dma_start3A_47, %dma_start3A_48] : memref<4x128x32xf32, #tpu.memory_space<vmem>> -> memref<1x128x32xf32, #tpu.memory_space<vmem>>
    %dma_start3A_50 = tpu.memref_squeeze %dma_start3A_49 : memref<1x128x32xf32, #tpu.memory_space<vmem>> -> memref<128x32xf32, #tpu.memory_space<vmem>>
    %dma_start3A_51 = arith.constant 0 : i32
    %dma_start3A_52 = tpu.memref_slice %arg10[%dma_start3A_46, %dma_start3A_51] : memref<160x128xi32, #tpu.memory_space<vmem>> -> memref<1x128xi32, #tpu.memory_space<vmem>>
    %dma_start3A_53 = tpu.memref_squeeze %dma_start3A_52 : memref<1x128xi32, #tpu.memory_space<vmem>> -> memref<128xi32, #tpu.memory_space<vmem>>
    %dma_start3A_54 = arith.constant 0 : i32
    %dma_start3A_55 = arith.constant 0 : i32
    %dma_start3A_56 = tpu.memref_slice %arg12[%dma_start3A_54, %dma_start3A_55] : memref<10240x32xf32, #tpu.memory_space<vmem_shared>> -> memref<10240x32xf32, #tpu.memory_space<vmem_shared>>
    tpu.enqueue_indirect_dma source(%dma_start3A_50 : memref<128x32xf32, #tpu.memory_space<vmem>>) target(%dma_start3A_56 : memref<10240x32xf32, #tpu.memory_space<vmem_shared>>) offsets(%dma_start3A_53 : memref<128xi32, #tpu.memory_space<vmem>>) semaphore(%arg18 : memref<!tpu.dma_semaphore, #tpu.memory_space<semaphore_mem>>) {add = true}
    %dma_start3A_57 = arith.constant 2 : i32
    %dma_start3A_58 = arith.constant 2 : i32
    %dma_start3A_59 = arith.constant 0 : i32
    %dma_start3A_60 = arith.constant 0 : i32
    %dma_start3A_61 = tpu.memref_slice %arg11[%dma_start3A_58, %dma_start3A_59, %dma_start3A_60] : memref<4x128x32xf32, #tpu.memory_space<vmem>> -> memref<1x128x32xf32, #tpu.memory_space<vmem>>
    %dma_start3A_62 = tpu.memref_squeeze %dma_start3A_61 : memref<1x128x32xf32, #tpu.memory_space<vmem>> -> memref<128x32xf32, #tpu.memory_space<vmem>>
    %dma_start3A_63 = arith.constant 0 : i32
    %dma_start3A_64 = tpu.memref_slice %arg9[%dma_start3A_57, %dma_start3A_63] : memref<160x128xi32, #tpu.memory_space<vmem>> -> memref<1x128xi32, #tpu.memory_space<vmem>>
    %dma_start3A_65 = tpu.memref_squeeze %dma_start3A_64 : memref<1x128xi32, #tpu.memory_space<vmem>> -> memref<128xi32, #tpu.memory_space<vmem>>
    %dma_start3A_66 = arith.constant 0 : i32
    %dma_start3A_67 = arith.constant 0 : i32
    %dma_start3A_68 = tpu.memref_slice %arg13[%dma_start3A_66, %dma_start3A_67] : memref<10240x32xf32, #tpu.memory_space<vmem_shared>> -> memref<10240x32xf32, #tpu.memory_space<vmem_shared>>
    tpu.enqueue_indirect_dma source(%dma_start3A_68 : memref<10240x32xf32, #tpu.memory_space<vmem_shared>>) target(%dma_start3A_62 : memref<128x32xf32, #tpu.memory_space<vmem>>) offsets(%dma_start3A_65 : memref<128xi32, #tpu.memory_space<vmem>>) semaphore(%arg16 : memref<!tpu.dma_semaphore, #tpu.memory_space<semaphore_mem>>)
    %dma_wait3A_69 = arith.constant 1 : i32
    %dma_wait3A_70 = arith.constant 1 : i32
    %dma_wait3A_71 = arith.constant 0 : i32
    %dma_wait3A_72 = arith.constant 0 : i32
    %dma_wait3A_73 = tpu.memref_slice %arg11[%dma_wait3A_70, %dma_wait3A_71, %dma_wait3A_72] : memref<4x128x32xf32, #tpu.memory_space<vmem>> -> memref<1x128x32xf32, #tpu.memory_space<vmem>>
    %dma_wait3A_74 = tpu.memref_squeeze %dma_wait3A_73 : memref<1x128x32xf32, #tpu.memory_space<vmem>> -> memref<128x32xf32, #tpu.memory_space<vmem>>
    %dma_wait3A_75 = arith.constant 0 : i32
    %dma_wait3A_76 = tpu.memref_slice %arg9[%dma_wait3A_69, %dma_wait3A_75] : memref<160x128xi32, #tpu.memory_space<vmem>> -> memref<1x128xi32, #tpu.memory_space<vmem>>
    %dma_wait3A_77 = tpu.memref_squeeze %dma_wait3A_76 : memref<1x128xi32, #tpu.memory_space<vmem>> -> memref<128xi32, #tpu.memory_space<vmem>>
    %dma_wait3A_78 = arith.constant 0 : i32
    %dma_wait3A_79 = arith.constant 0 : i32
    %dma_wait3A_80 = tpu.memref_slice %arg13[%dma_wait3A_78, %dma_wait3A_79] : memref<10240x32xf32, #tpu.memory_space<vmem_shared>> -> memref<10240x32xf32, #tpu.memory_space<vmem_shared>>
    tpu.wait_indirect_dma semaphore(%arg15 : memref<!tpu.dma_semaphore, #tpu.memory_space<semaphore_mem>>) src(%dma_wait3A_80 : memref<10240x32xf32, #tpu.memory_space<vmem_shared>>) dst(%dma_wait3A_74 : memref<128x32xf32, #tpu.memory_space<vmem>>)
    %dma_start3A_81 = arith.constant 1 : i32
    %dma_start3A_82 = arith.constant 1 : i32
    %dma_start3A_83 = arith.constant 0 : i32
    %dma_start3A_84 = arith.constant 0 : i32
    %dma_start3A_85 = tpu.memref_slice %arg11[%dma_start3A_81, %dma_start3A_83, %dma_start3A_84] : memref<4x128x32xf32, #tpu.memory_space<vmem>> -> memref<1x128x32xf32, #tpu.memory_space<vmem>>
    %dma_start3A_86 = tpu.memref_squeeze %dma_start3A_85 : memref<1x128x32xf32, #tpu.memory_space<vmem>> -> memref<128x32xf32, #tpu.memory_space<vmem>>
    %dma_start3A_87 = arith.constant 0 : i32
    %dma_start3A_88 = tpu.memref_slice %arg10[%dma_start3A_82, %dma_start3A_87] : memref<160x128xi32, #tpu.memory_space<vmem>> -> memref<1x128xi32, #tpu.memory_space<vmem>>
    %dma_start3A_89 = tpu.memref_squeeze %dma_start3A_88 : memref<1x128xi32, #tpu.memory_space<vmem>> -> memref<128xi32, #tpu.memory_space<vmem>>
    %dma_start3A_90 = arith.constant 0 : i32
    %dma_start3A_91 = arith.constant 0 : i32
    %dma_start3A_92 = tpu.memref_slice %arg12[%dma_start3A_90, %dma_start3A_91] : memref<10240x32xf32, #tpu.memory_space<vmem_shared>> -> memref<10240x32xf32, #tpu.memory_space<vmem_shared>>
    tpu.enqueue_indirect_dma source(%dma_start3A_86 : memref<128x32xf32, #tpu.memory_space<vmem>>) target(%dma_start3A_92 : memref<10240x32xf32, #tpu.memory_space<vmem_shared>>) offsets(%dma_start3A_89 : memref<128xi32, #tpu.memory_space<vmem>>) semaphore(%arg19 : memref<!tpu.dma_semaphore, #tpu.memory_space<semaphore_mem>>) {add = true}
    %dma_start3A_93 = arith.constant 3 : i32
    %dma_start3A_94 = arith.constant 3 : i32
    %dma_start3A_95 = arith.constant 0 : i32
    %dma_start3A_96 = arith.constant 0 : i32
    %dma_start3A_97 = tpu.memref_slice %arg11[%dma_start3A_94, %dma_start3A_95, %dma_start3A_96] : memref<4x128x32xf32, #tpu.memory_space<vmem>> -> memref<1x128x32xf32, #tpu.memory_space<vmem>>
    %dma_start3A_98 = tpu.memref_squeeze %dma_start3A_97 : memref<1x128x32xf32, #tpu.memory_space<vmem>> -> memref<128x32xf32, #tpu.memory_space<vmem>>
    %dma_start3A_99 = arith.constant 0 : i32
    %dma_start3A_100 = tpu.memref_slice %arg9[%dma_start3A_93, %dma_start3A_99] : memref<160x128xi32, #tpu.memory_space<vmem>> -> memref<1x128xi32, #tpu.memory_space<vmem>>
    %dma_start3A_101 = tpu.memref_squeeze %dma_start3A_100 : memref<1x128xi32, #tpu.memory_space<vmem>> -> memref<128xi32, #tpu.memory_space<vmem>>
    %dma_start3A_102 = arith.constant 0 : i32
    %dma_start3A_103 = arith.constant 0 : i32
    %dma_start3A_104 = tpu.memref_slice %arg13[%dma_start3A_102, %dma_start3A_103] : memref<10240x32xf32, #tpu.memory_space<vmem_shared>> -> memref<10240x32xf32, #tpu.memory_space<vmem_shared>>
    tpu.enqueue_indirect_dma source(%dma_start3A_104 : memref<10240x32xf32, #tpu.memory_space<vmem_shared>>) target(%dma_start3A_98 : memref<128x32xf32, #tpu.memory_space<vmem>>) offsets(%dma_start3A_101 : memref<128xi32, #tpu.memory_space<vmem>>) semaphore(%arg17 : memref<!tpu.dma_semaphore, #tpu.memory_space<semaphore_mem>>)
    %dma_wait3A_105 = arith.constant 2 : i32
    %dma_wait3A_106 = arith.constant 2 : i32
    %dma_wait3A_107 = arith.constant 0 : i32
    %dma_wait3A_108 = arith.constant 0 : i32
    %dma_wait3A_109 = tpu.memref_slice %arg11[%dma_wait3A_106, %dma_wait3A_107, %dma_wait3A_108] : memref<4x128x32xf32, #tpu.memory_space<vmem>> -> memref<1x128x32xf32, #tpu.memory_space<vmem>>
    %dma_wait3A_110 = tpu.memref_squeeze %dma_wait3A_109 : memref<1x128x32xf32, #tpu.memory_space<vmem>> -> memref<128x32xf32, #tpu.memory_space<vmem>>
    %dma_wait3A_111 = arith.constant 0 : i32
    %dma_wait3A_112 = tpu.memref_slice %arg9[%dma_wait3A_105, %dma_wait3A_111] : memref<160x128xi32, #tpu.memory_space<vmem>> -> memref<1x128xi32, #tpu.memory_space<vmem>>
    %dma_wait3A_113 = tpu.memref_squeeze %dma_wait3A_112 : memref<1x128xi32, #tpu.memory_space<vmem>> -> memref<128xi32, #tpu.memory_space<vmem>>
    %dma_wait3A_114 = arith.constant 0 : i32
    %dma_wait3A_115 = arith.constant 0 : i32
    %dma_wait3A_116 = tpu.memref_slice %arg13[%dma_wait3A_114, %dma_wait3A_115] : memref<10240x32xf32, #tpu.memory_space<vmem_shared>> -> memref<10240x32xf32, #tpu.memory_space<vmem_shared>>
    tpu.wait_indirect_dma semaphore(%arg16 : memref<!tpu.dma_semaphore, #tpu.memory_space<semaphore_mem>>) src(%dma_wait3A_116 : memref<10240x32xf32, #tpu.memory_space<vmem_shared>>) dst(%dma_wait3A_110 : memref<128x32xf32, #tpu.memory_space<vmem>>)
    %dma_start3A_117 = arith.constant 2 : i32
    %dma_start3A_118 = arith.constant 2 : i32
    %dma_start3A_119 = arith.constant 0 : i32
    %dma_start3A_120 = arith.constant 0 : i32
    %dma_start3A_121 = tpu.memref_slice %arg11[%dma_start3A_117, %dma_start3A_119, %dma_start3A_120] : memref<4x128x32xf32, #tpu.memory_space<vmem>> -> memref<1x128x32xf32, #tpu.memory_space<vmem>>
    %dma_start3A_122 = tpu.memref_squeeze %dma_start3A_121 : memref<1x128x32xf32, #tpu.memory_space<vmem>> -> memref<128x32xf32, #tpu.memory_space<vmem>>
    %dma_start3A_123 = arith.constant 0 : i32
    %dma_start3A_124 = tpu.memref_slice %arg10[%dma_start3A_118, %dma_start3A_123] : memref<160x128xi32, #tpu.memory_space<vmem>> -> memref<1x128xi32, #tpu.memory_space<vmem>>
    %dma_start3A_125 = tpu.memref_squeeze %dma_start3A_124 : memref<1x128xi32, #tpu.memory_space<vmem>> -> memref<128xi32, #tpu.memory_space<vmem>>
    %dma_start3A_126 = arith.constant 0 : i32
    %dma_start3A_127 = arith.constant 0 : i32
    %dma_start3A_128 = tpu.memref_slice %arg12[%dma_start3A_126, %dma_start3A_127] : memref<10240x32xf32, #tpu.memory_space<vmem_shared>> -> memref<10240x32xf32, #tpu.memory_space<vmem_shared>>
    tpu.enqueue_indirect_dma source(%dma_start3A_122 : memref<128x32xf32, #tpu.memory_space<vmem>>) target(%dma_start3A_128 : memref<10240x32xf32, #tpu.memory_space<vmem_shared>>) offsets(%dma_start3A_125 : memref<128xi32, #tpu.memory_space<vmem>>) semaphore(%arg20 : memref<!tpu.dma_semaphore, #tpu.memory_space<semaphore_mem>>) {add = true}
    %dma_wait3A_129 = arith.constant 0 : i32
    %dma_wait3A_130 = arith.constant 0 : i32
    %dma_wait3A_131 = arith.constant 0 : i32
    %dma_wait3A_132 = arith.constant 0 : i32
    %dma_wait3A_133 = tpu.memref_slice %arg11[%dma_wait3A_129, %dma_wait3A_131, %dma_wait3A_132] : memref<4x128x32xf32, #tpu.memory_space<vmem>> -> memref<1x128x32xf32, #tpu.memory_space<vmem>>
    %dma_wait3A_134 = tpu.memref_squeeze %dma_wait3A_133 : memref<1x128x32xf32, #tpu.memory_space<vmem>> -> memref<128x32xf32, #tpu.memory_space<vmem>>
    %dma_wait3A_135 = arith.constant 0 : i32
    %dma_wait3A_136 = tpu.memref_slice %arg10[%dma_wait3A_130, %dma_wait3A_135] : memref<160x128xi32, #tpu.memory_space<vmem>> -> memref<1x128xi32, #tpu.memory_space<vmem>>
    %dma_wait3A_137 = tpu.memref_squeeze %dma_wait3A_136 : memref<1x128xi32, #tpu.memory_space<vmem>> -> memref<128xi32, #tpu.memory_space<vmem>>
    %dma_wait3A_138 = arith.constant 0 : i32
    %dma_wait3A_139 = arith.constant 0 : i32
    %dma_wait3A_140 = tpu.memref_slice %arg12[%dma_wait3A_138, %dma_wait3A_139] : memref<10240x32xf32, #tpu.memory_space<vmem_shared>> -> memref<10240x32xf32, #tpu.memory_space<vmem_shared>>
    tpu.wait_indirect_dma semaphore(%arg18 : memref<!tpu.dma_semaphore, #tpu.memory_space<semaphore_mem>>) src(%dma_wait3A_134 : memref<128x32xf32, #tpu.memory_space<vmem>>) dst(%dma_wait3A_140 : memref<10240x32xf32, #tpu.memory_space<vmem_shared>>)
    %dma_start3A_141 = arith.constant 4 : i32
    %dma_start3A_142 = arith.constant 0 : i32
    %dma_start3A_143 = arith.constant 0 : i32
    %dma_start3A_144 = arith.constant 0 : i32
    %dma_start3A_145 = tpu.memref_slice %arg11[%dma_start3A_142, %dma_start3A_143, %dma_start3A_144] : memref<4x128x32xf32, #tpu.memory_space<vmem>> -> memref<1x128x32xf32, #tpu.memory_space<vmem>>
    %dma_start3A_146 = tpu.memref_squeeze %dma_start3A_145 : memref<1x128x32xf32, #tpu.memory_space<vmem>> -> memref<128x32xf32, #tpu.memory_space<vmem>>
    %dma_start3A_147 = arith.constant 0 : i32
    %dma_start3A_148 = tpu.memref_slice %arg9[%dma_start3A_141, %dma_start3A_147] : memref<160x128xi32, #tpu.memory_space<vmem>> -> memref<1x128xi32, #tpu.memory_space<vmem>>
    %dma_start3A_149 = tpu.memref_squeeze %dma_start3A_148 : memref<1x128xi32, #tpu.memory_space<vmem>> -> memref<128xi32, #tpu.memory_space<vmem>>
    %dma_start3A_150 = arith.constant 0 : i32
    %dma_start3A_151 = arith.constant 0 : i32
    %dma_start3A_152 = tpu.memref_slice %arg13[%dma_start3A_150, %dma_start3A_151] : memref<10240x32xf32, #tpu.memory_space<vmem_shared>> -> memref<10240x32xf32, #tpu.memory_space<vmem_shared>>
    tpu.enqueue_indirect_dma source(%dma_start3A_152 : memref<10240x32xf32, #tpu.memory_space<vmem_shared>>) target(%dma_start3A_146 : memref<128x32xf32, #tpu.memory_space<vmem>>) offsets(%dma_start3A_149 : memref<128xi32, #tpu.memory_space<vmem>>) semaphore(%arg14 : memref<!tpu.dma_semaphore, #tpu.memory_space<semaphore_mem>>)
    %dma_wait3A_153 = arith.constant 3 : i32
    %dma_wait3A_154 = arith.constant 3 : i32
    %dma_wait3A_155 = arith.constant 0 : i32
    %dma_wait3A_156 = arith.constant 0 : i32
    %dma_wait3A_157 = tpu.memref_slice %arg11[%dma_wait3A_154, %dma_wait3A_155, %dma_wait3A_156] : memref<4x128x32xf32, #tpu.memory_space<vmem>> -> memref<1x128x32xf32, #tpu.memory_space<vmem>>
    %dma_wait3A_158 = tpu.memref_squeeze %dma_wait3A_157 : memref<1x128x32xf32, #tpu.memory_space<vmem>> -> memref<128x32xf32, #tpu.memory_space<vmem>>
    %dma_wait3A_159 = arith.constant 0 : i32
    %dma_wait3A_160 = tpu.memref_slice %arg9[%dma_wait3A_153, %dma_wait3A_159] : memref<160x128xi32, #tpu.memory_space<vmem>> -> memref<1x128xi32, #tpu.memory_space<vmem>>
    %dma_wait3A_161 = tpu.memref_squeeze %dma_wait3A_160 : memref<1x128xi32, #tpu.memory_space<vmem>> -> memref<128xi32, #tpu.memory_space<vmem>>
    %dma_wait3A_162 = arith.constant 0 : i32
    %dma_wait3A_163 = arith.constant 0 : i32
    %dma_wait3A_164 = tpu.memref_slice %arg13[%dma_wait3A_162, %dma_wait3A_163] : memref<10240x32xf32, #tpu.memory_space<vmem_shared>> -> memref<10240x32xf32, #tpu.memory_space<vmem_shared>>
    tpu.wait_indirect_dma semaphore(%arg17 : memref<!tpu.dma_semaphore, #tpu.memory_space<semaphore_mem>>) src(%dma_wait3A_164 : memref<10240x32xf32, #tpu.memory_space<vmem_shared>>) dst(%dma_wait3A_158 : memref<128x32xf32, #tpu.memory_space<vmem>>)
    %dma_start3A_165 = arith.constant 3 : i32
    %dma_start3A_166 = arith.constant 3 : i32
    %dma_start3A_167 = arith.constant 0 : i32
    %dma_start3A_168 = arith.constant 0 : i32
    %dma_start3A_169 = tpu.memref_slice %arg11[%dma_start3A_165, %dma_start3A_167, %dma_start3A_168] : memref<4x128x32xf32, #tpu.memory_space<vmem>> -> memref<1x128x32xf32, #tpu.memory_space<vmem>>
    %dma_start3A_170 = tpu.memref_squeeze %dma_start3A_169 : memref<1x128x32xf32, #tpu.memory_space<vmem>> -> memref<128x32xf32, #tpu.memory_space<vmem>>
    %dma_start3A_171 = arith.constant 0 : i32
    %dma_start3A_172 = tpu.memref_slice %arg10[%dma_start3A_166, %dma_start3A_171] : memref<160x128xi32, #tpu.memory_space<vmem>> -> memref<1x128xi32, #tpu.memory_space<vmem>>
    %dma_start3A_173 = tpu.memref_squeeze %dma_start3A_172 : memref<1x128xi32, #tpu.memory_space<vmem>> -> memref<128xi32, #tpu.memory_space<vmem>>
    %dma_start3A_174 = arith.constant 0 : i32
    %dma_start3A_175 = arith.constant 0 : i32
    %dma_start3A_176 = tpu.memref_slice %arg12[%dma_start3A_174, %dma_start3A_175] : memref<10240x32xf32, #tpu.memory_space<vmem_shared>> -> memref<10240x32xf32, #tpu.memory_space<vmem_shared>>
    tpu.enqueue_indirect_dma source(%dma_start3A_170 : memref<128x32xf32, #tpu.memory_space<vmem>>) target(%dma_start3A_176 : memref<10240x32xf32, #tpu.memory_space<vmem_shared>>) offsets(%dma_start3A_173 : memref<128xi32, #tpu.memory_space<vmem>>) semaphore(%arg21 : memref<!tpu.dma_semaphore, #tpu.memory_space<semaphore_mem>>) {add = true}
    %dma_wait3A_177 = arith.constant 1 : i32
    %dma_wait3A_178 = arith.constant 1 : i32
    %dma_wait3A_179 = arith.constant 0 : i32
    %dma_wait3A_180 = arith.constant 0 : i32
    %dma_wait3A_181 = tpu.memref_slice %arg11[%dma_wait3A_177, %dma_wait3A_179, %dma_wait3A_180] : memref<4x128x32xf32, #tpu.memory_space<vmem>> -> memref<1x128x32xf32, #tpu.memory_space<vmem>>
    %dma_wait3A_182 = tpu.memref_squeeze %dma_wait3A_181 : memref<1x128x32xf32, #tpu.memory_space<vmem>> -> memref<128x32xf32, #tpu.memory_space<vmem>>
    %dma_wait3A_183 = arith.constant 0 : i32
    %dma_wait3A_184 = tpu.memref_slice %arg10[%dma_wait3A_178, %dma_wait3A_183] : memref<160x128xi32, #tpu.memory_space<vmem>> -> memref<1x128xi32, #tpu.memory_space<vmem>>
    %dma_wait3A_185 = tpu.memref_squeeze %dma_wait3A_184 : memref<1x128xi32, #tpu.memory_space<vmem>> -> memref<128xi32, #tpu.memory_space<vmem>>
    %dma_wait3A_186 = arith.constant 0 : i32
    %dma_wait3A_187 = arith.constant 0 : i32
    %dma_wait3A_188 = tpu.memref_slice %arg12[%dma_wait3A_186, %dma_wait3A_187] : memref<10240x32xf32, #tpu.memory_space<vmem_shared>> -> memref<10240x32xf32, #tpu.memory_space<vmem_shared>>
    tpu.wait_indirect_dma semaphore(%arg19 : memref<!tpu.dma_semaphore, #tpu.memory_space<semaphore_mem>>) src(%dma_wait3A_182 : memref<128x32xf32, #tpu.memory_space<vmem>>) dst(%dma_wait3A_188 : memref<10240x32xf32, #tpu.memory_space<vmem_shared>>)
    %dma_start3A_189 = arith.constant 5 : i32
    %dma_start3A_190 = arith.constant 1 : i32
    %dma_start3A_191 = arith.constant 0 : i32
    %dma_start3A_192 = arith.constant 0 : i32
    %dma_start3A_193 = tpu.memref_slice %arg11[%dma_start3A_190, %dma_start3A_191, %dma_start3A_192] : memref<4x128x32xf32, #tpu.memory_space<vmem>> -> memref<1x128x32xf32, #tpu.memory_space<vmem>>
    %dma_start3A_194 = tpu.memref_squeeze %dma_start3A_193 : memref<1x128x32xf32, #tpu.memory_space<vmem>> -> memref<128x32xf32, #tpu.memory_space<vmem>>
    %dma_start3A_195 = arith.constant 0 : i32
    %dma_start3A_196 = tpu.memref_slice %arg9[%dma_start3A_189, %dma_start3A_195] : memref<160x128xi32, #tpu.memory_space<vmem>> -> memref<1x128xi32, #tpu.memory_space<vmem>>
    %dma_start3A_197 = tpu.memref_squeeze %dma_start3A_196 : memref<1x128xi32, #tpu.memory_space<vmem>> -> memref<128xi32, #tpu.memory_space<vmem>>
    %dma_start3A_198 = arith.constant 0 : i32
    %dma_start3A_199 = arith.constant 0 : i32
    %dma_start3A_200 = tpu.memref_slice %arg13[%dma_start3A_198, %dma_start3A_199] : memref<10240x32xf32, #tpu.memory_space<vmem_shared>> -> memref<10240x32xf32, #tpu.memory_space<vmem_shared>>
    tpu.enqueue_indirect_dma source(%dma_start3A_200 : memref<10240x32xf32, #tpu.memory_space<vmem_shared>>) target(%dma_start3A_194 : memref<128x32xf32, #tpu.memory_space<vmem>>) offsets(%dma_start3A_197 : memref<128xi32, #tpu.memory_space<vmem>>) semaphore(%arg15 : memref<!tpu.dma_semaphore, #tpu.memory_space<semaphore_mem>>)
    %scan3A = arith.constant 1 : i32
    %scan3A_201 = arith.constant 38 : i32
    %scan3A_202 = arith.addi %scan3A, %scan3A_201 : i32
    %scan3A_203 = arith.constant 1 : i32
    scf.for %scan3A_408 = %scan3A to %scan3A_202 step %scan3A_203  : i32 {
      %mul3A_409 = arith.constant 4 : i32
      %mul3A_410 = arith.muli %scan3A_408, %mul3A_409 : i32
      %add3A = arith.constant 0 : i32
      %add3A_411 = arith.addi %mul3A_410, %add3A : i32
      %dma_wait3A_412 = arith.constant 0 : i32
      %dma_wait3A_413 = arith.constant 0 : i32
      %dma_wait3A_414 = arith.constant 0 : i32
      %dma_wait3A_415 = tpu.memref_slice %arg11[%dma_wait3A_412, %dma_wait3A_413, %dma_wait3A_414] : memref<4x128x32xf32, #tpu.memory_space<vmem>> -> memref<1x128x32xf32, #tpu.memory_space<vmem>>
      %dma_wait3A_416 = tpu.memref_squeeze %dma_wait3A_415 : memref<1x128x32xf32, #tpu.memory_space<vmem>> -> memref<128x32xf32, #tpu.memory_space<vmem>>
      %dma_wait3A_417 = arith.constant 0 : i32
      %dma_wait3A_418 = tpu.memref_slice %arg9[%add3A_411, %dma_wait3A_417] : memref<160x128xi32, #tpu.memory_space<vmem>> -> memref<1x128xi32, #tpu.memory_space<vmem>>
      %dma_wait3A_419 = tpu.memref_squeeze %dma_wait3A_418 : memref<1x128xi32, #tpu.memory_space<vmem>> -> memref<128xi32, #tpu.memory_space<vmem>>
      %dma_wait3A_420 = arith.constant 0 : i32
      %dma_wait3A_421 = arith.constant 0 : i32
      %dma_wait3A_422 = tpu.memref_slice %arg13[%dma_wait3A_420, %dma_wait3A_421] : memref<10240x32xf32, #tpu.memory_space<vmem_shared>> -> memref<10240x32xf32, #tpu.memory_space<vmem_shared>>
      tpu.wait_indirect_dma semaphore(%arg14 : memref<!tpu.dma_semaphore, #tpu.memory_space<semaphore_mem>>) src(%dma_wait3A_422 : memref<10240x32xf32, #tpu.memory_space<vmem_shared>>) dst(%dma_wait3A_416 : memref<128x32xf32, #tpu.memory_space<vmem>>)
      %dma_start3A_423 = arith.constant 0 : i32
      %dma_start3A_424 = arith.constant 0 : i32
      %dma_start3A_425 = arith.constant 0 : i32
      %dma_start3A_426 = tpu.memref_slice %arg11[%dma_start3A_423, %dma_start3A_424, %dma_start3A_425] : memref<4x128x32xf32, #tpu.memory_space<vmem>> -> memref<1x128x32xf32, #tpu.memory_space<vmem>>
      %dma_start3A_427 = tpu.memref_squeeze %dma_start3A_426 : memref<1x128x32xf32, #tpu.memory_space<vmem>> -> memref<128x32xf32, #tpu.memory_space<vmem>>
      %dma_start3A_428 = arith.constant 0 : i32
      %dma_start3A_429 = tpu.memref_slice %arg10[%add3A_411, %dma_start3A_428] : memref<160x128xi32, #tpu.memory_space<vmem>> -> memref<1x128xi32, #tpu.memory_space<vmem>>
      %dma_start3A_430 = tpu.memref_squeeze %dma_start3A_429 : memref<1x128xi32, #tpu.memory_space<vmem>> -> memref<128xi32, #tpu.memory_space<vmem>>
      %dma_start3A_431 = arith.constant 0 : i32
      %dma_start3A_432 = arith.constant 0 : i32
      %dma_start3A_433 = tpu.memref_slice %arg12[%dma_start3A_431, %dma_start3A_432] : memref<10240x32xf32, #tpu.memory_space<vmem_shared>> -> memref<10240x32xf32, #tpu.memory_space<vmem_shared>>
      tpu.enqueue_indirect_dma source(%dma_start3A_427 : memref<128x32xf32, #tpu.memory_space<vmem>>) target(%dma_start3A_433 : memref<10240x32xf32, #tpu.memory_space<vmem_shared>>) offsets(%dma_start3A_430 : memref<128xi32, #tpu.memory_space<vmem>>) semaphore(%arg18 : memref<!tpu.dma_semaphore, #tpu.memory_space<semaphore_mem>>) {add = true}
      %sub3A = arith.constant 2 : i32
      %sub3A_434 = arith.subi %add3A_411, %sub3A : i32
      %dma_wait3A_435 = arith.constant 2 : i32
      %dma_wait3A_436 = arith.constant 0 : i32
      %dma_wait3A_437 = arith.constant 0 : i32
      %dma_wait3A_438 = tpu.memref_slice %arg11[%dma_wait3A_435, %dma_wait3A_436, %dma_wait3A_437] : memref<4x128x32xf32, #tpu.memory_space<vmem>> -> memref<1x128x32xf32, #tpu.memory_space<vmem>>
      %dma_wait3A_439 = tpu.memref_squeeze %dma_wait3A_438 : memref<1x128x32xf32, #tpu.memory_space<vmem>> -> memref<128x32xf32, #tpu.memory_space<vmem>>
      %dma_wait3A_440 = arith.constant 0 : i32
      %dma_wait3A_441 = tpu.memref_slice %arg10[%sub3A_434, %dma_wait3A_440] : memref<160x128xi32, #tpu.memory_space<vmem>> -> memref<1x128xi32, #tpu.memory_space<vmem>>
      %dma_wait3A_442 = tpu.memref_squeeze %dma_wait3A_441 : memref<1x128xi32, #tpu.memory_space<vmem>> -> memref<128xi32, #tpu.memory_space<vmem>>
      %dma_wait3A_443 = arith.constant 0 : i32
      %dma_wait3A_444 = arith.constant 0 : i32
      %dma_wait3A_445 = tpu.memref_slice %arg12[%dma_wait3A_443, %dma_wait3A_444] : memref<10240x32xf32, #tpu.memory_space<vmem_shared>> -> memref<10240x32xf32, #tpu.memory_space<vmem_shared>>
      tpu.wait_indirect_dma semaphore(%arg20 : memref<!tpu.dma_semaphore, #tpu.memory_space<semaphore_mem>>) src(%dma_wait3A_439 : memref<128x32xf32, #tpu.memory_space<vmem>>) dst(%dma_wait3A_445 : memref<10240x32xf32, #tpu.memory_space<vmem_shared>>)
      %add3A_446 = arith.constant 2 : i32
      %add3A_447 = arith.addi %add3A_411, %add3A_446 : i32
      %dma_start3A_448 = arith.constant 2 : i32
      %dma_start3A_449 = arith.constant 0 : i32
      %dma_start3A_450 = arith.constant 0 : i32
      %dma_start3A_451 = tpu.memref_slice %arg11[%dma_start3A_448, %dma_start3A_449, %dma_start3A_450] : memref<4x128x32xf32, #tpu.memory_space<vmem>> -> memref<1x128x32xf32, #tpu.memory_space<vmem>>
      %dma_start3A_452 = tpu.memref_squeeze %dma_start3A_451 : memref<1x128x32xf32, #tpu.memory_space<vmem>> -> memref<128x32xf32, #tpu.memory_space<vmem>>
      %dma_start3A_453 = arith.constant 0 : i32
      %dma_start3A_454 = tpu.memref_slice %arg9[%add3A_447, %dma_start3A_453] : memref<160x128xi32, #tpu.memory_space<vmem>> -> memref<1x128xi32, #tpu.memory_space<vmem>>
      %dma_start3A_455 = tpu.memref_squeeze %dma_start3A_454 : memref<1x128xi32, #tpu.memory_space<vmem>> -> memref<128xi32, #tpu.memory_space<vmem>>
      %dma_start3A_456 = arith.constant 0 : i32
      %dma_start3A_457 = arith.constant 0 : i32
      %dma_start3A_458 = tpu.memref_slice %arg13[%dma_start3A_456, %dma_start3A_457] : memref<10240x32xf32, #tpu.memory_space<vmem_shared>> -> memref<10240x32xf32, #tpu.memory_space<vmem_shared>>
      tpu.enqueue_indirect_dma source(%dma_start3A_458 : memref<10240x32xf32, #tpu.memory_space<vmem_shared>>) target(%dma_start3A_452 : memref<128x32xf32, #tpu.memory_space<vmem>>) offsets(%dma_start3A_455 : memref<128xi32, #tpu.memory_space<vmem>>) semaphore(%arg16 : memref<!tpu.dma_semaphore, #tpu.memory_space<semaphore_mem>>)
      %mul3A_459 = arith.constant 4 : i32
      %mul3A_460 = arith.muli %scan3A_408, %mul3A_459 : i32
      %add3A_461 = arith.constant 1 : i32
      %add3A_462 = arith.addi %mul3A_460, %add3A_461 : i32
      %dma_wait3A_463 = arith.constant 1 : i32
      %dma_wait3A_464 = arith.constant 0 : i32
      %dma_wait3A_465 = arith.constant 0 : i32
      %dma_wait3A_466 = tpu.memref_slice %arg11[%dma_wait3A_463, %dma_wait3A_464, %dma_wait3A_465] : memref<4x128x32xf32, #tpu.memory_space<vmem>> -> memref<1x128x32xf32, #tpu.memory_space<vmem>>
      %dma_wait3A_467 = tpu.memref_squeeze %dma_wait3A_466 : memref<1x128x32xf32, #tpu.memory_space<vmem>> -> memref<128x32xf32, #tpu.memory_space<vmem>>
      %dma_wait3A_468 = arith.constant 0 : i32
      %dma_wait3A_469 = tpu.memref_slice %arg9[%add3A_462, %dma_wait3A_468] : memref<160x128xi32, #tpu.memory_space<vmem>> -> memref<1x128xi32, #tpu.memory_space<vmem>>
      %dma_wait3A_470 = tpu.memref_squeeze %dma_wait3A_469 : memref<1x128xi32, #tpu.memory_space<vmem>> -> memref<128xi32, #tpu.memory_space<vmem>>
      %dma_wait3A_471 = arith.constant 0 : i32
      %dma_wait3A_472 = arith.constant 0 : i32
      %dma_wait3A_473 = tpu.memref_slice %arg13[%dma_wait3A_471, %dma_wait3A_472] : memref<10240x32xf32, #tpu.memory_space<vmem_shared>> -> memref<10240x32xf32, #tpu.memory_space<vmem_shared>>
      tpu.wait_indirect_dma semaphore(%arg15 : memref<!tpu.dma_semaphore, #tpu.memory_space<semaphore_mem>>) src(%dma_wait3A_473 : memref<10240x32xf32, #tpu.memory_space<vmem_shared>>) dst(%dma_wait3A_467 : memref<128x32xf32, #tpu.memory_space<vmem>>)
      %dma_start3A_474 = arith.constant 1 : i32
      %dma_start3A_475 = arith.constant 0 : i32
      %dma_start3A_476 = arith.constant 0 : i32
      %dma_start3A_477 = tpu.memref_slice %arg11[%dma_start3A_474, %dma_start3A_475, %dma_start3A_476] : memref<4x128x32xf32, #tpu.memory_space<vmem>> -> memref<1x128x32xf32, #tpu.memory_space<vmem>>
      %dma_start3A_478 = tpu.memref_squeeze %dma_start3A_477 : memref<1x128x32xf32, #tpu.memory_space<vmem>> -> memref<128x32xf32, #tpu.memory_space<vmem>>
      %dma_start3A_479 = arith.constant 0 : i32
      %dma_start3A_480 = tpu.memref_slice %arg10[%add3A_462, %dma_start3A_479] : memref<160x128xi32, #tpu.memory_space<vmem>> -> memref<1x128xi32, #tpu.memory_space<vmem>>
      %dma_start3A_481 = tpu.memref_squeeze %dma_start3A_480 : memref<1x128xi32, #tpu.memory_space<vmem>> -> memref<128xi32, #tpu.memory_space<vmem>>
      %dma_start3A_482 = arith.constant 0 : i32
      %dma_start3A_483 = arith.constant 0 : i32
      %dma_start3A_484 = tpu.memref_slice %arg12[%dma_start3A_482, %dma_start3A_483] : memref<10240x32xf32, #tpu.memory_space<vmem_shared>> -> memref<10240x32xf32, #tpu.memory_space<vmem_shared>>
      tpu.enqueue_indirect_dma source(%dma_start3A_478 : memref<128x32xf32, #tpu.memory_space<vmem>>) target(%dma_start3A_484 : memref<10240x32xf32, #tpu.memory_space<vmem_shared>>) offsets(%dma_start3A_481 : memref<128xi32, #tpu.memory_space<vmem>>) semaphore(%arg19 : memref<!tpu.dma_semaphore, #tpu.memory_space<semaphore_mem>>) {add = true}
      %sub3A_485 = arith.constant 2 : i32
      %sub3A_486 = arith.subi %add3A_462, %sub3A_485 : i32
      %dma_wait3A_487 = arith.constant 3 : i32
      %dma_wait3A_488 = arith.constant 0 : i32
      %dma_wait3A_489 = arith.constant 0 : i32
      %dma_wait3A_490 = tpu.memref_slice %arg11[%dma_wait3A_487, %dma_wait3A_488, %dma_wait3A_489] : memref<4x128x32xf32, #tpu.memory_space<vmem>> -> memref<1x128x32xf32, #tpu.memory_space<vmem>>
      %dma_wait3A_491 = tpu.memref_squeeze %dma_wait3A_490 : memref<1x128x32xf32, #tpu.memory_space<vmem>> -> memref<128x32xf32, #tpu.memory_space<vmem>>
      %dma_wait3A_492 = arith.constant 0 : i32
      %dma_wait3A_493 = tpu.memref_slice %arg10[%sub3A_486, %dma_wait3A_492] : memref<160x128xi32, #tpu.memory_space<vmem>> -> memref<1x128xi32, #tpu.memory_space<vmem>>
      %dma_wait3A_494 = tpu.memref_squeeze %dma_wait3A_493 : memref<1x128xi32, #tpu.memory_space<vmem>> -> memref<128xi32, #tpu.memory_space<vmem>>
      %dma_wait3A_495 = arith.constant 0 : i32
      %dma_wait3A_496 = arith.constant 0 : i32
      %dma_wait3A_497 = tpu.memref_slice %arg12[%dma_wait3A_495, %dma_wait3A_496] : memref<10240x32xf32, #tpu.memory_space<vmem_shared>> -> memref<10240x32xf32, #tpu.memory_space<vmem_shared>>
      tpu.wait_indirect_dma semaphore(%arg21 : memref<!tpu.dma_semaphore, #tpu.memory_space<semaphore_mem>>) src(%dma_wait3A_491 : memref<128x32xf32, #tpu.memory_space<vmem>>) dst(%dma_wait3A_497 : memref<10240x32xf32, #tpu.memory_space<vmem_shared>>)
      %add3A_498 = arith.constant 2 : i32
      %add3A_499 = arith.addi %add3A_462, %add3A_498 : i32
      %dma_start3A_500 = arith.constant 3 : i32
      %dma_start3A_501 = arith.constant 0 : i32
      %dma_start3A_502 = arith.constant 0 : i32
      %dma_start3A_503 = tpu.memref_slice %arg11[%dma_start3A_500, %dma_start3A_501, %dma_start3A_502] : memref<4x128x32xf32, #tpu.memory_space<vmem>> -> memref<1x128x32xf32, #tpu.memory_space<vmem>>
      %dma_start3A_504 = tpu.memref_squeeze %dma_start3A_503 : memref<1x128x32xf32, #tpu.memory_space<vmem>> -> memref<128x32xf32, #tpu.memory_space<vmem>>
      %dma_start3A_505 = arith.constant 0 : i32
      %dma_start3A_506 = tpu.memref_slice %arg9[%add3A_499, %dma_start3A_505] : memref<160x128xi32, #tpu.memory_space<vmem>> -> memref<1x128xi32, #tpu.memory_space<vmem>>
      %dma_start3A_507 = tpu.memref_squeeze %dma_start3A_506 : memref<1x128xi32, #tpu.memory_space<vmem>> -> memref<128xi32, #tpu.memory_space<vmem>>
      %dma_start3A_508 = arith.constant 0 : i32
      %dma_start3A_509 = arith.constant 0 : i32
      %dma_start3A_510 = tpu.memref_slice %arg13[%dma_start3A_508, %dma_start3A_509] : memref<10240x32xf32, #tpu.memory_space<vmem_shared>> -> memref<10240x32xf32, #tpu.memory_space<vmem_shared>>
      tpu.enqueue_indirect_dma source(%dma_start3A_510 : memref<10240x32xf32, #tpu.memory_space<vmem_shared>>) target(%dma_start3A_504 : memref<128x32xf32, #tpu.memory_space<vmem>>) offsets(%dma_start3A_507 : memref<128xi32, #tpu.memory_space<vmem>>) semaphore(%arg17 : memref<!tpu.dma_semaphore, #tpu.memory_space<semaphore_mem>>)
      %mul3A_511 = arith.constant 4 : i32
      %mul3A_512 = arith.muli %scan3A_408, %mul3A_511 : i32
      %add3A_513 = arith.constant 2 : i32
      %add3A_514 = arith.addi %mul3A_512, %add3A_513 : i32
      %dma_wait3A_515 = arith.constant 2 : i32
      %dma_wait3A_516 = arith.constant 0 : i32
      %dma_wait3A_517 = arith.constant 0 : i32
      %dma_wait3A_518 = tpu.memref_slice %arg11[%dma_wait3A_515, %dma_wait3A_516, %dma_wait3A_517] : memref<4x128x32xf32, #tpu.memory_space<vmem>> -> memref<1x128x32xf32, #tpu.memory_space<vmem>>
      %dma_wait3A_519 = tpu.memref_squeeze %dma_wait3A_518 : memref<1x128x32xf32, #tpu.memory_space<vmem>> -> memref<128x32xf32, #tpu.memory_space<vmem>>
      %dma_wait3A_520 = arith.constant 0 : i32
      %dma_wait3A_521 = tpu.memref_slice %arg9[%add3A_514, %dma_wait3A_520] : memref<160x128xi32, #tpu.memory_space<vmem>> -> memref<1x128xi32, #tpu.memory_space<vmem>>
      %dma_wait3A_522 = tpu.memref_squeeze %dma_wait3A_521 : memref<1x128xi32, #tpu.memory_space<vmem>> -> memref<128xi32, #tpu.memory_space<vmem>>
      %dma_wait3A_523 = arith.constant 0 : i32
      %dma_wait3A_524 = arith.constant 0 : i32
      %dma_wait3A_525 = tpu.memref_slice %arg13[%dma_wait3A_523, %dma_wait3A_524] : memref<10240x32xf32, #tpu.memory_space<vmem_shared>> -> memref<10240x32xf32, #tpu.memory_space<vmem_shared>>
      tpu.wait_indirect_dma semaphore(%arg16 : memref<!tpu.dma_semaphore, #tpu.memory_space<semaphore_mem>>) src(%dma_wait3A_525 : memref<10240x32xf32, #tpu.memory_space<vmem_shared>>) dst(%dma_wait3A_519 : memref<128x32xf32, #tpu.memory_space<vmem>>)
      %dma_start3A_526 = arith.constant 2 : i32
      %dma_start3A_527 = arith.constant 0 : i32
      %dma_start3A_528 = arith.constant 0 : i32
      %dma_start3A_529 = tpu.memref_slice %arg11[%dma_start3A_526, %dma_start3A_527, %dma_start3A_528] : memref<4x128x32xf32, #tpu.memory_space<vmem>> -> memref<1x128x32xf32, #tpu.memory_space<vmem>>
      %dma_start3A_530 = tpu.memref_squeeze %dma_start3A_529 : memref<1x128x32xf32, #tpu.memory_space<vmem>> -> memref<128x32xf32, #tpu.memory_space<vmem>>
      %dma_start3A_531 = arith.constant 0 : i32
      %dma_start3A_532 = tpu.memref_slice %arg10[%add3A_514, %dma_start3A_531] : memref<160x128xi32, #tpu.memory_space<vmem>> -> memref<1x128xi32, #tpu.memory_space<vmem>>
      %dma_start3A_533 = tpu.memref_squeeze %dma_start3A_532 : memref<1x128xi32, #tpu.memory_space<vmem>> -> memref<128xi32, #tpu.memory_space<vmem>>
      %dma_start3A_534 = arith.constant 0 : i32
      %dma_start3A_535 = arith.constant 0 : i32
      %dma_start3A_536 = tpu.memref_slice %arg12[%dma_start3A_534, %dma_start3A_535] : memref<10240x32xf32, #tpu.memory_space<vmem_shared>> -> memref<10240x32xf32, #tpu.memory_space<vmem_shared>>
      tpu.enqueue_indirect_dma source(%dma_start3A_530 : memref<128x32xf32, #tpu.memory_space<vmem>>) target(%dma_start3A_536 : memref<10240x32xf32, #tpu.memory_space<vmem_shared>>) offsets(%dma_start3A_533 : memref<128xi32, #tpu.memory_space<vmem>>) semaphore(%arg20 : memref<!tpu.dma_semaphore, #tpu.memory_space<semaphore_mem>>) {add = true}
      %sub3A_537 = arith.constant 2 : i32
      %sub3A_538 = arith.subi %add3A_514, %sub3A_537 : i32
      %dma_wait3A_539 = arith.constant 0 : i32
      %dma_wait3A_540 = arith.constant 0 : i32
      %dma_wait3A_541 = arith.constant 0 : i32
      %dma_wait3A_542 = tpu.memref_slice %arg11[%dma_wait3A_539, %dma_wait3A_540, %dma_wait3A_541] : memref<4x128x32xf32, #tpu.memory_space<vmem>> -> memref<1x128x32xf32, #tpu.memory_space<vmem>>
      %dma_wait3A_543 = tpu.memref_squeeze %dma_wait3A_542 : memref<1x128x32xf32, #tpu.memory_space<vmem>> -> memref<128x32xf32, #tpu.memory_space<vmem>>
      %dma_wait3A_544 = arith.constant 0 : i32
      %dma_wait3A_545 = tpu.memref_slice %arg10[%sub3A_538, %dma_wait3A_544] : memref<160x128xi32, #tpu.memory_space<vmem>> -> memref<1x128xi32, #tpu.memory_space<vmem>>
      %dma_wait3A_546 = tpu.memref_squeeze %dma_wait3A_545 : memref<1x128xi32, #tpu.memory_space<vmem>> -> memref<128xi32, #tpu.memory_space<vmem>>
      %dma_wait3A_547 = arith.constant 0 : i32
      %dma_wait3A_548 = arith.constant 0 : i32
      %dma_wait3A_549 = tpu.memref_slice %arg12[%dma_wait3A_547, %dma_wait3A_548] : memref<10240x32xf32, #tpu.memory_space<vmem_shared>> -> memref<10240x32xf32, #tpu.memory_space<vmem_shared>>
      tpu.wait_indirect_dma semaphore(%arg18 : memref<!tpu.dma_semaphore, #tpu.memory_space<semaphore_mem>>) src(%dma_wait3A_543 : memref<128x32xf32, #tpu.memory_space<vmem>>) dst(%dma_wait3A_549 : memref<10240x32xf32, #tpu.memory_space<vmem_shared>>)
      %add3A_550 = arith.constant 2 : i32
      %add3A_551 = arith.addi %add3A_514, %add3A_550 : i32
      %dma_start3A_552 = arith.constant 0 : i32
      %dma_start3A_553 = arith.constant 0 : i32
      %dma_start3A_554 = arith.constant 0 : i32
      %dma_start3A_555 = tpu.memref_slice %arg11[%dma_start3A_552, %dma_start3A_553, %dma_start3A_554] : memref<4x128x32xf32, #tpu.memory_space<vmem>> -> memref<1x128x32xf32, #tpu.memory_space<vmem>>
      %dma_start3A_556 = tpu.memref_squeeze %dma_start3A_555 : memref<1x128x32xf32, #tpu.memory_space<vmem>> -> memref<128x32xf32, #tpu.memory_space<vmem>>
      %dma_start3A_557 = arith.constant 0 : i32
      %dma_start3A_558 = tpu.memref_slice %arg9[%add3A_551, %dma_start3A_557] : memref<160x128xi32, #tpu.memory_space<vmem>> -> memref<1x128xi32, #tpu.memory_space<vmem>>
      %dma_start3A_559 = tpu.memref_squeeze %dma_start3A_558 : memref<1x128xi32, #tpu.memory_space<vmem>> -> memref<128xi32, #tpu.memory_space<vmem>>
      %dma_start3A_560 = arith.constant 0 : i32
      %dma_start3A_561 = arith.constant 0 : i32
      %dma_start3A_562 = tpu.memref_slice %arg13[%dma_start3A_560, %dma_start3A_561] : memref<10240x32xf32, #tpu.memory_space<vmem_shared>> -> memref<10240x32xf32, #tpu.memory_space<vmem_shared>>
      tpu.enqueue_indirect_dma source(%dma_start3A_562 : memref<10240x32xf32, #tpu.memory_space<vmem_shared>>) target(%dma_start3A_556 : memref<128x32xf32, #tpu.memory_space<vmem>>) offsets(%dma_start3A_559 : memref<128xi32, #tpu.memory_space<vmem>>) semaphore(%arg14 : memref<!tpu.dma_semaphore, #tpu.memory_space<semaphore_mem>>)
      %mul3A_563 = arith.constant 4 : i32
      %mul3A_564 = arith.muli %scan3A_408, %mul3A_563 : i32
      %add3A_565 = arith.constant 3 : i32
      %add3A_566 = arith.addi %mul3A_564, %add3A_565 : i32
      %dma_wait3A_567 = arith.constant 3 : i32
      %dma_wait3A_568 = arith.constant 0 : i32
      %dma_wait3A_569 = arith.constant 0 : i32
      %dma_wait3A_570 = tpu.memref_slice %arg11[%dma_wait3A_567, %dma_wait3A_568, %dma_wait3A_569] : memref<4x128x32xf32, #tpu.memory_space<vmem>> -> memref<1x128x32xf32, #tpu.memory_space<vmem>>
      %dma_wait3A_571 = tpu.memref_squeeze %dma_wait3A_570 : memref<1x128x32xf32, #tpu.memory_space<vmem>> -> memref<128x32xf32, #tpu.memory_space<vmem>>
      %dma_wait3A_572 = arith.constant 0 : i32
      %dma_wait3A_573 = tpu.memref_slice %arg9[%add3A_566, %dma_wait3A_572] : memref<160x128xi32, #tpu.memory_space<vmem>> -> memref<1x128xi32, #tpu.memory_space<vmem>>
      %dma_wait3A_574 = tpu.memref_squeeze %dma_wait3A_573 : memref<1x128xi32, #tpu.memory_space<vmem>> -> memref<128xi32, #tpu.memory_space<vmem>>
      %dma_wait3A_575 = arith.constant 0 : i32
      %dma_wait3A_576 = arith.constant 0 : i32
      %dma_wait3A_577 = tpu.memref_slice %arg13[%dma_wait3A_575, %dma_wait3A_576] : memref<10240x32xf32, #tpu.memory_space<vmem_shared>> -> memref<10240x32xf32, #tpu.memory_space<vmem_shared>>
      tpu.wait_indirect_dma semaphore(%arg17 : memref<!tpu.dma_semaphore, #tpu.memory_space<semaphore_mem>>) src(%dma_wait3A_577 : memref<10240x32xf32, #tpu.memory_space<vmem_shared>>) dst(%dma_wait3A_571 : memref<128x32xf32, #tpu.memory_space<vmem>>)
      %dma_start3A_578 = arith.constant 3 : i32
      %dma_start3A_579 = arith.constant 0 : i32
      %dma_start3A_580 = arith.constant 0 : i32
      %dma_start3A_581 = tpu.memref_slice %arg11[%dma_start3A_578, %dma_start3A_579, %dma_start3A_580] : memref<4x128x32xf32, #tpu.memory_space<vmem>> -> memref<1x128x32xf32, #tpu.memory_space<vmem>>
      %dma_start3A_582 = tpu.memref_squeeze %dma_start3A_581 : memref<1x128x32xf32, #tpu.memory_space<vmem>> -> memref<128x32xf32, #tpu.memory_space<vmem>>
      %dma_start3A_583 = arith.constant 0 : i32
      %dma_start3A_584 = tpu.memref_slice %arg10[%add3A_566, %dma_start3A_583] : memref<160x128xi32, #tpu.memory_space<vmem>> -> memref<1x128xi32, #tpu.memory_space<vmem>>
      %dma_start3A_585 = tpu.memref_squeeze %dma_start3A_584 : memref<1x128xi32, #tpu.memory_space<vmem>> -> memref<128xi32, #tpu.memory_space<vmem>>
      %dma_start3A_586 = arith.constant 0 : i32
      %dma_start3A_587 = arith.constant 0 : i32
      %dma_start3A_588 = tpu.memref_slice %arg12[%dma_start3A_586, %dma_start3A_587] : memref<10240x32xf32, #tpu.memory_space<vmem_shared>> -> memref<10240x32xf32, #tpu.memory_space<vmem_shared>>
      tpu.enqueue_indirect_dma source(%dma_start3A_582 : memref<128x32xf32, #tpu.memory_space<vmem>>) target(%dma_start3A_588 : memref<10240x32xf32, #tpu.memory_space<vmem_shared>>) offsets(%dma_start3A_585 : memref<128xi32, #tpu.memory_space<vmem>>) semaphore(%arg21 : memref<!tpu.dma_semaphore, #tpu.memory_space<semaphore_mem>>) {add = true}
      %sub3A_589 = arith.constant 2 : i32
      %sub3A_590 = arith.subi %add3A_566, %sub3A_589 : i32
      %dma_wait3A_591 = arith.constant 1 : i32
      %dma_wait3A_592 = arith.constant 0 : i32
      %dma_wait3A_593 = arith.constant 0 : i32
      %dma_wait3A_594 = tpu.memref_slice %arg11[%dma_wait3A_591, %dma_wait3A_592, %dma_wait3A_593] : memref<4x128x32xf32, #tpu.memory_space<vmem>> -> memref<1x128x32xf32, #tpu.memory_space<vmem>>
      %dma_wait3A_595 = tpu.memref_squeeze %dma_wait3A_594 : memref<1x128x32xf32, #tpu.memory_space<vmem>> -> memref<128x32xf32, #tpu.memory_space<vmem>>
      %dma_wait3A_596 = arith.constant 0 : i32
      %dma_wait3A_597 = tpu.memref_slice %arg10[%sub3A_590, %dma_wait3A_596] : memref<160x128xi32, #tpu.memory_space<vmem>> -> memref<1x128xi32, #tpu.memory_space<vmem>>
      %dma_wait3A_598 = tpu.memref_squeeze %dma_wait3A_597 : memref<1x128xi32, #tpu.memory_space<vmem>> -> memref<128xi32, #tpu.memory_space<vmem>>
      %dma_wait3A_599 = arith.constant 0 : i32
      %dma_wait3A_600 = arith.constant 0 : i32
      %dma_wait3A_601 = tpu.memref_slice %arg12[%dma_wait3A_599, %dma_wait3A_600] : memref<10240x32xf32, #tpu.memory_space<vmem_shared>> -> memref<10240x32xf32, #tpu.memory_space<vmem_shared>>
      tpu.wait_indirect_dma semaphore(%arg19 : memref<!tpu.dma_semaphore, #tpu.memory_space<semaphore_mem>>) src(%dma_wait3A_595 : memref<128x32xf32, #tpu.memory_space<vmem>>) dst(%dma_wait3A_601 : memref<10240x32xf32, #tpu.memory_space<vmem_shared>>)
      %add3A_602 = arith.constant 2 : i32
      %add3A_603 = arith.addi %add3A_566, %add3A_602 : i32
      %dma_start3A_604 = arith.constant 1 : i32
      %dma_start3A_605 = arith.constant 0 : i32
      %dma_start3A_606 = arith.constant 0 : i32
      %dma_start3A_607 = tpu.memref_slice %arg11[%dma_start3A_604, %dma_start3A_605, %dma_start3A_606] : memref<4x128x32xf32, #tpu.memory_space<vmem>> -> memref<1x128x32xf32, #tpu.memory_space<vmem>>
      %dma_start3A_608 = tpu.memref_squeeze %dma_start3A_607 : memref<1x128x32xf32, #tpu.memory_space<vmem>> -> memref<128x32xf32, #tpu.memory_space<vmem>>
      %dma_start3A_609 = arith.constant 0 : i32
      %dma_start3A_610 = tpu.memref_slice %arg9[%add3A_603, %dma_start3A_609] : memref<160x128xi32, #tpu.memory_space<vmem>> -> memref<1x128xi32, #tpu.memory_space<vmem>>
      %dma_start3A_611 = tpu.memref_squeeze %dma_start3A_610 : memref<1x128xi32, #tpu.memory_space<vmem>> -> memref<128xi32, #tpu.memory_space<vmem>>
      %dma_start3A_612 = arith.constant 0 : i32
      %dma_start3A_613 = arith.constant 0 : i32
      %dma_start3A_614 = tpu.memref_slice %arg13[%dma_start3A_612, %dma_start3A_613] : memref<10240x32xf32, #tpu.memory_space<vmem_shared>> -> memref<10240x32xf32, #tpu.memory_space<vmem_shared>>
      tpu.enqueue_indirect_dma source(%dma_start3A_614 : memref<10240x32xf32, #tpu.memory_space<vmem_shared>>) target(%dma_start3A_608 : memref<128x32xf32, #tpu.memory_space<vmem>>) offsets(%dma_start3A_611 : memref<128xi32, #tpu.memory_space<vmem>>) semaphore(%arg15 : memref<!tpu.dma_semaphore, #tpu.memory_space<semaphore_mem>>)
    }
    %scan3A_204 = arith.constant 38 : i32
    %dma_wait3A_205 = arith.constant 156 : i32
    %dma_wait3A_206 = arith.constant 0 : i32
    %dma_wait3A_207 = arith.constant 0 : i32
    %dma_wait3A_208 = arith.constant 0 : i32
    %dma_wait3A_209 = tpu.memref_slice %arg11[%dma_wait3A_206, %dma_wait3A_207, %dma_wait3A_208] : memref<4x128x32xf32, #tpu.memory_space<vmem>> -> memref<1x128x32xf32, #tpu.memory_space<vmem>>
    %dma_wait3A_210 = tpu.memref_squeeze %dma_wait3A_209 : memref<1x128x32xf32, #tpu.memory_space<vmem>> -> memref<128x32xf32, #tpu.memory_space<vmem>>
    %dma_wait3A_211 = arith.constant 0 : i32
    %dma_wait3A_212 = tpu.memref_slice %arg9[%dma_wait3A_205, %dma_wait3A_211] : memref<160x128xi32, #tpu.memory_space<vmem>> -> memref<1x128xi32, #tpu.memory_space<vmem>>
    %dma_wait3A_213 = tpu.memref_squeeze %dma_wait3A_212 : memref<1x128xi32, #tpu.memory_space<vmem>> -> memref<128xi32, #tpu.memory_space<vmem>>
    %dma_wait3A_214 = arith.constant 0 : i32
    %dma_wait3A_215 = arith.constant 0 : i32
    %dma_wait3A_216 = tpu.memref_slice %arg13[%dma_wait3A_214, %dma_wait3A_215] : memref<10240x32xf32, #tpu.memory_space<vmem_shared>> -> memref<10240x32xf32, #tpu.memory_space<vmem_shared>>
    tpu.wait_indirect_dma semaphore(%arg14 : memref<!tpu.dma_semaphore, #tpu.memory_space<semaphore_mem>>) src(%dma_wait3A_216 : memref<10240x32xf32, #tpu.memory_space<vmem_shared>>) dst(%dma_wait3A_210 : memref<128x32xf32, #tpu.memory_space<vmem>>)
    %dma_start3A_217 = arith.constant 0 : i32
    %dma_start3A_218 = arith.constant 156 : i32
    %dma_start3A_219 = arith.constant 0 : i32
    %dma_start3A_220 = arith.constant 0 : i32
    %dma_start3A_221 = tpu.memref_slice %arg11[%dma_start3A_217, %dma_start3A_219, %dma_start3A_220] : memref<4x128x32xf32, #tpu.memory_space<vmem>> -> memref<1x128x32xf32, #tpu.memory_space<vmem>>
    %dma_start3A_222 = tpu.memref_squeeze %dma_start3A_221 : memref<1x128x32xf32, #tpu.memory_space<vmem>> -> memref<128x32xf32, #tpu.memory_space<vmem>>
    %dma_start3A_223 = arith.constant 0 : i32
    %dma_start3A_224 = tpu.memref_slice %arg10[%dma_start3A_218, %dma_start3A_223] : memref<160x128xi32, #tpu.memory_space<vmem>> -> memref<1x128xi32, #tpu.memory_space<vmem>>
    %dma_start3A_225 = tpu.memref_squeeze %dma_start3A_224 : memref<1x128xi32, #tpu.memory_space<vmem>> -> memref<128xi32, #tpu.memory_space<vmem>>
    %dma_start3A_226 = arith.constant 0 : i32
    %dma_start3A_227 = arith.constant 0 : i32
    %dma_start3A_228 = tpu.memref_slice %arg12[%dma_start3A_226, %dma_start3A_227] : memref<10240x32xf32, #tpu.memory_space<vmem_shared>> -> memref<10240x32xf32, #tpu.memory_space<vmem_shared>>
    tpu.enqueue_indirect_dma source(%dma_start3A_222 : memref<128x32xf32, #tpu.memory_space<vmem>>) target(%dma_start3A_228 : memref<10240x32xf32, #tpu.memory_space<vmem_shared>>) offsets(%dma_start3A_225 : memref<128xi32, #tpu.memory_space<vmem>>) semaphore(%arg18 : memref<!tpu.dma_semaphore, #tpu.memory_space<semaphore_mem>>) {add = true}
    %dma_wait3A_229 = arith.constant 2 : i32
    %dma_wait3A_230 = arith.constant 154 : i32
    %dma_wait3A_231 = arith.constant 0 : i32
    %dma_wait3A_232 = arith.constant 0 : i32
    %dma_wait3A_233 = tpu.memref_slice %arg11[%dma_wait3A_229, %dma_wait3A_231, %dma_wait3A_232] : memref<4x128x32xf32, #tpu.memory_space<vmem>> -> memref<1x128x32xf32, #tpu.memory_space<vmem>>
    %dma_wait3A_234 = tpu.memref_squeeze %dma_wait3A_233 : memref<1x128x32xf32, #tpu.memory_space<vmem>> -> memref<128x32xf32, #tpu.memory_space<vmem>>
    %dma_wait3A_235 = arith.constant 0 : i32
    %dma_wait3A_236 = tpu.memref_slice %arg10[%dma_wait3A_230, %dma_wait3A_235] : memref<160x128xi32, #tpu.memory_space<vmem>> -> memref<1x128xi32, #tpu.memory_space<vmem>>
    %dma_wait3A_237 = tpu.memref_squeeze %dma_wait3A_236 : memref<1x128xi32, #tpu.memory_space<vmem>> -> memref<128xi32, #tpu.memory_space<vmem>>
    %dma_wait3A_238 = arith.constant 0 : i32
    %dma_wait3A_239 = arith.constant 0 : i32
    %dma_wait3A_240 = tpu.memref_slice %arg12[%dma_wait3A_238, %dma_wait3A_239] : memref<10240x32xf32, #tpu.memory_space<vmem_shared>> -> memref<10240x32xf32, #tpu.memory_space<vmem_shared>>
    tpu.wait_indirect_dma semaphore(%arg20 : memref<!tpu.dma_semaphore, #tpu.memory_space<semaphore_mem>>) src(%dma_wait3A_234 : memref<128x32xf32, #tpu.memory_space<vmem>>) dst(%dma_wait3A_240 : memref<10240x32xf32, #tpu.memory_space<vmem_shared>>)
    %dma_start3A_241 = arith.constant 158 : i32
    %dma_start3A_242 = arith.constant 2 : i32
    %dma_start3A_243 = arith.constant 0 : i32
    %dma_start3A_244 = arith.constant 0 : i32
    %dma_start3A_245 = tpu.memref_slice %arg11[%dma_start3A_242, %dma_start3A_243, %dma_start3A_244] : memref<4x128x32xf32, #tpu.memory_space<vmem>> -> memref<1x128x32xf32, #tpu.memory_space<vmem>>
    %dma_start3A_246 = tpu.memref_squeeze %dma_start3A_245 : memref<1x128x32xf32, #tpu.memory_space<vmem>> -> memref<128x32xf32, #tpu.memory_space<vmem>>
    %dma_start3A_247 = arith.constant 0 : i32
    %dma_start3A_248 = tpu.memref_slice %arg9[%dma_start3A_241, %dma_start3A_247] : memref<160x128xi32, #tpu.memory_space<vmem>> -> memref<1x128xi32, #tpu.memory_space<vmem>>
    %dma_start3A_249 = tpu.memref_squeeze %dma_start3A_248 : memref<1x128xi32, #tpu.memory_space<vmem>> -> memref<128xi32, #tpu.memory_space<vmem>>
    %dma_start3A_250 = arith.constant 0 : i32
    %dma_start3A_251 = arith.constant 0 : i32
    %dma_start3A_252 = tpu.memref_slice %arg13[%dma_start3A_250, %dma_start3A_251] : memref<10240x32xf32, #tpu.memory_space<vmem_shared>> -> memref<10240x32xf32, #tpu.memory_space<vmem_shared>>
    tpu.enqueue_indirect_dma source(%dma_start3A_252 : memref<10240x32xf32, #tpu.memory_space<vmem_shared>>) target(%dma_start3A_246 : memref<128x32xf32, #tpu.memory_space<vmem>>) offsets(%dma_start3A_249 : memref<128xi32, #tpu.memory_space<vmem>>) semaphore(%arg16 : memref<!tpu.dma_semaphore, #tpu.memory_space<semaphore_mem>>)
    %dma_wait3A_253 = arith.constant 157 : i32
    %dma_wait3A_254 = arith.constant 1 : i32
    %dma_wait3A_255 = arith.constant 0 : i32
    %dma_wait3A_256 = arith.constant 0 : i32
    %dma_wait3A_257 = tpu.memref_slice %arg11[%dma_wait3A_254, %dma_wait3A_255, %dma_wait3A_256] : memref<4x128x32xf32, #tpu.memory_space<vmem>> -> memref<1x128x32xf32, #tpu.memory_space<vmem>>
    %dma_wait3A_258 = tpu.memref_squeeze %dma_wait3A_257 : memref<1x128x32xf32, #tpu.memory_space<vmem>> -> memref<128x32xf32, #tpu.memory_space<vmem>>
    %dma_wait3A_259 = arith.constant 0 : i32
    %dma_wait3A_260 = tpu.memref_slice %arg9[%dma_wait3A_253, %dma_wait3A_259] : memref<160x128xi32, #tpu.memory_space<vmem>> -> memref<1x128xi32, #tpu.memory_space<vmem>>
    %dma_wait3A_261 = tpu.memref_squeeze %dma_wait3A_260 : memref<1x128xi32, #tpu.memory_space<vmem>> -> memref<128xi32, #tpu.memory_space<vmem>>
    %dma_wait3A_262 = arith.constant 0 : i32
    %dma_wait3A_263 = arith.constant 0 : i32
    %dma_wait3A_264 = tpu.memref_slice %arg13[%dma_wait3A_262, %dma_wait3A_263] : memref<10240x32xf32, #tpu.memory_space<vmem_shared>> -> memref<10240x32xf32, #tpu.memory_space<vmem_shared>>
    tpu.wait_indirect_dma semaphore(%arg15 : memref<!tpu.dma_semaphore, #tpu.memory_space<semaphore_mem>>) src(%dma_wait3A_264 : memref<10240x32xf32, #tpu.memory_space<vmem_shared>>) dst(%dma_wait3A_258 : memref<128x32xf32, #tpu.memory_space<vmem>>)
    %dma_start3A_265 = arith.constant 1 : i32
    %dma_start3A_266 = arith.constant 157 : i32
    %dma_start3A_267 = arith.constant 0 : i32
    %dma_start3A_268 = arith.constant 0 : i32
    %dma_start3A_269 = tpu.memref_slice %arg11[%dma_start3A_265, %dma_start3A_267, %dma_start3A_268] : memref<4x128x32xf32, #tpu.memory_space<vmem>> -> memref<1x128x32xf32, #tpu.memory_space<vmem>>
    %dma_start3A_270 = tpu.memref_squeeze %dma_start3A_269 : memref<1x128x32xf32, #tpu.memory_space<vmem>> -> memref<128x32xf32, #tpu.memory_space<vmem>>
    %dma_start3A_271 = arith.constant 0 : i32
    %dma_start3A_272 = tpu.memref_slice %arg10[%dma_start3A_266, %dma_start3A_271] : memref<160x128xi32, #tpu.memory_space<vmem>> -> memref<1x128xi32, #tpu.memory_space<vmem>>
    %dma_start3A_273 = tpu.memref_squeeze %dma_start3A_272 : memref<1x128xi32, #tpu.memory_space<vmem>> -> memref<128xi32, #tpu.memory_space<vmem>>
    %dma_start3A_274 = arith.constant 0 : i32
    %dma_start3A_275 = arith.constant 0 : i32
    %dma_start3A_276 = tpu.memref_slice %arg12[%dma_start3A_274, %dma_start3A_275] : memref<10240x32xf32, #tpu.memory_space<vmem_shared>> -> memref<10240x32xf32, #tpu.memory_space<vmem_shared>>
    tpu.enqueue_indirect_dma source(%dma_start3A_270 : memref<128x32xf32, #tpu.memory_space<vmem>>) target(%dma_start3A_276 : memref<10240x32xf32, #tpu.memory_space<vmem_shared>>) offsets(%dma_start3A_273 : memref<128xi32, #tpu.memory_space<vmem>>) semaphore(%arg19 : memref<!tpu.dma_semaphore, #tpu.memory_space<semaphore_mem>>) {add = true}
    %dma_wait3A_277 = arith.constant 3 : i32
    %dma_wait3A_278 = arith.constant 155 : i32
    %dma_wait3A_279 = arith.constant 0 : i32
    %dma_wait3A_280 = arith.constant 0 : i32
    %dma_wait3A_281 = tpu.memref_slice %arg11[%dma_wait3A_277, %dma_wait3A_279, %dma_wait3A_280] : memref<4x128x32xf32, #tpu.memory_space<vmem>> -> memref<1x128x32xf32, #tpu.memory_space<vmem>>
    %dma_wait3A_282 = tpu.memref_squeeze %dma_wait3A_281 : memref<1x128x32xf32, #tpu.memory_space<vmem>> -> memref<128x32xf32, #tpu.memory_space<vmem>>
    %dma_wait3A_283 = arith.constant 0 : i32
    %dma_wait3A_284 = tpu.memref_slice %arg10[%dma_wait3A_278, %dma_wait3A_283] : memref<160x128xi32, #tpu.memory_space<vmem>> -> memref<1x128xi32, #tpu.memory_space<vmem>>
    %dma_wait3A_285 = tpu.memref_squeeze %dma_wait3A_284 : memref<1x128xi32, #tpu.memory_space<vmem>> -> memref<128xi32, #tpu.memory_space<vmem>>
    %dma_wait3A_286 = arith.constant 0 : i32
    %dma_wait3A_287 = arith.constant 0 : i32
    %dma_wait3A_288 = tpu.memref_slice %arg12[%dma_wait3A_286, %dma_wait3A_287] : memref<10240x32xf32, #tpu.memory_space<vmem_shared>> -> memref<10240x32xf32, #tpu.memory_space<vmem_shared>>
    tpu.wait_indirect_dma semaphore(%arg21 : memref<!tpu.dma_semaphore, #tpu.memory_space<semaphore_mem>>) src(%dma_wait3A_282 : memref<128x32xf32, #tpu.memory_space<vmem>>) dst(%dma_wait3A_288 : memref<10240x32xf32, #tpu.memory_space<vmem_shared>>)
    %dma_start3A_289 = arith.constant 159 : i32
    %dma_start3A_290 = arith.constant 3 : i32
    %dma_start3A_291 = arith.constant 0 : i32
    %dma_start3A_292 = arith.constant 0 : i32
    %dma_start3A_293 = tpu.memref_slice %arg11[%dma_start3A_290, %dma_start3A_291, %dma_start3A_292] : memref<4x128x32xf32, #tpu.memory_space<vmem>> -> memref<1x128x32xf32, #tpu.memory_space<vmem>>
    %dma_start3A_294 = tpu.memref_squeeze %dma_start3A_293 : memref<1x128x32xf32, #tpu.memory_space<vmem>> -> memref<128x32xf32, #tpu.memory_space<vmem>>
    %dma_start3A_295 = arith.constant 0 : i32
    %dma_start3A_296 = tpu.memref_slice %arg9[%dma_start3A_289, %dma_start3A_295] : memref<160x128xi32, #tpu.memory_space<vmem>> -> memref<1x128xi32, #tpu.memory_space<vmem>>
    %dma_start3A_297 = tpu.memref_squeeze %dma_start3A_296 : memref<1x128xi32, #tpu.memory_space<vmem>> -> memref<128xi32, #tpu.memory_space<vmem>>
    %dma_start3A_298 = arith.constant 0 : i32
    %dma_start3A_299 = arith.constant 0 : i32
    %dma_start3A_300 = tpu.memref_slice %arg13[%dma_start3A_298, %dma_start3A_299] : memref<10240x32xf32, #tpu.memory_space<vmem_shared>> -> memref<10240x32xf32, #tpu.memory_space<vmem_shared>>
    tpu.enqueue_indirect_dma source(%dma_start3A_300 : memref<10240x32xf32, #tpu.memory_space<vmem_shared>>) target(%dma_start3A_294 : memref<128x32xf32, #tpu.memory_space<vmem>>) offsets(%dma_start3A_297 : memref<128xi32, #tpu.memory_space<vmem>>) semaphore(%arg17 : memref<!tpu.dma_semaphore, #tpu.memory_space<semaphore_mem>>)
    %dma_wait3A_301 = arith.constant 158 : i32
    %dma_wait3A_302 = arith.constant 2 : i32
    %dma_wait3A_303 = arith.constant 0 : i32
    %dma_wait3A_304 = arith.constant 0 : i32
    %dma_wait3A_305 = tpu.memref_slice %arg11[%dma_wait3A_302, %dma_wait3A_303, %dma_wait3A_304] : memref<4x128x32xf32, #tpu.memory_space<vmem>> -> memref<1x128x32xf32, #tpu.memory_space<vmem>>
    %dma_wait3A_306 = tpu.memref_squeeze %dma_wait3A_305 : memref<1x128x32xf32, #tpu.memory_space<vmem>> -> memref<128x32xf32, #tpu.memory_space<vmem>>
    %dma_wait3A_307 = arith.constant 0 : i32
    %dma_wait3A_308 = tpu.memref_slice %arg9[%dma_wait3A_301, %dma_wait3A_307] : memref<160x128xi32, #tpu.memory_space<vmem>> -> memref<1x128xi32, #tpu.memory_space<vmem>>
    %dma_wait3A_309 = tpu.memref_squeeze %dma_wait3A_308 : memref<1x128xi32, #tpu.memory_space<vmem>> -> memref<128xi32, #tpu.memory_space<vmem>>
    %dma_wait3A_310 = arith.constant 0 : i32
    %dma_wait3A_311 = arith.constant 0 : i32
    %dma_wait3A_312 = tpu.memref_slice %arg13[%dma_wait3A_310, %dma_wait3A_311] : memref<10240x32xf32, #tpu.memory_space<vmem_shared>> -> memref<10240x32xf32, #tpu.memory_space<vmem_shared>>
    tpu.wait_indirect_dma semaphore(%arg16 : memref<!tpu.dma_semaphore, #tpu.memory_space<semaphore_mem>>) src(%dma_wait3A_312 : memref<10240x32xf32, #tpu.memory_space<vmem_shared>>) dst(%dma_wait3A_306 : memref<128x32xf32, #tpu.memory_space<vmem>>)
    %dma_start3A_313 = arith.constant 2 : i32
    %dma_start3A_314 = arith.constant 158 : i32
    %dma_start3A_315 = arith.constant 0 : i32
    %dma_start3A_316 = arith.constant 0 : i32
    %dma_start3A_317 = tpu.memref_slice %arg11[%dma_start3A_313, %dma_start3A_315, %dma_start3A_316] : memref<4x128x32xf32, #tpu.memory_space<vmem>> -> memref<1x128x32xf32, #tpu.memory_space<vmem>>
    %dma_start3A_318 = tpu.memref_squeeze %dma_start3A_317 : memref<1x128x32xf32, #tpu.memory_space<vmem>> -> memref<128x32xf32, #tpu.memory_space<vmem>>
    %dma_start3A_319 = arith.constant 0 : i32
    %dma_start3A_320 = tpu.memref_slice %arg10[%dma_start3A_314, %dma_start3A_319] : memref<160x128xi32, #tpu.memory_space<vmem>> -> memref<1x128xi32, #tpu.memory_space<vmem>>
    %dma_start3A_321 = tpu.memref_squeeze %dma_start3A_320 : memref<1x128xi32, #tpu.memory_space<vmem>> -> memref<128xi32, #tpu.memory_space<vmem>>
    %dma_start3A_322 = arith.constant 0 : i32
    %dma_start3A_323 = arith.constant 0 : i32
    %dma_start3A_324 = tpu.memref_slice %arg12[%dma_start3A_322, %dma_start3A_323] : memref<10240x32xf32, #tpu.memory_space<vmem_shared>> -> memref<10240x32xf32, #tpu.memory_space<vmem_shared>>
    tpu.enqueue_indirect_dma source(%dma_start3A_318 : memref<128x32xf32, #tpu.memory_space<vmem>>) target(%dma_start3A_324 : memref<10240x32xf32, #tpu.memory_space<vmem_shared>>) offsets(%dma_start3A_321 : memref<128xi32, #tpu.memory_space<vmem>>) semaphore(%arg20 : memref<!tpu.dma_semaphore, #tpu.memory_space<semaphore_mem>>) {add = true}
    %dma_wait3A_325 = arith.constant 159 : i32
    %dma_wait3A_326 = arith.constant 3 : i32
    %dma_wait3A_327 = arith.constant 0 : i32
    %dma_wait3A_328 = arith.constant 0 : i32
    %dma_wait3A_329 = tpu.memref_slice %arg11[%dma_wait3A_326, %dma_wait3A_327, %dma_wait3A_328] : memref<4x128x32xf32, #tpu.memory_space<vmem>> -> memref<1x128x32xf32, #tpu.memory_space<vmem>>
    %dma_wait3A_330 = tpu.memref_squeeze %dma_wait3A_329 : memref<1x128x32xf32, #tpu.memory_space<vmem>> -> memref<128x32xf32, #tpu.memory_space<vmem>>
    %dma_wait3A_331 = arith.constant 0 : i32
    %dma_wait3A_332 = tpu.memref_slice %arg9[%dma_wait3A_325, %dma_wait3A_331] : memref<160x128xi32, #tpu.memory_space<vmem>> -> memref<1x128xi32, #tpu.memory_space<vmem>>
    %dma_wait3A_333 = tpu.memref_squeeze %dma_wait3A_332 : memref<1x128xi32, #tpu.memory_space<vmem>> -> memref<128xi32, #tpu.memory_space<vmem>>
    %dma_wait3A_334 = arith.constant 0 : i32
    %dma_wait3A_335 = arith.constant 0 : i32
    %dma_wait3A_336 = tpu.memref_slice %arg13[%dma_wait3A_334, %dma_wait3A_335] : memref<10240x32xf32, #tpu.memory_space<vmem_shared>> -> memref<10240x32xf32, #tpu.memory_space<vmem_shared>>
    tpu.wait_indirect_dma semaphore(%arg17 : memref<!tpu.dma_semaphore, #tpu.memory_space<semaphore_mem>>) src(%dma_wait3A_336 : memref<10240x32xf32, #tpu.memory_space<vmem_shared>>) dst(%dma_wait3A_330 : memref<128x32xf32, #tpu.memory_space<vmem>>)
    %dma_start3A_337 = arith.constant 3 : i32
    %dma_start3A_338 = arith.constant 159 : i32
    %dma_start3A_339 = arith.constant 0 : i32
    %dma_start3A_340 = arith.constant 0 : i32
    %dma_start3A_341 = tpu.memref_slice %arg11[%dma_start3A_337, %dma_start3A_339, %dma_start3A_340] : memref<4x128x32xf32, #tpu.memory_space<vmem>> -> memref<1x128x32xf32, #tpu.memory_space<vmem>>
    %dma_start3A_342 = tpu.memref_squeeze %dma_start3A_341 : memref<1x128x32xf32, #tpu.memory_space<vmem>> -> memref<128x32xf32, #tpu.memory_space<vmem>>
    %dma_start3A_343 = arith.constant 0 : i32
    %dma_start3A_344 = tpu.memref_slice %arg10[%dma_start3A_338, %dma_start3A_343] : memref<160x128xi32, #tpu.memory_space<vmem>> -> memref<1x128xi32, #tpu.memory_space<vmem>>
    %dma_start3A_345 = tpu.memref_squeeze %dma_start3A_344 : memref<1x128xi32, #tpu.memory_space<vmem>> -> memref<128xi32, #tpu.memory_space<vmem>>
    %dma_start3A_346 = arith.constant 0 : i32
    %dma_start3A_347 = arith.constant 0 : i32
    %dma_start3A_348 = tpu.memref_slice %arg12[%dma_start3A_346, %dma_start3A_347] : memref<10240x32xf32, #tpu.memory_space<vmem_shared>> -> memref<10240x32xf32, #tpu.memory_space<vmem_shared>>
    tpu.enqueue_indirect_dma source(%dma_start3A_342 : memref<128x32xf32, #tpu.memory_space<vmem>>) target(%dma_start3A_348 : memref<10240x32xf32, #tpu.memory_space<vmem_shared>>) offsets(%dma_start3A_345 : memref<128xi32, #tpu.memory_space<vmem>>) semaphore(%arg21 : memref<!tpu.dma_semaphore, #tpu.memory_space<semaphore_mem>>) {add = true}
    %dma_wait3A_349 = arith.constant 0 : i32
    %dma_wait3A_350 = arith.constant 156 : i32
    %dma_wait3A_351 = arith.constant 0 : i32
    %dma_wait3A_352 = arith.constant 0 : i32
    %dma_wait3A_353 = tpu.memref_slice %arg11[%dma_wait3A_349, %dma_wait3A_351, %dma_wait3A_352] : memref<4x128x32xf32, #tpu.memory_space<vmem>> -> memref<1x128x32xf32, #tpu.memory_space<vmem>>
    %dma_wait3A_354 = tpu.memref_squeeze %dma_wait3A_353 : memref<1x128x32xf32, #tpu.memory_space<vmem>> -> memref<128x32xf32, #tpu.memory_space<vmem>>
    %dma_wait3A_355 = arith.constant 0 : i32
    %dma_wait3A_356 = tpu.memref_slice %arg10[%dma_wait3A_350, %dma_wait3A_355] : memref<160x128xi32, #tpu.memory_space<vmem>> -> memref<1x128xi32, #tpu.memory_space<vmem>>
    %dma_wait3A_357 = tpu.memref_squeeze %dma_wait3A_356 : memref<1x128xi32, #tpu.memory_space<vmem>> -> memref<128xi32, #tpu.memory_space<vmem>>
    %dma_wait3A_358 = arith.constant 0 : i32
    %dma_wait3A_359 = arith.constant 0 : i32
    %dma_wait3A_360 = tpu.memref_slice %arg12[%dma_wait3A_358, %dma_wait3A_359] : memref<10240x32xf32, #tpu.memory_space<vmem_shared>> -> memref<10240x32xf32, #tpu.memory_space<vmem_shared>>
    tpu.wait_indirect_dma semaphore(%arg18 : memref<!tpu.dma_semaphore, #tpu.memory_space<semaphore_mem>>) src(%dma_wait3A_354 : memref<128x32xf32, #tpu.memory_space<vmem>>) dst(%dma_wait3A_360 : memref<10240x32xf32, #tpu.memory_space<vmem_shared>>)
    %dma_wait3A_361 = arith.constant 1 : i32
    %dma_wait3A_362 = arith.constant 157 : i32
    %dma_wait3A_363 = arith.constant 0 : i32
    %dma_wait3A_364 = arith.constant 0 : i32
    %dma_wait3A_365 = tpu.memref_slice %arg11[%dma_wait3A_361, %dma_wait3A_363, %dma_wait3A_364] : memref<4x128x32xf32, #tpu.memory_space<vmem>> -> memref<1x128x32xf32, #tpu.memory_space<vmem>>
    %dma_wait3A_366 = tpu.memref_squeeze %dma_wait3A_365 : memref<1x128x32xf32, #tpu.memory_space<vmem>> -> memref<128x32xf32, #tpu.memory_space<vmem>>
    %dma_wait3A_367 = arith.constant 0 : i32
    %dma_wait3A_368 = tpu.memref_slice %arg10[%dma_wait3A_362, %dma_wait3A_367] : memref<160x128xi32, #tpu.memory_space<vmem>> -> memref<1x128xi32, #tpu.memory_space<vmem>>
    %dma_wait3A_369 = tpu.memref_squeeze %dma_wait3A_368 : memref<1x128xi32, #tpu.memory_space<vmem>> -> memref<128xi32, #tpu.memory_space<vmem>>
    %dma_wait3A_370 = arith.constant 0 : i32
    %dma_wait3A_371 = arith.constant 0 : i32
    %dma_wait3A_372 = tpu.memref_slice %arg12[%dma_wait3A_370, %dma_wait3A_371] : memref<10240x32xf32, #tpu.memory_space<vmem_shared>> -> memref<10240x32xf32, #tpu.memory_space<vmem_shared>>
    tpu.wait_indirect_dma semaphore(%arg19 : memref<!tpu.dma_semaphore, #tpu.memory_space<semaphore_mem>>) src(%dma_wait3A_366 : memref<128x32xf32, #tpu.memory_space<vmem>>) dst(%dma_wait3A_372 : memref<10240x32xf32, #tpu.memory_space<vmem_shared>>)
    %dma_wait3A_373 = arith.constant 2 : i32
    %dma_wait3A_374 = arith.constant 158 : i32
    %dma_wait3A_375 = arith.constant 0 : i32
    %dma_wait3A_376 = arith.constant 0 : i32
    %dma_wait3A_377 = tpu.memref_slice %arg11[%dma_wait3A_373, %dma_wait3A_375, %dma_wait3A_376] : memref<4x128x32xf32, #tpu.memory_space<vmem>> -> memref<1x128x32xf32, #tpu.memory_space<vmem>>
    %dma_wait3A_378 = tpu.memref_squeeze %dma_wait3A_377 : memref<1x128x32xf32, #tpu.memory_space<vmem>> -> memref<128x32xf32, #tpu.memory_space<vmem>>
    %dma_wait3A_379 = arith.constant 0 : i32
    %dma_wait3A_380 = tpu.memref_slice %arg10[%dma_wait3A_374, %dma_wait3A_379] : memref<160x128xi32, #tpu.memory_space<vmem>> -> memref<1x128xi32, #tpu.memory_space<vmem>>
    %dma_wait3A_381 = tpu.memref_squeeze %dma_wait3A_380 : memref<1x128xi32, #tpu.memory_space<vmem>> -> memref<128xi32, #tpu.memory_space<vmem>>
    %dma_wait3A_382 = arith.constant 0 : i32
    %dma_wait3A_383 = arith.constant 0 : i32
    %dma_wait3A_384 = tpu.memref_slice %arg12[%dma_wait3A_382, %dma_wait3A_383] : memref<10240x32xf32, #tpu.memory_space<vmem_shared>> -> memref<10240x32xf32, #tpu.memory_space<vmem_shared>>
    tpu.wait_indirect_dma semaphore(%arg20 : memref<!tpu.dma_semaphore, #tpu.memory_space<semaphore_mem>>) src(%dma_wait3A_378 : memref<128x32xf32, #tpu.memory_space<vmem>>) dst(%dma_wait3A_384 : memref<10240x32xf32, #tpu.memory_space<vmem_shared>>)
    %dma_wait3A_385 = arith.constant 3 : i32
    %dma_wait3A_386 = arith.constant 159 : i32
    %dma_wait3A_387 = arith.constant 0 : i32
    %dma_wait3A_388 = arith.constant 0 : i32
    %dma_wait3A_389 = tpu.memref_slice %arg11[%dma_wait3A_385, %dma_wait3A_387, %dma_wait3A_388] : memref<4x128x32xf32, #tpu.memory_space<vmem>> -> memref<1x128x32xf32, #tpu.memory_space<vmem>>
    %dma_wait3A_390 = tpu.memref_squeeze %dma_wait3A_389 : memref<1x128x32xf32, #tpu.memory_space<vmem>> -> memref<128x32xf32, #tpu.memory_space<vmem>>
    %dma_wait3A_391 = arith.constant 0 : i32
    %dma_wait3A_392 = tpu.memref_slice %arg10[%dma_wait3A_386, %dma_wait3A_391] : memref<160x128xi32, #tpu.memory_space<vmem>> -> memref<1x128xi32, #tpu.memory_space<vmem>>
    %dma_wait3A_393 = tpu.memref_squeeze %dma_wait3A_392 : memref<1x128xi32, #tpu.memory_space<vmem>> -> memref<128xi32, #tpu.memory_space<vmem>>
    %dma_wait3A_394 = arith.constant 0 : i32
    %dma_wait3A_395 = arith.constant 0 : i32
    %dma_wait3A_396 = tpu.memref_slice %arg12[%dma_wait3A_394, %dma_wait3A_395] : memref<10240x32xf32, #tpu.memory_space<vmem_shared>> -> memref<10240x32xf32, #tpu.memory_space<vmem_shared>>
    tpu.wait_indirect_dma semaphore(%arg21 : memref<!tpu.dma_semaphore, #tpu.memory_space<semaphore_mem>>) src(%dma_wait3A_390 : memref<128x32xf32, #tpu.memory_space<vmem>>) dst(%dma_wait3A_396 : memref<10240x32xf32, #tpu.memory_space<vmem_shared>>)
    %barrier3A_397 = arith.constant 0 : index
    tpu.barrier barrier_id(%barrier3A_397)
    %eq3A_398 = arith.constant 0 : i32
    %eq3A_399 = arith.cmpi eq, %arg0, %eq3A_398 : i32
    %convert_element_type3A_400 = arith.extui %eq3A_399 : i1 to i32
    %cond3A_401 = arith.constant 0 : i32
    %cond3A_402 = arith.cmpi ne, %convert_element_type3A_400, %cond3A_401 : i32
    scf.if %cond3A_402 {
      "tpu.region"() ({
        %run_scoped3A = tpu.sem_alloc : memref<!tpu.dma_semaphore, #tpu.memory_space<semaphore_mem>>
        %dma_start3A_408 = arith.constant 0 : i32
        %dma_start3A_409 = tpu.memref_slice %arg7[%multiple_of3A_3, %dma_start3A_408] : memref<10240x32xf32, #tpu.memory_space<hbm>> -> memref<640x32xf32, #tpu.memory_space<hbm>>
        %dma_start3A_410 = arith.constant 0 : i32
        %dma_start3A_411 = tpu.memref_slice %arg12[%multiple_of3A_3, %dma_start3A_410] : memref<10240x32xf32, #tpu.memory_space<vmem_shared>> -> memref<640x32xf32, #tpu.memory_space<vmem_shared>>
        tpu.enqueue_dma source(%dma_start3A_411 : memref<640x32xf32, #tpu.memory_space<vmem_shared>>) target(%dma_start3A_409 : memref<640x32xf32, #tpu.memory_space<hbm>>) target_semaphore(%run_scoped3A : memref<!tpu.dma_semaphore, #tpu.memory_space<semaphore_mem>>)
        %dma_wait3A_412 = arith.constant 0 : i32
        %dma_wait3A_413 = tpu.memref_slice %arg7[%multiple_of3A_3, %dma_wait3A_412] : memref<10240x32xf32, #tpu.memory_space<hbm>> -> memref<640x32xf32, #tpu.memory_space<hbm>>
        %dma_wait3A_414 = arith.constant 0 : i32
        %dma_wait3A_415 = tpu.memref_slice %arg12[%multiple_of3A_3, %dma_wait3A_414] : memref<10240x32xf32, #tpu.memory_space<vmem_shared>> -> memref<640x32xf32, #tpu.memory_space<vmem_shared>>
        tpu.wait_dma2 semaphore(%run_scoped3A : memref<!tpu.dma_semaphore, #tpu.memory_space<semaphore_mem>>) src(%dma_wait3A_415 : memref<640x32xf32, #tpu.memory_space<vmem_shared>>) dst(%dma_wait3A_413 : memref<640x32xf32, #tpu.memory_space<hbm>>)
        tpu.yield
      }) : () -> ()
    } else {
    }
    %eq3A_403 = arith.constant 1 : i32
    %eq3A_404 = arith.cmpi eq, %arg0, %eq3A_403 : i32
    %convert_element_type3A_405 = arith.extui %eq3A_404 : i1 to i32
    %cond3A_406 = arith.constant 0 : i32
    %cond3A_407 = arith.cmpi ne, %convert_element_type3A_405, %cond3A_406 : i32
    scf.if %cond3A_407 {
      "tpu.region"() ({
        %run_scoped3A = tpu.sem_alloc : memref<!tpu.dma_semaphore, #tpu.memory_space<semaphore_mem>>
        %dma_start3A_408 = arith.constant 0 : i32
        %dma_start3A_409 = tpu.memref_slice %arg8[%multiple_of3A_3, %dma_start3A_408] : memref<10240x32xf32, #tpu.memory_space<hbm>> -> memref<640x32xf32, #tpu.memory_space<hbm>>
        %dma_start3A_410 = arith.constant 0 : i32
        %dma_start3A_411 = tpu.memref_slice %arg12[%multiple_of3A_3, %dma_start3A_410] : memref<10240x32xf32, #tpu.memory_space<vmem_shared>> -> memref<640x32xf32, #tpu.memory_space<vmem_shared>>
        tpu.enqueue_dma source(%dma_start3A_411 : memref<640x32xf32, #tpu.memory_space<vmem_shared>>) target(%dma_start3A_409 : memref<640x32xf32, #tpu.memory_space<hbm>>) target_semaphore(%run_scoped3A : memref<!tpu.dma_semaphore, #tpu.memory_space<semaphore_mem>>)
        %dma_wait3A_412 = arith.constant 0 : i32
        %dma_wait3A_413 = tpu.memref_slice %arg8[%multiple_of3A_3, %dma_wait3A_412] : memref<10240x32xf32, #tpu.memory_space<hbm>> -> memref<640x32xf32, #tpu.memory_space<hbm>>
        %dma_wait3A_414 = arith.constant 0 : i32
        %dma_wait3A_415 = tpu.memref_slice %arg12[%multiple_of3A_3, %dma_wait3A_414] : memref<10240x32xf32, #tpu.memory_space<vmem_shared>> -> memref<640x32xf32, #tpu.memory_space<vmem_shared>>
        tpu.wait_dma2 semaphore(%run_scoped3A : memref<!tpu.dma_semaphore, #tpu.memory_space<semaphore_mem>>) src(%dma_wait3A_415 : memref<640x32xf32, #tpu.memory_space<vmem_shared>>) dst(%dma_wait3A_413 : memref<640x32xf32, #tpu.memory_space<hbm>>)
        tpu.yield
      }) : () -> ()
    } else {
    }
    return
  }
}

module attributes {stable_mosaic.version = 14 : i64} {
  func.func @_tc1_body(%arg0: i32, %arg1: memref<1024x128xf32, #tpu.memory_space<vmem>>, %arg2: memref<128x64xf32, #tpu.memory_space<vmem>>, %arg3: memref<2x1024x16xf32, #tpu.memory_space<vmem>>, %arg4: memref<1024x64xf32, #tpu.memory_space<vmem>>, %arg5: memref<1024x32xf32, #tpu.memory_space<vmem>>, %arg6: memref<1024x32xf32, #tpu.memory_space<vmem>>) attributes {dimension_semantics = [#tpu.dimension_semantics<arbitrary>], iteration_bounds = array<i64: 10>, scalar_prefetch = 0 : i64, scratch_operands = 0 : i64, tpu.core_type = #tpu.core_type<tc>, window_params = [{transform_indices = @transform_0, window_bounds = array<i64: 1024, 128>}, {pipeline_mode = #tpu.pipeline_mode<synchronous>, transform_indices = @transform_1, window_bounds = array<i64: 128, 64>}, {transform_indices = @transform_2, window_bounds = array<i64: 2, 1024, 16>}, {transform_indices = @transform_3, window_bounds = array<i64: 1024, 64>}, {transform_indices = @transform_4, window_bounds = array<i64: 1024, 32>}, {transform_indices = @transform_5, window_bounds = array<i64: 1024, 32>}]} {
    %get3A = arith.constant 0 : index
    %get3A_0 = arith.constant 0 : index
    %get3A_1 = vector.load %arg1[%get3A, %get3A_0] : memref<1024x128xf32, #tpu.memory_space<vmem>>, vector<1024x128xf32>
    %get3A_2 = arith.constant 0 : index
    %get3A_3 = arith.constant 0 : index
    %get3A_4 = vector.load %arg2[%get3A_2, %get3A_3] : memref<128x64xf32, #tpu.memory_space<vmem>>, vector<128x64xf32>
    %dot_general3A = arith.constant dense<0.000000e+00> : vector<1024x64xf32>
    %dot_general3A_5 = tpu.matmul %get3A_1, %get3A_4, %dot_general3A {dimension_numbers = #tpu.dot_dimension_numbers<[1], [0], [0], [1], [0, 0, 1, 1], [], []>, transpose_lhs_hint = false} : vector<1024x128xf32>, vector<128x64xf32>, vector<1024x64xf32> -> vector<1024x64xf32>
    %get3A_6 = arith.constant 0 : index
    %get3A_7 = arith.constant 0 : index
    %get3A_8 = arith.constant 0 : index
    %get3A_9 = vector.load %arg3[%get3A_6, %get3A_7, %get3A_8] : memref<2x1024x16xf32, #tpu.memory_space<vmem>>, vector<1x1024x1xf32>
    %get3A_10 = vector.shape_cast %get3A_9 : vector<1x1024x1xf32> to vector<1024x1xf32>
    %get3A_11 = arith.constant 1 : index
    %get3A_12 = arith.constant 0 : index
    %get3A_13 = arith.constant 0 : index
    %get3A_14 = vector.load %arg3[%get3A_11, %get3A_12, %get3A_13] : memref<2x1024x16xf32, #tpu.memory_space<vmem>>, vector<1x1024x1xf32>
    %get3A_15 = vector.shape_cast %get3A_14 : vector<1x1024x1xf32> to vector<1024x1xf32>
    %add3A = arith.addf %get3A_10, %get3A_15 : vector<1024x1xf32>
    %add3A_16 = arith.constant 1.000000e+00 : f32
    %add3A_17 = vector.broadcast %add3A_16 : f32 to vector<1024x1xf32>
    %add3A_18 = arith.addf %add3A, %add3A_17 : vector<1024x1xf32>
    %rsqrt3A = math.rsqrt %add3A_18 : vector<1024x1xf32>
    %mul3A = vector.broadcast %rsqrt3A : vector<1024x1xf32> to vector<1024x64xf32>
    %mul3A_19 = arith.mulf %dot_general3A_5, %mul3A : vector<1024x64xf32>
    %swap3A = arith.constant 0 : index
    %swap3A_20 = arith.constant 0 : index
    %swap3A_21 = vector.load %arg4[%swap3A, %swap3A_20] : memref<1024x64xf32, #tpu.memory_space<vmem>>, vector<1024x64xf32>
    tpu.vector_store %arg4[%swap3A, %swap3A_20], %dot_general3A_5 {strides = array<i32>} : memref<1024x64xf32, #tpu.memory_space<vmem>>, vector<1024x64xf32>,
    %slice3A = vector.extract_strided_slice %mul3A_19 {offsets = [0, 0], sizes = [1024, 32], strides = [1, 1]} : vector<1024x64xf32> to vector<1024x32xf32>
    %swap3A_22 = arith.constant 0 : index
    %swap3A_23 = arith.constant 0 : index
    %swap3A_24 = vector.load %arg5[%swap3A_22, %swap3A_23] : memref<1024x32xf32, #tpu.memory_space<vmem>>, vector<1024x32xf32>
    tpu.vector_store %arg5[%swap3A_22, %swap3A_23], %slice3A {strides = array<i32>} : memref<1024x32xf32, #tpu.memory_space<vmem>>, vector<1024x32xf32>,
    %slice3A_25 = vector.extract_strided_slice %mul3A_19 {offsets = [0, 32], sizes = [1024, 32], strides = [1, 1]} : vector<1024x64xf32> to vector<1024x32xf32>
    %swap3A_26 = arith.constant 0 : index
    %swap3A_27 = arith.constant 0 : index
    %swap3A_28 = vector.load %arg6[%swap3A_26, %swap3A_27] : memref<1024x32xf32, #tpu.memory_space<vmem>>, vector<1024x32xf32>
    tpu.vector_store %arg6[%swap3A_26, %swap3A_27], %slice3A_25 {strides = array<i32>} : memref<1024x32xf32, #tpu.memory_space<vmem>>, vector<1024x32xf32>,
    return
  }
  func.func @transform_0(%arg0: i32) -> (i32, i32) {
    %c0_i32 = arith.constant 0 : i32
    %c0_i32_0 = arith.constant 0 : i32
    return %arg0, %c0_i32 : i32, i32
  }
  func.func @transform_1(%arg0: i32) -> (i32, i32) {
    %c0_i32 = arith.constant 0 : i32
    %c0_i32_0 = arith.constant 0 : i32
    %c0_i32_1 = arith.constant 0 : i32
    return %c0_i32, %c0_i32_0 : i32, i32
  }
  func.func @transform_2(%arg0: i32) -> (i32, i32, i32) {
    %c0_i32 = arith.constant 0 : i32
    %c0_i32_0 = arith.constant 0 : i32
    %c0_i32_1 = arith.constant 0 : i32
    return %c0_i32, %arg0, %c0_i32_0 : i32, i32, i32
  }
  func.func @transform_3(%arg0: i32) -> (i32, i32) {
    %c0_i32 = arith.constant 0 : i32
    %c0_i32_0 = arith.constant 0 : i32
    return %arg0, %c0_i32 : i32, i32
  }
  func.func @transform_4(%arg0: i32) -> (i32, i32) {
    %c0_i32 = arith.constant 0 : i32
    %c0_i32_0 = arith.constant 0 : i32
    return %arg0, %c0_i32 : i32, i32
  }
  func.func @transform_5(%arg0: i32) -> (i32, i32) {
    %c0_i32 = arith.constant 0 : i32
    %c0_i32_0 = arith.constant 0 : i32
    return %arg0, %c0_i32 : i32, i32
  }
}

module attributes {stable_mosaic.version = 14 : i64} {
  func.func @_tc_mid2_body(%arg0: i32, %arg1: memref<1024x64xf32, #tpu.memory_space<vmem>>, %arg2: memref<2x1024x16xf32, #tpu.memory_space<vmem>>, %arg3: memref<1024x32xf32, #tpu.memory_space<vmem>>, %arg4: memref<1024x32xf32, #tpu.memory_space<vmem>>, %arg5: memref<1x64xf32, #tpu.memory_space<vmem>>, %arg6: memref<64x32xf32, #tpu.memory_space<vmem>>, %arg7: memref<1024x32xf32, #tpu.memory_space<vmem>>, %arg8: memref<1024x32xf32, #tpu.memory_space<vmem>>) attributes {dimension_semantics = [#tpu.dimension_semantics<arbitrary>], iteration_bounds = array<i64: 10>, scalar_prefetch = 0 : i64, scratch_operands = 0 : i64, tpu.core_type = #tpu.core_type<tc>, window_params = [{transform_indices = @transform_0, window_bounds = array<i64: 1024, 64>}, {transform_indices = @transform_1, window_bounds = array<i64: 2, 1024, 16>}, {transform_indices = @transform_2, window_bounds = array<i64: 1024, 32>}, {transform_indices = @transform_3, window_bounds = array<i64: 1024, 32>}, {pipeline_mode = #tpu.pipeline_mode<synchronous>, transform_indices = @transform_4, window_bounds = array<i64: 1, 64>}, {pipeline_mode = #tpu.pipeline_mode<synchronous>, transform_indices = @transform_5, window_bounds = array<i64: 64, 32>}, {transform_indices = @transform_6, window_bounds = array<i64: 1024, 32>}, {transform_indices = @transform_7, window_bounds = array<i64: 1024, 32>}]} {
    %get3A = arith.constant 0 : index
    %get3A_0 = arith.constant 0 : index
    %get3A_1 = arith.constant 0 : index
    %get3A_2 = vector.load %arg2[%get3A, %get3A_0, %get3A_1] : memref<2x1024x16xf32, #tpu.memory_space<vmem>>, vector<1x1024x1xf32>
    %get3A_3 = vector.shape_cast %get3A_2 : vector<1x1024x1xf32> to vector<1024x1xf32>
    %get3A_4 = arith.constant 1 : index
    %get3A_5 = arith.constant 0 : index
    %get3A_6 = arith.constant 0 : index
    %get3A_7 = vector.load %arg2[%get3A_4, %get3A_5, %get3A_6] : memref<2x1024x16xf32, #tpu.memory_space<vmem>>, vector<1x1024x1xf32>
    %get3A_8 = vector.shape_cast %get3A_7 : vector<1x1024x1xf32> to vector<1024x1xf32>
    %add3A = arith.addf %get3A_3, %get3A_8 : vector<1024x1xf32>
    %add3A_9 = arith.constant 1.000000e+00 : f32
    %add3A_10 = vector.broadcast %add3A_9 : f32 to vector<1024x1xf32>
    %add3A_11 = arith.addf %add3A, %add3A_10 : vector<1024x1xf32>
    %rsqrt3A = math.rsqrt %add3A_11 : vector<1024x1xf32>
    %get3A_12 = arith.constant 0 : index
    %get3A_13 = arith.constant 0 : index
    %get3A_14 = vector.load %arg3[%get3A_12, %get3A_13] : memref<1024x32xf32, #tpu.memory_space<vmem>>, vector<1024x32xf32>
    %get3A_15 = arith.constant 0 : index
    %get3A_16 = arith.constant 0 : index
    %get3A_17 = vector.load %arg4[%get3A_15, %get3A_16] : memref<1024x32xf32, #tpu.memory_space<vmem>>, vector<1024x32xf32>
    %concatenate3A = tpu.concatenate %get3A_14, %get3A_17 in 1 : vector<1024x32xf32>, vector<1024x32xf32> -> vector<1024x64xf32>
    %mul3A = vector.broadcast %rsqrt3A : vector<1024x1xf32> to vector<1024x64xf32>
    %mul3A_18 = arith.mulf %concatenate3A, %mul3A : vector<1024x64xf32>
    %get3A_19 = arith.constant 0 : index
    %get3A_20 = arith.constant 0 : index
    %get3A_21 = vector.load %arg1[%get3A_19, %get3A_20] : memref<1024x64xf32, #tpu.memory_space<vmem>>, vector<1024x64xf32>
    %mul3A_22 = arith.mulf %rsqrt3A, %rsqrt3A : vector<1024x1xf32>
    %mul3A_23 = vector.broadcast %mul3A_22 : vector<1024x1xf32> to vector<1024x64xf32>
    %mul3A_24 = arith.mulf %get3A_21, %mul3A_23 : vector<1024x64xf32>
    %add3A_25 = arith.addf %mul3A_18, %mul3A_24 : vector<1024x64xf32>
    %get3A_26 = arith.constant 0 : index
    %get3A_27 = arith.constant 0 : index
    %get3A_28 = vector.load %arg5[%get3A_26, %get3A_27] : memref<1x64xf32, #tpu.memory_space<vmem>>, vector<1x64xf32>
    %add3A_29 = vector.broadcast %get3A_28 : vector<1x64xf32> to vector<1024x64xf32>
    %add3A_30 = arith.addf %add3A_25, %add3A_29 : vector<1024x64xf32>
    %max3A = arith.constant 0.000000e+00 : f32
    %max3A_31 = vector.broadcast %max3A : f32 to vector<1024x64xf32>
    %max3A_32 = arith.maximumf %add3A_30, %max3A_31 : vector<1024x64xf32>
    %get3A_33 = arith.constant 0 : index
    %get3A_34 = arith.constant 0 : index
    %get3A_35 = vector.load %arg6[%get3A_33, %get3A_34] : memref<64x32xf32, #tpu.memory_space<vmem>>, vector<64x32xf32>
    %dot_general3A = arith.constant dense<0.000000e+00> : vector<1024x32xf32>
    %dot_general3A_36 = tpu.matmul %max3A_32, %get3A_35, %dot_general3A {dimension_numbers = #tpu.dot_dimension_numbers<[1], [0], [0], [1], [0, 0, 1, 1], [], []>, transpose_lhs_hint = false} : vector<1024x64xf32>, vector<64x32xf32>, vector<1024x32xf32> -> vector<1024x32xf32>
    %swap3A = arith.constant 0 : index
    %swap3A_37 = arith.constant 0 : index
    %swap3A_38 = vector.load %arg7[%swap3A, %swap3A_37] : memref<1024x32xf32, #tpu.memory_space<vmem>>, vector<1024x32xf32>
    tpu.vector_store %arg7[%swap3A, %swap3A_37], %dot_general3A_36 {strides = array<i32>} : memref<1024x32xf32, #tpu.memory_space<vmem>>, vector<1024x32xf32>,
    %mul3A_39 = vector.broadcast %rsqrt3A : vector<1024x1xf32> to vector<1024x32xf32>
    %mul3A_40 = arith.mulf %dot_general3A_36, %mul3A_39 : vector<1024x32xf32>
    %swap3A_41 = arith.constant 0 : index
    %swap3A_42 = arith.constant 0 : index
    %swap3A_43 = vector.load %arg8[%swap3A_41, %swap3A_42] : memref<1024x32xf32, #tpu.memory_space<vmem>>, vector<1024x32xf32>
    tpu.vector_store %arg8[%swap3A_41, %swap3A_42], %mul3A_40 {strides = array<i32>} : memref<1024x32xf32, #tpu.memory_space<vmem>>, vector<1024x32xf32>,
    return
  }
  func.func @transform_0(%arg0: i32) -> (i32, i32) {
    %c0_i32 = arith.constant 0 : i32
    %c0_i32_0 = arith.constant 0 : i32
    return %arg0, %c0_i32 : i32, i32
  }
  func.func @transform_1(%arg0: i32) -> (i32, i32, i32) {
    %c0_i32 = arith.constant 0 : i32
    %c0_i32_0 = arith.constant 0 : i32
    %c0_i32_1 = arith.constant 0 : i32
    return %c0_i32, %arg0, %c0_i32_0 : i32, i32, i32
  }
  func.func @transform_2(%arg0: i32) -> (i32, i32) {
    %c0_i32 = arith.constant 0 : i32
    %c0_i32_0 = arith.constant 0 : i32
    return %arg0, %c0_i32 : i32, i32
  }
  func.func @transform_3(%arg0: i32) -> (i32, i32) {
    %c0_i32 = arith.constant 0 : i32
    %c0_i32_0 = arith.constant 0 : i32
    return %arg0, %c0_i32 : i32, i32
  }
  func.func @transform_4(%arg0: i32) -> (i32, i32) {
    %c0_i32 = arith.constant 0 : i32
    %c0_i32_0 = arith.constant 0 : i32
    %c0_i32_1 = arith.constant 0 : i32
    return %c0_i32, %c0_i32_0 : i32, i32
  }
  func.func @transform_5(%arg0: i32) -> (i32, i32) {
    %c0_i32 = arith.constant 0 : i32
    %c0_i32_0 = arith.constant 0 : i32
    %c0_i32_1 = arith.constant 0 : i32
    return %c0_i32, %c0_i32_0 : i32, i32
  }
  func.func @transform_6(%arg0: i32) -> (i32, i32) {
    %c0_i32 = arith.constant 0 : i32
    %c0_i32_0 = arith.constant 0 : i32
    return %arg0, %c0_i32 : i32, i32
  }
  func.func @transform_7(%arg0: i32) -> (i32, i32) {
    %c0_i32 = arith.constant 0 : i32
    %c0_i32_0 = arith.constant 0 : i32
    return %arg0, %c0_i32 : i32, i32
  }
}

module attributes {stable_mosaic.version = 14 : i64} {
  func.func @_tc_mid_body(%arg0: i32, %arg1: memref<1024x32xf32, #tpu.memory_space<vmem>>, %arg2: memref<2x1024x16xf32, #tpu.memory_space<vmem>>, %arg3: memref<2x1024x32xf32, #tpu.memory_space<vmem>>, %arg4: memref<1x32xf32, #tpu.memory_space<vmem>>, %arg5: memref<32x48xf32, #tpu.memory_space<vmem>>, %arg6: memref<1024x48xf32, #tpu.memory_space<vmem>>, %arg7: memref<1024x48xf32, #tpu.memory_space<vmem>>) attributes {dimension_semantics = [#tpu.dimension_semantics<arbitrary>], iteration_bounds = array<i64: 10>, scalar_prefetch = 0 : i64, scratch_operands = 0 : i64, tpu.core_type = #tpu.core_type<tc>, window_params = [{transform_indices = @transform_0, window_bounds = array<i64: 1024, 32>}, {transform_indices = @transform_1, window_bounds = array<i64: 2, 1024, 16>}, {transform_indices = @transform_2, window_bounds = array<i64: 2, 1024, 32>}, {pipeline_mode = #tpu.pipeline_mode<synchronous>, transform_indices = @transform_3, window_bounds = array<i64: 1, 32>}, {pipeline_mode = #tpu.pipeline_mode<synchronous>, transform_indices = @transform_4, window_bounds = array<i64: 32, 48>}, {transform_indices = @transform_5, window_bounds = array<i64: 1024, 48>}, {transform_indices = @transform_6, window_bounds = array<i64: 1024, 48>}]} {
    %get3A = arith.constant 0 : index
    %get3A_0 = arith.constant 0 : index
    %get3A_1 = arith.constant 0 : index
    %get3A_2 = vector.load %arg2[%get3A, %get3A_0, %get3A_1] : memref<2x1024x16xf32, #tpu.memory_space<vmem>>, vector<1x1024x1xf32>
    %get3A_3 = vector.shape_cast %get3A_2 : vector<1x1024x1xf32> to vector<1024x1xf32>
    %get3A_4 = arith.constant 1 : index
    %get3A_5 = arith.constant 0 : index
    %get3A_6 = arith.constant 0 : index
    %get3A_7 = vector.load %arg2[%get3A_4, %get3A_5, %get3A_6] : memref<2x1024x16xf32, #tpu.memory_space<vmem>>, vector<1x1024x1xf32>
    %get3A_8 = vector.shape_cast %get3A_7 : vector<1x1024x1xf32> to vector<1024x1xf32>
    %add3A = arith.addf %get3A_3, %get3A_8 : vector<1024x1xf32>
    %add3A_9 = arith.constant 1.000000e+00 : f32
    %add3A_10 = vector.broadcast %add3A_9 : f32 to vector<1024x1xf32>
    %add3A_11 = arith.addf %add3A, %add3A_10 : vector<1024x1xf32>
    %rsqrt3A = math.rsqrt %add3A_11 : vector<1024x1xf32>
    %get3A_12 = arith.constant 0 : index
    %get3A_13 = arith.constant 0 : index
    %get3A_14 = arith.constant 0 : index
    %get3A_15 = vector.load %arg3[%get3A_12, %get3A_13, %get3A_14] : memref<2x1024x32xf32, #tpu.memory_space<vmem>>, vector<1x1024x32xf32>
    %get3A_16 = vector.shape_cast %get3A_15 : vector<1x1024x32xf32> to vector<1024x32xf32>
    %get3A_17 = arith.constant 1 : index
    %get3A_18 = arith.constant 0 : index
    %get3A_19 = arith.constant 0 : index
    %get3A_20 = vector.load %arg3[%get3A_17, %get3A_18, %get3A_19] : memref<2x1024x32xf32, #tpu.memory_space<vmem>>, vector<1x1024x32xf32>
    %get3A_21 = vector.shape_cast %get3A_20 : vector<1x1024x32xf32> to vector<1024x32xf32>
    %add3A_22 = arith.addf %get3A_16, %get3A_21 : vector<1024x32xf32>
    %mul3A = vector.broadcast %rsqrt3A : vector<1024x1xf32> to vector<1024x32xf32>
    %mul3A_23 = arith.mulf %add3A_22, %mul3A : vector<1024x32xf32>
    %get3A_24 = arith.constant 0 : index
    %get3A_25 = arith.constant 0 : index
    %get3A_26 = vector.load %arg1[%get3A_24, %get3A_25] : memref<1024x32xf32, #tpu.memory_space<vmem>>, vector<1024x32xf32>
    %mul3A_27 = arith.mulf %rsqrt3A, %rsqrt3A : vector<1024x1xf32>
    %mul3A_28 = vector.broadcast %mul3A_27 : vector<1024x1xf32> to vector<1024x32xf32>
    %mul3A_29 = arith.mulf %get3A_26, %mul3A_28 : vector<1024x32xf32>
    %add3A_30 = arith.addf %mul3A_23, %mul3A_29 : vector<1024x32xf32>
    %get3A_31 = arith.constant 0 : index
    %get3A_32 = arith.constant 0 : index
    %get3A_33 = vector.load %arg4[%get3A_31, %get3A_32] : memref<1x32xf32, #tpu.memory_space<vmem>>, vector<1x32xf32>
    %add3A_34 = vector.broadcast %get3A_33 : vector<1x32xf32> to vector<1024x32xf32>
    %add3A_35 = arith.addf %add3A_30, %add3A_34 : vector<1024x32xf32>
    %max3A = arith.constant 0.000000e+00 : f32
    %max3A_36 = vector.broadcast %max3A : f32 to vector<1024x32xf32>
    %max3A_37 = arith.maximumf %add3A_35, %max3A_36 : vector<1024x32xf32>
    %get3A_38 = arith.constant 0 : index
    %get3A_39 = arith.constant 0 : index
    %get3A_40 = vector.load %arg5[%get3A_38, %get3A_39] : memref<32x48xf32, #tpu.memory_space<vmem>>, vector<32x48xf32>
    %dot_general3A = arith.constant dense<0.000000e+00> : vector<1024x48xf32>
    %dot_general3A_41 = tpu.matmul %max3A_37, %get3A_40, %dot_general3A {dimension_numbers = #tpu.dot_dimension_numbers<[1], [0], [0], [1], [0, 0, 1, 1], [], []>, transpose_lhs_hint = false} : vector<1024x32xf32>, vector<32x48xf32>, vector<1024x48xf32> -> vector<1024x48xf32>
    %swap3A = arith.constant 0 : index
    %swap3A_42 = arith.constant 0 : index
    %swap3A_43 = vector.load %arg6[%swap3A, %swap3A_42] : memref<1024x48xf32, #tpu.memory_space<vmem>>, vector<1024x48xf32>
    tpu.vector_store %arg6[%swap3A, %swap3A_42], %dot_general3A_41 {strides = array<i32>} : memref<1024x48xf32, #tpu.memory_space<vmem>>, vector<1024x48xf32>,
    %mul3A_44 = vector.broadcast %rsqrt3A : vector<1024x1xf32> to vector<1024x48xf32>
    %mul3A_45 = arith.mulf %dot_general3A_41, %mul3A_44 : vector<1024x48xf32>
    %swap3A_46 = arith.constant 0 : index
    %swap3A_47 = arith.constant 0 : index
    %swap3A_48 = vector.load %arg7[%swap3A_46, %swap3A_47] : memref<1024x48xf32, #tpu.memory_space<vmem>>, vector<1024x48xf32>
    tpu.vector_store %arg7[%swap3A_46, %swap3A_47], %mul3A_45 {strides = array<i32>} : memref<1024x48xf32, #tpu.memory_space<vmem>>, vector<1024x48xf32>,
    return
  }
  func.func @transform_0(%arg0: i32) -> (i32, i32) {
    %c0_i32 = arith.constant 0 : i32
    %c0_i32_0 = arith.constant 0 : i32
    return %arg0, %c0_i32 : i32, i32
  }
  func.func @transform_1(%arg0: i32) -> (i32, i32, i32) {
    %c0_i32 = arith.constant 0 : i32
    %c0_i32_0 = arith.constant 0 : i32
    %c0_i32_1 = arith.constant 0 : i32
    return %c0_i32, %arg0, %c0_i32_0 : i32, i32, i32
  }
  func.func @transform_2(%arg0: i32) -> (i32, i32, i32) {
    %c0_i32 = arith.constant 0 : i32
    %c0_i32_0 = arith.constant 0 : i32
    %c0_i32_1 = arith.constant 0 : i32
    return %c0_i32, %arg0, %c0_i32_0 : i32, i32, i32
  }
  func.func @transform_3(%arg0: i32) -> (i32, i32) {
    %c0_i32 = arith.constant 0 : i32
    %c0_i32_0 = arith.constant 0 : i32
    %c0_i32_1 = arith.constant 0 : i32
    return %c0_i32, %c0_i32_0 : i32, i32
  }
  func.func @transform_4(%arg0: i32) -> (i32, i32) {
    %c0_i32 = arith.constant 0 : i32
    %c0_i32_0 = arith.constant 0 : i32
    %c0_i32_1 = arith.constant 0 : i32
    return %c0_i32, %c0_i32_0 : i32, i32
  }
  func.func @transform_5(%arg0: i32) -> (i32, i32) {
    %c0_i32 = arith.constant 0 : i32
    %c0_i32_0 = arith.constant 0 : i32
    return %arg0, %c0_i32 : i32, i32
  }
  func.func @transform_6(%arg0: i32) -> (i32, i32) {
    %c0_i32 = arith.constant 0 : i32
    %c0_i32_0 = arith.constant 0 : i32
    return %arg0, %c0_i32 : i32, i32
  }
}

module attributes {stable_mosaic.version = 14 : i64} {
  func.func @_tc_fin_body(%arg0: i32, %arg1: memref<2000x48xf32, #tpu.memory_space<vmem>>, %arg2: memref<2x2000x16xf32, #tpu.memory_space<vmem>>, %arg3: memref<2x2000x48xf32, #tpu.memory_space<vmem>>, %arg4: memref<1x48xf32, #tpu.memory_space<vmem>>, %arg5: memref<2000x40xf32, #tpu.memory_space<vmem>>) attributes {dimension_semantics = [#tpu.dimension_semantics<arbitrary>], iteration_bounds = array<i64: 5>, scalar_prefetch = 0 : i64, scratch_operands = 0 : i64, tpu.core_type = #tpu.core_type<tc>, window_params = [{transform_indices = @transform_0, window_bounds = array<i64: 2000, 48>}, {transform_indices = @transform_1, window_bounds = array<i64: 2, 2000, 16>}, {transform_indices = @transform_2, window_bounds = array<i64: 2, 2000, 48>}, {pipeline_mode = #tpu.pipeline_mode<synchronous>, transform_indices = @transform_3, window_bounds = array<i64: 1, 48>}, {transform_indices = @transform_4, window_bounds = array<i64: 2000, 40>}]} {
    %get3A = arith.constant 0 : index
    %get3A_0 = arith.constant 0 : index
    %get3A_1 = arith.constant 0 : index
    %get3A_2 = vector.load %arg2[%get3A, %get3A_0, %get3A_1] : memref<2x2000x16xf32, #tpu.memory_space<vmem>>, vector<1x2000x1xf32>
    %get3A_3 = vector.shape_cast %get3A_2 : vector<1x2000x1xf32> to vector<2000x1xf32>
    %get3A_4 = arith.constant 1 : index
    %get3A_5 = arith.constant 0 : index
    %get3A_6 = arith.constant 0 : index
    %get3A_7 = vector.load %arg2[%get3A_4, %get3A_5, %get3A_6] : memref<2x2000x16xf32, #tpu.memory_space<vmem>>, vector<1x2000x1xf32>
    %get3A_8 = vector.shape_cast %get3A_7 : vector<1x2000x1xf32> to vector<2000x1xf32>
    %add3A = arith.addf %get3A_3, %get3A_8 : vector<2000x1xf32>
    %add3A_9 = arith.constant 1.000000e+00 : f32
    %add3A_10 = vector.broadcast %add3A_9 : f32 to vector<2000x1xf32>
    %add3A_11 = arith.addf %add3A, %add3A_10 : vector<2000x1xf32>
    %rsqrt3A = math.rsqrt %add3A_11 : vector<2000x1xf32>
    %get3A_12 = arith.constant 0 : index
    %get3A_13 = arith.constant 0 : index
    %get3A_14 = arith.constant 0 : index
    %get3A_15 = vector.load %arg3[%get3A_12, %get3A_13, %get3A_14] : memref<2x2000x48xf32, #tpu.memory_space<vmem>>, vector<1x2000x48xf32>
    %get3A_16 = vector.shape_cast %get3A_15 : vector<1x2000x48xf32> to vector<2000x48xf32>
    %get3A_17 = arith.constant 1 : index
    %get3A_18 = arith.constant 0 : index
    %get3A_19 = arith.constant 0 : index
    %get3A_20 = vector.load %arg3[%get3A_17, %get3A_18, %get3A_19] : memref<2x2000x48xf32, #tpu.memory_space<vmem>>, vector<1x2000x48xf32>
    %get3A_21 = vector.shape_cast %get3A_20 : vector<1x2000x48xf32> to vector<2000x48xf32>
    %add3A_22 = arith.addf %get3A_16, %get3A_21 : vector<2000x48xf32>
    %mul3A = vector.broadcast %rsqrt3A : vector<2000x1xf32> to vector<2000x48xf32>
    %mul3A_23 = arith.mulf %add3A_22, %mul3A : vector<2000x48xf32>
    %get3A_24 = arith.constant 0 : index
    %get3A_25 = arith.constant 0 : index
    %get3A_26 = vector.load %arg1[%get3A_24, %get3A_25] : memref<2000x48xf32, #tpu.memory_space<vmem>>, vector<2000x48xf32>
    %mul3A_27 = arith.mulf %rsqrt3A, %rsqrt3A : vector<2000x1xf32>
    %mul3A_28 = vector.broadcast %mul3A_27 : vector<2000x1xf32> to vector<2000x48xf32>
    %mul3A_29 = arith.mulf %get3A_26, %mul3A_28 : vector<2000x48xf32>
    %add3A_30 = arith.addf %mul3A_23, %mul3A_29 : vector<2000x48xf32>
    %get3A_31 = arith.constant 0 : index
    %get3A_32 = arith.constant 0 : index
    %get3A_33 = vector.load %arg4[%get3A_31, %get3A_32] : memref<1x48xf32, #tpu.memory_space<vmem>>, vector<1x48xf32>
    %add3A_34 = vector.broadcast %get3A_33 : vector<1x48xf32> to vector<2000x48xf32>
    %add3A_35 = arith.addf %add3A_30, %add3A_34 : vector<2000x48xf32>
    %slice3A = vector.extract_strided_slice %add3A_35 {offsets = [0, 0], sizes = [2000, 40], strides = [1, 1]} : vector<2000x48xf32> to vector<2000x40xf32>
    %reduce_max3A = arith.constant dense<0xFF800000> : vector<2000xf32>
    %reduce_max3A_36 = vector.multi_reduction <maximumf>, %slice3A, %reduce_max3A [1] : vector<2000x40xf32> to vector<2000xf32>
    %broadcast_in_dim3A = vector.shape_cast %reduce_max3A_36 : vector<2000xf32> to vector<2000x1xf32>
    %sub3A = vector.broadcast %broadcast_in_dim3A : vector<2000x1xf32> to vector<2000x40xf32>
    %sub3A_37 = arith.subf %slice3A, %sub3A : vector<2000x40xf32>
    %exp3A = math.exp %sub3A_37 : vector<2000x40xf32>
    %reduce_sum3A = arith.constant dense<0.000000e+00> : vector<2000xf32>
    %reduce_sum3A_38 = vector.multi_reduction <add>, %exp3A, %reduce_sum3A [1] : vector<2000x40xf32> to vector<2000xf32>
    %broadcast_in_dim3A_39 = vector.shape_cast %reduce_sum3A_38 : vector<2000xf32> to vector<2000x1xf32>
    %div3A = vector.broadcast %broadcast_in_dim3A_39 : vector<2000x1xf32> to vector<2000x40xf32>
    %div3A_40 = arith.divf %exp3A, %div3A : vector<2000x40xf32>
    %swap3A = arith.constant 0 : index
    %swap3A_41 = arith.constant 0 : index
    %swap3A_42 = vector.load %arg5[%swap3A, %swap3A_41] : memref<2000x40xf32, #tpu.memory_space<vmem>>, vector<2000x40xf32>
    tpu.vector_store %arg5[%swap3A, %swap3A_41], %div3A_40 {strides = array<i32>} : memref<2000x40xf32, #tpu.memory_space<vmem>>, vector<2000x40xf32>,
    return
  }
  func.func @transform_0(%arg0: i32) -> (i32, i32) {
    %c0_i32 = arith.constant 0 : i32
    %c0_i32_0 = arith.constant 0 : i32
    return %arg0, %c0_i32 : i32, i32
  }
  func.func @transform_1(%arg0: i32) -> (i32, i32, i32) {
    %c0_i32 = arith.constant 0 : i32
    %c0_i32_0 = arith.constant 0 : i32
    %c0_i32_1 = arith.constant 0 : i32
    return %c0_i32, %arg0, %c0_i32_0 : i32, i32, i32
  }
  func.func @transform_2(%arg0: i32) -> (i32, i32, i32) {
    %c0_i32 = arith.constant 0 : i32
    %c0_i32_0 = arith.constant 0 : i32
    %c0_i32_1 = arith.constant 0 : i32
    return %c0_i32, %arg0, %c0_i32_0 : i32, i32, i32
  }
  func.func @transform_3(%arg0: i32) -> (i32, i32) {
    %c0_i32 = arith.constant 0 : i32
    %c0_i32_0 = arith.constant 0 : i32
    %c0_i32_1 = arith.constant 0 : i32
    return %c0_i32, %c0_i32_0 : i32, i32
  }
  func.func @transform_4(%arg0: i32) -> (i32, i32) {
    %c0_i32 = arith.constant 0 : i32
    %c0_i32_0 = arith.constant 0 : i32
    return %arg0, %c0_i32 : i32, i32
  }
}

</mosaic_0001>

<sc_bundles>
// kernel: kernel.10.cloned.1.call-start
scs
__scs_entry_jumppad:
0x0: {  	(pc) =	sbr.rel $0x88, $3  }
0x1: {  	(tag) =	ssettag $0x0;
	lr =	simm.s32 $0x1  }
0x2: {  	[smem:$0x3F99] =	sst lr;
	_ =	strace $0xD0000000  }
0x3: {  	_ = 	snop  }
0x4: {  	_ = 	snop  }
0x5: {  	_ = 	snop  }
0x6: {  	_ = 	snop  }
0x7: {  	_ = 	snop  }
__scs_overlays_trampoline_lowered:
0x8: {  	[smem:$0x3FA8] =	sst s0  }
0x9: {  	[smem:$0x3FA9] =	sst s1  }
0xa: {  	[smem:$0x3FAA] =	sst s2  }
0xb: {  	[smem:$0x3FAB] =	sst s3  }
0xc: {  	[smem:$0x3FAC] =	sst s4  }
0xd: {  	[smem:$0x3FAD] =	sst s5  }
0xe: {  	[smem:$0x3FAE] =	sst s6  }
0xf: {  	[smem:$0x3FAF] =	sst s7  }
0x10: {  	[smem:$0x3FB0] =	sst s8  }
0x11: {  	[smem:$0x3FB1] =	sst s9;
	s0 =	simm.s32 @!p0 $0x0  }
0x12: {  	s1 =	sld [smem:$0x3F97];
	s0 =	simm.s32 @p0 $0x1  }
0x13: {  	[smem:$0x3FB2] =	sst s0;
	s0 =	simm.s32 @!p1 $0x0  }
0x14: {  	s2 =	sld [smem:$0x3F96];
	s0 =	simm.s32 @p1 $0x1  }
0x15: {  	[smem:$0x3FB3] =	sst s0;
	s0 =	simm.s32 @!p2 $0x0  }
0x16: {  	s3 =	sld [smem:$0x3FDB];
	s0 =	simm.s32 @p2 $0x1  }
0x17: {  	s4 =	simm.s32 $0x1BF5;
	[smem:$0x3FB5] =	sst s0  }
0x18: {  	s0 =	sld [smem:$0x3F98];
	_ =	swait.ge [sflag:s4], $0x0  }
0x19: {  	s7 =	sld [smem:$0x3F99]  }
0x1a: {  	s8 =	sadd.s32 $0xFFFFE003, lr  }
0x1b: {  	s9 =	sadd.s32 $0xFFFFFEF7, lr;
	s5 =	simm.s32 $0xFFFFFFFF;
	p2 =	slt.u32 s8, $0xFFFFF086  }
0x1c: {  	p1 =	slt.u32 s9, $0xF7A;
	s5 =	simm.s32 @!p2 $0x0  }
0x1d: {  	s5 =	simm.s32 @p1 $0x1;
	p0 =	seq.s32 s7, s2  }
0x1e: {  	s7 =	smul.u32 @!p0 $0xF7A, s2;
	p2 =	seq.s32 @!p0 s5, $0x0  }
0x1f: {  	s9 =	smul.u32 $0xF7A, s1;
	s8 =	simm.s32 @!p0 $0x1BF5;
	p2 =	por !p2, p0  }
0x20: {  	[sflag:s8] =	ssyncset.s32 @!p0 $0xFFFFF086;
	s6 =	sadd.s32 @!p0 s3, s7;
	s7 =	simm.s32 @!p0 $0x108  }
0x21: {  	s3 =	sadd.s32 s3, s9;
	s6 =	sadd.s32 @!p0 $0x88, s6;
	s7 =	simm.s32 @p2 $0x1082  }
0x22: {  	[simem:s7], [sflag:s8] =	dma.local @!p0 [hbm:s6], $0xF7A  }
0x23: {  	s9 =	sor.u32 $0xD0000000, s2;
	s6 =	simm.s32 $0x108;
	_ =	swait.ge @!p0 [sflag:s8], $0x0  }
0x24: {  	s3 =	sadd.s32 $0x88, s3;
	s6 =	simm.s32 @!p1 $0x1082;
	[sflag:s4] =	ssyncset.s32 $0xFFFFF086  }
0x25: {  	[simem:s6], [sflag:s4] =	dma.local [hbm:s3], $0xF7A  }
0x26: {  	[smem:$0x3F99] =	sst s1;
	(tag) =	ssettag s2;
	_ =	strace s9  }
0x27: {  	s1 =	sld [smem:$0x3FA9]  }
0x28: {  	s2 =	sld [smem:$0x3FAA]  }
0x29: {  	s4 =	sld [smem:$0x3FAC]  }
0x2a: {  	p0 =	seq.s32 s5, $0x0;
	s5 =	sld [smem:$0x3FAD]  }
0x2b: {  	s6 =	sld [smem:$0x3FAE]  }
0x2c: {  	s7 =	sld [smem:$0x3FAF]  }
0x2d: {  	s3 =	simm.s32 $0x108;
	s8 =	sld [smem:$0x3FB0]  }
0x2e: {  	s3 =	simm.s32 @!p0 $0x1082;
	s9 =	sld [smem:$0x3FB1]  }
0x2f: {  	lr =	sadd.s32 s0, s3;
	s0 =	sld [smem:$0x3FA8]  }
0x30: {  	s3 =	sld [smem:$0x3FAB]  }
0x31: {  	[smem:$0x3FB4] =	sst s10  }
0x32: {  	s10 =	sld [smem:$0x3FB2];
	_ =	sdelay $0x3  }
0x33: {  	p0 =	seq.s32 s10, $0x1;
	s10 =	sld [smem:$0x3FB4];
	_ =	sdelay $0x3  }
0x34: {  	[smem:$0x3FB4] =	sst s10  }
0x35: {  	s10 =	sld [smem:$0x3FB3];
	_ =	sdelay $0x3  }
0x36: {  	p1 =	seq.s32 s10, $0x1;
	s10 =	sld [smem:$0x3FB4];
	_ =	sdelay $0x3  }
0x37: {  	[smem:$0x3FB4] =	sst s10  }
0x38: {  	s10 =	sld [smem:$0x3FB5]  }
0x39: {  	_ = 	snop;
	(pc) =	sbr.ind lr, $3  }
0x3a: {  	_ = 	snop  }
0x3b: {  	_ = 	snop  }
0x3c: {  	p2 =	seq.s32 s10, $0x1;
	s10 =	sld [smem:$0x3FB4]  }
0x3d: {  	_ =	shalt  }
0x3e: {  	_ =	shalt  }
0x3f: {  	_ =	shalt  }
0x40: {  	_ =	shalt  }
0x41: {  	_ =	shalt  }
0x42: {  	_ =	shalt  }
0x43: {  	_ =	shalt  }
0x44: {  	_ =	shalt  }
0x45: {  	_ =	shalt  }
0x46: {  	_ =	shalt  }
0x47: {  	_ =	shalt  }
0x48: {  	_ =	shalt  }
0x49: {  	_ =	shalt  }
0x4a: {  	_ =	shalt  }
0x4b: {  	_ =	shalt  }
0x4c: {  	_ =	shalt  }
0x4d: {  	_ =	shalt  }
0x4e: {  	_ =	shalt  }
0x4f: {  	_ =	shalt  }
0x50: {  	_ =	shalt  }
0x51: {  	_ =	shalt  }
0x52: {  	_ =	shalt  }
0x53: {  	_ =	shalt  }
0x54: {  	_ =	shalt  }
0x55: {  	_ =	shalt  }
0x56: {  	_ =	shalt  }
0x57: {  	_ =	shalt  }
0x58: {  	_ =	shalt  }
0x59: {  	_ =	shalt  }
0x5a: {  	_ =	shalt  }
0x5b: {  	_ =	shalt  }
0x5c: {  	_ =	shalt  }
0x5d: {  	_ =	shalt  }
0x5e: {  	_ =	shalt  }
0x5f: {  	_ =	shalt  }
0x60: {  	_ =	shalt  }
0x61: {  	_ =	shalt  }
0x62: {  	_ =	shalt  }
0x63: {  	_ =	shalt  }
0x64: {  	_ =	shalt  }
0x65: {  	_ =	shalt  }
0x66: {  	_ =	shalt  }
0x67: {  	_ =	shalt  }
0x68: {  	_ =	shalt  }
0x69: {  	_ =	shalt  }
0x6a: {  	_ =	shalt  }
0x6b: {  	_ =	shalt  }
0x6c: {  	_ =	shalt  }
0x6d: {  	_ =	shalt  }
0x6e: {  	_ =	shalt  }
0x6f: {  	_ =	shalt  }
0x70: {  	_ =	shalt  }
0x71: {  	_ =	shalt  }
0x72: {  	_ =	shalt  }
0x73: {  	_ =	shalt  }
0x74: {  	_ =	shalt  }
0x75: {  	_ =	shalt  }
0x76: {  	_ =	shalt  }
0x77: {  	_ =	shalt  }
0x78: {  	_ =	shalt  }
0x79: {  	_ =	shalt  }
0x7a: {  	_ =	shalt  }
0x7b: {  	_ =	shalt  }
0x7c: {  	_ =	shalt  }
0x7d: {  	_ =	shalt  }
0x7e: {  	_ =	shalt  }
0x7f: {  	_ =	shalt  }
0x80: {  	_ =	shalt  }
0x81: {  	_ =	shalt  }
0x82: {  	_ =	shalt  }
0x83: {  	_ =	shalt  }
0x84: {  	_ =	shalt  }
0x85: {  	_ =	shalt  }
0x86: {  	_ =	shalt  }
0x87: {  	_ =	shalt  }
.Lfunc_end0:
.L_simem_size_0:
called_computation_lowered:
.L_overlay_start_0:
0x88: {  	s2 =	sld [smem:$0x3FD9]  }
0x89: {  	s3 =	sld [smem:$0x3FFE];
	_ =	sdelay $0x1  }
0x8a: {  	s1 =	srdreg.scid  }
0x8b: {  	s0 =	sand.u32 $0x1, s1  }
0x8c: {  	s17 =	sshll.u32 s0, $0xA;
	s2 =	sadd.s32 s3, s2  }
0x8d: {  	s2 =	sadd.s32 s2, s17  }
0x8e: {  	[smem:$0x3FC0] =	sst s2  }
0x8f: {  	_ = 	snop  }
0x90: {  	s2 =	sld [smem:$0x3FD0];
	(tm) =	ssettm $0x1  }
0x91: {  	s18 =	sld [smem:$0x3FFB];
	_ =	sdelay $0x3  }
0x92: {  	_ =	strace s18  }
0x93: {  	s3 =	sld [smem:$0x3FFC];
	_ =	sdelay $0x3  }
0x94: {  	_ =	strace s3  }
0x95: {  	s3 =	sld [smem:$0x3FFD];
	_ =	sdelay $0x3  }
0x96: {  	_ =	strace s3  }
0x97: {  	_ =	strace $0x8FFFFFFF  }
0x98: {  	s19 =	sld [smem:$0x3FDB];
	_ =	sdelay $0x1  }
0x99: {  	s4 =	simm.s32 $_scs_section_size  }
0x9a: {  	s5 =	simm.s32 $_size__tile_overlayer_lowered;
	s6 =	simm.s32 $_tile_overlayer_lowered  }
0x9b: {  	s22 =	simm.s32 $0x1BFF;
	s21 =	sshll.u32 s6, $0x1;
	s3 =	sadd.s32 s4, s19  }
0x9c: {  	s7 =	simm.s32 $0x0;
	s20 =	sshll.u32 s5, $0x1;
	s5 =	sadd.s32 s21, s3  }
0x9d: {  	[timem:s7], [sflag:s22] =	dma.local [hbm:s5], s20  }
0x9e: {  	_ =	swait.ge [sflag:s22], s20  }
0x9f: {  	s4 =	ssub.s32 $0x0, s20;
	[sflag:s22] =	ssyncset.done $0x0  }
0xa0: {  	[sflag:s22] =	ssyncadd.s32 s4;
	_ =	sdelay $0x1  }
0xa1: {  	s23 =	simm.s32 $0x1B8B  }
0xa2: {  	_ =	swait.ge [sflag:s23], $0x1  }
0xa3: {  	[sflag:s23] =	ssyncset.done $0x0  }
0xa4: {  	s25 =	simm.s32 $0x1B8E;
	s24 =	sld [smem:$0x3FFE];
	[sflag:s23] =	ssyncadd.s32 $0xFFFFFFFF  }
0xa5: {  	s26 =	simm.s32 $execute0_lowered;
	[smem:$0x3FD2] =	sst s25  }
0xa6: {  	s5 =	sshll.u32 s26, $0x1;
	_ =	strace $0x80000046;
	[dreg:$0x1] =	wrdreg $0xFFFFFFFF  }
0xa7: {  	s28 =	simm.s32 $_size_execute0_lowered;
	s3 =	sadd.s32 s3, s5;
	[dreg:$0x0] =	wrdreg $0x0  }
0xa8: {  	s5 =	sshll.u32 s28, $0x1;
	[dreg:$0x2] =	wrdreg s3  }
0xa9: {  	[dreg:$0x3] =	wrdreg s5  }
0xaa: {  	[dreg:$0x4] =	wrdreg $0xC0  }
0xab: {  	_ =	task [dreg:s7], $0x5FFFF  }
0xac: {  	[dreg:$0x1] =	wrdreg $0xFFFFFFFF  }
0xad: {  	[dreg:$0x0] =	wrdreg $0x60  }
0xae: {  	[dreg:$0x2] =	wrdreg s2  }
0xaf: {  	[dreg:$0x3] =	wrdreg s24  }
0xb0: {  	[dreg:$0x4] =	wrdreg $0x58000  }
0xb1: {  	[dreg:$0x5] =	wrdreg $0x9  }
0xb2: {  	_ =	task.clear_ibuf [dreg:s7], $0x6FFFF;
	_ =	strace $0x90000046  }
0xb3: {  	s29 =	simm.s32 $0x9;
	_ =	strace $0x80000048  }
0xb4: {  	_ =	swait.ge [sflag:s29], $0x1  }
0xb5: {  	[sflag:s29] =	ssyncadd.s32 $0xFFFFFFFF  }
0xb6: {  	_ =	strace $0x90000048  }
0xb7: {  	_ =	sfence  }
0xb8: {  	s30 =	sld [smem:$0x0];
	_ =	sdelay $0x2  }
0xb9: {  	s31 =	sshll.u32 s1, $0xD;
	s1 =	sshrl.u32 s1, $0x2  }
0xba: {  	s3 =	sand.u32 $0x4000, s31;
	s1 =	sadd.s32 s1, s30  }
0xbb: {  	s0 =	sor.u32 s3, s0;
	s1 =	sshll.u32 s1, $0x11  }
0xbc: {  	s0 =	sor.u32 s1, s0  }
0xbd: {  	s0 =	sadd.s32 $0x8F2B, s0  }
0xbe: {  	[sflag:s0] =	ssyncadd.remote.s32 $0x1  }
0xbf: {  	_ =	sfence.sel $0xFFFF  }
0xc0: {  	[dreg:$0x0] =	wrdreg $0xFFFFFFFF;
	(pc) =	sbr.abs _section_cstart, $3  }
0xc1: {  	[dreg:$0x1] =	wrdreg $0xFFFFFFFF  }
0xc2: {  	_ =	task.clear_ibuf [dreg:s7], $0x2FFFF;
	_ =	strace $0x9FFFFFFF  }
0xc3: {  	(tm) =	ssettm $0x7FFFFFFF  }
tec
execute0_lowered:
.L_overlay_start_1:
0x0: {  	(tag) =	ssettag $0x1  }
0x1: {  	s0 =	rddreg [dreg:$0x0]  }
0x2: {  	s1 =	srdreg.scid;
	s6 =	rddreg [dreg:$0x1]  }
0x3: {  	s10 =	stileid.u32;
	s2 =	rddreg [dreg:$0x2];
	s3 =	simm.s32 $0x0  }
0x4: {  	s11 =	simm.s32 $0x2;
	s12 =	simm.s32 $0x5000;
	s13 =	simm.s32 $0x80  }
0x5: {  	s19 =	simm.s32 $0x2000;
	s20 =	simm.s32 $0x2080;
	s21 =	simm.s32 $0x2100  }
0x6: {  	s22 =	simm.s32 $0x2180;
	s23 =	simm.s32 $0x2200;
	s28 =	simm.s32 $0x2400  }
0x7: {  	s29 =	simm.s32 $0x2480;
	s30 =	simm.s32 $0x2500;
	s31 =	simm.s32 $0x2580  }
0x8: {  	s14 =	simm.s32 $0x2700;
	s15 =	simm.s32 $0x2780;
	s16 =	simm.s32 $0x1  }
0x9: {  	s17 =	simm.s32 $0x0;
	s1 =	sand.u32 $0x1, s1;
	s7 =	smul.u32 $0x2800, s10  }
0xa: {  	[smem:$0x7FF] =	sst s3;
	s25 =	sshll.u32 s10, $0x6;
	s4 =	smul.u32 $0x28000, s1  }
0xb: {  	_ =	strace $0x80000047;
	s24 =	ssub.s32 $0x2, s1;
	p0 =	seq.s32 s1, $0x0  }
0xc: {  	s9 =	sshrl.u32 s24, $0x1;
	s1 =	sadd.s32 $0x28000, s7;
	s26 =	sadd.s32 s7, s2  }
0xd: {  	s5 =	sadd.s32 s7, s4;
	s4 =	sadd.s32 $0x3E00, s6;
	s9 =	ssub.s32 s24, s9  }
0xe: {  	s1 =	smov.u32 @p0 s7;
	s10 =	sshrl.u32 s26, $0x3;
	s24 =	simm.s32 $0x2280  }
0xf: {  	s26 =	simm.s32 $0x2380;
	s8 =	sshrl.u32 s5, $0x3;
	s5 =	sadd.s32 $0x4400, s6  }
0x10: {  	s1 =	sshrl.u32 s1, $0x3;
	s9 =	smax.u32 s9, $0x1;
	s8 =	sadd.s32 s8, s6  }
0x11: {  	s6 =	sor.u32 $0x1C02, s25;
	s7 =	sadd.s32 s0, s1;
	s25 =	simm.s32 $0x2300  }
0x12: {  	s1 =	simm.s32 $0x2600;
	s0 =	simm.s32 $0x2680;
	s8 =	sadd.s32 $0x4600, s8  }
.LBB2_1:
0x13: {  	[spmem:s10], [sflag:s6] =	dma.local [hbm:s4], $0x500  }
0x14: {  	_ =	swait.ge [sflag:s11], $0x500  }
0x15: {  	[sflag:s11] =	ssyncset.done $0x0  }
0x16: {  	[sflag:s11] =	ssyncadd.s32 $0xFFFFFB00  }
0x17: {  	[tilespmem:s12], [sflag:$0x2] =	stream.linear.gather [hbm4b:s5+s3], $0x800, $0x38;
	[tilespmem:$0x8000] =	vst v63  }
0x18: {  	_ =	swait.ge [sflag:s11], $0x800  }
0x19: {  	[sflag:s11] =	ssyncset.done $0x0  }
0x1a: {  	[sflag:s11] =	ssyncadd.s32 $0xFFFFF800  }
0x1b: {  	[tilespmem:s3], [sflag:$0x2] =	stream.linear.gather [hbm4b:s7+s3], $0x5000, $0x38;
	[tilespmem:$0x8000] =	vst v63  }
0x1c: {  	_ =	swait.ge [sflag:s11], $0x5000  }
0x1d: {  	[sflag:s11] =	ssyncset.done $0x0  }
0x1e: {  	[sflag:s11] =	ssyncadd.s32 $0xFFFFB000  }
0x1f: {  	[bflag:$0x0] =	sbarrier.arrive $0xFFFF  }
0x20: {  	[spmem:s2] =	stream.indirect.scatter.add.f32 [tilespmem:s12], [sflag:$0x1], $0x10, s3, s13, $0xb8;
	[tilespmem:$0x8000] =	vst v63  }
0x21: {  	_ = 	snop  }
0x22: {  	[spmem:s2] =	stream.indirect.scatter.add.f32 [tilespmem:s12], [sflag:$0x1], $0x10, s13, s13, $0xb8;
	[tilespmem:$0x8000] =	vst v63  }
0x23: {  	s18 =	simm.s32 $0x100  }
0x24: {  	[spmem:s2] =	stream.indirect.scatter.add.f32 [tilespmem:s12], [sflag:$0x1], $0x10, s18, s13, $0xb8;
	[tilespmem:$0x8000] =	vst v63  }
0x25: {  	s18 =	simm.s32 $0x180  }
0x26: {  	[spmem:s2] =	stream.indirect.scatter.add.f32 [tilespmem:s12], [sflag:$0x1], $0x10, s18, s13, $0xb8;
	[tilespmem:$0x8000] =	vst v63  }
0x27: {  	s18 =	simm.s32 $0x200  }
0x28: {  	[spmem:s2] =	stream.indirect.scatter.add.f32 [tilespmem:s12], [sflag:$0x1], $0x10, s18, s13, $0xb8;
	[tilespmem:$0x8000] =	vst v63  }
0x29: {  	s18 =	simm.s32 $0x280  }
0x2a: {  	[spmem:s2] =	stream.indirect.scatter.add.f32 [tilespmem:s12], [sflag:$0x1], $0x10, s18, s13, $0xb8;
	[tilespmem:$0x8000] =	vst v63  }
0x2b: {  	s18 =	simm.s32 $0x300  }
0x2c: {  	[spmem:s2] =	stream.indirect.scatter.add.f32 [tilespmem:s12], [sflag:$0x1], $0x10, s18, s13, $0xb8;
	[tilespmem:$0x8000] =	vst v63  }
0x2d: {  	s18 =	simm.s32 $0x380  }
0x2e: {  	[spmem:s2] =	stream.indirect.scatter.add.f32 [tilespmem:s12], [sflag:$0x1], $0x10, s18, s13, $0xb8;
	[tilespmem:$0x8000] =	vst v63  }
0x2f: {  	s18 =	simm.s32 $0x400  }
0x30: {  	[spmem:s2] =	stream.indirect.scatter.add.f32 [tilespmem:s12], [sflag:$0x1], $0x10, s18, s13, $0xb8;
	[tilespmem:$0x8000] =	vst v63  }
0x31: {  	s18 =	simm.s32 $0x480  }
0x32: {  	[spmem:s2] =	stream.indirect.scatter.add.f32 [tilespmem:s12], [sflag:$0x1], $0x10, s18, s13, $0xb8;
	[tilespmem:$0x8000] =	vst v63  }
0x33: {  	s18 =	simm.s32 $0x500  }
0x34: {  	[spmem:s2] =	stream.indirect.scatter.add.f32 [tilespmem:s12], [sflag:$0x1], $0x10, s18, s13, $0xb8;
	[tilespmem:$0x8000] =	vst v63  }
0x35: {  	s18 =	simm.s32 $0x580  }
0x36: {  	[spmem:s2] =	stream.indirect.scatter.add.f32 [tilespmem:s12], [sflag:$0x1], $0x10, s18, s13, $0xb8;
	[tilespmem:$0x8000] =	vst v63  }
0x37: {  	s18 =	simm.s32 $0x600  }
0x38: {  	[spmem:s2] =	stream.indirect.scatter.add.f32 [tilespmem:s12], [sflag:$0x1], $0x10, s18, s13, $0xb8;
	[tilespmem:$0x8000] =	vst v63  }
0x39: {  	s18 =	simm.s32 $0x680  }
0x3a: {  	[spmem:s2] =	stream.indirect.scatter.add.f32 [tilespmem:s12], [sflag:$0x1], $0x10, s18, s13, $0xb8;
	[tilespmem:$0x8000] =	vst v63  }
0x3b: {  	s18 =	simm.s32 $0x700  }
0x3c: {  	[spmem:s2] =	stream.indirect.scatter.add.f32 [tilespmem:s12], [sflag:$0x1], $0x10, s18, s13, $0xb8;
	[tilespmem:$0x8000] =	vst v63  }
0x3d: {  	s18 =	simm.s32 $0x780  }
0x3e: {  	[spmem:s2] =	stream.indirect.scatter.add.f32 [tilespmem:s12], [sflag:$0x1], $0x10, s18, s13, $0xb8;
	[tilespmem:$0x8000] =	vst v63  }
0x3f: {  	s18 =	simm.s32 $0x800  }
0x40: {  	[spmem:s2] =	stream.indirect.scatter.add.f32 [tilespmem:s12], [sflag:$0x1], $0x10, s18, s13, $0xb8;
	[tilespmem:$0x8000] =	vst v63  }
0x41: {  	s18 =	simm.s32 $0x880  }
0x42: {  	[spmem:s2] =	stream.indirect.scatter.add.f32 [tilespmem:s12], [sflag:$0x1], $0x10, s18, s13, $0xb8;
	[tilespmem:$0x8000] =	vst v63  }
0x43: {  	s18 =	simm.s32 $0x900  }
0x44: {  	[spmem:s2] =	stream.indirect.scatter.add.f32 [tilespmem:s12], [sflag:$0x1], $0x10, s18, s13, $0xb8;
	[tilespmem:$0x8000] =	vst v63  }
0x45: {  	s18 =	simm.s32 $0x980  }
0x46: {  	[spmem:s2] =	stream.indirect.scatter.add.f32 [tilespmem:s12], [sflag:$0x1], $0x10, s18, s13, $0xb8;
	[tilespmem:$0x8000] =	vst v63  }
0x47: {  	s18 =	simm.s32 $0xA00  }
0x48: {  	[spmem:s2] =	stream.indirect.scatter.add.f32 [tilespmem:s12], [sflag:$0x1], $0x10, s18, s13, $0xb8;
	[tilespmem:$0x8000] =	vst v63  }
0x49: {  	s18 =	simm.s32 $0xA80  }
0x4a: {  	[spmem:s2] =	stream.indirect.scatter.add.f32 [tilespmem:s12], [sflag:$0x1], $0x10, s18, s13, $0xb8;
	[tilespmem:$0x8000] =	vst v63  }
0x4b: {  	s18 =	simm.s32 $0xB00  }
0x4c: {  	[spmem:s2] =	stream.indirect.scatter.add.f32 [tilespmem:s12], [sflag:$0x1], $0x10, s18, s13, $0xb8;
	[tilespmem:$0x8000] =	vst v63  }
0x4d: {  	s18 =	simm.s32 $0xB80  }
0x4e: {  	[spmem:s2] =	stream.indirect.scatter.add.f32 [tilespmem:s12], [sflag:$0x1], $0x10, s18, s13, $0xb8;
	[tilespmem:$0x8000] =	vst v63  }
0x4f: {  	s18 =	simm.s32 $0xC00  }
0x50: {  	[spmem:s2] =	stream.indirect.scatter.add.f32 [tilespmem:s12], [sflag:$0x1], $0x10, s18, s13, $0xb8;
	[tilespmem:$0x8000] =	vst v63  }
0x51: {  	s18 =	simm.s32 $0xC80  }
0x52: {  	[spmem:s2] =	stream.indirect.scatter.add.f32 [tilespmem:s12], [sflag:$0x1], $0x10, s18, s13, $0xb8;
	[tilespmem:$0x8000] =	vst v63  }
0x53: {  	s18 =	simm.s32 $0xD00  }
0x54: {  	[spmem:s2] =	stream.indirect.scatter.add.f32 [tilespmem:s12], [sflag:$0x1], $0x10, s18, s13, $0xb8;
	[tilespmem:$0x8000] =	vst v63  }
0x55: {  	s18 =	simm.s32 $0xD80  }
0x56: {  	[spmem:s2] =	stream.indirect.scatter.add.f32 [tilespmem:s12], [sflag:$0x1], $0x10, s18, s13, $0xb8;
	[tilespmem:$0x8000] =	vst v63  }
0x57: {  	s18 =	simm.s32 $0xE00  }
0x58: {  	[spmem:s2] =	stream.indirect.scatter.add.f32 [tilespmem:s12], [sflag:$0x1], $0x10, s18, s13, $0xb8;
	[tilespmem:$0x8000] =	vst v63  }
0x59: {  	s18 =	simm.s32 $0xE80  }
0x5a: {  	[spmem:s2] =	stream.indirect.scatter.add.f32 [tilespmem:s12], [sflag:$0x1], $0x10, s18, s13, $0xb8;
	[tilespmem:$0x8000] =	vst v63  }
0x5b: {  	s18 =	simm.s32 $0xF00  }
0x5c: {  	[spmem:s2] =	stream.indirect.scatter.add.f32 [tilespmem:s12], [sflag:$0x1], $0x10, s18, s13, $0xb8;
	[tilespmem:$0x8000] =	vst v63  }
0x5d: {  	s18 =	simm.s32 $0xF80  }
0x5e: {  	[spmem:s2] =	stream.indirect.scatter.add.f32 [tilespmem:s12], [sflag:$0x1], $0x10, s18, s13, $0xb8;
	[tilespmem:$0x8000] =	vst v63  }
0x5f: {  	s18 =	simm.s32 $0x1000  }
0x60: {  	[spmem:s2] =	stream.indirect.scatter.add.f32 [tilespmem:s12], [sflag:$0x1], $0x10, s18, s13, $0xb8;
	[tilespmem:$0x8000] =	vst v63  }
0x61: {  	s18 =	simm.s32 $0x1080  }
0x62: {  	[spmem:s2] =	stream.indirect.scatter.add.f32 [tilespmem:s12], [sflag:$0x1], $0x10, s18, s13, $0xb8;
	[tilespmem:$0x8000] =	vst v63  }
0x63: {  	s18 =	simm.s32 $0x1100  }
0x64: {  	[spmem:s2] =	stream.indirect.scatter.add.f32 [tilespmem:s12], [sflag:$0x1], $0x10, s18, s13, $0xb8;
	[tilespmem:$0x8000] =	vst v63  }
0x65: {  	s18 =	simm.s32 $0x1180  }
0x66: {  	[spmem:s2] =	stream.indirect.scatter.add.f32 [tilespmem:s12], [sflag:$0x1], $0x10, s18, s13, $0xb8;
	[tilespmem:$0x8000] =	vst v63  }
0x67: {  	s18 =	simm.s32 $0x1200  }
0x68: {  	[spmem:s2] =	stream.indirect.scatter.add.f32 [tilespmem:s12], [sflag:$0x1], $0x10, s18, s13, $0xb8;
	[tilespmem:$0x8000] =	vst v63  }
0x69: {  	s18 =	simm.s32 $0x1280  }
0x6a: {  	[spmem:s2] =	stream.indirect.scatter.add.f32 [tilespmem:s12], [sflag:$0x1], $0x10, s18, s13, $0xb8;
	[tilespmem:$0x8000] =	vst v63  }
0x6b: {  	s18 =	simm.s32 $0x1300  }
0x6c: {  	[spmem:s2] =	stream.indirect.scatter.add.f32 [tilespmem:s12], [sflag:$0x1], $0x10, s18, s13, $0xb8;
	[tilespmem:$0x8000] =	vst v63  }
0x6d: {  	s18 =	simm.s32 $0x1380  }
0x6e: {  	[spmem:s2] =	stream.indirect.scatter.add.f32 [tilespmem:s12], [sflag:$0x1], $0x10, s18, s13, $0xb8;
	[tilespmem:$0x8000] =	vst v63  }
0x6f: {  	s18 =	simm.s32 $0x1400  }
0x70: {  	[spmem:s2] =	stream.indirect.scatter.add.f32 [tilespmem:s12], [sflag:$0x1], $0x10, s18, s13, $0xb8;
	[tilespmem:$0x8000] =	vst v63  }
0x71: {  	s18 =	simm.s32 $0x1480  }
0x72: {  	[spmem:s2] =	stream.indirect.scatter.add.f32 [tilespmem:s12], [sflag:$0x1], $0x10, s18, s13, $0xb8;
	[tilespmem:$0x8000] =	vst v63  }
0x73: {  	s18 =	simm.s32 $0x1500  }
0x74: {  	[spmem:s2] =	stream.indirect.scatter.add.f32 [tilespmem:s12], [sflag:$0x1], $0x10, s18, s13, $0xb8;
	[tilespmem:$0x8000] =	vst v63  }
0x75: {  	s18 =	simm.s32 $0x1580  }
0x76: {  	[spmem:s2] =	stream.indirect.scatter.add.f32 [tilespmem:s12], [sflag:$0x1], $0x10, s18, s13, $0xb8;
	[tilespmem:$0x8000] =	vst v63  }
0x77: {  	s18 =	simm.s32 $0x1600  }
0x78: {  	[spmem:s2] =	stream.indirect.scatter.add.f32 [tilespmem:s12], [sflag:$0x1], $0x10, s18, s13, $0xb8;
	[tilespmem:$0x8000] =	vst v63  }
0x79: {  	s18 =	simm.s32 $0x1680  }
0x7a: {  	[spmem:s2] =	stream.indirect.scatter.add.f32 [tilespmem:s12], [sflag:$0x1], $0x10, s18, s13, $0xb8;
	[tilespmem:$0x8000] =	vst v63  }
0x7b: {  	s18 =	simm.s32 $0x1700  }
0x7c: {  	[spmem:s2] =	stream.indirect.scatter.add.f32 [tilespmem:s12], [sflag:$0x1], $0x10, s18, s13, $0xb8;
	[tilespmem:$0x8000] =	vst v63  }
0x7d: {  	s18 =	simm.s32 $0x1780  }
0x7e: {  	[spmem:s2] =	stream.indirect.scatter.add.f32 [tilespmem:s12], [sflag:$0x1], $0x10, s18, s13, $0xb8;
	[tilespmem:$0x8000] =	vst v63  }
0x7f: {  	s18 =	simm.s32 $0x1800  }
0x80: {  	[spmem:s2] =	stream.indirect.scatter.add.f32 [tilespmem:s12], [sflag:$0x1], $0x10, s18, s13, $0xb8;
	[tilespmem:$0x8000] =	vst v63  }
0x81: {  	s18 =	simm.s32 $0x1880  }
0x82: {  	[spmem:s2] =	stream.indirect.scatter.add.f32 [tilespmem:s12], [sflag:$0x1], $0x10, s18, s13, $0xb8;
	[tilespmem:$0x8000] =	vst v63  }
0x83: {  	s18 =	simm.s32 $0x1900  }
0x84: {  	[spmem:s2] =	stream.indirect.scatter.add.f32 [tilespmem:s12], [sflag:$0x1], $0x10, s18, s13, $0xb8;
	[tilespmem:$0x8000] =	vst v63  }
0x85: {  	s18 =	simm.s32 $0x1980  }
0x86: {  	[spmem:s2] =	stream.indirect.scatter.add.f32 [tilespmem:s12], [sflag:$0x1], $0x10, s18, s13, $0xb8;
	[tilespmem:$0x8000] =	vst v63  }
0x87: {  	s18 =	simm.s32 $0x1A00  }
0x88: {  	[spmem:s2] =	stream.indirect.scatter.add.f32 [tilespmem:s12], [sflag:$0x1], $0x10, s18, s13, $0xb8;
	[tilespmem:$0x8000] =	vst v63  }
0x89: {  	s18 =	simm.s32 $0x1A80  }
0x8a: {  	[spmem:s2] =	stream.indirect.scatter.add.f32 [tilespmem:s12], [sflag:$0x1], $0x10, s18, s13, $0xb8;
	[tilespmem:$0x8000] =	vst v63  }
0x8b: {  	s18 =	simm.s32 $0x1B00  }
0x8c: {  	[spmem:s2] =	stream.indirect.scatter.add.f32 [tilespmem:s12], [sflag:$0x1], $0x10, s18, s13, $0xb8;
	[tilespmem:$0x8000] =	vst v63  }
0x8d: {  	s18 =	simm.s32 $0x1B80  }
0x8e: {  	[spmem:s2] =	stream.indirect.scatter.add.f32 [tilespmem:s12], [sflag:$0x1], $0x10, s18, s13, $0xb8;
	[tilespmem:$0x8000] =	vst v63  }
0x8f: {  	s18 =	simm.s32 $0x1C00  }
0x90: {  	[spmem:s2] =	stream.indirect.scatter.add.f32 [tilespmem:s12], [sflag:$0x1], $0x10, s18, s13, $0xb8;
	[tilespmem:$0x8000] =	vst v63  }
0x91: {  	s18 =	simm.s32 $0x1C80  }
0x92: {  	[spmem:s2] =	stream.indirect.scatter.add.f32 [tilespmem:s12], [sflag:$0x1], $0x10, s18, s13, $0xb8;
	[tilespmem:$0x8000] =	vst v63  }
0x93: {  	s18 =	simm.s32 $0x1D00  }
0x94: {  	[spmem:s2] =	stream.indirect.scatter.add.f32 [tilespmem:s12], [sflag:$0x1], $0x10, s18, s13, $0xb8;
	[tilespmem:$0x8000] =	vst v63  }
0x95: {  	s18 =	simm.s32 $0x1D80  }
0x96: {  	[spmem:s2] =	stream.indirect.scatter.add.f32 [tilespmem:s12], [sflag:$0x1], $0x10, s18, s13, $0xb8;
	[tilespmem:$0x8000] =	vst v63  }
0x97: {  	s18 =	simm.s32 $0x1E00  }
0x98: {  	[spmem:s2] =	stream.indirect.scatter.add.f32 [tilespmem:s12], [sflag:$0x1], $0x10, s18, s13, $0xb8;
	[tilespmem:$0x8000] =	vst v63  }
0x99: {  	s18 =	simm.s32 $0x1E80  }
0x9a: {  	[spmem:s2] =	stream.indirect.scatter.add.f32 [tilespmem:s12], [sflag:$0x1], $0x10, s18, s13, $0xb8;
	[tilespmem:$0x8000] =	vst v63  }
0x9b: {  	s18 =	simm.s32 $0x1F00  }
0x9c: {  	[spmem:s2] =	stream.indirect.scatter.add.f32 [tilespmem:s12], [sflag:$0x1], $0x10, s18, s13, $0xb8;
	[tilespmem:$0x8000] =	vst v63  }
0x9d: {  	s18 =	simm.s32 $0x1F80  }
0x9e: {  	[spmem:s2] =	stream.indirect.scatter.add.f32 [tilespmem:s12], [sflag:$0x1], $0x10, s18, s13, $0xb8;
	[tilespmem:$0x8000] =	vst v63  }
0x9f: {  	_ = 	snop  }
0xa0: {  	[spmem:s2] =	stream.indirect.scatter.add.f32 [tilespmem:s12], [sflag:$0x1], $0x10, s19, s13, $0xb8;
	[tilespmem:$0x8000] =	vst v63  }
0xa1: {  	_ = 	snop  }
0xa2: {  	[spmem:s2] =	stream.indirect.scatter.add.f32 [tilespmem:s12], [sflag:$0x1], $0x10, s20, s13, $0xb8;
	[tilespmem:$0x8000] =	vst v63  }
0xa3: {  	_ = 	snop  }
0xa4: {  	[spmem:s2] =	stream.indirect.scatter.add.f32 [tilespmem:s12], [sflag:$0x1], $0x10, s21, s13, $0xb8;
	[tilespmem:$0x8000] =	vst v63  }
0xa5: {  	_ = 	snop  }
0xa6: {  	[spmem:s2] =	stream.indirect.scatter.add.f32 [tilespmem:s12], [sflag:$0x1], $0x10, s22, s13, $0xb8;
	[tilespmem:$0x8000] =	vst v63  }
0xa7: {  	_ = 	snop  }
0xa8: {  	[spmem:s2] =	stream.indirect.scatter.add.f32 [tilespmem:s12], [sflag:$0x1], $0x10, s23, s13, $0xb8;
	[tilespmem:$0x8000] =	vst v63  }
0xa9: {  	_ = 	snop  }
0xaa: {  	[spmem:s2] =	stream.indirect.scatter.add.f32 [tilespmem:s12], [sflag:$0x1], $0x10, s24, s13, $0xb8;
	[tilespmem:$0x8000] =	vst v63  }
0xab: {  	_ = 	snop  }
0xac: {  	[spmem:s2] =	stream.indirect.scatter.add.f32 [tilespmem:s12], [sflag:$0x1], $0x10, s25, s13, $0xb8;
	[tilespmem:$0x8000] =	vst v63  }
0xad: {  	_ = 	snop  }
0xae: {  	[spmem:s2] =	stream.indirect.scatter.add.f32 [tilespmem:s12], [sflag:$0x1], $0x10, s26, s13, $0xb8;
	[tilespmem:$0x8000] =	vst v63  }
0xaf: {  	_ = 	snop  }
0xb0: {  	[spmem:s2] =	stream.indirect.scatter.add.f32 [tilespmem:s12], [sflag:$0x1], $0x10, s28, s13, $0xb8;
	[tilespmem:$0x8000] =	vst v63  }
0xb1: {  	_ = 	snop  }
0xb2: {  	[spmem:s2] =	stream.indirect.scatter.add.f32 [tilespmem:s12], [sflag:$0x1], $0x10, s29, s13, $0xb8;
	[tilespmem:$0x8000] =	vst v63  }
0xb3: {  	_ = 	snop  }
0xb4: {  	[spmem:s2] =	stream.indirect.scatter.add.f32 [tilespmem:s12], [sflag:$0x1], $0x10, s30, s13, $0xb8;
	[tilespmem:$0x8000] =	vst v63  }
0xb5: {  	_ = 	snop  }
0xb6: {  	[spmem:s2] =	stream.indirect.scatter.add.f32 [tilespmem:s12], [sflag:$0x1], $0x10, s31, s13, $0xb8;
	[tilespmem:$0x8000] =	vst v63  }
0xb7: {  	_ = 	snop  }
0xb8: {  	[spmem:s2] =	stream.indirect.scatter.add.f32 [tilespmem:s12], [sflag:$0x1], $0x10, s1, s13, $0xb8;
	[tilespmem:$0x8000] =	vst v63  }
0xb9: {  	_ = 	snop  }
0xba: {  	[spmem:s2] =	stream.indirect.scatter.add.f32 [tilespmem:s12], [sflag:$0x1], $0x10, s0, s13, $0xb8;
	[tilespmem:$0x8000] =	vst v63  }
0xbb: {  	_ = 	snop  }
0xbc: {  	[spmem:s2] =	stream.indirect.scatter.add.f32 [tilespmem:s12], [sflag:$0x1], $0x10, s14, s13, $0xb8;
	[tilespmem:$0x8000] =	vst v63  }
0xbd: {  	_ = 	snop  }
0xbe: {  	[spmem:s2] =	stream.indirect.scatter.add.f32 [tilespmem:s12], [sflag:$0x1], $0x10, s15, s13, $0xb8;
	[tilespmem:$0x8000] =	vst v63  }
0xbf: {  	_ =	swait.ge [sflag:s16], $0x800  }
0xc0: {  	[sflag:s16] =	ssyncset.done $0x0  }
0xc1: {  	[sflag:s16] =	ssyncadd.s32 $0xFFFFF800  }
0xc2: {  	_ =	swait.ge [sflag:s16], $0x800  }
0xc3: {  	[sflag:s16] =	ssyncset.done $0x0  }
0xc4: {  	[sflag:s16] =	ssyncadd.s32 $0xFFFFF800  }
0xc5: {  	_ =	swait.ge [sflag:s16], $0x800  }
0xc6: {  	[sflag:s16] =	ssyncset.done $0x0  }
0xc7: {  	[sflag:s16] =	ssyncadd.s32 $0xFFFFF800  }
0xc8: {  	_ =	swait.ge [sflag:s16], $0x800  }
0xc9: {  	s18 =	simm.s32 $0x13;
	[sflag:s16] =	ssyncset.done $0x0  }
.LBB2_2:
0xca: {  	p0 =	sne.s32 s18, $0x1;
	s18 =	sadd.s32 $0xFFFFFFFF, s18;
	[sflag:s16] =	ssyncadd.s32 $0xFFFFF800  }
0xcb: {  	_ =	swait.ge [sflag:s16], $0x800  }
0xcc: {  	[sflag:s16] =	ssyncset.done $0x0  }
0xcd: {  	[sflag:s16] =	ssyncadd.s32 $0xFFFFF800  }
0xce: {  	_ =	swait.ge [sflag:s16], $0x800  }
0xcf: {  	[sflag:s16] =	ssyncset.done $0x0  }
0xd0: {  	[sflag:s16] =	ssyncadd.s32 $0xFFFFF800  }
.Ltmp0:
0xd1: {  	_ =	swait.ge [sflag:s16], $0x800;
	(pc) =	sbr.rel @p0 .LBB2_2-.Ltmp0, $4  }
0xd2: {  	[sflag:s16] =	ssyncset.done $0x0  }
0xd3: {  	[sflag:s16] =	ssyncadd.s32 $0xFFFFF800  }
0xd4: {  	_ =	swait.ge [sflag:s16], $0x800  }
0xd5: {  	[sflag:s16] =	ssyncset.done $0x0  }
0xd6: {  	s17 =	sadd.s32 $0x1, s17  }
0xd7: {  	[sflag:s16] =	ssyncadd.s32 $0xFFFFF800;
	p0 =	sne.s32 s17, s9  }
.Ltmp1:
0xd8: {  	[bflag:$0x0] =	sbarrier.arrive $0xFFFF;
	(pc) =	sbr.rel @p0 .LBB2_1-.Ltmp1, $4  }
0xd9: {  	[hbm:s8], [sflag:s6] =	dma.local [spmem:s10], $0x500  }
0xda: {  	_ =	swait.ge [sflag:s11], $0x500  }
0xdb: {  	[sflag:s11] =	ssyncset.done $0x0  }
0xdc: {  	[sflag:s11] =	ssyncadd.s32 $0xFFFFFB00  }
0xdd: {  	_ =	sfence.sel $0x180000  }
0xde: {  	[bflag:$0x0] =	sbarrier.arrive $0xFFFF  }
0xdf: {  	_ =	strace $0x90000047  }
0xe0: {  	s0 =	stileid.u32;
	[bflag:$0x2] =	sbarrier.arrive $0xFFFF  }
0xe1: {  	p0 =	sne.s32 s0, $0x0;
	s0 =	rddreg [dreg:$0x3]  }
0xe2: {  	s0 =	sadd.s32 @!p0 $0x100000, s0  }
0xe3: {  	[sflag:s0] =	ssyncadd.tile.s32 @!p0 $0x1;
	_ =	shalt  }
.Lfunc_end2:
_tile_overlayer_lowered:
.L_overlay_start_2:
0xe4: {  	(tag) =	ssettag $0x2  }
0xe5: {  	s0 =	rddreg [dreg:$0x0];
	s2 =	stileid.u32  }
0xe6: {  	s1 =	rddreg [dreg:$0x1];
	p0 =	sne.s32 s2, $0x0  }
0xe7: {  	s3 =	rddreg [dreg:$0x2];
	[bflag:$0x3] =	sbarrier.arrive $0xFFFF;
	s2 =	simm.s32 @!p0 $0x1C02  }
0xe8: {  	[timem:s3], [sflag:s2] =	dma.local @!p0 [hbm:s0], s1  }
0xe9: {  	s0 =	simm.s32 @!p0 $0x2  }
0xea: {  	_ =	swait.ge @!p0 [sflag:s0], s1  }
0xeb: {  	s1 =	ssub.s32 @!p0 $0x0, s1;
	[sflag:s0] =	ssyncset.done @!p0 $0x0  }
0xec: {  	[sflag:s0] =	ssyncadd.s32 @!p0 s1  }
0xed: {  	[bflag:$0x3] =	sbarrier.arrive $0xFFFF  }
0xee: {  	_ =	shalt  }

// kernel: kernel.13.cloned.1.call-start
scs
__scs_entry_jumppad:
0x0: {  	(pc) =	sbr.rel $0x88, $3  }
0x1: {  	(tag) =	ssettag $0x0;
	lr =	simm.s32 $0x1  }
0x2: {  	[smem:$0x3F99] =	sst lr;
	_ =	strace $0xD0000000  }
0x3: {  	_ = 	snop  }
0x4: {  	_ = 	snop  }
0x5: {  	_ = 	snop  }
0x6: {  	_ = 	snop  }
0x7: {  	_ = 	snop  }
__scs_overlays_trampoline_lowered:
0x8: {  	[smem:$0x3FA8] =	sst s0  }
0x9: {  	[smem:$0x3FA9] =	sst s1  }
0xa: {  	[smem:$0x3FAA] =	sst s2  }
0xb: {  	[smem:$0x3FAB] =	sst s3  }
0xc: {  	[smem:$0x3FAC] =	sst s4  }
0xd: {  	[smem:$0x3FAD] =	sst s5  }
0xe: {  	[smem:$0x3FAE] =	sst s6  }
0xf: {  	[smem:$0x3FAF] =	sst s7  }
0x10: {  	[smem:$0x3FB0] =	sst s8  }
0x11: {  	[smem:$0x3FB1] =	sst s9;
	s0 =	simm.s32 @!p0 $0x0  }
0x12: {  	s1 =	sld [smem:$0x3F97];
	s0 =	simm.s32 @p0 $0x1  }
0x13: {  	[smem:$0x3FB2] =	sst s0;
	s0 =	simm.s32 @!p1 $0x0  }
0x14: {  	s2 =	sld [smem:$0x3F96];
	s0 =	simm.s32 @p1 $0x1  }
0x15: {  	[smem:$0x3FB3] =	sst s0;
	s0 =	simm.s32 @!p2 $0x0  }
0x16: {  	s3 =	sld [smem:$0x3FDB];
	s0 =	simm.s32 @p2 $0x1  }
0x17: {  	s4 =	simm.s32 $0x1BF5;
	[smem:$0x3FB5] =	sst s0  }
0x18: {  	s0 =	sld [smem:$0x3F98];
	_ =	swait.ge [sflag:s4], $0x0  }
0x19: {  	s7 =	sld [smem:$0x3F99]  }
0x1a: {  	s8 =	sadd.s32 $0xFFFFE003, lr  }
0x1b: {  	s9 =	sadd.s32 $0xFFFFFEF7, lr;
	s5 =	simm.s32 $0xFFFFFFFF;
	p2 =	slt.u32 s8, $0xFFFFF086  }
0x1c: {  	p1 =	slt.u32 s9, $0xF7A;
	s5 =	simm.s32 @!p2 $0x0  }
0x1d: {  	s5 =	simm.s32 @p1 $0x1;
	p0 =	seq.s32 s7, s2  }
0x1e: {  	s7 =	smul.u32 @!p0 $0xF7A, s2;
	p2 =	seq.s32 @!p0 s5, $0x0  }
0x1f: {  	s9 =	smul.u32 $0xF7A, s1;
	s8 =	simm.s32 @!p0 $0x1BF5;
	p2 =	por !p2, p0  }
0x20: {  	[sflag:s8] =	ssyncset.s32 @!p0 $0xFFFFF086;
	s6 =	sadd.s32 @!p0 s3, s7;
	s7 =	simm.s32 @!p0 $0x108  }
0x21: {  	s3 =	sadd.s32 s3, s9;
	s6 =	sadd.s32 @!p0 $0x88, s6;
	s7 =	simm.s32 @p2 $0x1082  }
0x22: {  	[simem:s7], [sflag:s8] =	dma.local @!p0 [hbm:s6], $0xF7A  }
0x23: {  	s9 =	sor.u32 $0xD0000000, s2;
	s6 =	simm.s32 $0x108;
	_ =	swait.ge @!p0 [sflag:s8], $0x0  }
0x24: {  	s3 =	sadd.s32 $0x88, s3;
	s6 =	simm.s32 @!p1 $0x1082;
	[sflag:s4] =	ssyncset.s32 $0xFFFFF086  }
0x25: {  	[simem:s6], [sflag:s4] =	dma.local [hbm:s3], $0xF7A  }
0x26: {  	[smem:$0x3F99] =	sst s1;
	(tag) =	ssettag s2;
	_ =	strace s9  }
0x27: {  	s1 =	sld [smem:$0x3FA9]  }
0x28: {  	s2 =	sld [smem:$0x3FAA]  }
0x29: {  	s4 =	sld [smem:$0x3FAC]  }
0x2a: {  	p0 =	seq.s32 s5, $0x0;
	s5 =	sld [smem:$0x3FAD]  }
0x2b: {  	s6 =	sld [smem:$0x3FAE]  }
0x2c: {  	s7 =	sld [smem:$0x3FAF]  }
0x2d: {  	s3 =	simm.s32 $0x108;
	s8 =	sld [smem:$0x3FB0]  }
0x2e: {  	s3 =	simm.s32 @!p0 $0x1082;
	s9 =	sld [smem:$0x3FB1]  }
0x2f: {  	lr =	sadd.s32 s0, s3;
	s0 =	sld [smem:$0x3FA8]  }
0x30: {  	s3 =	sld [smem:$0x3FAB]  }
0x31: {  	[smem:$0x3FB4] =	sst s10  }
0x32: {  	s10 =	sld [smem:$0x3FB2];
	_ =	sdelay $0x3  }
0x33: {  	p0 =	seq.s32 s10, $0x1;
	s10 =	sld [smem:$0x3FB4];
	_ =	sdelay $0x3  }
0x34: {  	[smem:$0x3FB4] =	sst s10  }
0x35: {  	s10 =	sld [smem:$0x3FB3];
	_ =	sdelay $0x3  }
0x36: {  	p1 =	seq.s32 s10, $0x1;
	s10 =	sld [smem:$0x3FB4];
	_ =	sdelay $0x3  }
0x37: {  	[smem:$0x3FB4] =	sst s10  }
0x38: {  	s10 =	sld [smem:$0x3FB5]  }
0x39: {  	_ = 	snop;
	(pc) =	sbr.ind lr, $3  }
0x3a: {  	_ = 	snop  }
0x3b: {  	_ = 	snop  }
0x3c: {  	p2 =	seq.s32 s10, $0x1;
	s10 =	sld [smem:$0x3FB4]  }
0x3d: {  	_ =	shalt  }
0x3e: {  	_ =	shalt  }
0x3f: {  	_ =	shalt  }
0x40: {  	_ =	shalt  }
0x41: {  	_ =	shalt  }
0x42: {  	_ =	shalt  }
0x43: {  	_ =	shalt  }
0x44: {  	_ =	shalt  }
0x45: {  	_ =	shalt  }
0x46: {  	_ =	shalt  }
0x47: {  	_ =	shalt  }
0x48: {  	_ =	shalt  }
0x49: {  	_ =	shalt  }
0x4a: {  	_ =	shalt  }
0x4b: {  	_ =	shalt  }
0x4c: {  	_ =	shalt  }
0x4d: {  	_ =	shalt  }
0x4e: {  	_ =	shalt  }
0x4f: {  	_ =	shalt  }
0x50: {  	_ =	shalt  }
0x51: {  	_ =	shalt  }
0x52: {  	_ =	shalt  }
0x53: {  	_ =	shalt  }
0x54: {  	_ =	shalt  }
0x55: {  	_ =	shalt  }
0x56: {  	_ =	shalt  }
0x57: {  	_ =	shalt  }
0x58: {  	_ =	shalt  }
0x59: {  	_ =	shalt  }
0x5a: {  	_ =	shalt  }
0x5b: {  	_ =	shalt  }
0x5c: {  	_ =	shalt  }
0x5d: {  	_ =	shalt  }
0x5e: {  	_ =	shalt  }
0x5f: {  	_ =	shalt  }
0x60: {  	_ =	shalt  }
0x61: {  	_ =	shalt  }
0x62: {  	_ =	shalt  }
0x63: {  	_ =	shalt  }
0x64: {  	_ =	shalt  }
0x65: {  	_ =	shalt  }
0x66: {  	_ =	shalt  }
0x67: {  	_ =	shalt  }
0x68: {  	_ =	shalt  }
0x69: {  	_ =	shalt  }
0x6a: {  	_ =	shalt  }
0x6b: {  	_ =	shalt  }
0x6c: {  	_ =	shalt  }
0x6d: {  	_ =	shalt  }
0x6e: {  	_ =	shalt  }
0x6f: {  	_ =	shalt  }
0x70: {  	_ =	shalt  }
0x71: {  	_ =	shalt  }
0x72: {  	_ =	shalt  }
0x73: {  	_ =	shalt  }
0x74: {  	_ =	shalt  }
0x75: {  	_ =	shalt  }
0x76: {  	_ =	shalt  }
0x77: {  	_ =	shalt  }
0x78: {  	_ =	shalt  }
0x79: {  	_ =	shalt  }
0x7a: {  	_ =	shalt  }
0x7b: {  	_ =	shalt  }
0x7c: {  	_ =	shalt  }
0x7d: {  	_ =	shalt  }
0x7e: {  	_ =	shalt  }
0x7f: {  	_ =	shalt  }
0x80: {  	_ =	shalt  }
0x81: {  	_ =	shalt  }
0x82: {  	_ =	shalt  }
0x83: {  	_ =	shalt  }
0x84: {  	_ =	shalt  }
0x85: {  	_ =	shalt  }
0x86: {  	_ =	shalt  }
0x87: {  	_ =	shalt  }
.Lfunc_end0:
.L_simem_size_0:
called_computation.1_lowered:
.L_overlay_start_0:
0x88: {  	s2 =	sld [smem:$0x3FD9]  }
0x89: {  	s3 =	sld [smem:$0x3FFE];
	_ =	sdelay $0x1  }
0x8a: {  	s1 =	srdreg.scid  }
0x8b: {  	s0 =	sand.u32 $0x1, s1  }
0x8c: {  	s17 =	sshll.u32 s0, $0xA;
	s2 =	sadd.s32 s3, s2  }
0x8d: {  	s2 =	sadd.s32 s2, s17  }
0x8e: {  	[smem:$0x3FC0] =	sst s2  }
0x8f: {  	_ = 	snop  }
0x90: {  	s2 =	sld [smem:$0x3FD0];
	(tm) =	ssettm $0x1  }
0x91: {  	s18 =	sld [smem:$0x3FFB];
	_ =	sdelay $0x3  }
0x92: {  	_ =	strace s18  }
0x93: {  	s3 =	sld [smem:$0x3FFC];
	_ =	sdelay $0x3  }
0x94: {  	_ =	strace s3  }
0x95: {  	s3 =	sld [smem:$0x3FFD];
	_ =	sdelay $0x3  }
0x96: {  	_ =	strace s3  }
0x97: {  	_ =	strace $0x8FFFFFFF  }
0x98: {  	s19 =	sld [smem:$0x3FDB];
	_ =	sdelay $0x1  }
0x99: {  	s4 =	simm.s32 $_scs_section_size  }
0x9a: {  	s5 =	simm.s32 $_size__tile_overlayer_lowered;
	s6 =	simm.s32 $_tile_overlayer_lowered  }
0x9b: {  	s22 =	simm.s32 $0x1BFF;
	s21 =	sshll.u32 s6, $0x1;
	s3 =	sadd.s32 s4, s19  }
0x9c: {  	s7 =	simm.s32 $0x0;
	s20 =	sshll.u32 s5, $0x1;
	s5 =	sadd.s32 s21, s3  }
0x9d: {  	[timem:s7], [sflag:s22] =	dma.local [hbm:s5], s20  }
0x9e: {  	_ =	swait.ge [sflag:s22], s20  }
0x9f: {  	s4 =	ssub.s32 $0x0, s20;
	[sflag:s22] =	ssyncset.done $0x0  }
0xa0: {  	[sflag:s22] =	ssyncadd.s32 s4;
	_ =	sdelay $0x1  }
0xa1: {  	s23 =	simm.s32 $0x1B8B  }
0xa2: {  	_ =	swait.ge [sflag:s23], $0x1  }
0xa3: {  	[sflag:s23] =	ssyncset.done $0x0  }
0xa4: {  	s25 =	simm.s32 $0x1B8E;
	s24 =	sld [smem:$0x3FFE];
	[sflag:s23] =	ssyncadd.s32 $0xFFFFFFFF  }
0xa5: {  	s26 =	simm.s32 $execute0_lowered;
	[smem:$0x3FD2] =	sst s25  }
0xa6: {  	s5 =	sshll.u32 s26, $0x1;
	_ =	strace $0x80000049;
	[dreg:$0x1] =	wrdreg $0xFFFFFFFF  }
0xa7: {  	s28 =	simm.s32 $_size_execute0_lowered;
	s3 =	sadd.s32 s3, s5;
	[dreg:$0x0] =	wrdreg $0x0  }
0xa8: {  	s5 =	sshll.u32 s28, $0x1;
	[dreg:$0x2] =	wrdreg s3  }
0xa9: {  	[dreg:$0x3] =	wrdreg s5  }
0xaa: {  	[dreg:$0x4] =	wrdreg $0xC0  }
0xab: {  	_ =	task [dreg:s7], $0x5FFFF  }
0xac: {  	[dreg:$0x1] =	wrdreg $0xFFFFFFFF  }
0xad: {  	[dreg:$0x0] =	wrdreg $0x60  }
0xae: {  	[dreg:$0x2] =	wrdreg s24  }
0xaf: {  	[dreg:$0x3] =	wrdreg s2  }
0xb0: {  	[dreg:$0x4] =	wrdreg $0xE0000  }
0xb1: {  	[dreg:$0x5] =	wrdreg $0x130000  }
0xb2: {  	[dreg:$0x6] =	wrdreg $0x9  }
0xb3: {  	_ =	task.clear_ibuf [dreg:s7], $0x7FFFF;
	_ =	strace $0x90000049  }
0xb4: {  	s29 =	simm.s32 $0x9;
	_ =	strace $0x8000004B  }
0xb5: {  	_ =	swait.ge [sflag:s29], $0x1  }
0xb6: {  	[sflag:s29] =	ssyncadd.s32 $0xFFFFFFFF  }
0xb7: {  	_ =	strace $0x9000004B  }
0xb8: {  	_ =	sfence  }
0xb9: {  	s30 =	sld [smem:$0x0];
	_ =	sdelay $0x2  }
0xba: {  	s31 =	sshll.u32 s1, $0xD;
	s1 =	sshrl.u32 s1, $0x2  }
0xbb: {  	s3 =	sand.u32 $0x4000, s31;
	s1 =	sadd.s32 s1, s30  }
0xbc: {  	s0 =	sor.u32 s3, s0;
	s1 =	sshll.u32 s1, $0x11  }
0xbd: {  	s0 =	sor.u32 s1, s0  }
0xbe: {  	s0 =	sadd.s32 $0x8F2B, s0  }
0xbf: {  	[sflag:s0] =	ssyncadd.remote.s32 $0x1  }
0xc0: {  	_ =	sfence.sel $0xFFFF  }
0xc1: {  	[dreg:$0x0] =	wrdreg $0xFFFFFFFF;
	(pc) =	sbr.abs _section_cstart, $3  }
0xc2: {  	[dreg:$0x1] =	wrdreg $0xFFFFFFFF  }
0xc3: {  	_ =	task.clear_ibuf [dreg:s7], $0x2FFFF;
	_ =	strace $0x9FFFFFFF  }
0xc4: {  	(tm) =	ssettm $0x7FFFFFFF  }
0xc5: {  	_ =	shalt  }
tec
execute0_lowered:
.L_overlay_start_1:
0x0: {  	(tag) =	ssettag $0x1  }
0x1: {  	s0 =	rddreg [dreg:$0x0]  }
0x2: {  	s1 =	rddreg [dreg:$0x1]  }
0x3: {  	s2 =	rddreg [dreg:$0x2]  }
0x4: {  	s3 =	rddreg [dreg:$0x3]  }
0x5: {  	s4 =	simm.s32 $0x0;
	s16 =	stileid.u32;
	s5 =	srdreg.scid  }
0x6: {  	s17 =	simm.s32 $0xA000;
	s18 =	simm.s32 $0xB000;
	s19 =	simm.s32 $0x1  }
0x7: {  	s21 =	simm.s32 $0xC000;
	s22 =	simm.s32 $0x2;
	s25 =	simm.s32 $0xD000  }
0x8: {  	s26 =	simm.s32 $0x3;
	s29 =	simm.s32 $0x5;
	s31 =	simm.s32 $0x4  }
0x9: {  	s23 =	simm.s32 $0x7;
	s24 =	simm.s32 $0x8;
	[smem:$0x7FF] =	sst s4  }
0xa: {  	s8 =	smul.u32 $0xA00, s16;
	s10 =	sadd.s32 $0x91000, s0;
	s11 =	sadd.s32 $0x3E00, s0  }
0xb: {  	s9 =	sand.u32 $0x1, s5;
	s5 =	sadd.s32 $0x9B000, s0;
	s12 =	smul.u32 $0x5000, s16  }
0xc: {  	s13 =	sadd.s32 $0xA5A00, s0;
	s28 =	sshll.u32 s16, $0x6;
	s16 =	simm.s32 $0x80  }
0xd: {  	_ =	strace $0x8000004A;
	s6 =	ssub.s32 $0x2, s9;
	p0 =	seq.s32 s9, $0x0  }
0xe: {  	s7 =	sadd.s32 s8, s0;
	s0 =	sadd.s32 $0x9BA00, s0;
	s14 =	sshrl.u32 s6, $0x1  }
0xf: {  	s15 =	sadd.s32 s12, s2;
	s30 =	sadd.s32 s12, s3;
	s12 =	sshrl.u32 s12, $0x3  }
0x10: {  	s8 =	sadd.s32 s1, s8;
	s11 =	smov.u32 @p0 s10;
	s1 =	simm.s32 $0x6  }
0x11: {  	s14 =	ssub.s32 s6, s14;
	s6 =	sor.u32 $0x1C09, s28;
	s7 =	sadd.s32 $0xE600, s7  }
0x12: {  	s0 =	smov.u32 @p0 s13;
	s10 =	sadd.s32 s11, s12;
	s13 =	simm.s32 $0x9  }
0x13: {  	s9 =	smax.u32 s14, $0x1;
	s11 =	sadd.s32 s0, s12;
	s12 =	sshrl.u32 s15, $0x3  }
0x14: {  	s14 =	sshrl.u32 s30, $0x3;
	s15 =	simm.s32 $0x5000;
	s0 =	simm.s32 $0x0  }
.LBB2_1:
0x15: {  	[spmem:s12], [sflag:s6] =	dma.local [hbm:s5], $0xA00  }
0x16: {  	_ =	swait.ge [sflag:s13], $0xA00  }
0x17: {  	[sflag:s13] =	ssyncset.done $0x0  }
0x18: {  	[sflag:s13] =	ssyncadd.s32 $0xFFFFF600  }
0x19: {  	[spmem:s14], [sflag:s6] =	dma.local [hbm:s10], $0xA00  }
0x1a: {  	_ =	swait.ge [sflag:s13], $0xA00  }
0x1b: {  	[sflag:s13] =	ssyncset.done $0x0  }
0x1c: {  	[sflag:s13] =	ssyncadd.s32 $0xFFFFF600  }
0x1d: {  	[tilespmem:s4], [sflag:$0x9] =	stream.linear.gather [hbm4b:s7+s4], $0x5000, $0x38;
	[tilespmem:$0x18000] =	vst v63  }
0x1e: {  	_ =	swait.ge [sflag:s13], $0x5000  }
0x1f: {  	[sflag:s13] =	ssyncset.done $0x0  }
0x20: {  	[sflag:s13] =	ssyncadd.s32 $0xFFFFB000  }
0x21: {  	[tilespmem:s15], [sflag:$0x9] =	stream.linear.gather [hbm4b:s8+s4], $0x5000, $0x38;
	[tilespmem:$0x18000] =	vst v63  }
0x22: {  	_ =	swait.ge [sflag:s13], $0x5000  }
0x23: {  	[sflag:s13] =	ssyncset.done $0x0  }
0x24: {  	[sflag:s13] =	ssyncadd.s32 $0xFFFFB000  }
0x25: {  	[bflag:$0x0] =	sbarrier.arrive $0xFFFF  }
0x26: {  	[tilespmem:s17], [sflag:$0x1] =	stream.indirect.gather [spmem:s3], $0x20, s4, s16, $0xb8;
	[tilespmem:$0x18000] =	vst v63  }
0x27: {  	_ = 	snop  }
0x28: {  	[tilespmem:s18], [sflag:$0x2] =	stream.indirect.gather [spmem:s3], $0x20, s16, s16, $0xb8;
	[tilespmem:$0x18000] =	vst v63  }
0x29: {  	_ =	swait.ge [sflag:s19], $0x1000  }
0x2a: {  	[sflag:s19] =	ssyncset.done $0x0  }
0x2b: {  	[sflag:s19] =	ssyncadd.s32 $0xFFFFF000  }
0x2c: {  	[spmem:s2] =	stream.indirect.scatter.add.f32 [tilespmem:s17], [sflag:$0x5], $0x20, s15, s16, $0xb8;
	[tilespmem:$0x18000] =	vst v63  }
0x2d: {  	s20 =	simm.s32 $0x100  }
0x2e: {  	[tilespmem:s21], [sflag:$0x3] =	stream.indirect.gather [spmem:s3], $0x20, s20, s16, $0xb8;
	[tilespmem:$0x18000] =	vst v63  }
0x2f: {  	_ =	swait.ge [sflag:s22], $0x1000  }
0x30: {  	[sflag:s22] =	ssyncset.done $0x0  }
0x31: {  	s30 =	simm.s32 $0x5080;
	[sflag:s22] =	ssyncadd.s32 $0xFFFFF000  }
0x32: {  	[spmem:s2] =	stream.indirect.scatter.add.f32 [tilespmem:s18], [sflag:$0x6], $0x20, s30, s16, $0xb8;
	[tilespmem:$0x18000] =	vst v63  }
0x33: {  	s30 =	simm.s32 $0x180  }
0x34: {  	[tilespmem:s25], [sflag:$0x4] =	stream.indirect.gather [spmem:s3], $0x20, s30, s16, $0xb8;
	[tilespmem:$0x18000] =	vst v63  }
0x35: {  	_ =	swait.ge [sflag:s26], $0x1000  }
0x36: {  	[sflag:s26] =	ssyncset.done $0x0  }
0x37: {  	s30 =	simm.s32 $0x5100;
	[sflag:s26] =	ssyncadd.s32 $0xFFFFF000  }
0x38: {  	[spmem:s2] =	stream.indirect.scatter.add.f32 [tilespmem:s21], [sflag:$0x7], $0x20, s30, s16, $0xb8;
	[tilespmem:$0x18000] =	vst v63  }
0x39: {  	_ =	swait.ge [sflag:s29], $0x1000  }
0x3a: {  	[sflag:s29] =	ssyncset.done $0x0  }
0x3b: {  	s30 =	simm.s32 $0x200;
	[sflag:s29] =	ssyncadd.s32 $0xFFFFF000  }
0x3c: {  	[tilespmem:s17], [sflag:$0x1] =	stream.indirect.gather [spmem:s3], $0x20, s30, s16, $0xb8;
	[tilespmem:$0x18000] =	vst v63  }
0x3d: {  	_ =	swait.ge [sflag:s31], $0x1000  }
0x3e: {  	[sflag:s31] =	ssyncset.done $0x0  }
0x3f: {  	s30 =	simm.s32 $0x5180;
	[sflag:s31] =	ssyncadd.s32 $0xFFFFF000  }
0x40: {  	[spmem:s2] =	stream.indirect.scatter.add.f32 [tilespmem:s25], [sflag:$0x8], $0x20, s30, s16, $0xb8;
	[tilespmem:$0x18000] =	vst v63  }
0x41: {  	_ =	swait.ge [sflag:s1], $0x1000  }
0x42: {  	[sflag:s1] =	ssyncset.done $0x0  }
0x43: {  	s30 =	simm.s32 $0x280;
	[sflag:s1] =	ssyncadd.s32 $0xFFFFF000  }
0x44: {  	[tilespmem:s18], [sflag:$0x2] =	stream.indirect.gather [spmem:s3], $0x20, s30, s16, $0xb8;
	[tilespmem:$0x18000] =	vst v63  }
0x45: {  	_ =	swait.ge [sflag:s19], $0x1000  }
0x46: {  	[sflag:s19] =	ssyncset.done $0x0  }
0x47: {  	s30 =	simm.s32 $0x5200;
	[sflag:s19] =	ssyncadd.s32 $0xFFFFF000  }
0x48: {  	[spmem:s2] =	stream.indirect.scatter.add.f32 [tilespmem:s17], [sflag:$0x5], $0x20, s30, s16, $0xb8;
	[tilespmem:$0x18000] =	vst v63  }
0x49: {  	_ =	swait.ge [sflag:s23], $0x1000  }
0x4a: {  	[sflag:s23] =	ssyncset.done $0x0  }
0x4b: {  	s30 =	simm.s32 $0x300;
	[sflag:s23] =	ssyncadd.s32 $0xFFFFF000  }
0x4c: {  	[tilespmem:s21], [sflag:$0x3] =	stream.indirect.gather [spmem:s3], $0x20, s30, s16, $0xb8;
	[tilespmem:$0x18000] =	vst v63  }
0x4d: {  	_ =	swait.ge [sflag:s22], $0x1000  }
0x4e: {  	[sflag:s22] =	ssyncset.done $0x0  }
0x4f: {  	s30 =	simm.s32 $0x5280;
	[sflag:s22] =	ssyncadd.s32 $0xFFFFF000  }
0x50: {  	[spmem:s2] =	stream.indirect.scatter.add.f32 [tilespmem:s18], [sflag:$0x6], $0x20, s30, s16, $0xb8;
	[tilespmem:$0x18000] =	vst v63  }
0x51: {  	_ =	swait.ge [sflag:s24], $0x1000  }
0x52: {  	[sflag:s24] =	ssyncset.done $0x0  }
0x53: {  	s30 =	simm.s32 $0x380;
	[sflag:s24] =	ssyncadd.s32 $0xFFFFF000  }
0x54: {  	[tilespmem:s25], [sflag:$0x4] =	stream.indirect.gather [spmem:s3], $0x20, s30, s16, $0xb8;
	[tilespmem:$0x18000] =	vst v63  }
0x55: {  	_ =	swait.ge [sflag:s26], $0x1000  }
0x56: {  	[sflag:s26] =	ssyncset.done $0x0  }
0x57: {  	s30 =	simm.s32 $0x5300;
	[sflag:s26] =	ssyncadd.s32 $0xFFFFF000  }
0x58: {  	[spmem:s2] =	stream.indirect.scatter.add.f32 [tilespmem:s21], [sflag:$0x7], $0x20, s30, s16, $0xb8;
	[tilespmem:$0x18000] =	vst v63  }
0x59: {  	_ =	swait.ge [sflag:s29], $0x1000  }
0x5a: {  	[sflag:s29] =	ssyncset.done $0x0  }
0x5b: {  	s30 =	simm.s32 $0x400;
	[sflag:s29] =	ssyncadd.s32 $0xFFFFF000  }
0x5c: {  	[tilespmem:s17], [sflag:$0x1] =	stream.indirect.gather [spmem:s3], $0x20, s30, s16, $0xb8;
	[tilespmem:$0x18000] =	vst v63  }
0x5d: {  	_ =	swait.ge [sflag:s31], $0x1000  }
0x5e: {  	[sflag:s31] =	ssyncset.done $0x0  }
0x5f: {  	s30 =	simm.s32 $0x5380;
	[sflag:s31] =	ssyncadd.s32 $0xFFFFF000  }
0x60: {  	[spmem:s2] =	stream.indirect.scatter.add.f32 [tilespmem:s25], [sflag:$0x8], $0x20, s30, s16, $0xb8;
	[tilespmem:$0x18000] =	vst v63  }
0x61: {  	_ =	swait.ge [sflag:s1], $0x1000  }
0x62: {  	[sflag:s1] =	ssyncset.done $0x0  }
0x63: {  	s28 =	simm.s32 $0x480;
	s20 =	simm.s32 $0x800;
	[sflag:s1] =	ssyncadd.s32 $0xFFFFF000  }
.LBB2_2:
0x64: {  	[tilespmem:s18], [sflag:$0x2] =	stream.indirect.gather [spmem:s3], $0x20, s28, s16, $0xb8;
	[tilespmem:$0x18000] =	vst v63  }
0x65: {  	s28 =	smov.u32 s20  }
0x66: {  	p0 =	sne.s32 s20, $0x12800;
	s20 =	sadd.s32 $0x800, s20;
	_ =	swait.ge [sflag:s19], $0x1000  }
0x67: {  	s28 =	sshra.s32 s28, $0x2;
	[sflag:s19] =	ssyncset.done $0x0  }
0x68: {  	s30 =	sadd.s32 $0x5200, s28;
	[sflag:s19] =	ssyncadd.s32 $0xFFFFF000  }
0x69: {  	[spmem:s2] =	stream.indirect.scatter.add.f32 [tilespmem:s17], [sflag:$0x5], $0x20, s30, s16, $0xb8;
	[tilespmem:$0x18000] =	vst v63  }
0x6a: {  	_ =	swait.ge [sflag:s23], $0x1000  }
0x6b: {  	[sflag:s23] =	ssyncset.done $0x0  }
0x6c: {  	s30 =	sadd.s32 $0x300, s28;
	[sflag:s23] =	ssyncadd.s32 $0xFFFFF000  }
0x6d: {  	[tilespmem:s21], [sflag:$0x3] =	stream.indirect.gather [spmem:s3], $0x20, s30, s16, $0xb8;
	[tilespmem:$0x18000] =	vst v63  }
0x6e: {  	_ =	swait.ge [sflag:s22], $0x1000  }
0x6f: {  	[sflag:s22] =	ssyncset.done $0x0  }
0x70: {  	s30 =	sadd.s32 $0x5280, s28;
	[sflag:s22] =	ssyncadd.s32 $0xFFFFF000  }
0x71: {  	[spmem:s2] =	stream.indirect.scatter.add.f32 [tilespmem:s18], [sflag:$0x6], $0x20, s30, s16, $0xb8;
	[tilespmem:$0x18000] =	vst v63  }
0x72: {  	_ =	swait.ge [sflag:s24], $0x1000  }
0x73: {  	[sflag:s24] =	ssyncset.done $0x0  }
0x74: {  	s30 =	sadd.s32 $0x380, s28;
	[sflag:s24] =	ssyncadd.s32 $0xFFFFF000  }
0x75: {  	[tilespmem:s25], [sflag:$0x4] =	stream.indirect.gather [spmem:s3], $0x20, s30, s16, $0xb8;
	[tilespmem:$0x18000] =	vst v63  }
0x76: {  	_ =	swait.ge [sflag:s26], $0x1000  }
0x77: {  	[sflag:s26] =	ssyncset.done $0x0  }
0x78: {  	s30 =	sadd.s32 $0x5300, s28;
	[sflag:s26] =	ssyncadd.s32 $0xFFFFF000  }
0x79: {  	[spmem:s2] =	stream.indirect.scatter.add.f32 [tilespmem:s21], [sflag:$0x7], $0x20, s30, s16, $0xb8;
	[tilespmem:$0x18000] =	vst v63  }
0x7a: {  	_ =	swait.ge [sflag:s29], $0x1000  }
0x7b: {  	[sflag:s29] =	ssyncset.done $0x0  }
0x7c: {  	s30 =	sadd.s32 $0x400, s28;
	[sflag:s29] =	ssyncadd.s32 $0xFFFFF000  }
0x7d: {  	[tilespmem:s17], [sflag:$0x1] =	stream.indirect.gather [spmem:s3], $0x20, s30, s16, $0xb8;
	[tilespmem:$0x18000] =	vst v63  }
0x7e: {  	_ =	swait.ge [sflag:s31], $0x1000  }
0x7f: {  	[sflag:s31] =	ssyncset.done $0x0  }
.Ltmp0:
0x80: {  	s30 =	sadd.s32 $0x5380, s28;
	[sflag:s31] =	ssyncadd.s32 $0xFFFFF000;
	(pc) =	sbr.rel @p0 .LBB2_2-.Ltmp0, $4  }
0x81: {  	[spmem:s2] =	stream.indirect.scatter.add.f32 [tilespmem:s25], [sflag:$0x8], $0x20, s30, s16, $0xb8;
	[tilespmem:$0x18000] =	vst v63  }
0x82: {  	_ =	swait.ge [sflag:s1], $0x1000  }
0x83: {  	[sflag:s1] =	ssyncset.done $0x0  }
0x84: {  	s28 =	sadd.s32 $0x480, s28;
	[sflag:s1] =	ssyncadd.s32 $0xFFFFF000  }
0x85: {  	[tilespmem:s18], [sflag:$0x2] =	stream.indirect.gather [spmem:s3], $0x20, s28, s16, $0xb8;
	[tilespmem:$0x18000] =	vst v63  }
0x86: {  	_ =	swait.ge [sflag:s19], $0x1000  }
0x87: {  	[sflag:s19] =	ssyncset.done $0x0  }
0x88: {  	s20 =	simm.s32 $0x9E00;
	[sflag:s19] =	ssyncadd.s32 $0xFFFFF000  }
0x89: {  	[spmem:s2] =	stream.indirect.scatter.add.f32 [tilespmem:s17], [sflag:$0x5], $0x20, s20, s16, $0xb8;
	[tilespmem:$0x18000] =	vst v63  }
0x8a: {  	_ =	swait.ge [sflag:s23], $0x1000  }
0x8b: {  	[sflag:s23] =	ssyncset.done $0x0  }
0x8c: {  	s30 =	simm.s32 $0x4F00;
	[sflag:s23] =	ssyncadd.s32 $0xFFFFF000  }
0x8d: {  	[tilespmem:s21], [sflag:$0x3] =	stream.indirect.gather [spmem:s3], $0x20, s30, s16, $0xb8;
	[tilespmem:$0x18000] =	vst v63  }
0x8e: {  	_ =	swait.ge [sflag:s22], $0x1000  }
0x8f: {  	[sflag:s22] =	ssyncset.done $0x0  }
0x90: {  	s28 =	simm.s32 $0x9E80;
	[sflag:s22] =	ssyncadd.s32 $0xFFFFF000  }
0x91: {  	[spmem:s2] =	stream.indirect.scatter.add.f32 [tilespmem:s18], [sflag:$0x6], $0x20, s28, s16, $0xb8;
	[tilespmem:$0x18000] =	vst v63  }
0x92: {  	_ =	swait.ge [sflag:s24], $0x1000  }
0x93: {  	[sflag:s24] =	ssyncset.done $0x0  }
0x94: {  	s30 =	simm.s32 $0x4F80;
	[sflag:s24] =	ssyncadd.s32 $0xFFFFF000  }
0x95: {  	[tilespmem:s25], [sflag:$0x4] =	stream.indirect.gather [spmem:s3], $0x20, s30, s16, $0xb8;
	[tilespmem:$0x18000] =	vst v63  }
0x96: {  	_ =	swait.ge [sflag:s26], $0x1000  }
0x97: {  	[sflag:s26] =	ssyncset.done $0x0  }
0x98: {  	s28 =	simm.s32 $0x9F00;
	[sflag:s26] =	ssyncadd.s32 $0xFFFFF000  }
0x99: {  	[spmem:s2] =	stream.indirect.scatter.add.f32 [tilespmem:s21], [sflag:$0x7], $0x20, s28, s16, $0xb8;
	[tilespmem:$0x18000] =	vst v63  }
0x9a: {  	_ =	swait.ge [sflag:s31], $0x1000  }
0x9b: {  	[sflag:s31] =	ssyncset.done $0x0  }
0x9c: {  	s30 =	simm.s32 $0x9F80;
	[sflag:s31] =	ssyncadd.s32 $0xFFFFF000  }
0x9d: {  	[spmem:s2] =	stream.indirect.scatter.add.f32 [tilespmem:s25], [sflag:$0x8], $0x20, s30, s16, $0xb8;
	[tilespmem:$0x18000] =	vst v63  }
0x9e: {  	_ =	swait.ge [sflag:s29], $0x1000  }
0x9f: {  	[sflag:s29] =	ssyncset.done $0x0  }
0xa0: {  	[sflag:s29] =	ssyncadd.s32 $0xFFFFF000  }
0xa1: {  	_ =	swait.ge [sflag:s1], $0x1000  }
0xa2: {  	[sflag:s1] =	ssyncset.done $0x0  }
0xa3: {  	[sflag:s1] =	ssyncadd.s32 $0xFFFFF000  }
0xa4: {  	_ =	swait.ge [sflag:s23], $0x1000  }
0xa5: {  	[sflag:s23] =	ssyncset.done $0x0  }
0xa6: {  	[sflag:s23] =	ssyncadd.s32 $0xFFFFF000  }
0xa7: {  	_ =	swait.ge [sflag:s24], $0x1000  }
0xa8: {  	s0 =	sadd.s32 $0x1, s0;
	[sflag:s24] =	ssyncset.done $0x0  }
0xa9: {  	p0 =	sne.s32 s0, s9;
	[sflag:s24] =	ssyncadd.s32 $0xFFFFF000  }
.Ltmp1:
0xaa: {  	[bflag:$0x0] =	sbarrier.arrive $0xFFFF;
	(pc) =	sbr.rel @p0 .LBB2_1-.Ltmp1, $4  }
0xab: {  	[hbm:s11], [sflag:s6] =	dma.local [spmem:s12], $0xA00  }
0xac: {  	_ =	swait.ge [sflag:s13], $0xA00  }
0xad: {  	[sflag:s13] =	ssyncset.done $0x0  }
0xae: {  	[sflag:s13] =	ssyncadd.s32 $0xFFFFF600  }
0xaf: {  	_ =	sfence.sel $0x180000  }
0xb0: {  	[bflag:$0x0] =	sbarrier.arrive $0xFFFF  }
0xb1: {  	_ =	strace $0x9000004A  }
0xb2: {  	s0 =	stileid.u32;
	[bflag:$0x2] =	sbarrier.arrive $0xFFFF  }
0xb3: {  	p0 =	sne.s32 s0, $0x0;
	s0 =	rddreg [dreg:$0x4]  }
0xb4: {  	s0 =	sadd.s32 @!p0 $0x100000, s0  }
0xb5: {  	[sflag:s0] =	ssyncadd.tile.s32 @!p0 $0x1;
	_ =	shalt  }
.Lfunc_end2:
_tile_overlayer_lowered:
.L_overlay_start_2:
0xb6: {  	(tag) =	ssettag $0x2  }
0xb7: {  	s0 =	rddreg [dreg:$0x0];
	s2 =	stileid.u32  }
0xb8: {  	s1 =	rddreg [dreg:$0x1];
	p0 =	sne.s32 s2, $0x0  }
0xb9: {  	s3 =	rddreg [dreg:$0x2];
	[bflag:$0x3] =	sbarrier.arrive $0xFFFF;
	s2 =	simm.s32 @!p0 $0x1C09  }
0xba: {  	[timem:s3], [sflag:s2] =	dma.local @!p0 [hbm:s0], s1  }
0xbb: {  	s0 =	simm.s32 @!p0 $0x9  }
0xbc: {  	_ =	swait.ge @!p0 [sflag:s0], s1  }
0xbd: {  	s1 =	ssub.s32 @!p0 $0x0, s1;
	[sflag:s0] =	ssyncset.done @!p0 $0x0  }
0xbe: {  	[sflag:s0] =	ssyncadd.s32 @!p0 s1  }
0xbf: {  	[bflag:$0x3] =	sbarrier.arrive $0xFFFF  }
0xc0: {  	_ =	shalt  }

// kernel: kernel.16.cloned.1.call-start
scs
__scs_entry_jumppad:
0x0: {  	(pc) =	sbr.rel $0x88, $3  }
0x1: {  	(tag) =	ssettag $0x0;
	lr =	simm.s32 $0x1  }
0x2: {  	[smem:$0x3F99] =	sst lr;
	_ =	strace $0xD0000000  }
0x3: {  	_ = 	snop  }
0x4: {  	_ = 	snop  }
0x5: {  	_ = 	snop  }
0x6: {  	_ = 	snop  }
0x7: {  	_ = 	snop  }
__scs_overlays_trampoline_lowered:
0x8: {  	[smem:$0x3FA8] =	sst s0  }
0x9: {  	[smem:$0x3FA9] =	sst s1  }
0xa: {  	[smem:$0x3FAA] =	sst s2  }
0xb: {  	[smem:$0x3FAB] =	sst s3  }
0xc: {  	[smem:$0x3FAC] =	sst s4  }
0xd: {  	[smem:$0x3FAD] =	sst s5  }
0xe: {  	[smem:$0x3FAE] =	sst s6  }
0xf: {  	[smem:$0x3FAF] =	sst s7  }
0x10: {  	[smem:$0x3FB0] =	sst s8  }
0x11: {  	[smem:$0x3FB1] =	sst s9;
	s0 =	simm.s32 @!p0 $0x0  }
0x12: {  	s1 =	sld [smem:$0x3F97];
	s0 =	simm.s32 @p0 $0x1  }
0x13: {  	[smem:$0x3FB2] =	sst s0;
	s0 =	simm.s32 @!p1 $0x0  }
0x14: {  	s2 =	sld [smem:$0x3F96];
	s0 =	simm.s32 @p1 $0x1  }
0x15: {  	[smem:$0x3FB3] =	sst s0;
	s0 =	simm.s32 @!p2 $0x0  }
0x16: {  	s3 =	sld [smem:$0x3FDB];
	s0 =	simm.s32 @p2 $0x1  }
0x17: {  	s4 =	simm.s32 $0x1BF5;
	[smem:$0x3FB5] =	sst s0  }
0x18: {  	s0 =	sld [smem:$0x3F98];
	_ =	swait.ge [sflag:s4], $0x0  }
0x19: {  	s7 =	sld [smem:$0x3F99]  }
0x1a: {  	s8 =	sadd.s32 $0xFFFFE003, lr  }
0x1b: {  	s9 =	sadd.s32 $0xFFFFFEF7, lr;
	s5 =	simm.s32 $0xFFFFFFFF;
	p2 =	slt.u32 s8, $0xFFFFF086  }
0x1c: {  	p1 =	slt.u32 s9, $0xF7A;
	s5 =	simm.s32 @!p2 $0x0  }
0x1d: {  	s5 =	simm.s32 @p1 $0x1;
	p0 =	seq.s32 s7, s2  }
0x1e: {  	s7 =	smul.u32 @!p0 $0xF7A, s2;
	p2 =	seq.s32 @!p0 s5, $0x0  }
0x1f: {  	s9 =	smul.u32 $0xF7A, s1;
	s8 =	simm.s32 @!p0 $0x1BF5;
	p2 =	por !p2, p0  }
0x20: {  	[sflag:s8] =	ssyncset.s32 @!p0 $0xFFFFF086;
	s6 =	sadd.s32 @!p0 s3, s7;
	s7 =	simm.s32 @!p0 $0x108  }
0x21: {  	s3 =	sadd.s32 s3, s9;
	s6 =	sadd.s32 @!p0 $0x88, s6;
	s7 =	simm.s32 @p2 $0x1082  }
0x22: {  	[simem:s7], [sflag:s8] =	dma.local @!p0 [hbm:s6], $0xF7A  }
0x23: {  	s9 =	sor.u32 $0xD0000000, s2;
	s6 =	simm.s32 $0x108;
	_ =	swait.ge @!p0 [sflag:s8], $0x0  }
0x24: {  	s3 =	sadd.s32 $0x88, s3;
	s6 =	simm.s32 @!p1 $0x1082;
	[sflag:s4] =	ssyncset.s32 $0xFFFFF086  }
0x25: {  	[simem:s6], [sflag:s4] =	dma.local [hbm:s3], $0xF7A  }
0x26: {  	[smem:$0x3F99] =	sst s1;
	(tag) =	ssettag s2;
	_ =	strace s9  }
0x27: {  	s1 =	sld [smem:$0x3FA9]  }
0x28: {  	s2 =	sld [smem:$0x3FAA]  }
0x29: {  	s4 =	sld [smem:$0x3FAC]  }
0x2a: {  	p0 =	seq.s32 s5, $0x0;
	s5 =	sld [smem:$0x3FAD]  }
0x2b: {  	s6 =	sld [smem:$0x3FAE]  }
0x2c: {  	s7 =	sld [smem:$0x3FAF]  }
0x2d: {  	s3 =	simm.s32 $0x108;
	s8 =	sld [smem:$0x3FB0]  }
0x2e: {  	s3 =	simm.s32 @!p0 $0x1082;
	s9 =	sld [smem:$0x3FB1]  }
0x2f: {  	lr =	sadd.s32 s0, s3;
	s0 =	sld [smem:$0x3FA8]  }
0x30: {  	s3 =	sld [smem:$0x3FAB]  }
0x31: {  	[smem:$0x3FB4] =	sst s10  }
0x32: {  	s10 =	sld [smem:$0x3FB2];
	_ =	sdelay $0x3  }
0x33: {  	p0 =	seq.s32 s10, $0x1;
	s10 =	sld [smem:$0x3FB4];
	_ =	sdelay $0x3  }
0x34: {  	[smem:$0x3FB4] =	sst s10  }
0x35: {  	s10 =	sld [smem:$0x3FB3];
	_ =	sdelay $0x3  }
0x36: {  	p1 =	seq.s32 s10, $0x1;
	s10 =	sld [smem:$0x3FB4];
	_ =	sdelay $0x3  }
0x37: {  	[smem:$0x3FB4] =	sst s10  }
0x38: {  	s10 =	sld [smem:$0x3FB5]  }
0x39: {  	_ = 	snop;
	(pc) =	sbr.ind lr, $3  }
0x3a: {  	_ = 	snop  }
0x3b: {  	_ = 	snop  }
0x3c: {  	p2 =	seq.s32 s10, $0x1;
	s10 =	sld [smem:$0x3FB4]  }
0x3d: {  	_ =	shalt  }
0x3e: {  	_ =	shalt  }
0x3f: {  	_ =	shalt  }
0x40: {  	_ =	shalt  }
0x41: {  	_ =	shalt  }
0x42: {  	_ =	shalt  }
0x43: {  	_ =	shalt  }
0x44: {  	_ =	shalt  }
0x45: {  	_ =	shalt  }
0x46: {  	_ =	shalt  }
0x47: {  	_ =	shalt  }
0x48: {  	_ =	shalt  }
0x49: {  	_ =	shalt  }
0x4a: {  	_ =	shalt  }
0x4b: {  	_ =	shalt  }
0x4c: {  	_ =	shalt  }
0x4d: {  	_ =	shalt  }
0x4e: {  	_ =	shalt  }
0x4f: {  	_ =	shalt  }
0x50: {  	_ =	shalt  }
0x51: {  	_ =	shalt  }
0x52: {  	_ =	shalt  }
0x53: {  	_ =	shalt  }
0x54: {  	_ =	shalt  }
0x55: {  	_ =	shalt  }
0x56: {  	_ =	shalt  }
0x57: {  	_ =	shalt  }
0x58: {  	_ =	shalt  }
0x59: {  	_ =	shalt  }
0x5a: {  	_ =	shalt  }
0x5b: {  	_ =	shalt  }
0x5c: {  	_ =	shalt  }
0x5d: {  	_ =	shalt  }
0x5e: {  	_ =	shalt  }
0x5f: {  	_ =	shalt  }
0x60: {  	_ =	shalt  }
0x61: {  	_ =	shalt  }
0x62: {  	_ =	shalt  }
0x63: {  	_ =	shalt  }
0x64: {  	_ =	shalt  }
0x65: {  	_ =	shalt  }
0x66: {  	_ =	shalt  }
0x67: {  	_ =	shalt  }
0x68: {  	_ =	shalt  }
0x69: {  	_ =	shalt  }
0x6a: {  	_ =	shalt  }
0x6b: {  	_ =	shalt  }
0x6c: {  	_ =	shalt  }
0x6d: {  	_ =	shalt  }
0x6e: {  	_ =	shalt  }
0x6f: {  	_ =	shalt  }
0x70: {  	_ =	shalt  }
0x71: {  	_ =	shalt  }
0x72: {  	_ =	shalt  }
0x73: {  	_ =	shalt  }
0x74: {  	_ =	shalt  }
0x75: {  	_ =	shalt  }
0x76: {  	_ =	shalt  }
0x77: {  	_ =	shalt  }
0x78: {  	_ =	shalt  }
0x79: {  	_ =	shalt  }
0x7a: {  	_ =	shalt  }
0x7b: {  	_ =	shalt  }
0x7c: {  	_ =	shalt  }
0x7d: {  	_ =	shalt  }
0x7e: {  	_ =	shalt  }
0x7f: {  	_ =	shalt  }
0x80: {  	_ =	shalt  }
0x81: {  	_ =	shalt  }
0x82: {  	_ =	shalt  }
0x83: {  	_ =	shalt  }
0x84: {  	_ =	shalt  }
0x85: {  	_ =	shalt  }
0x86: {  	_ =	shalt  }
0x87: {  	_ =	shalt  }
.Lfunc_end0:
.L_simem_size_0:
called_computation.2_lowered:
.L_overlay_start_0:
0x88: {  	s2 =	sld [smem:$0x3FD9]  }
0x89: {  	s3 =	sld [smem:$0x3FFE];
	_ =	sdelay $0x1  }
0x8a: {  	s1 =	srdreg.scid  }
0x8b: {  	s0 =	sand.u32 $0x1, s1  }
0x8c: {  	s17 =	sshll.u32 s0, $0xA;
	s2 =	sadd.s32 s3, s2  }
0x8d: {  	s2 =	sadd.s32 s2, s17  }
0x8e: {  	[smem:$0x3FC0] =	sst s2  }
0x8f: {  	_ = 	snop  }
0x90: {  	s2 =	sld [smem:$0x3FD0];
	(tm) =	ssettm $0x1  }
0x91: {  	s18 =	sld [smem:$0x3FFB];
	_ =	sdelay $0x3  }
0x92: {  	_ =	strace s18  }
0x93: {  	s3 =	sld [smem:$0x3FFC];
	_ =	sdelay $0x3  }
0x94: {  	_ =	strace s3  }
0x95: {  	s3 =	sld [smem:$0x3FFD];
	_ =	sdelay $0x3  }
0x96: {  	_ =	strace s3  }
0x97: {  	_ =	strace $0x8FFFFFFF  }
0x98: {  	s19 =	sld [smem:$0x3FDB];
	_ =	sdelay $0x1  }
0x99: {  	s4 =	simm.s32 $_scs_section_size  }
0x9a: {  	s5 =	simm.s32 $_size__tile_overlayer_lowered;
	s6 =	simm.s32 $_tile_overlayer_lowered  }
0x9b: {  	s22 =	simm.s32 $0x1BFF;
	s21 =	sshll.u32 s6, $0x1;
	s3 =	sadd.s32 s4, s19  }
0x9c: {  	s7 =	simm.s32 $0x0;
	s20 =	sshll.u32 s5, $0x1;
	s5 =	sadd.s32 s21, s3  }
0x9d: {  	[timem:s7], [sflag:s22] =	dma.local [hbm:s5], s20  }
0x9e: {  	_ =	swait.ge [sflag:s22], s20  }
0x9f: {  	s4 =	ssub.s32 $0x0, s20;
	[sflag:s22] =	ssyncset.done $0x0  }
0xa0: {  	[sflag:s22] =	ssyncadd.s32 s4;
	_ =	sdelay $0x1  }
0xa1: {  	s23 =	simm.s32 $0x1B8B  }
0xa2: {  	_ =	swait.ge [sflag:s23], $0x1  }
0xa3: {  	[sflag:s23] =	ssyncset.done $0x0  }
0xa4: {  	s25 =	simm.s32 $0x1B8E;
	s24 =	sld [smem:$0x3FFE];
	[sflag:s23] =	ssyncadd.s32 $0xFFFFFFFF  }
0xa5: {  	s26 =	simm.s32 $execute0_lowered;
	[smem:$0x3FD2] =	sst s25  }
0xa6: {  	s5 =	sshll.u32 s26, $0x1;
	_ =	strace $0x8000004C;
	[dreg:$0x1] =	wrdreg $0xFFFFFFFF  }
0xa7: {  	s28 =	simm.s32 $_size_execute0_lowered;
	s3 =	sadd.s32 s3, s5;
	[dreg:$0x0] =	wrdreg $0x0  }
0xa8: {  	s5 =	sshll.u32 s28, $0x1;
	[dreg:$0x2] =	wrdreg s3  }
0xa9: {  	[dreg:$0x3] =	wrdreg s5  }
0xaa: {  	[dreg:$0x4] =	wrdreg $0xC0  }
0xab: {  	_ =	task [dreg:s7], $0x5FFFF  }
0xac: {  	[dreg:$0x1] =	wrdreg $0xFFFFFFFF  }
0xad: {  	[dreg:$0x0] =	wrdreg $0x60  }
0xae: {  	[dreg:$0x2] =	wrdreg s24  }
0xaf: {  	[dreg:$0x3] =	wrdreg s2  }
0xb0: {  	[dreg:$0x4] =	wrdreg $0xE0000  }
0xb1: {  	[dreg:$0x5] =	wrdreg $0x130000  }
0xb2: {  	[dreg:$0x6] =	wrdreg $0x9  }
0xb3: {  	_ =	task.clear_ibuf [dreg:s7], $0x7FFFF;
	_ =	strace $0x9000004C  }
0xb4: {  	s29 =	simm.s32 $0x9;
	_ =	strace $0x8000004E  }
0xb5: {  	_ =	swait.ge [sflag:s29], $0x1  }
0xb6: {  	[sflag:s29] =	ssyncadd.s32 $0xFFFFFFFF  }
0xb7: {  	_ =	strace $0x9000004E  }
0xb8: {  	_ =	sfence  }
0xb9: {  	s30 =	sld [smem:$0x0];
	_ =	sdelay $0x2  }
0xba: {  	s31 =	sshll.u32 s1, $0xD;
	s1 =	sshrl.u32 s1, $0x2  }
0xbb: {  	s3 =	sand.u32 $0x4000, s31;
	s1 =	sadd.s32 s1, s30  }
0xbc: {  	s0 =	sor.u32 s3, s0;
	s1 =	sshll.u32 s1, $0x11  }
0xbd: {  	s0 =	sor.u32 s1, s0  }
0xbe: {  	s0 =	sadd.s32 $0x8F2B, s0  }
0xbf: {  	[sflag:s0] =	ssyncadd.remote.s32 $0x1  }
0xc0: {  	_ =	sfence.sel $0xFFFF  }
0xc1: {  	[dreg:$0x0] =	wrdreg $0xFFFFFFFF;
	(pc) =	sbr.abs _section_cstart, $3  }
0xc2: {  	[dreg:$0x1] =	wrdreg $0xFFFFFFFF  }
0xc3: {  	_ =	task.clear_ibuf [dreg:s7], $0x2FFFF;
	_ =	strace $0x9FFFFFFF  }
0xc4: {  	(tm) =	ssettm $0x7FFFFFFF  }
0xc5: {  	_ =	shalt  }
tec
execute0_lowered:
.L_overlay_start_1:
0x0: {  	(tag) =	ssettag $0x1  }
0x1: {  	s0 =	rddreg [dreg:$0x0]  }
0x2: {  	s1 =	rddreg [dreg:$0x1]  }
0x3: {  	s2 =	rddreg [dreg:$0x2]  }
0x4: {  	s3 =	rddreg [dreg:$0x3]  }
0x5: {  	s13 =	stileid.u32;
	s5 =	srdreg.scid  }
0x6: {  	s4 =	simm.s32 $0x0;
	s15 =	simm.s32 $0x5000;
	s16 =	simm.s32 $0x80  }
0x7: {  	s17 =	simm.s32 $0xA000;
	s18 =	simm.s32 $0xB000;
	s19 =	simm.s32 $0x1  }
0x8: {  	s21 =	simm.s32 $0xC000;
	s22 =	simm.s32 $0x2;
	s25 =	simm.s32 $0xD000  }
0x9: {  	s29 =	simm.s32 $0x5;
	s31 =	simm.s32 $0x4;
	s6 =	smul.u32 $0x2800, s13  }
0xa: {  	s23 =	simm.s32 $0x7;
	s24 =	simm.s32 $0x8;
	s7 =	smul.u32 $0x5000, s13  }
0xb: {  	s5 =	sand.u32 $0x1, s5;
	[smem:$0x7FF] =	sst s4;
	s28 =	sshll.u32 s13, $0x6  }
0xc: {  	s13 =	simm.s32 $0x9;
	p0 =	seq.s32 s5, $0x0;
	s26 =	smul.u32 $0x50000, s5  }
0xd: {  	_ =	strace $0x8000004D;
	s11 =	ssub.s32 $0x2, s5;
	s5 =	sadd.s32 $0x9B000, s0  }
0xe: {  	s8 =	sadd.s32 $0x28000, s6;
	s9 =	sshrl.u32 s7, $0x3;
	s12 =	sshrl.u32 s11, $0x1  }
0xf: {  	s30 =	sadd.s32 s7, s2;
	s14 =	sadd.s32 s7, s3;
	s8 =	smov.u32 @p0 s6  }
0x10: {  	s9 =	sadd.s32 s9, s0;
	s6 =	sadd.s32 s7, s26;
	s11 =	ssub.s32 s11, s12  }
0x11: {  	s12 =	sshrl.u32 s30, $0x3;
	s14 =	sshrl.u32 s14, $0x3;
	s26 =	simm.s32 $0x3  }
0x12: {  	s10 =	sshrl.u32 s8, $0x3;
	s6 =	sshrl.u32 s6, $0x3;
	s7 =	sadd.s32 $0x3E00, s9  }
0x13: {  	s11 =	smax.u32 s11, $0x1;
	s8 =	sadd.s32 s10, s0;
	s0 =	sadd.s32 s6, s0  }
0x14: {  	s6 =	sor.u32 $0x1C09, s28;
	s9 =	sadd.s32 s1, s10;
	s1 =	simm.s32 $0x6  }
0x15: {  	s8 =	sadd.s32 $0xE600, s8;
	s10 =	sadd.s32 $0x69000, s0;
	s0 =	simm.s32 $0x0  }
.LBB2_1:
0x16: {  	[spmem:s12], [sflag:s6] =	dma.local [hbm:s5], $0xA00  }
0x17: {  	_ =	swait.ge [sflag:s13], $0xA00  }
0x18: {  	[sflag:s13] =	ssyncset.done $0x0  }
0x19: {  	[sflag:s13] =	ssyncadd.s32 $0xFFFFF600  }
0x1a: {  	[spmem:s14], [sflag:s6] =	dma.local [hbm:s7], $0xA00  }
0x1b: {  	_ =	swait.ge [sflag:s13], $0xA00  }
0x1c: {  	[sflag:s13] =	ssyncset.done $0x0  }
0x1d: {  	[sflag:s13] =	ssyncadd.s32 $0xFFFFF600  }
0x1e: {  	[tilespmem:s4], [sflag:$0x9] =	stream.linear.gather [hbm4b:s8+s4], $0x5000, $0x38;
	[tilespmem:$0x18000] =	vst v63  }
0x1f: {  	_ =	swait.ge [sflag:s13], $0x5000  }
0x20: {  	[sflag:s13] =	ssyncset.done $0x0  }
0x21: {  	[sflag:s13] =	ssyncadd.s32 $0xFFFFB000  }
0x22: {  	[tilespmem:s15], [sflag:$0x9] =	stream.linear.gather [hbm4b:s9+s4], $0x5000, $0x38;
	[tilespmem:$0x18000] =	vst v63  }
0x23: {  	_ =	swait.ge [sflag:s13], $0x5000  }
0x24: {  	[sflag:s13] =	ssyncset.done $0x0  }
0x25: {  	[sflag:s13] =	ssyncadd.s32 $0xFFFFB000  }
0x26: {  	[bflag:$0x0] =	sbarrier.arrive $0xFFFF  }
0x27: {  	[tilespmem:s17], [sflag:$0x1] =	stream.indirect.gather [spmem:s3], $0x20, s4, s16, $0xb8;
	[tilespmem:$0x18000] =	vst v63  }
0x28: {  	_ = 	snop  }
0x29: {  	[tilespmem:s18], [sflag:$0x2] =	stream.indirect.gather [spmem:s3], $0x20, s16, s16, $0xb8;
	[tilespmem:$0x18000] =	vst v63  }
0x2a: {  	_ =	swait.ge [sflag:s19], $0x1000  }
0x2b: {  	[sflag:s19] =	ssyncset.done $0x0  }
0x2c: {  	[sflag:s19] =	ssyncadd.s32 $0xFFFFF000  }
0x2d: {  	[spmem:s2] =	stream.indirect.scatter.add.f32 [tilespmem:s17], [sflag:$0x5], $0x20, s15, s16, $0xb8;
	[tilespmem:$0x18000] =	vst v63  }
0x2e: {  	s20 =	simm.s32 $0x100  }
0x2f: {  	[tilespmem:s21], [sflag:$0x3] =	stream.indirect.gather [spmem:s3], $0x20, s20, s16, $0xb8;
	[tilespmem:$0x18000] =	vst v63  }
0x30: {  	_ =	swait.ge [sflag:s22], $0x1000  }
0x31: {  	[sflag:s22] =	ssyncset.done $0x0  }
0x32: {  	s30 =	simm.s32 $0x5080;
	[sflag:s22] =	ssyncadd.s32 $0xFFFFF000  }
0x33: {  	[spmem:s2] =	stream.indirect.scatter.add.f32 [tilespmem:s18], [sflag:$0x6], $0x20, s30, s16, $0xb8;
	[tilespmem:$0x18000] =	vst v63  }
0x34: {  	s30 =	simm.s32 $0x180  }
0x35: {  	[tilespmem:s25], [sflag:$0x4] =	stream.indirect.gather [spmem:s3], $0x20, s30, s16, $0xb8;
	[tilespmem:$0x18000] =	vst v63  }
0x36: {  	_ =	swait.ge [sflag:s26], $0x1000  }
0x37: {  	[sflag:s26] =	ssyncset.done $0x0  }
0x38: {  	s30 =	simm.s32 $0x5100;
	[sflag:s26] =	ssyncadd.s32 $0xFFFFF000  }
0x39: {  	[spmem:s2] =	stream.indirect.scatter.add.f32 [tilespmem:s21], [sflag:$0x7], $0x20, s30, s16, $0xb8;
	[tilespmem:$0x18000] =	vst v63  }
0x3a: {  	_ =	swait.ge [sflag:s29], $0x1000  }
0x3b: {  	[sflag:s29] =	ssyncset.done $0x0  }
0x3c: {  	s30 =	simm.s32 $0x200;
	[sflag:s29] =	ssyncadd.s32 $0xFFFFF000  }
0x3d: {  	[tilespmem:s17], [sflag:$0x1] =	stream.indirect.gather [spmem:s3], $0x20, s30, s16, $0xb8;
	[tilespmem:$0x18000] =	vst v63  }
0x3e: {  	_ =	swait.ge [sflag:s31], $0x1000  }
0x3f: {  	[sflag:s31] =	ssyncset.done $0x0  }
0x40: {  	s30 =	simm.s32 $0x5180;
	[sflag:s31] =	ssyncadd.s32 $0xFFFFF000  }
0x41: {  	[spmem:s2] =	stream.indirect.scatter.add.f32 [tilespmem:s25], [sflag:$0x8], $0x20, s30, s16, $0xb8;
	[tilespmem:$0x18000] =	vst v63  }
0x42: {  	_ =	swait.ge [sflag:s1], $0x1000  }
0x43: {  	[sflag:s1] =	ssyncset.done $0x0  }
0x44: {  	s30 =	simm.s32 $0x280;
	[sflag:s1] =	ssyncadd.s32 $0xFFFFF000  }
0x45: {  	[tilespmem:s18], [sflag:$0x2] =	stream.indirect.gather [spmem:s3], $0x20, s30, s16, $0xb8;
	[tilespmem:$0x18000] =	vst v63  }
0x46: {  	_ =	swait.ge [sflag:s19], $0x1000  }
0x47: {  	[sflag:s19] =	ssyncset.done $0x0  }
0x48: {  	s30 =	simm.s32 $0x5200;
	[sflag:s19] =	ssyncadd.s32 $0xFFFFF000  }
0x49: {  	[spmem:s2] =	stream.indirect.scatter.add.f32 [tilespmem:s17], [sflag:$0x5], $0x20, s30, s16, $0xb8;
	[tilespmem:$0x18000] =	vst v63  }
0x4a: {  	_ =	swait.ge [sflag:s23], $0x1000  }
0x4b: {  	[sflag:s23] =	ssyncset.done $0x0  }
0x4c: {  	s30 =	simm.s32 $0x300;
	[sflag:s23] =	ssyncadd.s32 $0xFFFFF000  }
0x4d: {  	[tilespmem:s21], [sflag:$0x3] =	stream.indirect.gather [spmem:s3], $0x20, s30, s16, $0xb8;
	[tilespmem:$0x18000] =	vst v63  }
0x4e: {  	_ =	swait.ge [sflag:s22], $0x1000  }
0x4f: {  	[sflag:s22] =	ssyncset.done $0x0  }
0x50: {  	s30 =	simm.s32 $0x5280;
	[sflag:s22] =	ssyncadd.s32 $0xFFFFF000  }
0x51: {  	[spmem:s2] =	stream.indirect.scatter.add.f32 [tilespmem:s18], [sflag:$0x6], $0x20, s30, s16, $0xb8;
	[tilespmem:$0x18000] =	vst v63  }
0x52: {  	_ =	swait.ge [sflag:s24], $0x1000  }
0x53: {  	[sflag:s24] =	ssyncset.done $0x0  }
0x54: {  	s30 =	simm.s32 $0x380;
	[sflag:s24] =	ssyncadd.s32 $0xFFFFF000  }
0x55: {  	[tilespmem:s25], [sflag:$0x4] =	stream.indirect.gather [spmem:s3], $0x20, s30, s16, $0xb8;
	[tilespmem:$0x18000] =	vst v63  }
0x56: {  	_ =	swait.ge [sflag:s26], $0x1000  }
0x57: {  	[sflag:s26] =	ssyncset.done $0x0  }
0x58: {  	s30 =	simm.s32 $0x5300;
	[sflag:s26] =	ssyncadd.s32 $0xFFFFF000  }
0x59: {  	[spmem:s2] =	stream.indirect.scatter.add.f32 [tilespmem:s21], [sflag:$0x7], $0x20, s30, s16, $0xb8;
	[tilespmem:$0x18000] =	vst v63  }
0x5a: {  	_ =	swait.ge [sflag:s29], $0x1000  }
0x5b: {  	[sflag:s29] =	ssyncset.done $0x0  }
0x5c: {  	s30 =	simm.s32 $0x400;
	[sflag:s29] =	ssyncadd.s32 $0xFFFFF000  }
0x5d: {  	[tilespmem:s17], [sflag:$0x1] =	stream.indirect.gather [spmem:s3], $0x20, s30, s16, $0xb8;
	[tilespmem:$0x18000] =	vst v63  }
0x5e: {  	_ =	swait.ge [sflag:s31], $0x1000  }
0x5f: {  	[sflag:s31] =	ssyncset.done $0x0  }
0x60: {  	s30 =	simm.s32 $0x5380;
	[sflag:s31] =	ssyncadd.s32 $0xFFFFF000  }
0x61: {  	[spmem:s2] =	stream.indirect.scatter.add.f32 [tilespmem:s25], [sflag:$0x8], $0x20, s30, s16, $0xb8;
	[tilespmem:$0x18000] =	vst v63  }
0x62: {  	_ =	swait.ge [sflag:s1], $0x1000  }
0x63: {  	[sflag:s1] =	ssyncset.done $0x0  }
0x64: {  	s28 =	simm.s32 $0x480;
	s20 =	simm.s32 $0x800;
	[sflag:s1] =	ssyncadd.s32 $0xFFFFF000  }
.LBB2_2:
0x65: {  	[tilespmem:s18], [sflag:$0x2] =	stream.indirect.gather [spmem:s3], $0x20, s28, s16, $0xb8;
	[tilespmem:$0x18000] =	vst v63  }
0x66: {  	s28 =	smov.u32 s20  }
0x67: {  	p0 =	sne.s32 s20, $0x8800;
	s20 =	sadd.s32 $0x800, s20;
	_ =	swait.ge [sflag:s19], $0x1000  }
0x68: {  	s28 =	sshra.s32 s28, $0x2;
	[sflag:s19] =	ssyncset.done $0x0  }
0x69: {  	s30 =	sadd.s32 $0x5200, s28;
	[sflag:s19] =	ssyncadd.s32 $0xFFFFF000  }
0x6a: {  	[spmem:s2] =	stream.indirect.scatter.add.f32 [tilespmem:s17], [sflag:$0x5], $0x20, s30, s16, $0xb8;
	[tilespmem:$0x18000] =	vst v63  }
0x6b: {  	_ =	swait.ge [sflag:s23], $0x1000  }
0x6c: {  	[sflag:s23] =	ssyncset.done $0x0  }
0x6d: {  	s30 =	sadd.s32 $0x300, s28;
	[sflag:s23] =	ssyncadd.s32 $0xFFFFF000  }
0x6e: {  	[tilespmem:s21], [sflag:$0x3] =	stream.indirect.gather [spmem:s3], $0x20, s30, s16, $0xb8;
	[tilespmem:$0x18000] =	vst v63  }
0x6f: {  	_ =	swait.ge [sflag:s22], $0x1000  }
0x70: {  	[sflag:s22] =	ssyncset.done $0x0  }
0x71: {  	s30 =	sadd.s32 $0x5280, s28;
	[sflag:s22] =	ssyncadd.s32 $0xFFFFF000  }
0x72: {  	[spmem:s2] =	stream.indirect.scatter.add.f32 [tilespmem:s18], [sflag:$0x6], $0x20, s30, s16, $0xb8;
	[tilespmem:$0x18000] =	vst v63  }
0x73: {  	_ =	swait.ge [sflag:s24], $0x1000  }
0x74: {  	[sflag:s24] =	ssyncset.done $0x0  }
0x75: {  	s30 =	sadd.s32 $0x380, s28;
	[sflag:s24] =	ssyncadd.s32 $0xFFFFF000  }
0x76: {  	[tilespmem:s25], [sflag:$0x4] =	stream.indirect.gather [spmem:s3], $0x20, s30, s16, $0xb8;
	[tilespmem:$0x18000] =	vst v63  }
0x77: {  	_ =	swait.ge [sflag:s26], $0x1000  }
0x78: {  	[sflag:s26] =	ssyncset.done $0x0  }
0x79: {  	s30 =	sadd.s32 $0x5300, s28;
	[sflag:s26] =	ssyncadd.s32 $0xFFFFF000  }
0x7a: {  	[spmem:s2] =	stream.indirect.scatter.add.f32 [tilespmem:s21], [sflag:$0x7], $0x20, s30, s16, $0xb8;
	[tilespmem:$0x18000] =	vst v63  }
0x7b: {  	_ =	swait.ge [sflag:s29], $0x1000  }
0x7c: {  	[sflag:s29] =	ssyncset.done $0x0  }
0x7d: {  	s30 =	sadd.s32 $0x400, s28;
	[sflag:s29] =	ssyncadd.s32 $0xFFFFF000  }
0x7e: {  	[tilespmem:s17], [sflag:$0x1] =	stream.indirect.gather [spmem:s3], $0x20, s30, s16, $0xb8;
	[tilespmem:$0x18000] =	vst v63  }
0x7f: {  	_ =	swait.ge [sflag:s31], $0x1000  }
0x80: {  	[sflag:s31] =	ssyncset.done $0x0  }
.Ltmp0:
0x81: {  	s30 =	sadd.s32 $0x5380, s28;
	[sflag:s31] =	ssyncadd.s32 $0xFFFFF000;
	(pc) =	sbr.rel @p0 .LBB2_2-.Ltmp0, $4  }
0x82: {  	[spmem:s2] =	stream.indirect.scatter.add.f32 [tilespmem:s25], [sflag:$0x8], $0x20, s30, s16, $0xb8;
	[tilespmem:$0x18000] =	vst v63  }
0x83: {  	_ =	swait.ge [sflag:s1], $0x1000  }
0x84: {  	[sflag:s1] =	ssyncset.done $0x0  }
0x85: {  	s28 =	sadd.s32 $0x480, s28;
	[sflag:s1] =	ssyncadd.s32 $0xFFFFF000  }
0x86: {  	[tilespmem:s18], [sflag:$0x2] =	stream.indirect.gather [spmem:s3], $0x20, s28, s16, $0xb8;
	[tilespmem:$0x18000] =	vst v63  }
0x87: {  	_ =	swait.ge [sflag:s19], $0x1000  }
0x88: {  	[sflag:s19] =	ssyncset.done $0x0  }
0x89: {  	s20 =	simm.s32 $0x7600;
	[sflag:s19] =	ssyncadd.s32 $0xFFFFF000  }
0x8a: {  	[spmem:s2] =	stream.indirect.scatter.add.f32 [tilespmem:s17], [sflag:$0x5], $0x20, s20, s16, $0xb8;
	[tilespmem:$0x18000] =	vst v63  }
0x8b: {  	_ =	swait.ge [sflag:s23], $0x1000  }
0x8c: {  	[sflag:s23] =	ssyncset.done $0x0  }
0x8d: {  	s30 =	simm.s32 $0x2700;
	[sflag:s23] =	ssyncadd.s32 $0xFFFFF000  }
0x8e: {  	[tilespmem:s21], [sflag:$0x3] =	stream.indirect.gather [spmem:s3], $0x20, s30, s16, $0xb8;
	[tilespmem:$0x18000] =	vst v63  }
0x8f: {  	_ =	swait.ge [sflag:s22], $0x1000  }
0x90: {  	[sflag:s22] =	ssyncset.done $0x0  }
0x91: {  	s28 =	simm.s32 $0x7680;
	[sflag:s22] =	ssyncadd.s32 $0xFFFFF000  }
0x92: {  	[spmem:s2] =	stream.indirect.scatter.add.f32 [tilespmem:s18], [sflag:$0x6], $0x20, s28, s16, $0xb8;
	[tilespmem:$0x18000] =	vst v63  }
0x93: {  	_ =	swait.ge [sflag:s24], $0x1000  }
0x94: {  	[sflag:s24] =	ssyncset.done $0x0  }
0x95: {  	s30 =	simm.s32 $0x2780;
	[sflag:s24] =	ssyncadd.s32 $0xFFFFF000  }
0x96: {  	[tilespmem:s25], [sflag:$0x4] =	stream.indirect.gather [spmem:s3], $0x20, s30, s16, $0xb8;
	[tilespmem:$0x18000] =	vst v63  }
0x97: {  	_ =	swait.ge [sflag:s26], $0x1000  }
0x98: {  	[sflag:s26] =	ssyncset.done $0x0  }
0x99: {  	s28 =	simm.s32 $0x7700;
	[sflag:s26] =	ssyncadd.s32 $0xFFFFF000  }
0x9a: {  	[spmem:s2] =	stream.indirect.scatter.add.f32 [tilespmem:s21], [sflag:$0x7], $0x20, s28, s16, $0xb8;
	[tilespmem:$0x18000] =	vst v63  }
0x9b: {  	_ =	swait.ge [sflag:s31], $0x1000  }
0x9c: {  	[sflag:s31] =	ssyncset.done $0x0  }
0x9d: {  	s30 =	simm.s32 $0x7780;
	[sflag:s31] =	ssyncadd.s32 $0xFFFFF000  }
0x9e: {  	[spmem:s2] =	stream.indirect.scatter.add.f32 [tilespmem:s25], [sflag:$0x8], $0x20, s30, s16, $0xb8;
	[tilespmem:$0x18000] =	vst v63  }
0x9f: {  	_ =	swait.ge [sflag:s29], $0x1000  }
0xa0: {  	[sflag:s29] =	ssyncset.done $0x0  }
0xa1: {  	[sflag:s29] =	ssyncadd.s32 $0xFFFFF000  }
0xa2: {  	_ =	swait.ge [sflag:s1], $0x1000  }
0xa3: {  	[sflag:s1] =	ssyncset.done $0x0  }
0xa4: {  	[sflag:s1] =	ssyncadd.s32 $0xFFFFF000  }
0xa5: {  	_ =	swait.ge [sflag:s23], $0x1000  }
0xa6: {  	[sflag:s23] =	ssyncset.done $0x0  }
0xa7: {  	[sflag:s23] =	ssyncadd.s32 $0xFFFFF000  }
0xa8: {  	_ =	swait.ge [sflag:s24], $0x1000  }
0xa9: {  	s0 =	sadd.s32 $0x1, s0;
	[sflag:s24] =	ssyncset.done $0x0  }
0xaa: {  	p0 =	sne.s32 s0, s11;
	[sflag:s24] =	ssyncadd.s32 $0xFFFFF000  }
.Ltmp1:
0xab: {  	[bflag:$0x0] =	sbarrier.arrive $0xFFFF;
	(pc) =	sbr.rel @p0 .LBB2_1-.Ltmp1, $4  }
0xac: {  	[hbm:s10], [sflag:s6] =	dma.local [spmem:s12], $0xA00  }
0xad: {  	_ =	swait.ge [sflag:s13], $0xA00  }
0xae: {  	[sflag:s13] =	ssyncset.done $0x0  }
0xaf: {  	[sflag:s13] =	ssyncadd.s32 $0xFFFFF600  }
0xb0: {  	_ =	sfence.sel $0x180000  }
0xb1: {  	[bflag:$0x0] =	sbarrier.arrive $0xFFFF  }
0xb2: {  	_ =	strace $0x9000004D  }
0xb3: {  	s0 =	stileid.u32;
	[bflag:$0x2] =	sbarrier.arrive $0xFFFF  }
0xb4: {  	p0 =	sne.s32 s0, $0x0;
	s0 =	rddreg [dreg:$0x4]  }
0xb5: {  	s0 =	sadd.s32 @!p0 $0x100000, s0  }
0xb6: {  	[sflag:s0] =	ssyncadd.tile.s32 @!p0 $0x1;
	_ =	shalt  }
.Lfunc_end2:
_tile_overlayer_lowered:
.L_overlay_start_2:
0xb7: {  	(tag) =	ssettag $0x2  }
0xb8: {  	s0 =	rddreg [dreg:$0x0];
	s2 =	stileid.u32  }
0xb9: {  	s1 =	rddreg [dreg:$0x1];
	p0 =	sne.s32 s2, $0x0  }
0xba: {  	s3 =	rddreg [dreg:$0x2];
	[bflag:$0x3] =	sbarrier.arrive $0xFFFF;
	s2 =	simm.s32 @!p0 $0x1C09  }
0xbb: {  	[timem:s3], [sflag:s2] =	dma.local @!p0 [hbm:s0], s1  }
0xbc: {  	s0 =	simm.s32 @!p0 $0x9  }
0xbd: {  	_ =	swait.ge @!p0 [sflag:s0], s1  }
0xbe: {  	s1 =	ssub.s32 @!p0 $0x0, s1;
	[sflag:s0] =	ssyncset.done @!p0 $0x0  }
0xbf: {  	[sflag:s0] =	ssyncadd.s32 @!p0 s1  }
0xc0: {  	[bflag:$0x3] =	sbarrier.arrive $0xFFFF  }
0xc1: {  	_ =	shalt  }

// kernel: kernel.19.cloned.1.call-start
scs
__scs_entry_jumppad:
0x0: {  	(pc) =	sbr.rel $0x88, $3  }
0x1: {  	(tag) =	ssettag $0x0;
	lr =	simm.s32 $0x1  }
0x2: {  	[smem:$0x3F99] =	sst lr;
	_ =	strace $0xD0000000  }
0x3: {  	_ = 	snop  }
0x4: {  	_ = 	snop  }
0x5: {  	_ = 	snop  }
0x6: {  	_ = 	snop  }
0x7: {  	_ = 	snop  }
__scs_overlays_trampoline_lowered:
0x8: {  	[smem:$0x3FA8] =	sst s0  }
0x9: {  	[smem:$0x3FA9] =	sst s1  }
0xa: {  	[smem:$0x3FAA] =	sst s2  }
0xb: {  	[smem:$0x3FAB] =	sst s3  }
0xc: {  	[smem:$0x3FAC] =	sst s4  }
0xd: {  	[smem:$0x3FAD] =	sst s5  }
0xe: {  	[smem:$0x3FAE] =	sst s6  }
0xf: {  	[smem:$0x3FAF] =	sst s7  }
0x10: {  	[smem:$0x3FB0] =	sst s8  }
0x11: {  	[smem:$0x3FB1] =	sst s9;
	s0 =	simm.s32 @!p0 $0x0  }
0x12: {  	s1 =	sld [smem:$0x3F97];
	s0 =	simm.s32 @p0 $0x1  }
0x13: {  	[smem:$0x3FB2] =	sst s0;
	s0 =	simm.s32 @!p1 $0x0  }
0x14: {  	s2 =	sld [smem:$0x3F96];
	s0 =	simm.s32 @p1 $0x1  }
0x15: {  	[smem:$0x3FB3] =	sst s0;
	s0 =	simm.s32 @!p2 $0x0  }
0x16: {  	s3 =	sld [smem:$0x3FDB];
	s0 =	simm.s32 @p2 $0x1  }
0x17: {  	s4 =	simm.s32 $0x1BF5;
	[smem:$0x3FB5] =	sst s0  }
0x18: {  	s0 =	sld [smem:$0x3F98];
	_ =	swait.ge [sflag:s4], $0x0  }
0x19: {  	s7 =	sld [smem:$0x3F99]  }
0x1a: {  	s8 =	sadd.s32 $0xFFFFE003, lr  }
0x1b: {  	s9 =	sadd.s32 $0xFFFFFEF7, lr;
	s5 =	simm.s32 $0xFFFFFFFF;
	p2 =	slt.u32 s8, $0xFFFFF086  }
0x1c: {  	p1 =	slt.u32 s9, $0xF7A;
	s5 =	simm.s32 @!p2 $0x0  }
0x1d: {  	s5 =	simm.s32 @p1 $0x1;
	p0 =	seq.s32 s7, s2  }
0x1e: {  	s7 =	smul.u32 @!p0 $0xF7A, s2;
	p2 =	seq.s32 @!p0 s5, $0x0  }
0x1f: {  	s9 =	smul.u32 $0xF7A, s1;
	s8 =	simm.s32 @!p0 $0x1BF5;
	p2 =	por !p2, p0  }
0x20: {  	[sflag:s8] =	ssyncset.s32 @!p0 $0xFFFFF086;
	s6 =	sadd.s32 @!p0 s3, s7;
	s7 =	simm.s32 @!p0 $0x108  }
0x21: {  	s3 =	sadd.s32 s3, s9;
	s6 =	sadd.s32 @!p0 $0x88, s6;
	s7 =	simm.s32 @p2 $0x1082  }
0x22: {  	[simem:s7], [sflag:s8] =	dma.local @!p0 [hbm:s6], $0xF7A  }
0x23: {  	s9 =	sor.u32 $0xD0000000, s2;
	s6 =	simm.s32 $0x108;
	_ =	swait.ge @!p0 [sflag:s8], $0x0  }
0x24: {  	s3 =	sadd.s32 $0x88, s3;
	s6 =	simm.s32 @!p1 $0x1082;
	[sflag:s4] =	ssyncset.s32 $0xFFFFF086  }
0x25: {  	[simem:s6], [sflag:s4] =	dma.local [hbm:s3], $0xF7A  }
0x26: {  	[smem:$0x3F99] =	sst s1;
	(tag) =	ssettag s2;
	_ =	strace s9  }
0x27: {  	s1 =	sld [smem:$0x3FA9]  }
0x28: {  	s2 =	sld [smem:$0x3FAA]  }
0x29: {  	s4 =	sld [smem:$0x3FAC]  }
0x2a: {  	p0 =	seq.s32 s5, $0x0;
	s5 =	sld [smem:$0x3FAD]  }
0x2b: {  	s6 =	sld [smem:$0x3FAE]  }
0x2c: {  	s7 =	sld [smem:$0x3FAF]  }
0x2d: {  	s3 =	simm.s32 $0x108;
	s8 =	sld [smem:$0x3FB0]  }
0x2e: {  	s3 =	simm.s32 @!p0 $0x1082;
	s9 =	sld [smem:$0x3FB1]  }
0x2f: {  	lr =	sadd.s32 s0, s3;
	s0 =	sld [smem:$0x3FA8]  }
0x30: {  	s3 =	sld [smem:$0x3FAB]  }
0x31: {  	[smem:$0x3FB4] =	sst s10  }
0x32: {  	s10 =	sld [smem:$0x3FB2];
	_ =	sdelay $0x3  }
0x33: {  	p0 =	seq.s32 s10, $0x1;
	s10 =	sld [smem:$0x3FB4];
	_ =	sdelay $0x3  }
0x34: {  	[smem:$0x3FB4] =	sst s10  }
0x35: {  	s10 =	sld [smem:$0x3FB3];
	_ =	sdelay $0x3  }
0x36: {  	p1 =	seq.s32 s10, $0x1;
	s10 =	sld [smem:$0x3FB4];
	_ =	sdelay $0x3  }
0x37: {  	[smem:$0x3FB4] =	sst s10  }
0x38: {  	s10 =	sld [smem:$0x3FB5]  }
0x39: {  	_ = 	snop;
	(pc) =	sbr.ind lr, $3  }
0x3a: {  	_ = 	snop  }
0x3b: {  	_ = 	snop  }
0x3c: {  	p2 =	seq.s32 s10, $0x1;
	s10 =	sld [smem:$0x3FB4]  }
0x3d: {  	_ =	shalt  }
0x3e: {  	_ =	shalt  }
0x3f: {  	_ =	shalt  }
0x40: {  	_ =	shalt  }
0x41: {  	_ =	shalt  }
0x42: {  	_ =	shalt  }
0x43: {  	_ =	shalt  }
0x44: {  	_ =	shalt  }
0x45: {  	_ =	shalt  }
0x46: {  	_ =	shalt  }
0x47: {  	_ =	shalt  }
0x48: {  	_ =	shalt  }
0x49: {  	_ =	shalt  }
0x4a: {  	_ =	shalt  }
0x4b: {  	_ =	shalt  }
0x4c: {  	_ =	shalt  }
0x4d: {  	_ =	shalt  }
0x4e: {  	_ =	shalt  }
0x4f: {  	_ =	shalt  }
0x50: {  	_ =	shalt  }
0x51: {  	_ =	shalt  }
0x52: {  	_ =	shalt  }
0x53: {  	_ =	shalt  }
0x54: {  	_ =	shalt  }
0x55: {  	_ =	shalt  }
0x56: {  	_ =	shalt  }
0x57: {  	_ =	shalt  }
0x58: {  	_ =	shalt  }
0x59: {  	_ =	shalt  }
0x5a: {  	_ =	shalt  }
0x5b: {  	_ =	shalt  }
0x5c: {  	_ =	shalt  }
0x5d: {  	_ =	shalt  }
0x5e: {  	_ =	shalt  }
0x5f: {  	_ =	shalt  }
0x60: {  	_ =	shalt  }
0x61: {  	_ =	shalt  }
0x62: {  	_ =	shalt  }
0x63: {  	_ =	shalt  }
0x64: {  	_ =	shalt  }
0x65: {  	_ =	shalt  }
0x66: {  	_ =	shalt  }
0x67: {  	_ =	shalt  }
0x68: {  	_ =	shalt  }
0x69: {  	_ =	shalt  }
0x6a: {  	_ =	shalt  }
0x6b: {  	_ =	shalt  }
0x6c: {  	_ =	shalt  }
0x6d: {  	_ =	shalt  }
0x6e: {  	_ =	shalt  }
0x6f: {  	_ =	shalt  }
0x70: {  	_ =	shalt  }
0x71: {  	_ =	shalt  }
0x72: {  	_ =	shalt  }
0x73: {  	_ =	shalt  }
0x74: {  	_ =	shalt  }
0x75: {  	_ =	shalt  }
0x76: {  	_ =	shalt  }
0x77: {  	_ =	shalt  }
0x78: {  	_ =	shalt  }
0x79: {  	_ =	shalt  }
0x7a: {  	_ =	shalt  }
0x7b: {  	_ =	shalt  }
0x7c: {  	_ =	shalt  }
0x7d: {  	_ =	shalt  }
0x7e: {  	_ =	shalt  }
0x7f: {  	_ =	shalt  }
0x80: {  	_ =	shalt  }
0x81: {  	_ =	shalt  }
0x82: {  	_ =	shalt  }
0x83: {  	_ =	shalt  }
0x84: {  	_ =	shalt  }
0x85: {  	_ =	shalt  }
0x86: {  	_ =	shalt  }
0x87: {  	_ =	shalt  }
.Lfunc_end0:
.L_simem_size_0:
called_computation.3_lowered:
.L_overlay_start_0:
0x88: {  	s2 =	sld [smem:$0x3FD9]  }
0x89: {  	s3 =	sld [smem:$0x3FFE];
	_ =	sdelay $0x1  }
0x8a: {  	s1 =	srdreg.scid  }
0x8b: {  	s0 =	sand.u32 $0x1, s1  }
0x8c: {  	s17 =	sshll.u32 s0, $0xA;
	s2 =	sadd.s32 s3, s2  }
0x8d: {  	s2 =	sadd.s32 s2, s17  }
0x8e: {  	[smem:$0x3FC0] =	sst s2  }
0x8f: {  	_ = 	snop  }
0x90: {  	s2 =	sld [smem:$0x3FD0];
	(tm) =	ssettm $0x1  }
0x91: {  	s18 =	sld [smem:$0x3FFB];
	_ =	sdelay $0x3  }
0x92: {  	_ =	strace s18  }
0x93: {  	s3 =	sld [smem:$0x3FFC];
	_ =	sdelay $0x3  }
0x94: {  	_ =	strace s3  }
0x95: {  	s3 =	sld [smem:$0x3FFD];
	_ =	sdelay $0x3  }
0x96: {  	_ =	strace s3  }
0x97: {  	_ =	strace $0x8FFFFFFF  }
0x98: {  	s19 =	sld [smem:$0x3FDB];
	_ =	sdelay $0x1  }
0x99: {  	s4 =	simm.s32 $_scs_section_size  }
0x9a: {  	s5 =	simm.s32 $_size__tile_overlayer_lowered;
	s6 =	simm.s32 $_tile_overlayer_lowered  }
0x9b: {  	s22 =	simm.s32 $0x1BFF;
	s21 =	sshll.u32 s6, $0x1;
	s3 =	sadd.s32 s4, s19  }
0x9c: {  	s7 =	simm.s32 $0x0;
	s20 =	sshll.u32 s5, $0x1;
	s5 =	sadd.s32 s21, s3  }
0x9d: {  	[timem:s7], [sflag:s22] =	dma.local [hbm:s5], s20  }
0x9e: {  	_ =	swait.ge [sflag:s22], s20  }
0x9f: {  	s4 =	ssub.s32 $0x0, s20;
	[sflag:s22] =	ssyncset.done $0x0  }
0xa0: {  	[sflag:s22] =	ssyncadd.s32 s4;
	_ =	sdelay $0x1  }
0xa1: {  	s23 =	simm.s32 $0x1B8B  }
0xa2: {  	_ =	swait.ge [sflag:s23], $0x1  }
0xa3: {  	[sflag:s23] =	ssyncset.done $0x0  }
0xa4: {  	s25 =	simm.s32 $0x1B8E;
	s24 =	sld [smem:$0x3FFE];
	[sflag:s23] =	ssyncadd.s32 $0xFFFFFFFF  }
0xa5: {  	s26 =	simm.s32 $execute0_lowered;
	[smem:$0x3FD2] =	sst s25  }
0xa6: {  	s5 =	sshll.u32 s26, $0x1;
	_ =	strace $0x8000004F;
	[dreg:$0x1] =	wrdreg $0xFFFFFFFF  }
0xa7: {  	s28 =	simm.s32 $_size_execute0_lowered;
	s3 =	sadd.s32 s3, s5;
	[dreg:$0x0] =	wrdreg $0x0  }
0xa8: {  	s5 =	sshll.u32 s28, $0x1;
	[dreg:$0x2] =	wrdreg s3  }
0xa9: {  	[dreg:$0x3] =	wrdreg s5  }
0xaa: {  	[dreg:$0x4] =	wrdreg $0xC0  }
0xab: {  	_ =	task [dreg:s7], $0x5FFFF  }
0xac: {  	[dreg:$0x1] =	wrdreg $0xFFFFFFFF  }
0xad: {  	[dreg:$0x0] =	wrdreg $0x60  }
0xae: {  	[dreg:$0x2] =	wrdreg s24  }
0xaf: {  	[dreg:$0x3] =	wrdreg s2  }
0xb0: {  	[dreg:$0x4] =	wrdreg $0x100000  }
0xb1: {  	[dreg:$0x5] =	wrdreg $0x178000  }
0xb2: {  	[dreg:$0x6] =	wrdreg $0x9  }
0xb3: {  	_ =	task.clear_ibuf [dreg:s7], $0x7FFFF;
	_ =	strace $0x9000004F  }
0xb4: {  	s29 =	simm.s32 $0x9;
	_ =	strace $0x80000051  }
0xb5: {  	_ =	swait.ge [sflag:s29], $0x1  }
0xb6: {  	[sflag:s29] =	ssyncadd.s32 $0xFFFFFFFF  }
0xb7: {  	_ =	strace $0x90000051  }
0xb8: {  	_ =	sfence  }
0xb9: {  	s30 =	sld [smem:$0x0];
	_ =	sdelay $0x2  }
0xba: {  	s31 =	sshll.u32 s1, $0xD;
	s1 =	sshrl.u32 s1, $0x2  }
0xbb: {  	s3 =	sand.u32 $0x4000, s31;
	s1 =	sadd.s32 s1, s30  }
0xbc: {  	s0 =	sor.u32 s3, s0;
	s1 =	sshll.u32 s1, $0x11  }
0xbd: {  	s0 =	sor.u32 s1, s0  }
0xbe: {  	s0 =	sadd.s32 $0x8F2B, s0  }
0xbf: {  	[sflag:s0] =	ssyncadd.remote.s32 $0x1  }
0xc0: {  	_ =	sfence.sel $0xFFFF  }
0xc1: {  	[dreg:$0x0] =	wrdreg $0xFFFFFFFF;
	(pc) =	sbr.abs _section_cstart, $3  }
0xc2: {  	[dreg:$0x1] =	wrdreg $0xFFFFFFFF  }
0xc3: {  	_ =	task.clear_ibuf [dreg:s7], $0x2FFFF;
	_ =	strace $0x9FFFFFFF  }
0xc4: {  	(tm) =	ssettm $0x7FFFFFFF  }
0xc5: {  	_ =	shalt  }
tec
execute0_lowered:
.L_overlay_start_1:
0x0: {  	(tag) =	ssettag $0x1  }
0x1: {  	s0 =	rddreg [dreg:$0x0]  }
0x2: {  	s1 =	rddreg [dreg:$0x1]  }
0x3: {  	s2 =	rddreg [dreg:$0x2]  }
0x4: {  	s3 =	rddreg [dreg:$0x3]  }
0x5: {  	s13 =	stileid.u32;
	s5 =	srdreg.scid  }
0x6: {  	s4 =	simm.s32 $0x0;
	s15 =	simm.s32 $0x5000;
	s16 =	simm.s32 $0x80  }
0x7: {  	s17 =	simm.s32 $0xA000;
	s18 =	simm.s32 $0xB800;
	s19 =	simm.s32 $0x1  }
0x8: {  	s21 =	simm.s32 $0xD000;
	s22 =	simm.s32 $0x2;
	s25 =	simm.s32 $0xE800  }
0x9: {  	s29 =	simm.s32 $0x5;
	s31 =	simm.s32 $0x4;
	s6 =	smul.u32 $0x2800, s13  }
0xa: {  	s23 =	simm.s32 $0x7;
	s24 =	simm.s32 $0x8;
	s7 =	smul.u32 $0x7800, s13  }
0xb: {  	s5 =	sand.u32 $0x1, s5;
	[smem:$0x7FF] =	sst s4;
	s28 =	sshll.u32 s13, $0x6  }
0xc: {  	s13 =	simm.s32 $0x9;
	p0 =	seq.s32 s5, $0x0;
	s26 =	smul.u32 $0x78000, s5  }
0xd: {  	_ =	strace $0x80000050;
	s11 =	ssub.s32 $0x2, s5;
	s5 =	sadd.s32 $0x3E00, s0  }
0xe: {  	s8 =	sadd.s32 $0x28000, s6;
	s9 =	sshrl.u32 s7, $0x3;
	s12 =	sshrl.u32 s11, $0x1  }
0xf: {  	s30 =	sadd.s32 s7, s2;
	s14 =	sadd.s32 s7, s3;
	s8 =	smov.u32 @p0 s6  }
0x10: {  	s9 =	sadd.s32 s9, s0;
	s6 =	sadd.s32 s7, s26;
	s11 =	ssub.s32 s11, s12  }
0x11: {  	s12 =	sshrl.u32 s30, $0x3;
	s14 =	sshrl.u32 s14, $0x3;
	s26 =	simm.s32 $0x3  }
0x12: {  	s10 =	sshrl.u32 s8, $0x3;
	s6 =	sshrl.u32 s6, $0x3;
	s7 =	sadd.s32 $0x69000, s9  }
0x13: {  	s11 =	smax.u32 s11, $0x1;
	s8 =	sadd.s32 s10, s0;
	s0 =	sadd.s32 s6, s0  }
0x14: {  	s6 =	sor.u32 $0x1C09, s28;
	s9 =	sadd.s32 s1, s10;
	s1 =	simm.s32 $0x6  }
0x15: {  	s8 =	sadd.s32 $0xE600, s8;
	s10 =	sadd.s32 $0x78000, s0;
	s0 =	simm.s32 $0x0  }
.LBB2_1:
0x16: {  	[spmem:s12], [sflag:s6] =	dma.local [hbm:s5], $0xF00  }
0x17: {  	_ =	swait.ge [sflag:s13], $0xF00  }
0x18: {  	[sflag:s13] =	ssyncset.done $0x0  }
0x19: {  	[sflag:s13] =	ssyncadd.s32 $0xFFFFF100  }
0x1a: {  	[spmem:s14], [sflag:s6] =	dma.local [hbm:s7], $0xF00  }
0x1b: {  	_ =	swait.ge [sflag:s13], $0xF00  }
0x1c: {  	[sflag:s13] =	ssyncset.done $0x0  }
0x1d: {  	[sflag:s13] =	ssyncadd.s32 $0xFFFFF100  }
0x1e: {  	[tilespmem:s4], [sflag:$0x9] =	stream.linear.gather [hbm4b:s8+s4], $0x5000, $0x38;
	[tilespmem:$0x1F000] =	vst v63  }
0x1f: {  	_ =	swait.ge [sflag:s13], $0x5000  }
0x20: {  	[sflag:s13] =	ssyncset.done $0x0  }
0x21: {  	[sflag:s13] =	ssyncadd.s32 $0xFFFFB000  }
0x22: {  	[tilespmem:s15], [sflag:$0x9] =	stream.linear.gather [hbm4b:s9+s4], $0x5000, $0x38;
	[tilespmem:$0x1F000] =	vst v63  }
0x23: {  	_ =	swait.ge [sflag:s13], $0x5000  }
0x24: {  	[sflag:s13] =	ssyncset.done $0x0  }
0x25: {  	[sflag:s13] =	ssyncadd.s32 $0xFFFFB000  }
0x26: {  	[bflag:$0x0] =	sbarrier.arrive $0xFFFF  }
0x27: {  	[tilespmem:s17], [sflag:$0x1] =	stream.indirect.gather [spmem:s3], $0x30, s4, s16, $0xb8;
	[tilespmem:$0x1F000] =	vst v63  }
0x28: {  	_ = 	snop  }
0x29: {  	[tilespmem:s18], [sflag:$0x2] =	stream.indirect.gather [spmem:s3], $0x30, s16, s16, $0xb8;
	[tilespmem:$0x1F000] =	vst v63  }
0x2a: {  	_ =	swait.ge [sflag:s19], $0x1800  }
0x2b: {  	[sflag:s19] =	ssyncset.done $0x0  }
0x2c: {  	[sflag:s19] =	ssyncadd.s32 $0xFFFFE800  }
0x2d: {  	[spmem:s2] =	stream.indirect.scatter.add.f32 [tilespmem:s17], [sflag:$0x5], $0x30, s15, s16, $0xb8;
	[tilespmem:$0x1F000] =	vst v63  }
0x2e: {  	s20 =	simm.s32 $0x100  }
0x2f: {  	[tilespmem:s21], [sflag:$0x3] =	stream.indirect.gather [spmem:s3], $0x30, s20, s16, $0xb8;
	[tilespmem:$0x1F000] =	vst v63  }
0x30: {  	_ =	swait.ge [sflag:s22], $0x1800  }
0x31: {  	[sflag:s22] =	ssyncset.done $0x0  }
0x32: {  	s30 =	simm.s32 $0x5080;
	[sflag:s22] =	ssyncadd.s32 $0xFFFFE800  }
0x33: {  	[spmem:s2] =	stream.indirect.scatter.add.f32 [tilespmem:s18], [sflag:$0x6], $0x30, s30, s16, $0xb8;
	[tilespmem:$0x1F000] =	vst v63  }
0x34: {  	s30 =	simm.s32 $0x180  }
0x35: {  	[tilespmem:s25], [sflag:$0x4] =	stream.indirect.gather [spmem:s3], $0x30, s30, s16, $0xb8;
	[tilespmem:$0x1F000] =	vst v63  }
0x36: {  	_ =	swait.ge [sflag:s26], $0x1800  }
0x37: {  	[sflag:s26] =	ssyncset.done $0x0  }
0x38: {  	s30 =	simm.s32 $0x5100;
	[sflag:s26] =	ssyncadd.s32 $0xFFFFE800  }
0x39: {  	[spmem:s2] =	stream.indirect.scatter.add.f32 [tilespmem:s21], [sflag:$0x7], $0x30, s30, s16, $0xb8;
	[tilespmem:$0x1F000] =	vst v63  }
0x3a: {  	_ =	swait.ge [sflag:s29], $0x1800  }
0x3b: {  	[sflag:s29] =	ssyncset.done $0x0  }
0x3c: {  	s30 =	simm.s32 $0x200;
	[sflag:s29] =	ssyncadd.s32 $0xFFFFE800  }
0x3d: {  	[tilespmem:s17], [sflag:$0x1] =	stream.indirect.gather [spmem:s3], $0x30, s30, s16, $0xb8;
	[tilespmem:$0x1F000] =	vst v63  }
0x3e: {  	_ =	swait.ge [sflag:s31], $0x1800  }
0x3f: {  	[sflag:s31] =	ssyncset.done $0x0  }
0x40: {  	s30 =	simm.s32 $0x5180;
	[sflag:s31] =	ssyncadd.s32 $0xFFFFE800  }
0x41: {  	[spmem:s2] =	stream.indirect.scatter.add.f32 [tilespmem:s25], [sflag:$0x8], $0x30, s30, s16, $0xb8;
	[tilespmem:$0x1F000] =	vst v63  }
0x42: {  	_ =	swait.ge [sflag:s1], $0x1800  }
0x43: {  	[sflag:s1] =	ssyncset.done $0x0  }
0x44: {  	s30 =	simm.s32 $0x280;
	[sflag:s1] =	ssyncadd.s32 $0xFFFFE800  }
0x45: {  	[tilespmem:s18], [sflag:$0x2] =	stream.indirect.gather [spmem:s3], $0x30, s30, s16, $0xb8;
	[tilespmem:$0x1F000] =	vst v63  }
0x46: {  	_ =	swait.ge [sflag:s19], $0x1800  }
0x47: {  	[sflag:s19] =	ssyncset.done $0x0  }
0x48: {  	s30 =	simm.s32 $0x5200;
	[sflag:s19] =	ssyncadd.s32 $0xFFFFE800  }
0x49: {  	[spmem:s2] =	stream.indirect.scatter.add.f32 [tilespmem:s17], [sflag:$0x5], $0x30, s30, s16, $0xb8;
	[tilespmem:$0x1F000] =	vst v63  }
0x4a: {  	_ =	swait.ge [sflag:s23], $0x1800  }
0x4b: {  	[sflag:s23] =	ssyncset.done $0x0  }
0x4c: {  	s30 =	simm.s32 $0x300;
	[sflag:s23] =	ssyncadd.s32 $0xFFFFE800  }
0x4d: {  	[tilespmem:s21], [sflag:$0x3] =	stream.indirect.gather [spmem:s3], $0x30, s30, s16, $0xb8;
	[tilespmem:$0x1F000] =	vst v63  }
0x4e: {  	_ =	swait.ge [sflag:s22], $0x1800  }
0x4f: {  	[sflag:s22] =	ssyncset.done $0x0  }
0x50: {  	s30 =	simm.s32 $0x5280;
	[sflag:s22] =	ssyncadd.s32 $0xFFFFE800  }
0x51: {  	[spmem:s2] =	stream.indirect.scatter.add.f32 [tilespmem:s18], [sflag:$0x6], $0x30, s30, s16, $0xb8;
	[tilespmem:$0x1F000] =	vst v63  }
0x52: {  	_ =	swait.ge [sflag:s24], $0x1800  }
0x53: {  	[sflag:s24] =	ssyncset.done $0x0  }
0x54: {  	s30 =	simm.s32 $0x380;
	[sflag:s24] =	ssyncadd.s32 $0xFFFFE800  }
0x55: {  	[tilespmem:s25], [sflag:$0x4] =	stream.indirect.gather [spmem:s3], $0x30, s30, s16, $0xb8;
	[tilespmem:$0x1F000] =	vst v63  }
0x56: {  	_ =	swait.ge [sflag:s26], $0x1800  }
0x57: {  	[sflag:s26] =	ssyncset.done $0x0  }
0x58: {  	s30 =	simm.s32 $0x5300;
	[sflag:s26] =	ssyncadd.s32 $0xFFFFE800  }
0x59: {  	[spmem:s2] =	stream.indirect.scatter.add.f32 [tilespmem:s21], [sflag:$0x7], $0x30, s30, s16, $0xb8;
	[tilespmem:$0x1F000] =	vst v63  }
0x5a: {  	_ =	swait.ge [sflag:s29], $0x1800  }
0x5b: {  	[sflag:s29] =	ssyncset.done $0x0  }
0x5c: {  	s30 =	simm.s32 $0x400;
	[sflag:s29] =	ssyncadd.s32 $0xFFFFE800  }
0x5d: {  	[tilespmem:s17], [sflag:$0x1] =	stream.indirect.gather [spmem:s3], $0x30, s30, s16, $0xb8;
	[tilespmem:$0x1F000] =	vst v63  }
0x5e: {  	_ =	swait.ge [sflag:s31], $0x1800  }
0x5f: {  	[sflag:s31] =	ssyncset.done $0x0  }
0x60: {  	s30 =	simm.s32 $0x5380;
	[sflag:s31] =	ssyncadd.s32 $0xFFFFE800  }
0x61: {  	[spmem:s2] =	stream.indirect.scatter.add.f32 [tilespmem:s25], [sflag:$0x8], $0x30, s30, s16, $0xb8;
	[tilespmem:$0x1F000] =	vst v63  }
0x62: {  	_ =	swait.ge [sflag:s1], $0x1800  }
0x63: {  	[sflag:s1] =	ssyncset.done $0x0  }
0x64: {  	s28 =	simm.s32 $0x480;
	s20 =	simm.s32 $0x800;
	[sflag:s1] =	ssyncadd.s32 $0xFFFFE800  }
.LBB2_2:
0x65: {  	[tilespmem:s18], [sflag:$0x2] =	stream.indirect.gather [spmem:s3], $0x30, s28, s16, $0xb8;
	[tilespmem:$0x1F000] =	vst v63  }
0x66: {  	s28 =	smov.u32 s20  }
0x67: {  	p0 =	sne.s32 s20, $0x8800;
	s20 =	sadd.s32 $0x800, s20;
	_ =	swait.ge [sflag:s19], $0x1800  }
0x68: {  	s28 =	sshra.s32 s28, $0x2;
	[sflag:s19] =	ssyncset.done $0x0  }
0x69: {  	s30 =	sadd.s32 $0x5200, s28;
	[sflag:s19] =	ssyncadd.s32 $0xFFFFE800  }
0x6a: {  	[spmem:s2] =	stream.indirect.scatter.add.f32 [tilespmem:s17], [sflag:$0x5], $0x30, s30, s16, $0xb8;
	[tilespmem:$0x1F000] =	vst v63  }
0x6b: {  	_ =	swait.ge [sflag:s23], $0x1800  }
0x6c: {  	[sflag:s23] =	ssyncset.done $0x0  }
0x6d: {  	s30 =	sadd.s32 $0x300, s28;
	[sflag:s23] =	ssyncadd.s32 $0xFFFFE800  }
0x6e: {  	[tilespmem:s21], [sflag:$0x3] =	stream.indirect.gather [spmem:s3], $0x30, s30, s16, $0xb8;
	[tilespmem:$0x1F000] =	vst v63  }
0x6f: {  	_ =	swait.ge [sflag:s22], $0x1800  }
0x70: {  	[sflag:s22] =	ssyncset.done $0x0  }
0x71: {  	s30 =	sadd.s32 $0x5280, s28;
	[sflag:s22] =	ssyncadd.s32 $0xFFFFE800  }
0x72: {  	[spmem:s2] =	stream.indirect.scatter.add.f32 [tilespmem:s18], [sflag:$0x6], $0x30, s30, s16, $0xb8;
	[tilespmem:$0x1F000] =	vst v63  }
0x73: {  	_ =	swait.ge [sflag:s24], $0x1800  }
0x74: {  	[sflag:s24] =	ssyncset.done $0x0  }
0x75: {  	s30 =	sadd.s32 $0x380, s28;
	[sflag:s24] =	ssyncadd.s32 $0xFFFFE800  }
0x76: {  	[tilespmem:s25], [sflag:$0x4] =	stream.indirect.gather [spmem:s3], $0x30, s30, s16, $0xb8;
	[tilespmem:$0x1F000] =	vst v63  }
0x77: {  	_ =	swait.ge [sflag:s26], $0x1800  }
0x78: {  	[sflag:s26] =	ssyncset.done $0x0  }
0x79: {  	s30 =	sadd.s32 $0x5300, s28;
	[sflag:s26] =	ssyncadd.s32 $0xFFFFE800  }
0x7a: {  	[spmem:s2] =	stream.indirect.scatter.add.f32 [tilespmem:s21], [sflag:$0x7], $0x30, s30, s16, $0xb8;
	[tilespmem:$0x1F000] =	vst v63  }
0x7b: {  	_ =	swait.ge [sflag:s29], $0x1800  }
0x7c: {  	[sflag:s29] =	ssyncset.done $0x0  }
0x7d: {  	s30 =	sadd.s32 $0x400, s28;
	[sflag:s29] =	ssyncadd.s32 $0xFFFFE800  }
0x7e: {  	[tilespmem:s17], [sflag:$0x1] =	stream.indirect.gather [spmem:s3], $0x30, s30, s16, $0xb8;
	[tilespmem:$0x1F000] =	vst v63  }
0x7f: {  	_ =	swait.ge [sflag:s31], $0x1800  }
0x80: {  	[sflag:s31] =	ssyncset.done $0x0  }
.Ltmp0:
0x81: {  	s30 =	sadd.s32 $0x5380, s28;
	[sflag:s31] =	ssyncadd.s32 $0xFFFFE800;
	(pc) =	sbr.rel @p0 .LBB2_2-.Ltmp0, $4  }
0x82: {  	[spmem:s2] =	stream.indirect.scatter.add.f32 [tilespmem:s25], [sflag:$0x8], $0x30, s30, s16, $0xb8;
	[tilespmem:$0x1F000] =	vst v63  }
0x83: {  	_ =	swait.ge [sflag:s1], $0x1800  }
0x84: {  	[sflag:s1] =	ssyncset.done $0x0  }
0x85: {  	s28 =	sadd.s32 $0x480, s28;
	[sflag:s1] =	ssyncadd.s32 $0xFFFFE800  }
0x86: {  	[tilespmem:s18], [sflag:$0x2] =	stream.indirect.gather [spmem:s3], $0x30, s28, s16, $0xb8;
	[tilespmem:$0x1F000] =	vst v63  }
0x87: {  	_ =	swait.ge [sflag:s19], $0x1800  }
0x88: {  	[sflag:s19] =	ssyncset.done $0x0  }
0x89: {  	s20 =	simm.s32 $0x7600;
	[sflag:s19] =	ssyncadd.s32 $0xFFFFE800  }
0x8a: {  	[spmem:s2] =	stream.indirect.scatter.add.f32 [tilespmem:s17], [sflag:$0x5], $0x30, s20, s16, $0xb8;
	[tilespmem:$0x1F000] =	vst v63  }
0x8b: {  	_ =	swait.ge [sflag:s23], $0x1800  }
0x8c: {  	[sflag:s23] =	ssyncset.done $0x0  }
0x8d: {  	s30 =	simm.s32 $0x2700;
	[sflag:s23] =	ssyncadd.s32 $0xFFFFE800  }
0x8e: {  	[tilespmem:s21], [sflag:$0x3] =	stream.indirect.gather [spmem:s3], $0x30, s30, s16, $0xb8;
	[tilespmem:$0x1F000] =	vst v63  }
0x8f: {  	_ =	swait.ge [sflag:s22], $0x1800  }
0x90: {  	[sflag:s22] =	ssyncset.done $0x0  }
0x91: {  	s28 =	simm.s32 $0x7680;
	[sflag:s22] =	ssyncadd.s32 $0xFFFFE800  }
0x92: {  	[spmem:s2] =	stream.indirect.scatter.add.f32 [tilespmem:s18], [sflag:$0x6], $0x30, s28, s16, $0xb8;
	[tilespmem:$0x1F000] =	vst v63  }
0x93: {  	_ =	swait.ge [sflag:s24], $0x1800  }
0x94: {  	[sflag:s24] =	ssyncset.done $0x0  }
0x95: {  	s30 =	simm.s32 $0x2780;
	[sflag:s24] =	ssyncadd.s32 $0xFFFFE800  }
0x96: {  	[tilespmem:s25], [sflag:$0x4] =	stream.indirect.gather [spmem:s3], $0x30, s30, s16, $0xb8;
	[tilespmem:$0x1F000] =	vst v63  }
0x97: {  	_ =	swait.ge [sflag:s26], $0x1800  }
0x98: {  	[sflag:s26] =	ssyncset.done $0x0  }
0x99: {  	s28 =	simm.s32 $0x7700;
	[sflag:s26] =	ssyncadd.s32 $0xFFFFE800  }
0x9a: {  	[spmem:s2] =	stream.indirect.scatter.add.f32 [tilespmem:s21], [sflag:$0x7], $0x30, s28, s16, $0xb8;
	[tilespmem:$0x1F000] =	vst v63  }
0x9b: {  	_ =	swait.ge [sflag:s31], $0x1800  }
0x9c: {  	[sflag:s31] =	ssyncset.done $0x0  }
0x9d: {  	s30 =	simm.s32 $0x7780;
	[sflag:s31] =	ssyncadd.s32 $0xFFFFE800  }
0x9e: {  	[spmem:s2] =	stream.indirect.scatter.add.f32 [tilespmem:s25], [sflag:$0x8], $0x30, s30, s16, $0xb8;
	[tilespmem:$0x1F000] =	vst v63  }
0x9f: {  	_ =	swait.ge [sflag:s29], $0x1800  }
0xa0: {  	[sflag:s29] =	ssyncset.done $0x0  }
0xa1: {  	[sflag:s29] =	ssyncadd.s32 $0xFFFFE800  }
0xa2: {  	_ =	swait.ge [sflag:s1], $0x1800  }
0xa3: {  	[sflag:s1] =	ssyncset.done $0x0  }
0xa4: {  	[sflag:s1] =	ssyncadd.s32 $0xFFFFE800  }
0xa5: {  	_ =	swait.ge [sflag:s23], $0x1800  }
0xa6: {  	[sflag:s23] =	ssyncset.done $0x0  }
0xa7: {  	[sflag:s23] =	ssyncadd.s32 $0xFFFFE800  }
0xa8: {  	_ =	swait.ge [sflag:s24], $0x1800  }
0xa9: {  	s0 =	sadd.s32 $0x1, s0;
	[sflag:s24] =	ssyncset.done $0x0  }
0xaa: {  	p0 =	sne.s32 s0, s11;
	[sflag:s24] =	ssyncadd.s32 $0xFFFFE800  }
.Ltmp1:
0xab: {  	[bflag:$0x0] =	sbarrier.arrive $0xFFFF;
	(pc) =	sbr.rel @p0 .LBB2_1-.Ltmp1, $4  }
0xac: {  	[hbm:s10], [sflag:s6] =	dma.local [spmem:s12], $0xF00  }
0xad: {  	_ =	swait.ge [sflag:s13], $0xF00  }
0xae: {  	[sflag:s13] =	ssyncset.done $0x0  }
0xaf: {  	[sflag:s13] =	ssyncadd.s32 $0xFFFFF100  }
0xb0: {  	_ =	sfence.sel $0x180000  }
0xb1: {  	[bflag:$0x0] =	sbarrier.arrive $0xFFFF  }
0xb2: {  	_ =	strace $0x90000050  }
0xb3: {  	s0 =	stileid.u32;
	[bflag:$0x2] =	sbarrier.arrive $0xFFFF  }
0xb4: {  	p0 =	sne.s32 s0, $0x0;
	s0 =	rddreg [dreg:$0x4]  }
0xb5: {  	s0 =	sadd.s32 @!p0 $0x100000, s0  }
0xb6: {  	[sflag:s0] =	ssyncadd.tile.s32 @!p0 $0x1;
	_ =	shalt  }
.Lfunc_end2:
_tile_overlayer_lowered:
.L_overlay_start_2:
0xb7: {  	(tag) =	ssettag $0x2  }
0xb8: {  	s0 =	rddreg [dreg:$0x0];
	s2 =	stileid.u32  }
0xb9: {  	s1 =	rddreg [dreg:$0x1];
	p0 =	sne.s32 s2, $0x0  }
0xba: {  	s3 =	rddreg [dreg:$0x2];
	[bflag:$0x3] =	sbarrier.arrive $0xFFFF;
	s2 =	simm.s32 @!p0 $0x1C09  }
0xbb: {  	[timem:s3], [sflag:s2] =	dma.local @!p0 [hbm:s0], s1  }
0xbc: {  	s0 =	simm.s32 @!p0 $0x9  }
0xbd: {  	_ =	swait.ge @!p0 [sflag:s0], s1  }
0xbe: {  	s1 =	ssub.s32 @!p0 $0x0, s1;
	[sflag:s0] =	ssyncset.done @!p0 $0x0  }
0xbf: {  	[sflag:s0] =	ssyncadd.s32 @!p0 s1  }
0xc0: {  	[bflag:$0x3] =	sbarrier.arrive $0xFFFF  }
0xc1: {  	_ =	shalt  }

</sc_bundles>
